<compile_context>
chip_gen: v7x
topology: tpu7x:2x2x1
jax: 0.10.2.dev20260603
libtpu: 0.0.44.dev20260713+nightly
codegen_flags: <defaults>
</compile_context>

<pallas_src>
import functools

import jax
import jax.numpy as jnp
import numpy as np
from jax import lax
from jax.experimental import pallas as pl
from jax.experimental.pallas import tpu as pltpu
from jax.experimental.pallas import tpu_sc as plsc

N = 8192
D = 768
E = 8
K = 2
DCSI = 10
DFF = 768
BALANCE_WEIGHT = 0.5

P = N * K
BA = 1024
NTA = N // BA
BM = 256
M = P + E * BM
NB = M // BM
BTB = 2048
NTB = N // BTB

NWORK = 32
L = 16
HD = D // 2


_HIMASK = -65536


def _pack_bf16(lo_f32, hi_f32):
    lob = jax.lax.bitcast_convert_type(
        lo_f32.astype(jnp.bfloat16).astype(jnp.float32), jnp.int32)
    hib = jax.lax.bitcast_convert_type(
        hi_f32.astype(jnp.bfloat16).astype(jnp.float32), jnp.int32)
    return jax.lax.shift_right_logical(lob, 16) | (hib & _HIMASK)


def _unpack_lo(pk):
    return jax.lax.bitcast_convert_type(pk << 16, jnp.float32)


def _unpack_hi(pk):
    return jax.lax.bitcast_convert_type(pk & _HIMASK, jnp.float32)



def _router_kernel(h_ref, csi_ref, rwh_ref, rwc_ref, rb_ref, tri_ref,
                   g0_ref, g1_ref, loss_ref, hbf_ref,
                   dst0_ref, dst1_ref, bexp_ref,
                   oh2_ref, base_ref, sump_ref,
                   es_ref, rs_ref, offp_ref):
    i = pl.program_id(0)

    @pl.when(i == 0)
    def _init():
        base_ref[...] = jnp.zeros_like(base_ref)
        sump_ref[...] = jnp.zeros_like(sump_ref)

    @pl.when(i < NTA)
    def _phase1():
        t = i
        logits = (jnp.dot(h_ref[...], rwh_ref[...],
                          preferred_element_type=jnp.float32)
                  + jnp.dot(csi_ref[...], rwc_ref[...],
                            preferred_element_type=jnp.float32)
                  + rb_ref[...])
        mx = jnp.max(logits, axis=-1, keepdims=True)
        ex = jnp.exp(logits - mx)
        probs = ex / jnp.sum(ex, axis=-1, keepdims=True)
        lane = jax.lax.broadcasted_iota(jnp.int32, (BA, E), 1)
        v1 = jnp.max(probs, axis=-1, keepdims=True)
        e1 = jnp.min(jnp.where(probs == v1, lane, E), axis=-1, keepdims=True)
        masked = jnp.where(lane == e1, -jnp.inf, probs)
        v2 = jnp.max(masked, axis=-1, keepdims=True)
        e2 = jnp.min(jnp.where(masked == v2, lane, E), axis=-1, keepdims=True)
        denom = v1 + v2
        oh1 = (lane == e1).astype(jnp.float32)
        oh2 = (lane == e2).astype(jnp.float32)

        es_ref[pl.ds(t * BA, BA), :1] = e1
        es_ref[pl.ds(t * BA, BA), 1:] = e2
        g0_ref[...] = v1 / denom
        g1_ref[...] = v2 / denom
        hb = h_ref[...]
        hbf_ref[...] = _pack_bf16(hb[:, :HD], hb[:, HD:])
        oh2_ref[pl.ds(t * BA, BA), :] = oh2

        cum = base_ref[...] + jnp.dot(tri_ref[...], oh1,
                                      preferred_element_type=jnp.float32)
        rs_ref[pl.ds(t * BA, BA), :1] = jnp.sum(oh1 * cum, axis=-1,
                                                keepdims=True)
        base_ref[...] += jnp.sum(oh1, axis=0, keepdims=True)
        sump_ref[...] += jnp.sum(probs, axis=0, keepdims=True)

    @pl.when(jnp.logical_and(i >= NTA, i < 2 * NTA))
    def _phase2():
        t = i - NTA
        oh2 = oh2_ref[pl.ds(t * BA, BA), :]
        cum = base_ref[...] + jnp.dot(tri_ref[...], oh2,
                                      preferred_element_type=jnp.float32)
        rs_ref[pl.ds(t * BA, BA), 1:] = jnp.sum(oh2 * cum, axis=-1,
                                                keepdims=True)
        base_ref[...] += jnp.sum(oh2, axis=0, keepdims=True)

    @pl.when(i == 2 * NTA - 1)
    def _finish():
        counts = base_ref[...]
        mean_prob = sump_ref[...] / N
        load_frac = counts / (N * K)
        loss_ref[...] = (BALANCE_WEIGHT * E
                         * jnp.sum(mean_prob * load_frac,
                                   axis=-1, keepdims=True))
        nbpad = jnp.floor((counts + (BM - 1)) / BM) * BM
        ar = jax.lax.broadcasted_iota(jnp.int32, (E, E), 0)
        ac = jax.lax.broadcasted_iota(jnp.int32, (E, E), 1)
        tstrict = (ar < ac).astype(jnp.float32)
        offp = jnp.dot(nbpad, tstrict, preferred_element_type=jnp.float32)
        offp_ref[...] = offp
        cum_incl = offp + nbpad
        srows = (jax.lax.broadcasted_iota(jnp.int32, (NB, E), 0)
                 * BM).astype(jnp.float32)
        nfull = jnp.sum((cum_incl <= srows).astype(jnp.float32),
                        axis=-1, keepdims=True)
        bexp_ref[...] = jnp.minimum(nfull, E - 1).astype(jnp.int32)

    @pl.when(i >= 2 * NTA)
    def _phase3():
        t = i - 2 * NTA
        lane2 = jax.lax.broadcasted_iota(jnp.int32, (BTB, E), 1)
        offp = offp_ref[...]
        eb = es_ref[pl.ds(t * BTB, BTB), :]
        rb = rs_ref[pl.ds(t * BTB, BTB), :]
        off0 = jnp.sum(jnp.where(lane2 == eb[:, :1], offp, 0.0),
                       axis=-1, keepdims=True)
        off1 = jnp.sum(jnp.where(lane2 == eb[:, 1:], offp, 0.0),
                       axis=-1, keepdims=True)
        dst0_ref[...] = (off0 + rb[:, :1]).astype(jnp.int32)
        dst1_ref[...] = (off1 + rb[:, 1:]).astype(jnp.int32)


def _run_router(h, csi, rwh, rwc, rb, tri):
    return pl.pallas_call(
        _router_kernel,
        grid=(2 * NTA + NTB,),
        in_specs=[
            pl.BlockSpec((BA, D), lambda i: (jnp.minimum(i, NTA - 1), 0)),
            pl.BlockSpec((BA, DCSI), lambda i: (jnp.minimum(i, NTA - 1), 0)),
            pl.BlockSpec((D, E), lambda i: (0, 0)),
            pl.BlockSpec((DCSI, E), lambda i: (0, 0)),
            pl.BlockSpec((1, E), lambda i: (0, 0)),
            pl.BlockSpec((BA, BA), lambda i: (0, 0)),
        ],
        out_specs=[
            pl.BlockSpec((BA, 1), lambda i: (jnp.minimum(i, NTA - 1), 0)),
            pl.BlockSpec((BA, 1), lambda i: (jnp.minimum(i, NTA - 1), 0)),
            pl.BlockSpec((1, 1), lambda i: (0, 0)),
            pl.BlockSpec((BA, HD), lambda i: (jnp.minimum(i, NTA - 1), 0)),
            pl.BlockSpec((BTB, 1),
                         lambda i: (jnp.clip(i - 2 * NTA, 0, NTB - 1), 0)),
            pl.BlockSpec((BTB, 1),
                         lambda i: (jnp.clip(i - 2 * NTA, 0, NTB - 1), 0)),
            pl.BlockSpec((NB, 1), lambda i: (0, 0)),
        ],
        out_shape=[
            jax.ShapeDtypeStruct((N, 1), jnp.float32),
            jax.ShapeDtypeStruct((N, 1), jnp.float32),
            jax.ShapeDtypeStruct((1, 1), jnp.float32),
            jax.ShapeDtypeStruct((N, HD), jnp.int32),
            jax.ShapeDtypeStruct((N, 1), jnp.int32),
            jax.ShapeDtypeStruct((N, 1), jnp.int32),
            jax.ShapeDtypeStruct((NB, 1), jnp.int32),
        ],
        scratch_shapes=[
            pltpu.VMEM((N, E), jnp.float32),
            pltpu.VMEM((1, E), jnp.float32),
            pltpu.VMEM((1, E), jnp.float32),
            pltpu.VMEM((N, 2), jnp.int32),
            pltpu.VMEM((N, 2), jnp.float32),
            pltpu.VMEM((1, E), jnp.float32),
        ],
    )(h, csi, rwh, rwc, rb, tri)



_PW = P // (NWORK // 2)
_RW = M // NWORK
_CH = 96
_NCH = _RW // _CH
_NBUF = 3
_MW = M // (NWORK // 2)


def _run_sort_gather(dstp, gp, hbf_i):
    mesh = plsc.VectorSubcoreMesh(core_axis_name="c", subcore_axis_name="s")

    @functools.partial(
        pl.kernel, mesh=mesh,
        compiler_params=pltpu.CompilerParams(needs_layout_passes=False),
        out_type=[
            jax.ShapeDtypeStruct((M, HD), jnp.int32),
            jax.ShapeDtypeStruct((M,), jnp.float32),
        ],
        scratch_types=[
            pltpu.VMEM_SHARED((M,), jnp.int32),
            pltpu.VMEM_SHARED((M,), jnp.float32),
            pltpu.VMEM((_MW,), jnp.int32),
            pltpu.VMEM((_PW,), jnp.int32),
            pltpu.VMEM((_PW,), jnp.float32),
            pltpu.VMEM((_RW,), jnp.int32),
            [pltpu.VMEM((_CH,), jnp.int32) for _ in range(_NBUF)],
            [pltpu.VMEM((_CH, HD), jnp.int32) for _ in range(_NBUF)],
            [pltpu.SemaphoreType.DMA for _ in range(_NBUF)],
            [pltpu.SemaphoreType.DMA for _ in range(_NBUF)],
        ],
    )
    def kd(dstp_hbm, gp_hbm, hbf_hbm, x_hbm, gate_hbm,
           src_sh, gate_sh, tok_v, dst_v, g_v, idx_v, idxc, rows, gsem, wsem):
        c = lax.axis_index("c")
        sid = lax.axis_index("s")
        w = sid * 2 + c

        pbase = sid * _PW
        pltpu.sync_copy(dstp_hbm.at[pl.ds(pbase, _PW)], dst_v)
        pltpu.sync_copy(gp_hbm.at[pl.ds(pbase, _PW)], g_v)
        for j in range(_MW // L):
            tok_v[pl.ds(j * L, L)] = ((lax.iota(jnp.int32, L)
                                       + sid * _MW + j * L) & (N - 1))
        pltpu.sync_copy(tok_v, src_sh.at[pl.ds(sid * _MW, _MW)])
        plsc.subcore_barrier()
        for j in range(_PW // L):
            tok_v[pl.ds(j * L, L)] = ((lax.iota(jnp.int32, L)
                                       + pbase + j * L) & (N - 1))
        pltpu.sync_copy(tok_v.at[pl.ds(0, _PW)], src_sh.at[dst_v])
        pltpu.sync_copy(g_v, gate_sh.at[dst_v])
        plsc.subcore_barrier()

        @pl.when(w == 0)
        def _emit_gates():
            pltpu.sync_copy(gate_sh, gate_hbm)

        base = w * _RW
        pltpu.sync_copy(src_sh.at[pl.ds(base, _RW)], idx_v)

        gcp = [None] * _NBUF
        wcp = [None] * _NBUF

        def fire(cc):
            b = cc % _NBUF
            for sl in range(_CH // L):
                idxc[b][pl.ds(sl * L, L)] = idx_v[pl.ds(cc * _CH + sl * L, L)]
            gcp[b] = pltpu.async_copy(hbf_hbm.at[idxc[b]], rows[b], gsem[b])

        def drain(cc):
            b = cc % _NBUF
            gcp[b].wait()
            wcp[b] = pltpu.async_copy(
                rows[b], x_hbm.at[pl.ds(base + cc * _CH, _CH)], wsem[b])

        for cc in range(_NCH):
            b = cc % _NBUF
            if cc >= _NBUF:
                wcp[b].wait()
            fire(cc)
            if cc >= 1:
                drain(cc - 1)
        drain(_NCH - 1)
        for cc in range(_NCH - _NBUF, _NCH):
            wcp[cc % _NBUF].wait()

    return kd(dstp, gp, hbf_i)



def _mlp_kernel(bexp_ref, x_ref, w1a_ref, w1b_ref, b1_ref, w2_ref, b2_ref,
                gate_ref, y_ref):
    pk = x_ref[...]
    xlo = _unpack_lo(pk)
    xhi = _unpack_hi(pk)
    hid = (jnp.dot(xlo, w1a_ref[0], preferred_element_type=jnp.float32)
           + jnp.dot(xhi, w1b_ref[0], preferred_element_type=jnp.float32)
           + b1_ref[0])
    hid = jax.nn.gelu(hid)
    y = (jnp.dot(hid, w2_ref[0],
                 preferred_element_type=jnp.float32) + b2_ref[0])
    y = y * gate_ref[...]
    y_ref[...] = _pack_bf16(y[:, :HD], y[:, HD:])


def _run_mlp(bexp, x_s, w1, b1, w2, b2, gate_s):
    grid_spec = pltpu.PrefetchScalarGridSpec(
        num_scalar_prefetch=1,
        grid=(NB,),
        in_specs=[
            pl.BlockSpec((BM, HD), lambda i, be: (i, 0)),
            pl.BlockSpec((1, HD, DFF), lambda i, be: (be[i], 0, 0)),
            pl.BlockSpec((1, HD, DFF), lambda i, be: (be[i], 1, 0)),
            pl.BlockSpec((1, 1, DFF), lambda i, be: (be[i], 0, 0)),
            pl.BlockSpec((1, DFF, D), lambda i, be: (be[i], 0, 0)),
            pl.BlockSpec((1, 1, D), lambda i, be: (be[i], 0, 0)),
            pl.BlockSpec((BM, 1), lambda i, be: (i, 0)),
        ],
        out_specs=pl.BlockSpec((BM, HD), lambda i, be: (i, 0)),
    )
    return pl.pallas_call(
        _mlp_kernel,
        grid_spec=grid_spec,
        out_shape=jax.ShapeDtypeStruct((M, HD), jnp.int32),
    )(bexp, x_s, w1, w1, b1[:, None, :], w2, b2[:, None, :], gate_s)



_TOKW = N // NWORK
_TCH = 64
_NTCH = _TOKW // _TCH


def _run_gather_y(dst0, dst1, y_i):
    mesh = plsc.VectorSubcoreMesh(core_axis_name="c", subcore_axis_name="s")

    @functools.partial(
        pl.kernel, mesh=mesh,
        compiler_params=pltpu.CompilerParams(needs_layout_passes=False),
        out_type=[
            jax.ShapeDtypeStruct((N, HD), jnp.int32),
            jax.ShapeDtypeStruct((N, HD), jnp.int32),
        ],
        scratch_types=[
            [pltpu.VMEM((_TCH,), jnp.int32) for _ in range(2)],
            [pltpu.VMEM((_TCH,), jnp.int32) for _ in range(2)],
            pltpu.VMEM((_TCH, HD), jnp.int32),
            pltpu.VMEM((_TCH, HD), jnp.int32),
            pltpu.VMEM((_TCH, HD), jnp.int32),
            pltpu.VMEM((_TCH, HD), jnp.int32),
            pltpu.SemaphoreType.DMA,
            pltpu.SemaphoreType.DMA,
            pltpu.SemaphoreType.DMA,
            pltpu.SemaphoreType.DMA,
        ],
    )
    def kf(d0_hbm, d1_hbm, y_hbm, y0_out, y1_out,
           i0_v, i1_v, a0_v, a1_v, b0_v, b1_v, sem0, sem1, ws0, ws1):
        w = lax.axis_index("s") * 2 + lax.axis_index("c")
        bufs = [(a0_v, a1_v), (b0_v, b1_v)]
        wsems = [ws0, ws1]
        wcps = [None, None]

        def fetch(c, buf):
            y0_v, y1_v = bufs[buf]
            tb = w * _TOKW + c * _TCH
            pltpu.sync_copy(d0_hbm.at[pl.ds(tb, _TCH)], i0_v[buf])
            pltpu.sync_copy(d1_hbm.at[pl.ds(tb, _TCH)], i1_v[buf])
            cp0 = pltpu.async_copy(y_hbm.at[i0_v[buf]], y0_v, sem0)
            cp1 = pltpu.async_copy(y_hbm.at[i1_v[buf]], y1_v, sem1)
            return cp0, cp1

        cps = fetch(0, 0)
        for c in range(_NTCH):
            nxt = None
            if c + 1 < _NTCH:
                b = (c + 1) % 2
                if wcps[b] is not None:
                    wcps[b][0].wait()
                    wcps[b][1].wait()
                nxt = fetch(c + 1, b)
            cps[0].wait()
            cps[1].wait()
            tb = w * _TOKW + c * _TCH
            y0_v, y1_v = bufs[c % 2]
            wcps[c % 2] = (
                pltpu.async_copy(y0_v, y0_out.at[pl.ds(tb, _TCH)],
                                 wsems[c % 2]),
                pltpu.async_copy(y1_v, y1_out.at[pl.ds(tb, _TCH)],
                                 wsems[c % 2]),
            )
            cps = nxt
        for b in range(2):
            if wcps[b] is not None:
                wcps[b][0].wait()
                wcps[b][1].wait()

    return kf(dst0, dst1, y_i)



_BTG = 2048


def _add_kernel(h_ref, y0_ref, y1_ref, out_ref):
    h = h_ref[...]
    p0 = y0_ref[...]
    p1 = y1_ref[...]
    out_ref[:, :HD] = h[:, :HD] + _unpack_lo(p0) + _unpack_lo(p1)
    out_ref[:, HD:] = h[:, HD:] + _unpack_hi(p0) + _unpack_hi(p1)


def _run_add(h, y0, y1):
    return pl.pallas_call(
        _add_kernel,
        grid=(N // _BTG,),
        in_specs=[
            pl.BlockSpec((_BTG, D), lambda i: (i, 0)),
            pl.BlockSpec((_BTG, HD), lambda i: (i, 0)),
            pl.BlockSpec((_BTG, HD), lambda i: (i, 0)),
        ],
        out_specs=pl.BlockSpec((_BTG, D), lambda i: (i, 0)),
        out_shape=jax.ShapeDtypeStruct((N, D), jnp.float32),
    )(h, y0, y1)



_TRI = np.tril(np.ones((BA, BA), np.float32), -1)


@jax.jit
def kernel(h, router_in, router_w, router_b, w1, b1, w2, b2):
    csi = router_in[:, -DCSI:]
    rwh = router_w[:D, :]
    rwc = router_w[D:, :]
    rb = router_b[None, :]
    tri = jnp.asarray(_TRI)

    (g0, g1, loss, hbf, dst0, dst1, bexp) = _run_router(
        h, csi, rwh, rwc, rb, tri)

    dst0_f = dst0.reshape(N)
    dst1_f = dst1.reshape(N)
    dstp = jnp.concatenate([dst0_f, dst1_f])
    gp = jnp.concatenate([g0.reshape(N), g1.reshape(N)])

    x_pk, gate_s = _run_sort_gather(dstp, gp, hbf)
    y_pk = _run_mlp(bexp.reshape(NB), x_pk, w1, b1, w2, b2,
                    gate_s.reshape(M, 1))
    y0pk, y1pk = _run_gather_y(dst0_f, dst1_f, y_pk)
    out = _run_add(h, y0pk, y1pk)
    return out, loss[0, 0]

# --- scband reference (transcript-rebuilt; emitter-appended) ---
"""Pipeline reference for scband-micro-mo-e-23398981829055 (READ-ONLY COPY).

The authoritative reference and input builder live on the scoring server;
editing this copy changes nothing except your own understanding.
"""

import jax, jax.numpy as jnp
import numpy as np

N = 8192
D = 768
E = 8
K = 2
DCSI = 10
DFF = 768
DRIN = D + DCSI
BALANCE_WEIGHT = 0.5


def setup_inputs(seed: int = 0) -> dict:
    key = jax.random.key(seed)
    ks = jax.random.split(key, 8)
    h = jax.random.normal(ks[0], (N, D), dtype=jnp.float32)
    router_in = jax.random.normal(ks[1], (N, DRIN), dtype=jnp.float32)
    router_w = jax.random.normal(ks[2], (D + DCSI, E), dtype=jnp.float32) * 0.02
    router_b = jnp.zeros((E,), dtype=jnp.float32)
    w1 = jax.random.normal(ks[3], (E, D, DFF), dtype=jnp.float32) * 0.02
    b1 = jnp.zeros((E, DFF), dtype=jnp.float32)
    w2 = jax.random.normal(ks[4], (E, DFF, D), dtype=jnp.float32) * 0.02
    b2 = jnp.zeros((E, D), dtype=jnp.float32)
    return {"h": h, "router_in": router_in, "router_w": router_w, "router_b": router_b,
            "w1": w1, "b1": b1, "w2": w2, "b2": b2}


def reference(h, router_in, router_w, router_b, w1, b1, w2, b2):
    # CSI = last d_csi dims of router_in (router_use_csi=True)
    csi = router_in[:, -DCSI:]
    rin = jnp.concatenate([h, csi], axis=-1)
    logits = rin @ router_w + router_b            # [N, E]
    probs = jax.nn.softmax(logits, axis=-1)
    top_vals, top_idx = jax.lax.top_k(probs, K)   # [N, K]
    gates = top_vals / jnp.sum(top_vals, axis=-1, keepdims=True)
    # expert MLPs (dense compute over all experts, then gather selected)
    hid = jnp.einsum('nd,edf->nef', h, w1) + b1[None, :, :]   # [N, E, DFF]
    hid = jax.nn.gelu(hid)
    exp_out = jnp.einsum('nef,efd->ned', hid, w2) + b2[None, :, :]  # [N, E, D]
    sel = jnp.take_along_axis(exp_out, top_idx[:, :, None], axis=1)  # [N, K, D]
    moe_out = jnp.sum(sel * gates[:, :, None], axis=1)
    out = h + moe_out
    # load-balancing auxiliary loss (Switch-style): E * sum(mean_prob * load_fraction)
    mean_prob = jnp.mean(probs, axis=0)                       # [E]
    counts = jnp.bincount(top_idx.reshape(-1), length=E).astype(jnp.float32)
    load_frac = counts / (N * K)
    balance_loss = BALANCE_WEIGHT * E * jnp.sum(mean_prob * load_frac)
    return out, balance_loss

if __name__ == "__main__":
    import jax
    _d = setup_inputs()
    print(jax.jit(kernel)(*tuple(_d.values())))

</pallas_src>

<mosaic_0001>
#map = affine_map<(d0, d1) -> (0)>
#map1 = affine_map<(d0, d1) -> (0, 0)>
module attributes {stable_mosaic.version = 14 : i64} {
  func.func @kf(%arg0: i32, %arg1: i32, %arg2: memref<8192xi32, #tpu.memory_space<hbm>>, %arg3: memref<8192xi32, #tpu.memory_space<hbm>>, %arg4: memref<18432x384xi32, #tpu.memory_space<hbm>>, %arg5: memref<8192x384xi32, #tpu.memory_space<hbm>>, %arg6: memref<8192x384xi32, #tpu.memory_space<hbm>>, %arg7: memref<64xi32, #tpu.memory_space<vmem>>, %arg8: memref<64xi32, #tpu.memory_space<vmem>>, %arg9: memref<64xi32, #tpu.memory_space<vmem>>, %arg10: memref<64xi32, #tpu.memory_space<vmem>>, %arg11: memref<64x384xi32, #tpu.memory_space<vmem>>, %arg12: memref<64x384xi32, #tpu.memory_space<vmem>>, %arg13: memref<64x384xi32, #tpu.memory_space<vmem>>, %arg14: memref<64x384xi32, #tpu.memory_space<vmem>>, %arg15: memref<!tpu.dma_semaphore, #tpu.memory_space<semaphore_mem>>, %arg16: memref<!tpu.dma_semaphore, #tpu.memory_space<semaphore_mem>>, %arg17: memref<!tpu.dma_semaphore, #tpu.memory_space<semaphore_mem>>, %arg18: memref<!tpu.dma_semaphore, #tpu.memory_space<semaphore_mem>>) attributes {dimension_semantics = [#tpu.dimension_semantics<core_parallel>, #tpu.dimension_semantics<subcore_parallel>], iteration_bounds = array<i64: 2, 16>, scalar_prefetch = 0 : i64, scratch_operands = 12 : i64, tpu.core_type = #tpu.core_type<sc_vector_subcore>, window_params = [{transform_indices = #map}, {transform_indices = #map}, {transform_indices = #map1}, {transform_indices = #map1}, {transform_indices = #map1}]} {
    %mul3A = arith.constant 2 : i32
    %mul3A_0 = arith.muli %arg1, %mul3A : i32
    %add3A = arith.addi %mul3A_0, %arg0 : i32
    %mul3A_1 = arith.constant 256 : i32
    %mul3A_2 = arith.muli %add3A, %mul3A_1 : i32
    %add3A_3 = arith.constant 0 : i32
    %add3A_4 = arith.addi %mul3A_2, %add3A_3 : i32
    "tpu.region"() ({
      %run_scoped3A = tpu.sem_alloc : memref<!tpu.dma_semaphore, #tpu.memory_space<semaphore_mem>>
      %dma_start3A_143 = tpu.memref_slice %arg2[%add3A_4] : memref<8192xi32, #tpu.memory_space<hbm>> -> memref<64xi32, #tpu.memory_space<hbm>>
      %dma_start3A_144 = tpu.memref_slice %arg2[%add3A_4] : memref<8192xi32, #tpu.memory_space<hbm>> -> memref<64xi32, #tpu.memory_space<hbm>>
      tpu.enqueue_dma source(%dma_start3A_144 : memref<64xi32, #tpu.memory_space<hbm>>) target(%arg7 : memref<64xi32, #tpu.memory_space<vmem>>) target_semaphore(%run_scoped3A : memref<!tpu.dma_semaphore, #tpu.memory_space<semaphore_mem>>)
      %dma_wait3A_145 = tpu.memref_slice %arg2[%add3A_4] : memref<8192xi32, #tpu.memory_space<hbm>> -> memref<64xi32, #tpu.memory_space<hbm>>
      %dma_wait3A_146 = tpu.memref_slice %arg2[%add3A_4] : memref<8192xi32, #tpu.memory_space<hbm>> -> memref<64xi32, #tpu.memory_space<hbm>>
      tpu.wait_dma2 semaphore(%run_scoped3A : memref<!tpu.dma_semaphore, #tpu.memory_space<semaphore_mem>>) src(%dma_wait3A_146 : memref<64xi32, #tpu.memory_space<hbm>>) dst(%arg7 : memref<64xi32, #tpu.memory_space<vmem>>)
      tpu.yield
    }) : () -> ()
    "tpu.region"() ({
      %run_scoped3A = tpu.sem_alloc : memref<!tpu.dma_semaphore, #tpu.memory_space<semaphore_mem>>
      %dma_start3A_143 = tpu.memref_slice %arg3[%add3A_4] : memref<8192xi32, #tpu.memory_space<hbm>> -> memref<64xi32, #tpu.memory_space<hbm>>
      %dma_start3A_144 = tpu.memref_slice %arg3[%add3A_4] : memref<8192xi32, #tpu.memory_space<hbm>> -> memref<64xi32, #tpu.memory_space<hbm>>
      tpu.enqueue_dma source(%dma_start3A_144 : memref<64xi32, #tpu.memory_space<hbm>>) target(%arg9 : memref<64xi32, #tpu.memory_space<vmem>>) target_semaphore(%run_scoped3A : memref<!tpu.dma_semaphore, #tpu.memory_space<semaphore_mem>>)
      %dma_wait3A_145 = tpu.memref_slice %arg3[%add3A_4] : memref<8192xi32, #tpu.memory_space<hbm>> -> memref<64xi32, #tpu.memory_space<hbm>>
      %dma_wait3A_146 = tpu.memref_slice %arg3[%add3A_4] : memref<8192xi32, #tpu.memory_space<hbm>> -> memref<64xi32, #tpu.memory_space<hbm>>
      tpu.wait_dma2 semaphore(%run_scoped3A : memref<!tpu.dma_semaphore, #tpu.memory_space<semaphore_mem>>) src(%dma_wait3A_146 : memref<64xi32, #tpu.memory_space<hbm>>) dst(%arg9 : memref<64xi32, #tpu.memory_space<vmem>>)
      tpu.yield
    }) : () -> ()
    %dma_start3A = arith.constant 0 : i32
    %dma_start3A_5 = arith.constant 0 : i32
    %dma_start3A_6 = tpu.memref_slice %arg4[%dma_start3A, %dma_start3A_5] : memref<18432x384xi32, #tpu.memory_space<hbm>> -> memref<18432x384xi32, #tpu.memory_space<hbm>>
    tpu.enqueue_indirect_dma source(%dma_start3A_6 : memref<18432x384xi32, #tpu.memory_space<hbm>>) target(%arg11 : memref<64x384xi32, #tpu.memory_space<vmem>>) offsets(%arg7 : memref<64xi32, #tpu.memory_space<vmem>>) semaphore(%arg15 : memref<!tpu.dma_semaphore, #tpu.memory_space<semaphore_mem>>)
    %dma_start3A_7 = arith.constant 0 : i32
    %dma_start3A_8 = arith.constant 0 : i32
    %dma_start3A_9 = tpu.memref_slice %arg4[%dma_start3A_7, %dma_start3A_8] : memref<18432x384xi32, #tpu.memory_space<hbm>> -> memref<18432x384xi32, #tpu.memory_space<hbm>>
    tpu.enqueue_indirect_dma source(%dma_start3A_9 : memref<18432x384xi32, #tpu.memory_space<hbm>>) target(%arg12 : memref<64x384xi32, #tpu.memory_space<vmem>>) offsets(%arg9 : memref<64xi32, #tpu.memory_space<vmem>>) semaphore(%arg16 : memref<!tpu.dma_semaphore, #tpu.memory_space<semaphore_mem>>)
    %mul3A_10 = arith.constant 256 : i32
    %mul3A_11 = arith.muli %add3A, %mul3A_10 : i32
    %add3A_12 = arith.constant 64 : i32
    %add3A_13 = arith.addi %mul3A_11, %add3A_12 : i32
    "tpu.region"() ({
      %run_scoped3A = tpu.sem_alloc : memref<!tpu.dma_semaphore, #tpu.memory_space<semaphore_mem>>
      %dma_start3A_143 = tpu.memref_slice %arg2[%add3A_13] : memref<8192xi32, #tpu.memory_space<hbm>> -> memref<64xi32, #tpu.memory_space<hbm>>
      %dma_start3A_144 = tpu.memref_slice %arg2[%add3A_13] : memref<8192xi32, #tpu.memory_space<hbm>> -> memref<64xi32, #tpu.memory_space<hbm>>
      tpu.enqueue_dma source(%dma_start3A_144 : memref<64xi32, #tpu.memory_space<hbm>>) target(%arg8 : memref<64xi32, #tpu.memory_space<vmem>>) target_semaphore(%run_scoped3A : memref<!tpu.dma_semaphore, #tpu.memory_space<semaphore_mem>>)
      %dma_wait3A_145 = tpu.memref_slice %arg2[%add3A_13] : memref<8192xi32, #tpu.memory_space<hbm>> -> memref<64xi32, #tpu.memory_space<hbm>>
      %dma_wait3A_146 = tpu.memref_slice %arg2[%add3A_13] : memref<8192xi32, #tpu.memory_space<hbm>> -> memref<64xi32, #tpu.memory_space<hbm>>
      tpu.wait_dma2 semaphore(%run_scoped3A : memref<!tpu.dma_semaphore, #tpu.memory_space<semaphore_mem>>) src(%dma_wait3A_146 : memref<64xi32, #tpu.memory_space<hbm>>) dst(%arg8 : memref<64xi32, #tpu.memory_space<vmem>>)
      tpu.yield
    }) : () -> ()
    "tpu.region"() ({
      %run_scoped3A = tpu.sem_alloc : memref<!tpu.dma_semaphore, #tpu.memory_space<semaphore_mem>>
      %dma_start3A_143 = tpu.memref_slice %arg3[%add3A_13] : memref<8192xi32, #tpu.memory_space<hbm>> -> memref<64xi32, #tpu.memory_space<hbm>>
      %dma_start3A_144 = tpu.memref_slice %arg3[%add3A_13] : memref<8192xi32, #tpu.memory_space<hbm>> -> memref<64xi32, #tpu.memory_space<hbm>>
      tpu.enqueue_dma source(%dma_start3A_144 : memref<64xi32, #tpu.memory_space<hbm>>) target(%arg10 : memref<64xi32, #tpu.memory_space<vmem>>) target_semaphore(%run_scoped3A : memref<!tpu.dma_semaphore, #tpu.memory_space<semaphore_mem>>)
      %dma_wait3A_145 = tpu.memref_slice %arg3[%add3A_13] : memref<8192xi32, #tpu.memory_space<hbm>> -> memref<64xi32, #tpu.memory_space<hbm>>
      %dma_wait3A_146 = tpu.memref_slice %arg3[%add3A_13] : memref<8192xi32, #tpu.memory_space<hbm>> -> memref<64xi32, #tpu.memory_space<hbm>>
      tpu.wait_dma2 semaphore(%run_scoped3A : memref<!tpu.dma_semaphore, #tpu.memory_space<semaphore_mem>>) src(%dma_wait3A_146 : memref<64xi32, #tpu.memory_space<hbm>>) dst(%arg10 : memref<64xi32, #tpu.memory_space<vmem>>)
      tpu.yield
    }) : () -> ()
    %dma_start3A_14 = arith.constant 0 : i32
    %dma_start3A_15 = arith.constant 0 : i32
    %dma_start3A_16 = tpu.memref_slice %arg4[%dma_start3A_14, %dma_start3A_15] : memref<18432x384xi32, #tpu.memory_space<hbm>> -> memref<18432x384xi32, #tpu.memory_space<hbm>>
    tpu.enqueue_indirect_dma source(%dma_start3A_16 : memref<18432x384xi32, #tpu.memory_space<hbm>>) target(%arg13 : memref<64x384xi32, #tpu.memory_space<vmem>>) offsets(%arg8 : memref<64xi32, #tpu.memory_space<vmem>>) semaphore(%arg15 : memref<!tpu.dma_semaphore, #tpu.memory_space<semaphore_mem>>)
    %dma_start3A_17 = arith.constant 0 : i32
    %dma_start3A_18 = arith.constant 0 : i32
    %dma_start3A_19 = tpu.memref_slice %arg4[%dma_start3A_17, %dma_start3A_18] : memref<18432x384xi32, #tpu.memory_space<hbm>> -> memref<18432x384xi32, #tpu.memory_space<hbm>>
    tpu.enqueue_indirect_dma source(%dma_start3A_19 : memref<18432x384xi32, #tpu.memory_space<hbm>>) target(%arg14 : memref<64x384xi32, #tpu.memory_space<vmem>>) offsets(%arg10 : memref<64xi32, #tpu.memory_space<vmem>>) semaphore(%arg16 : memref<!tpu.dma_semaphore, #tpu.memory_space<semaphore_mem>>)
    %dma_wait3A = arith.constant 0 : i32
    %dma_wait3A_20 = arith.constant 0 : i32
    %dma_wait3A_21 = tpu.memref_slice %arg4[%dma_wait3A, %dma_wait3A_20] : memref<18432x384xi32, #tpu.memory_space<hbm>> -> memref<18432x384xi32, #tpu.memory_space<hbm>>
    tpu.wait_indirect_dma semaphore(%arg15 : memref<!tpu.dma_semaphore, #tpu.memory_space<semaphore_mem>>) src(%dma_wait3A_21 : memref<18432x384xi32, #tpu.memory_space<hbm>>) dst(%arg11 : memref<64x384xi32, #tpu.memory_space<vmem>>)
    %dma_wait3A_22 = arith.constant 0 : i32
    %dma_wait3A_23 = arith.constant 0 : i32
    %dma_wait3A_24 = tpu.memref_slice %arg4[%dma_wait3A_22, %dma_wait3A_23] : memref<18432x384xi32, #tpu.memory_space<hbm>> -> memref<18432x384xi32, #tpu.memory_space<hbm>>
    tpu.wait_indirect_dma semaphore(%arg16 : memref<!tpu.dma_semaphore, #tpu.memory_space<semaphore_mem>>) src(%dma_wait3A_24 : memref<18432x384xi32, #tpu.memory_space<hbm>>) dst(%arg12 : memref<64x384xi32, #tpu.memory_space<vmem>>)
    %mul3A_25 = arith.constant 256 : i32
    %mul3A_26 = arith.muli %add3A, %mul3A_25 : i32
    %add3A_27 = arith.constant 0 : i32
    %add3A_28 = arith.addi %mul3A_26, %add3A_27 : i32
    %dma_start3A_29 = arith.constant 0 : i32
    %dma_start3A_30 = tpu.memref_slice %arg5[%add3A_28, %dma_start3A_29] : memref<8192x384xi32, #tpu.memory_space<hbm>> -> memref<64x384xi32, #tpu.memory_space<hbm>>
    %dma_start3A_31 = arith.constant 0 : i32
    %dma_start3A_32 = tpu.memref_slice %arg5[%add3A_28, %dma_start3A_31] : memref<8192x384xi32, #tpu.memory_space<hbm>> -> memref<64x384xi32, #tpu.memory_space<hbm>>
    tpu.enqueue_dma source(%arg11 : memref<64x384xi32, #tpu.memory_space<vmem>>) target(%dma_start3A_32 : memref<64x384xi32, #tpu.memory_space<hbm>>) target_semaphore(%arg17 : memref<!tpu.dma_semaphore, #tpu.memory_space<semaphore_mem>>)
    %dma_start3A_33 = arith.constant 0 : i32
    %dma_start3A_34 = tpu.memref_slice %arg6[%add3A_28, %dma_start3A_33] : memref<8192x384xi32, #tpu.memory_space<hbm>> -> memref<64x384xi32, #tpu.memory_space<hbm>>
    %dma_start3A_35 = arith.constant 0 : i32
    %dma_start3A_36 = tpu.memref_slice %arg6[%add3A_28, %dma_start3A_35] : memref<8192x384xi32, #tpu.memory_space<hbm>> -> memref<64x384xi32, #tpu.memory_space<hbm>>
    tpu.enqueue_dma source(%arg12 : memref<64x384xi32, #tpu.memory_space<vmem>>) target(%dma_start3A_36 : memref<64x384xi32, #tpu.memory_space<hbm>>) target_semaphore(%arg17 : memref<!tpu.dma_semaphore, #tpu.memory_space<semaphore_mem>>)
    %dma_wait3A_37 = arith.constant 0 : i32
    %dma_wait3A_38 = tpu.memref_slice %arg5[%add3A_28, %dma_wait3A_37] : memref<8192x384xi32, #tpu.memory_space<hbm>> -> memref<64x384xi32, #tpu.memory_space<hbm>>
    %dma_wait3A_39 = arith.constant 0 : i32
    %dma_wait3A_40 = tpu.memref_slice %arg5[%add3A_28, %dma_wait3A_39] : memref<8192x384xi32, #tpu.memory_space<hbm>> -> memref<64x384xi32, #tpu.memory_space<hbm>>
    tpu.wait_dma2 semaphore(%arg17 : memref<!tpu.dma_semaphore, #tpu.memory_space<semaphore_mem>>) src(%arg11 : memref<64x384xi32, #tpu.memory_space<vmem>>) dst(%dma_wait3A_40 : memref<64x384xi32, #tpu.memory_space<hbm>>)
    %dma_wait3A_41 = arith.constant 0 : i32
    %dma_wait3A_42 = tpu.memref_slice %arg6[%add3A_28, %dma_wait3A_41] : memref<8192x384xi32, #tpu.memory_space<hbm>> -> memref<64x384xi32, #tpu.memory_space<hbm>>
    %dma_wait3A_43 = arith.constant 0 : i32
    %dma_wait3A_44 = tpu.memref_slice %arg6[%add3A_28, %dma_wait3A_43] : memref<8192x384xi32, #tpu.memory_space<hbm>> -> memref<64x384xi32, #tpu.memory_space<hbm>>
    tpu.wait_dma2 semaphore(%arg17 : memref<!tpu.dma_semaphore, #tpu.memory_space<semaphore_mem>>) src(%arg12 : memref<64x384xi32, #tpu.memory_space<vmem>>) dst(%dma_wait3A_44 : memref<64x384xi32, #tpu.memory_space<hbm>>)
    %mul3A_45 = arith.constant 256 : i32
    %mul3A_46 = arith.muli %add3A, %mul3A_45 : i32
    %add3A_47 = arith.constant 128 : i32
    %add3A_48 = arith.addi %mul3A_46, %add3A_47 : i32
    "tpu.region"() ({
      %run_scoped3A = tpu.sem_alloc : memref<!tpu.dma_semaphore, #tpu.memory_space<semaphore_mem>>
      %dma_start3A_143 = tpu.memref_slice %arg2[%add3A_48] : memref<8192xi32, #tpu.memory_space<hbm>> -> memref<64xi32, #tpu.memory_space<hbm>>
      %dma_start3A_144 = tpu.memref_slice %arg2[%add3A_48] : memref<8192xi32, #tpu.memory_space<hbm>> -> memref<64xi32, #tpu.memory_space<hbm>>
      tpu.enqueue_dma source(%dma_start3A_144 : memref<64xi32, #tpu.memory_space<hbm>>) target(%arg7 : memref<64xi32, #tpu.memory_space<vmem>>) target_semaphore(%run_scoped3A : memref<!tpu.dma_semaphore, #tpu.memory_space<semaphore_mem>>)
      %dma_wait3A_145 = tpu.memref_slice %arg2[%add3A_48] : memref<8192xi32, #tpu.memory_space<hbm>> -> memref<64xi32, #tpu.memory_space<hbm>>
      %dma_wait3A_146 = tpu.memref_slice %arg2[%add3A_48] : memref<8192xi32, #tpu.memory_space<hbm>> -> memref<64xi32, #tpu.memory_space<hbm>>
      tpu.wait_dma2 semaphore(%run_scoped3A : memref<!tpu.dma_semaphore, #tpu.memory_space<semaphore_mem>>) src(%dma_wait3A_146 : memref<64xi32, #tpu.memory_space<hbm>>) dst(%arg7 : memref<64xi32, #tpu.memory_space<vmem>>)
      tpu.yield
    }) : () -> ()
    "tpu.region"() ({
      %run_scoped3A = tpu.sem_alloc : memref<!tpu.dma_semaphore, #tpu.memory_space<semaphore_mem>>
      %dma_start3A_143 = tpu.memref_slice %arg3[%add3A_48] : memref<8192xi32, #tpu.memory_space<hbm>> -> memref<64xi32, #tpu.memory_space<hbm>>
      %dma_start3A_144 = tpu.memref_slice %arg3[%add3A_48] : memref<8192xi32, #tpu.memory_space<hbm>> -> memref<64xi32, #tpu.memory_space<hbm>>
      tpu.enqueue_dma source(%dma_start3A_144 : memref<64xi32, #tpu.memory_space<hbm>>) target(%arg9 : memref<64xi32, #tpu.memory_space<vmem>>) target_semaphore(%run_scoped3A : memref<!tpu.dma_semaphore, #tpu.memory_space<semaphore_mem>>)
      %dma_wait3A_145 = tpu.memref_slice %arg3[%add3A_48] : memref<8192xi32, #tpu.memory_space<hbm>> -> memref<64xi32, #tpu.memory_space<hbm>>
      %dma_wait3A_146 = tpu.memref_slice %arg3[%add3A_48] : memref<8192xi32, #tpu.memory_space<hbm>> -> memref<64xi32, #tpu.memory_space<hbm>>
      tpu.wait_dma2 semaphore(%run_scoped3A : memref<!tpu.dma_semaphore, #tpu.memory_space<semaphore_mem>>) src(%dma_wait3A_146 : memref<64xi32, #tpu.memory_space<hbm>>) dst(%arg9 : memref<64xi32, #tpu.memory_space<vmem>>)
      tpu.yield
    }) : () -> ()
    %dma_start3A_49 = arith.constant 0 : i32
    %dma_start3A_50 = arith.constant 0 : i32
    %dma_start3A_51 = tpu.memref_slice %arg4[%dma_start3A_49, %dma_start3A_50] : memref<18432x384xi32, #tpu.memory_space<hbm>> -> memref<18432x384xi32, #tpu.memory_space<hbm>>
    tpu.enqueue_indirect_dma source(%dma_start3A_51 : memref<18432x384xi32, #tpu.memory_space<hbm>>) target(%arg11 : memref<64x384xi32, #tpu.memory_space<vmem>>) offsets(%arg7 : memref<64xi32, #tpu.memory_space<vmem>>) semaphore(%arg15 : memref<!tpu.dma_semaphore, #tpu.memory_space<semaphore_mem>>)
    %dma_start3A_52 = arith.constant 0 : i32
    %dma_start3A_53 = arith.constant 0 : i32
    %dma_start3A_54 = tpu.memref_slice %arg4[%dma_start3A_52, %dma_start3A_53] : memref<18432x384xi32, #tpu.memory_space<hbm>> -> memref<18432x384xi32, #tpu.memory_space<hbm>>
    tpu.enqueue_indirect_dma source(%dma_start3A_54 : memref<18432x384xi32, #tpu.memory_space<hbm>>) target(%arg12 : memref<64x384xi32, #tpu.memory_space<vmem>>) offsets(%arg9 : memref<64xi32, #tpu.memory_space<vmem>>) semaphore(%arg16 : memref<!tpu.dma_semaphore, #tpu.memory_space<semaphore_mem>>)
    %dma_wait3A_55 = arith.constant 0 : i32
    %dma_wait3A_56 = arith.constant 0 : i32
    %dma_wait3A_57 = tpu.memref_slice %arg4[%dma_wait3A_55, %dma_wait3A_56] : memref<18432x384xi32, #tpu.memory_space<hbm>> -> memref<18432x384xi32, #tpu.memory_space<hbm>>
    tpu.wait_indirect_dma semaphore(%arg15 : memref<!tpu.dma_semaphore, #tpu.memory_space<semaphore_mem>>) src(%dma_wait3A_57 : memref<18432x384xi32, #tpu.memory_space<hbm>>) dst(%arg13 : memref<64x384xi32, #tpu.memory_space<vmem>>)
    %dma_wait3A_58 = arith.constant 0 : i32
    %dma_wait3A_59 = arith.constant 0 : i32
    %dma_wait3A_60 = tpu.memref_slice %arg4[%dma_wait3A_58, %dma_wait3A_59] : memref<18432x384xi32, #tpu.memory_space<hbm>> -> memref<18432x384xi32, #tpu.memory_space<hbm>>
    tpu.wait_indirect_dma semaphore(%arg16 : memref<!tpu.dma_semaphore, #tpu.memory_space<semaphore_mem>>) src(%dma_wait3A_60 : memref<18432x384xi32, #tpu.memory_space<hbm>>) dst(%arg14 : memref<64x384xi32, #tpu.memory_space<vmem>>)
    %mul3A_61 = arith.constant 256 : i32
    %mul3A_62 = arith.muli %add3A, %mul3A_61 : i32
    %add3A_63 = arith.constant 64 : i32
    %add3A_64 = arith.addi %mul3A_62, %add3A_63 : i32
    %dma_start3A_65 = arith.constant 0 : i32
    %dma_start3A_66 = tpu.memref_slice %arg5[%add3A_64, %dma_start3A_65] : memref<8192x384xi32, #tpu.memory_space<hbm>> -> memref<64x384xi32, #tpu.memory_space<hbm>>
    %dma_start3A_67 = arith.constant 0 : i32
    %dma_start3A_68 = tpu.memref_slice %arg5[%add3A_64, %dma_start3A_67] : memref<8192x384xi32, #tpu.memory_space<hbm>> -> memref<64x384xi32, #tpu.memory_space<hbm>>
    tpu.enqueue_dma source(%arg13 : memref<64x384xi32, #tpu.memory_space<vmem>>) target(%dma_start3A_68 : memref<64x384xi32, #tpu.memory_space<hbm>>) target_semaphore(%arg18 : memref<!tpu.dma_semaphore, #tpu.memory_space<semaphore_mem>>)
    %dma_start3A_69 = arith.constant 0 : i32
    %dma_start3A_70 = tpu.memref_slice %arg6[%add3A_64, %dma_start3A_69] : memref<8192x384xi32, #tpu.memory_space<hbm>> -> memref<64x384xi32, #tpu.memory_space<hbm>>
    %dma_start3A_71 = arith.constant 0 : i32
    %dma_start3A_72 = tpu.memref_slice %arg6[%add3A_64, %dma_start3A_71] : memref<8192x384xi32, #tpu.memory_space<hbm>> -> memref<64x384xi32, #tpu.memory_space<hbm>>
    tpu.enqueue_dma source(%arg14 : memref<64x384xi32, #tpu.memory_space<vmem>>) target(%dma_start3A_72 : memref<64x384xi32, #tpu.memory_space<hbm>>) target_semaphore(%arg18 : memref<!tpu.dma_semaphore, #tpu.memory_space<semaphore_mem>>)
    %dma_wait3A_73 = arith.constant 0 : i32
    %dma_wait3A_74 = tpu.memref_slice %arg5[%add3A_64, %dma_wait3A_73] : memref<8192x384xi32, #tpu.memory_space<hbm>> -> memref<64x384xi32, #tpu.memory_space<hbm>>
    %dma_wait3A_75 = arith.constant 0 : i32
    %dma_wait3A_76 = tpu.memref_slice %arg5[%add3A_64, %dma_wait3A_75] : memref<8192x384xi32, #tpu.memory_space<hbm>> -> memref<64x384xi32, #tpu.memory_space<hbm>>
    tpu.wait_dma2 semaphore(%arg18 : memref<!tpu.dma_semaphore, #tpu.memory_space<semaphore_mem>>) src(%arg13 : memref<64x384xi32, #tpu.memory_space<vmem>>) dst(%dma_wait3A_76 : memref<64x384xi32, #tpu.memory_space<hbm>>)
    %dma_wait3A_77 = arith.constant 0 : i32
    %dma_wait3A_78 = tpu.memref_slice %arg6[%add3A_64, %dma_wait3A_77] : memref<8192x384xi32, #tpu.memory_space<hbm>> -> memref<64x384xi32, #tpu.memory_space<hbm>>
    %dma_wait3A_79 = arith.constant 0 : i32
    %dma_wait3A_80 = tpu.memref_slice %arg6[%add3A_64, %dma_wait3A_79] : memref<8192x384xi32, #tpu.memory_space<hbm>> -> memref<64x384xi32, #tpu.memory_space<hbm>>
    tpu.wait_dma2 semaphore(%arg18 : memref<!tpu.dma_semaphore, #tpu.memory_space<semaphore_mem>>) src(%arg14 : memref<64x384xi32, #tpu.memory_space<vmem>>) dst(%dma_wait3A_80 : memref<64x384xi32, #tpu.memory_space<hbm>>)
    %mul3A_81 = arith.constant 256 : i32
    %mul3A_82 = arith.muli %add3A, %mul3A_81 : i32
    %add3A_83 = arith.constant 192 : i32
    %add3A_84 = arith.addi %mul3A_82, %add3A_83 : i32
    "tpu.region"() ({
      %run_scoped3A = tpu.sem_alloc : memref<!tpu.dma_semaphore, #tpu.memory_space<semaphore_mem>>
      %dma_start3A_143 = tpu.memref_slice %arg2[%add3A_84] : memref<8192xi32, #tpu.memory_space<hbm>> -> memref<64xi32, #tpu.memory_space<hbm>>
      %dma_start3A_144 = tpu.memref_slice %arg2[%add3A_84] : memref<8192xi32, #tpu.memory_space<hbm>> -> memref<64xi32, #tpu.memory_space<hbm>>
      tpu.enqueue_dma source(%dma_start3A_144 : memref<64xi32, #tpu.memory_space<hbm>>) target(%arg8 : memref<64xi32, #tpu.memory_space<vmem>>) target_semaphore(%run_scoped3A : memref<!tpu.dma_semaphore, #tpu.memory_space<semaphore_mem>>)
      %dma_wait3A_145 = tpu.memref_slice %arg2[%add3A_84] : memref<8192xi32, #tpu.memory_space<hbm>> -> memref<64xi32, #tpu.memory_space<hbm>>
      %dma_wait3A_146 = tpu.memref_slice %arg2[%add3A_84] : memref<8192xi32, #tpu.memory_space<hbm>> -> memref<64xi32, #tpu.memory_space<hbm>>
      tpu.wait_dma2 semaphore(%run_scoped3A : memref<!tpu.dma_semaphore, #tpu.memory_space<semaphore_mem>>) src(%dma_wait3A_146 : memref<64xi32, #tpu.memory_space<hbm>>) dst(%arg8 : memref<64xi32, #tpu.memory_space<vmem>>)
      tpu.yield
    }) : () -> ()
    "tpu.region"() ({
      %run_scoped3A = tpu.sem_alloc : memref<!tpu.dma_semaphore, #tpu.memory_space<semaphore_mem>>
      %dma_start3A_143 = tpu.memref_slice %arg3[%add3A_84] : memref<8192xi32, #tpu.memory_space<hbm>> -> memref<64xi32, #tpu.memory_space<hbm>>
      %dma_start3A_144 = tpu.memref_slice %arg3[%add3A_84] : memref<8192xi32, #tpu.memory_space<hbm>> -> memref<64xi32, #tpu.memory_space<hbm>>
      tpu.enqueue_dma source(%dma_start3A_144 : memref<64xi32, #tpu.memory_space<hbm>>) target(%arg10 : memref<64xi32, #tpu.memory_space<vmem>>) target_semaphore(%run_scoped3A : memref<!tpu.dma_semaphore, #tpu.memory_space<semaphore_mem>>)
      %dma_wait3A_145 = tpu.memref_slice %arg3[%add3A_84] : memref<8192xi32, #tpu.memory_space<hbm>> -> memref<64xi32, #tpu.memory_space<hbm>>
      %dma_wait3A_146 = tpu.memref_slice %arg3[%add3A_84] : memref<8192xi32, #tpu.memory_space<hbm>> -> memref<64xi32, #tpu.memory_space<hbm>>
      tpu.wait_dma2 semaphore(%run_scoped3A : memref<!tpu.dma_semaphore, #tpu.memory_space<semaphore_mem>>) src(%dma_wait3A_146 : memref<64xi32, #tpu.memory_space<hbm>>) dst(%arg10 : memref<64xi32, #tpu.memory_space<vmem>>)
      tpu.yield
    }) : () -> ()
    %dma_start3A_85 = arith.constant 0 : i32
    %dma_start3A_86 = arith.constant 0 : i32
    %dma_start3A_87 = tpu.memref_slice %arg4[%dma_start3A_85, %dma_start3A_86] : memref<18432x384xi32, #tpu.memory_space<hbm>> -> memref<18432x384xi32, #tpu.memory_space<hbm>>
    tpu.enqueue_indirect_dma source(%dma_start3A_87 : memref<18432x384xi32, #tpu.memory_space<hbm>>) target(%arg13 : memref<64x384xi32, #tpu.memory_space<vmem>>) offsets(%arg8 : memref<64xi32, #tpu.memory_space<vmem>>) semaphore(%arg15 : memref<!tpu.dma_semaphore, #tpu.memory_space<semaphore_mem>>)
    %dma_start3A_88 = arith.constant 0 : i32
    %dma_start3A_89 = arith.constant 0 : i32
    %dma_start3A_90 = tpu.memref_slice %arg4[%dma_start3A_88, %dma_start3A_89] : memref<18432x384xi32, #tpu.memory_space<hbm>> -> memref<18432x384xi32, #tpu.memory_space<hbm>>
    tpu.enqueue_indirect_dma source(%dma_start3A_90 : memref<18432x384xi32, #tpu.memory_space<hbm>>) target(%arg14 : memref<64x384xi32, #tpu.memory_space<vmem>>) offsets(%arg10 : memref<64xi32, #tpu.memory_space<vmem>>) semaphore(%arg16 : memref<!tpu.dma_semaphore, #tpu.memory_space<semaphore_mem>>)
    %dma_wait3A_91 = arith.constant 0 : i32
    %dma_wait3A_92 = arith.constant 0 : i32
    %dma_wait3A_93 = tpu.memref_slice %arg4[%dma_wait3A_91, %dma_wait3A_92] : memref<18432x384xi32, #tpu.memory_space<hbm>> -> memref<18432x384xi32, #tpu.memory_space<hbm>>
    tpu.wait_indirect_dma semaphore(%arg15 : memref<!tpu.dma_semaphore, #tpu.memory_space<semaphore_mem>>) src(%dma_wait3A_93 : memref<18432x384xi32, #tpu.memory_space<hbm>>) dst(%arg11 : memref<64x384xi32, #tpu.memory_space<vmem>>)
    %dma_wait3A_94 = arith.constant 0 : i32
    %dma_wait3A_95 = arith.constant 0 : i32
    %dma_wait3A_96 = tpu.memref_slice %arg4[%dma_wait3A_94, %dma_wait3A_95] : memref<18432x384xi32, #tpu.memory_space<hbm>> -> memref<18432x384xi32, #tpu.memory_space<hbm>>
    tpu.wait_indirect_dma semaphore(%arg16 : memref<!tpu.dma_semaphore, #tpu.memory_space<semaphore_mem>>) src(%dma_wait3A_96 : memref<18432x384xi32, #tpu.memory_space<hbm>>) dst(%arg12 : memref<64x384xi32, #tpu.memory_space<vmem>>)
    %mul3A_97 = arith.constant 256 : i32
    %mul3A_98 = arith.muli %add3A, %mul3A_97 : i32
    %add3A_99 = arith.constant 128 : i32
    %add3A_100 = arith.addi %mul3A_98, %add3A_99 : i32
    %dma_start3A_101 = arith.constant 0 : i32
    %dma_start3A_102 = tpu.memref_slice %arg5[%add3A_100, %dma_start3A_101] : memref<8192x384xi32, #tpu.memory_space<hbm>> -> memref<64x384xi32, #tpu.memory_space<hbm>>
    %dma_start3A_103 = arith.constant 0 : i32
    %dma_start3A_104 = tpu.memref_slice %arg5[%add3A_100, %dma_start3A_103] : memref<8192x384xi32, #tpu.memory_space<hbm>> -> memref<64x384xi32, #tpu.memory_space<hbm>>
    tpu.enqueue_dma source(%arg11 : memref<64x384xi32, #tpu.memory_space<vmem>>) target(%dma_start3A_104 : memref<64x384xi32, #tpu.memory_space<hbm>>) target_semaphore(%arg17 : memref<!tpu.dma_semaphore, #tpu.memory_space<semaphore_mem>>)
    %dma_start3A_105 = arith.constant 0 : i32
    %dma_start3A_106 = tpu.memref_slice %arg6[%add3A_100, %dma_start3A_105] : memref<8192x384xi32, #tpu.memory_space<hbm>> -> memref<64x384xi32, #tpu.memory_space<hbm>>
    %dma_start3A_107 = arith.constant 0 : i32
    %dma_start3A_108 = tpu.memref_slice %arg6[%add3A_100, %dma_start3A_107] : memref<8192x384xi32, #tpu.memory_space<hbm>> -> memref<64x384xi32, #tpu.memory_space<hbm>>
    tpu.enqueue_dma source(%arg12 : memref<64x384xi32, #tpu.memory_space<vmem>>) target(%dma_start3A_108 : memref<64x384xi32, #tpu.memory_space<hbm>>) target_semaphore(%arg17 : memref<!tpu.dma_semaphore, #tpu.memory_space<semaphore_mem>>)
    %dma_wait3A_109 = arith.constant 0 : i32
    %dma_wait3A_110 = arith.constant 0 : i32
    %dma_wait3A_111 = tpu.memref_slice %arg4[%dma_wait3A_109, %dma_wait3A_110] : memref<18432x384xi32, #tpu.memory_space<hbm>> -> memref<18432x384xi32, #tpu.memory_space<hbm>>
    tpu.wait_indirect_dma semaphore(%arg15 : memref<!tpu.dma_semaphore, #tpu.memory_space<semaphore_mem>>) src(%dma_wait3A_111 : memref<18432x384xi32, #tpu.memory_space<hbm>>) dst(%arg13 : memref<64x384xi32, #tpu.memory_space<vmem>>)
    %dma_wait3A_112 = arith.constant 0 : i32
    %dma_wait3A_113 = arith.constant 0 : i32
    %dma_wait3A_114 = tpu.memref_slice %arg4[%dma_wait3A_112, %dma_wait3A_113] : memref<18432x384xi32, #tpu.memory_space<hbm>> -> memref<18432x384xi32, #tpu.memory_space<hbm>>
    tpu.wait_indirect_dma semaphore(%arg16 : memref<!tpu.dma_semaphore, #tpu.memory_space<semaphore_mem>>) src(%dma_wait3A_114 : memref<18432x384xi32, #tpu.memory_space<hbm>>) dst(%arg14 : memref<64x384xi32, #tpu.memory_space<vmem>>)
    %mul3A_115 = arith.constant 256 : i32
    %mul3A_116 = arith.muli %add3A, %mul3A_115 : i32
    %add3A_117 = arith.constant 192 : i32
    %add3A_118 = arith.addi %mul3A_116, %add3A_117 : i32
    %dma_start3A_119 = arith.constant 0 : i32
    %dma_start3A_120 = tpu.memref_slice %arg5[%add3A_118, %dma_start3A_119] : memref<8192x384xi32, #tpu.memory_space<hbm>> -> memref<64x384xi32, #tpu.memory_space<hbm>>
    %dma_start3A_121 = arith.constant 0 : i32
    %dma_start3A_122 = tpu.memref_slice %arg5[%add3A_118, %dma_start3A_121] : memref<8192x384xi32, #tpu.memory_space<hbm>> -> memref<64x384xi32, #tpu.memory_space<hbm>>
    tpu.enqueue_dma source(%arg13 : memref<64x384xi32, #tpu.memory_space<vmem>>) target(%dma_start3A_122 : memref<64x384xi32, #tpu.memory_space<hbm>>) target_semaphore(%arg18 : memref<!tpu.dma_semaphore, #tpu.memory_space<semaphore_mem>>)
    %dma_start3A_123 = arith.constant 0 : i32
    %dma_start3A_124 = tpu.memref_slice %arg6[%add3A_118, %dma_start3A_123] : memref<8192x384xi32, #tpu.memory_space<hbm>> -> memref<64x384xi32, #tpu.memory_space<hbm>>
    %dma_start3A_125 = arith.constant 0 : i32
    %dma_start3A_126 = tpu.memref_slice %arg6[%add3A_118, %dma_start3A_125] : memref<8192x384xi32, #tpu.memory_space<hbm>> -> memref<64x384xi32, #tpu.memory_space<hbm>>
    tpu.enqueue_dma source(%arg14 : memref<64x384xi32, #tpu.memory_space<vmem>>) target(%dma_start3A_126 : memref<64x384xi32, #tpu.memory_space<hbm>>) target_semaphore(%arg18 : memref<!tpu.dma_semaphore, #tpu.memory_space<semaphore_mem>>)
    %dma_wait3A_127 = arith.constant 0 : i32
    %dma_wait3A_128 = tpu.memref_slice %arg5[%add3A_100, %dma_wait3A_127] : memref<8192x384xi32, #tpu.memory_space<hbm>> -> memref<64x384xi32, #tpu.memory_space<hbm>>
    %dma_wait3A_129 = arith.constant 0 : i32
    %dma_wait3A_130 = tpu.memref_slice %arg5[%add3A_100, %dma_wait3A_129] : memref<8192x384xi32, #tpu.memory_space<hbm>> -> memref<64x384xi32, #tpu.memory_space<hbm>>
    tpu.wait_dma2 semaphore(%arg17 : memref<!tpu.dma_semaphore, #tpu.memory_space<semaphore_mem>>) src(%arg11 : memref<64x384xi32, #tpu.memory_space<vmem>>) dst(%dma_wait3A_130 : memref<64x384xi32, #tpu.memory_space<hbm>>)
    %dma_wait3A_131 = arith.constant 0 : i32
    %dma_wait3A_132 = tpu.memref_slice %arg6[%add3A_100, %dma_wait3A_131] : memref<8192x384xi32, #tpu.memory_space<hbm>> -> memref<64x384xi32, #tpu.memory_space<hbm>>
    %dma_wait3A_133 = arith.constant 0 : i32
    %dma_wait3A_134 = tpu.memref_slice %arg6[%add3A_100, %dma_wait3A_133] : memref<8192x384xi32, #tpu.memory_space<hbm>> -> memref<64x384xi32, #tpu.memory_space<hbm>>
    tpu.wait_dma2 semaphore(%arg17 : memref<!tpu.dma_semaphore, #tpu.memory_space<semaphore_mem>>) src(%arg12 : memref<64x384xi32, #tpu.memory_space<vmem>>) dst(%dma_wait3A_134 : memref<64x384xi32, #tpu.memory_space<hbm>>)
    %dma_wait3A_135 = arith.constant 0 : i32
    %dma_wait3A_136 = tpu.memref_slice %arg5[%add3A_118, %dma_wait3A_135] : memref<8192x384xi32, #tpu.memory_space<hbm>> -> memref<64x384xi32, #tpu.memory_space<hbm>>
    %dma_wait3A_137 = arith.constant 0 : i32
    %dma_wait3A_138 = tpu.memref_slice %arg5[%add3A_118, %dma_wait3A_137] : memref<8192x384xi32, #tpu.memory_space<hbm>> -> memref<64x384xi32, #tpu.memory_space<hbm>>
    tpu.wait_dma2 semaphore(%arg18 : memref<!tpu.dma_semaphore, #tpu.memory_space<semaphore_mem>>) src(%arg13 : memref<64x384xi32, #tpu.memory_space<vmem>>) dst(%dma_wait3A_138 : memref<64x384xi32, #tpu.memory_space<hbm>>)
    %dma_wait3A_139 = arith.constant 0 : i32
    %dma_wait3A_140 = tpu.memref_slice %arg6[%add3A_118, %dma_wait3A_139] : memref<8192x384xi32, #tpu.memory_space<hbm>> -> memref<64x384xi32, #tpu.memory_space<hbm>>
    %dma_wait3A_141 = arith.constant 0 : i32
    %dma_wait3A_142 = tpu.memref_slice %arg6[%add3A_118, %dma_wait3A_141] : memref<8192x384xi32, #tpu.memory_space<hbm>> -> memref<64x384xi32, #tpu.memory_space<hbm>>
    tpu.wait_dma2 semaphore(%arg18 : memref<!tpu.dma_semaphore, #tpu.memory_space<semaphore_mem>>) src(%arg14 : memref<64x384xi32, #tpu.memory_space<vmem>>) dst(%dma_wait3A_142 : memref<64x384xi32, #tpu.memory_space<hbm>>)
    return
  }
}

#map = affine_map<(d0, d1) -> (0)>
#map1 = affine_map<(d0, d1) -> (0, 0)>
module attributes {stable_mosaic.version = 14 : i64} {
  func.func @kd(%arg0: i32, %arg1: i32, %arg2: memref<16384xi32, #tpu.memory_space<hbm>>, %arg3: memref<16384xf32, #tpu.memory_space<hbm>>, %arg4: memref<8192x384xi32, #tpu.memory_space<hbm>>, %arg5: memref<18432x384xi32, #tpu.memory_space<hbm>>, %arg6: memref<18432xf32, #tpu.memory_space<hbm>>, %arg7: memref<18432xi32, #tpu.memory_space<vmem_shared>>, %arg8: memref<18432xf32, #tpu.memory_space<vmem_shared>>, %arg9: memref<1152xi32, #tpu.memory_space<vmem>>, %arg10: memref<1024xi32, #tpu.memory_space<vmem>>, %arg11: memref<1024xf32, #tpu.memory_space<vmem>>, %arg12: memref<576xi32, #tpu.memory_space<vmem>>, %arg13: memref<96xi32, #tpu.memory_space<vmem>>, %arg14: memref<96xi32, #tpu.memory_space<vmem>>, %arg15: memref<96xi32, #tpu.memory_space<vmem>>, %arg16: memref<96x384xi32, #tpu.memory_space<vmem>>, %arg17: memref<96x384xi32, #tpu.memory_space<vmem>>, %arg18: memref<96x384xi32, #tpu.memory_space<vmem>>, %arg19: memref<!tpu.dma_semaphore, #tpu.memory_space<semaphore_mem>>, %arg20: memref<!tpu.dma_semaphore, #tpu.memory_space<semaphore_mem>>, %arg21: memref<!tpu.dma_semaphore, #tpu.memory_space<semaphore_mem>>, %arg22: memref<!tpu.dma_semaphore, #tpu.memory_space<semaphore_mem>>, %arg23: memref<!tpu.dma_semaphore, #tpu.memory_space<semaphore_mem>>, %arg24: memref<!tpu.dma_semaphore, #tpu.memory_space<semaphore_mem>>) attributes {dimension_semantics = [#tpu.dimension_semantics<core_parallel>, #tpu.dimension_semantics<subcore_parallel>], iteration_bounds = array<i64: 2, 16>, scalar_prefetch = 0 : i64, scratch_operands = 18 : i64, tpu.core_type = #tpu.core_type<sc_vector_subcore>, window_params = [{transform_indices = #map}, {transform_indices = #map}, {transform_indices = #map1}, {transform_indices = #map1}, {transform_indices = #map}]} {
    %mul3A = arith.constant 2 : i32
    %mul3A_0 = arith.muli %arg1, %mul3A : i32
    %add3A = arith.addi %mul3A_0, %arg0 : i32
    %mul3A_1 = arith.constant 1024 : i32
    %mul3A_2 = arith.muli %arg1, %mul3A_1 : i32
    "tpu.region"() ({
      %run_scoped3A = tpu.sem_alloc : memref<!tpu.dma_semaphore, #tpu.memory_space<semaphore_mem>>
      %dma_start3A_1884 = tpu.memref_slice %arg2[%mul3A_2] : memref<16384xi32, #tpu.memory_space<hbm>> -> memref<1024xi32, #tpu.memory_space<hbm>>
      %dma_start3A_1885 = tpu.memref_slice %arg2[%mul3A_2] : memref<16384xi32, #tpu.memory_space<hbm>> -> memref<1024xi32, #tpu.memory_space<hbm>>
      tpu.enqueue_dma source(%dma_start3A_1885 : memref<1024xi32, #tpu.memory_space<hbm>>) target(%arg10 : memref<1024xi32, #tpu.memory_space<vmem>>) target_semaphore(%run_scoped3A : memref<!tpu.dma_semaphore, #tpu.memory_space<semaphore_mem>>)
      %dma_wait3A_1886 = tpu.memref_slice %arg2[%mul3A_2] : memref<16384xi32, #tpu.memory_space<hbm>> -> memref<1024xi32, #tpu.memory_space<hbm>>
      %dma_wait3A_1887 = tpu.memref_slice %arg2[%mul3A_2] : memref<16384xi32, #tpu.memory_space<hbm>> -> memref<1024xi32, #tpu.memory_space<hbm>>
      tpu.wait_dma2 semaphore(%run_scoped3A : memref<!tpu.dma_semaphore, #tpu.memory_space<semaphore_mem>>) src(%dma_wait3A_1887 : memref<1024xi32, #tpu.memory_space<hbm>>) dst(%arg10 : memref<1024xi32, #tpu.memory_space<vmem>>)
      tpu.yield
    }) : () -> ()
    "tpu.region"() ({
      %run_scoped3A = tpu.sem_alloc : memref<!tpu.dma_semaphore, #tpu.memory_space<semaphore_mem>>
      %dma_start3A_1884 = tpu.memref_slice %arg3[%mul3A_2] : memref<16384xf32, #tpu.memory_space<hbm>> -> memref<1024xf32, #tpu.memory_space<hbm>>
      %dma_start3A_1885 = tpu.memref_slice %arg3[%mul3A_2] : memref<16384xf32, #tpu.memory_space<hbm>> -> memref<1024xf32, #tpu.memory_space<hbm>>
      tpu.enqueue_dma source(%dma_start3A_1885 : memref<1024xf32, #tpu.memory_space<hbm>>) target(%arg11 : memref<1024xf32, #tpu.memory_space<vmem>>) target_semaphore(%run_scoped3A : memref<!tpu.dma_semaphore, #tpu.memory_space<semaphore_mem>>)
      %dma_wait3A_1886 = tpu.memref_slice %arg3[%mul3A_2] : memref<16384xf32, #tpu.memory_space<hbm>> -> memref<1024xf32, #tpu.memory_space<hbm>>
      %dma_wait3A_1887 = tpu.memref_slice %arg3[%mul3A_2] : memref<16384xf32, #tpu.memory_space<hbm>> -> memref<1024xf32, #tpu.memory_space<hbm>>
      tpu.wait_dma2 semaphore(%run_scoped3A : memref<!tpu.dma_semaphore, #tpu.memory_space<semaphore_mem>>) src(%dma_wait3A_1887 : memref<1024xf32, #tpu.memory_space<hbm>>) dst(%arg11 : memref<1024xf32, #tpu.memory_space<vmem>>)
      tpu.yield
    }) : () -> ()
    %iota3A = tpu.iota {dimensions = array<i32: 0>} : vector<16xi32>
    %mul3A_3 = arith.constant 1152 : i32
    %mul3A_4 = arith.muli %arg1, %mul3A_3 : i32
    %add3A_5 = vector.broadcast %mul3A_4 : i32 to vector<16xi32>
    %add3A_6 = arith.addi %iota3A, %add3A_5 : vector<16xi32>
    %add3A_7 = arith.constant 0 : i32
    %add3A_8 = vector.broadcast %add3A_7 : i32 to vector<16xi32>
    %add3A_9 = arith.addi %add3A_6, %add3A_8 : vector<16xi32>
    %and3A = arith.constant 8191 : i32
    %and3A_10 = vector.broadcast %and3A : i32 to vector<16xi32>
    %and3A_11 = arith.andi %add3A_9, %and3A_10 : vector<16xi32>
    %swap3A = arith.constant 0 : index
    %swap3A_12 = tpu.vector_load %arg9[%swap3A] {strides = array<i32>} : memref<1152xi32, #tpu.memory_space<vmem>>, vector<16xi32>,
    tpu.vector_store %arg9[%swap3A], %and3A_11 {strides = array<i32>} : memref<1152xi32, #tpu.memory_space<vmem>>, vector<16xi32>,
    %iota3A_13 = tpu.iota {dimensions = array<i32: 0>} : vector<16xi32>
    %mul3A_14 = arith.constant 1152 : i32
    %mul3A_15 = arith.muli %arg1, %mul3A_14 : i32
    %add3A_16 = vector.broadcast %mul3A_15 : i32 to vector<16xi32>
    %add3A_17 = arith.addi %iota3A_13, %add3A_16 : vector<16xi32>
    %add3A_18 = arith.constant 16 : i32
    %add3A_19 = vector.broadcast %add3A_18 : i32 to vector<16xi32>
    %add3A_20 = arith.addi %add3A_17, %add3A_19 : vector<16xi32>
    %and3A_21 = arith.constant 8191 : i32
    %and3A_22 = vector.broadcast %and3A_21 : i32 to vector<16xi32>
    %and3A_23 = arith.andi %add3A_20, %and3A_22 : vector<16xi32>
    %swap3A_24 = arith.constant 16 : index
    %swap3A_25 = tpu.vector_load %arg9[%swap3A_24] {strides = array<i32>} : memref<1152xi32, #tpu.memory_space<vmem>>, vector<16xi32>,
    tpu.vector_store %arg9[%swap3A_24], %and3A_23 {strides = array<i32>} : memref<1152xi32, #tpu.memory_space<vmem>>, vector<16xi32>,
    %iota3A_26 = tpu.iota {dimensions = array<i32: 0>} : vector<16xi32>
    %mul3A_27 = arith.constant 1152 : i32
    %mul3A_28 = arith.muli %arg1, %mul3A_27 : i32
    %add3A_29 = vector.broadcast %mul3A_28 : i32 to vector<16xi32>
    %add3A_30 = arith.addi %iota3A_26, %add3A_29 : vector<16xi32>
    %add3A_31 = arith.constant 32 : i32
    %add3A_32 = vector.broadcast %add3A_31 : i32 to vector<16xi32>
    %add3A_33 = arith.addi %add3A_30, %add3A_32 : vector<16xi32>
    %and3A_34 = arith.constant 8191 : i32
    %and3A_35 = vector.broadcast %and3A_34 : i32 to vector<16xi32>
    %and3A_36 = arith.andi %add3A_33, %and3A_35 : vector<16xi32>
    %swap3A_37 = arith.constant 32 : index
    %swap3A_38 = tpu.vector_load %arg9[%swap3A_37] {strides = array<i32>} : memref<1152xi32, #tpu.memory_space<vmem>>, vector<16xi32>,
    tpu.vector_store %arg9[%swap3A_37], %and3A_36 {strides = array<i32>} : memref<1152xi32, #tpu.memory_space<vmem>>, vector<16xi32>,
    %iota3A_39 = tpu.iota {dimensions = array<i32: 0>} : vector<16xi32>
    %mul3A_40 = arith.constant 1152 : i32
    %mul3A_41 = arith.muli %arg1, %mul3A_40 : i32
    %add3A_42 = vector.broadcast %mul3A_41 : i32 to vector<16xi32>
    %add3A_43 = arith.addi %iota3A_39, %add3A_42 : vector<16xi32>
    %add3A_44 = arith.constant 48 : i32
    %add3A_45 = vector.broadcast %add3A_44 : i32 to vector<16xi32>
    %add3A_46 = arith.addi %add3A_43, %add3A_45 : vector<16xi32>
    %and3A_47 = arith.constant 8191 : i32
    %and3A_48 = vector.broadcast %and3A_47 : i32 to vector<16xi32>
    %and3A_49 = arith.andi %add3A_46, %and3A_48 : vector<16xi32>
    %swap3A_50 = arith.constant 48 : index
    %swap3A_51 = tpu.vector_load %arg9[%swap3A_50] {strides = array<i32>} : memref<1152xi32, #tpu.memory_space<vmem>>, vector<16xi32>,
    tpu.vector_store %arg9[%swap3A_50], %and3A_49 {strides = array<i32>} : memref<1152xi32, #tpu.memory_space<vmem>>, vector<16xi32>,
    %iota3A_52 = tpu.iota {dimensions = array<i32: 0>} : vector<16xi32>
    %mul3A_53 = arith.constant 1152 : i32
    %mul3A_54 = arith.muli %arg1, %mul3A_53 : i32
    %add3A_55 = vector.broadcast %mul3A_54 : i32 to vector<16xi32>
    %add3A_56 = arith.addi %iota3A_52, %add3A_55 : vector<16xi32>
    %add3A_57 = arith.constant 64 : i32
    %add3A_58 = vector.broadcast %add3A_57 : i32 to vector<16xi32>
    %add3A_59 = arith.addi %add3A_56, %add3A_58 : vector<16xi32>
    %and3A_60 = arith.constant 8191 : i32
    %and3A_61 = vector.broadcast %and3A_60 : i32 to vector<16xi32>
    %and3A_62 = arith.andi %add3A_59, %and3A_61 : vector<16xi32>
    %swap3A_63 = arith.constant 64 : index
    %swap3A_64 = tpu.vector_load %arg9[%swap3A_63] {strides = array<i32>} : memref<1152xi32, #tpu.memory_space<vmem>>, vector<16xi32>,
    tpu.vector_store %arg9[%swap3A_63], %and3A_62 {strides = array<i32>} : memref<1152xi32, #tpu.memory_space<vmem>>, vector<16xi32>,
    %iota3A_65 = tpu.iota {dimensions = array<i32: 0>} : vector<16xi32>
    %mul3A_66 = arith.constant 1152 : i32
    %mul3A_67 = arith.muli %arg1, %mul3A_66 : i32
    %add3A_68 = vector.broadcast %mul3A_67 : i32 to vector<16xi32>
    %add3A_69 = arith.addi %iota3A_65, %add3A_68 : vector<16xi32>
    %add3A_70 = arith.constant 80 : i32
    %add3A_71 = vector.broadcast %add3A_70 : i32 to vector<16xi32>
    %add3A_72 = arith.addi %add3A_69, %add3A_71 : vector<16xi32>
    %and3A_73 = arith.constant 8191 : i32
    %and3A_74 = vector.broadcast %and3A_73 : i32 to vector<16xi32>
    %and3A_75 = arith.andi %add3A_72, %and3A_74 : vector<16xi32>
    %swap3A_76 = arith.constant 80 : index
    %swap3A_77 = tpu.vector_load %arg9[%swap3A_76] {strides = array<i32>} : memref<1152xi32, #tpu.memory_space<vmem>>, vector<16xi32>,
    tpu.vector_store %arg9[%swap3A_76], %and3A_75 {strides = array<i32>} : memref<1152xi32, #tpu.memory_space<vmem>>, vector<16xi32>,
    %iota3A_78 = tpu.iota {dimensions = array<i32: 0>} : vector<16xi32>
    %mul3A_79 = arith.constant 1152 : i32
    %mul3A_80 = arith.muli %arg1, %mul3A_79 : i32
    %add3A_81 = vector.broadcast %mul3A_80 : i32 to vector<16xi32>
    %add3A_82 = arith.addi %iota3A_78, %add3A_81 : vector<16xi32>
    %add3A_83 = arith.constant 96 : i32
    %add3A_84 = vector.broadcast %add3A_83 : i32 to vector<16xi32>
    %add3A_85 = arith.addi %add3A_82, %add3A_84 : vector<16xi32>
    %and3A_86 = arith.constant 8191 : i32
    %and3A_87 = vector.broadcast %and3A_86 : i32 to vector<16xi32>
    %and3A_88 = arith.andi %add3A_85, %and3A_87 : vector<16xi32>
    %swap3A_89 = arith.constant 96 : index
    %swap3A_90 = tpu.vector_load %arg9[%swap3A_89] {strides = array<i32>} : memref<1152xi32, #tpu.memory_space<vmem>>, vector<16xi32>,
    tpu.vector_store %arg9[%swap3A_89], %and3A_88 {strides = array<i32>} : memref<1152xi32, #tpu.memory_space<vmem>>, vector<16xi32>,
    %iota3A_91 = tpu.iota {dimensions = array<i32: 0>} : vector<16xi32>
    %mul3A_92 = arith.constant 1152 : i32
    %mul3A_93 = arith.muli %arg1, %mul3A_92 : i32
    %add3A_94 = vector.broadcast %mul3A_93 : i32 to vector<16xi32>
    %add3A_95 = arith.addi %iota3A_91, %add3A_94 : vector<16xi32>
    %add3A_96 = arith.constant 112 : i32
    %add3A_97 = vector.broadcast %add3A_96 : i32 to vector<16xi32>
    %add3A_98 = arith.addi %add3A_95, %add3A_97 : vector<16xi32>
    %and3A_99 = arith.constant 8191 : i32
    %and3A_100 = vector.broadcast %and3A_99 : i32 to vector<16xi32>
    %and3A_101 = arith.andi %add3A_98, %and3A_100 : vector<16xi32>
    %swap3A_102 = arith.constant 112 : index
    %swap3A_103 = tpu.vector_load %arg9[%swap3A_102] {strides = array<i32>} : memref<1152xi32, #tpu.memory_space<vmem>>, vector<16xi32>,
    tpu.vector_store %arg9[%swap3A_102], %and3A_101 {strides = array<i32>} : memref<1152xi32, #tpu.memory_space<vmem>>, vector<16xi32>,
    %iota3A_104 = tpu.iota {dimensions = array<i32: 0>} : vector<16xi32>
    %mul3A_105 = arith.constant 1152 : i32
    %mul3A_106 = arith.muli %arg1, %mul3A_105 : i32
    %add3A_107 = vector.broadcast %mul3A_106 : i32 to vector<16xi32>
    %add3A_108 = arith.addi %iota3A_104, %add3A_107 : vector<16xi32>
    %add3A_109 = arith.constant 128 : i32
    %add3A_110 = vector.broadcast %add3A_109 : i32 to vector<16xi32>
    %add3A_111 = arith.addi %add3A_108, %add3A_110 : vector<16xi32>
    %and3A_112 = arith.constant 8191 : i32
    %and3A_113 = vector.broadcast %and3A_112 : i32 to vector<16xi32>
    %and3A_114 = arith.andi %add3A_111, %and3A_113 : vector<16xi32>
    %swap3A_115 = arith.constant 128 : index
    %swap3A_116 = tpu.vector_load %arg9[%swap3A_115] {strides = array<i32>} : memref<1152xi32, #tpu.memory_space<vmem>>, vector<16xi32>,
    tpu.vector_store %arg9[%swap3A_115], %and3A_114 {strides = array<i32>} : memref<1152xi32, #tpu.memory_space<vmem>>, vector<16xi32>,
    %iota3A_117 = tpu.iota {dimensions = array<i32: 0>} : vector<16xi32>
    %mul3A_118 = arith.constant 1152 : i32
    %mul3A_119 = arith.muli %arg1, %mul3A_118 : i32
    %add3A_120 = vector.broadcast %mul3A_119 : i32 to vector<16xi32>
    %add3A_121 = arith.addi %iota3A_117, %add3A_120 : vector<16xi32>
    %add3A_122 = arith.constant 144 : i32
    %add3A_123 = vector.broadcast %add3A_122 : i32 to vector<16xi32>
    %add3A_124 = arith.addi %add3A_121, %add3A_123 : vector<16xi32>
    %and3A_125 = arith.constant 8191 : i32
    %and3A_126 = vector.broadcast %and3A_125 : i32 to vector<16xi32>
    %and3A_127 = arith.andi %add3A_124, %and3A_126 : vector<16xi32>
    %swap3A_128 = arith.constant 144 : index
    %swap3A_129 = tpu.vector_load %arg9[%swap3A_128] {strides = array<i32>} : memref<1152xi32, #tpu.memory_space<vmem>>, vector<16xi32>,
    tpu.vector_store %arg9[%swap3A_128], %and3A_127 {strides = array<i32>} : memref<1152xi32, #tpu.memory_space<vmem>>, vector<16xi32>,
    %iota3A_130 = tpu.iota {dimensions = array<i32: 0>} : vector<16xi32>
    %mul3A_131 = arith.constant 1152 : i32
    %mul3A_132 = arith.muli %arg1, %mul3A_131 : i32
    %add3A_133 = vector.broadcast %mul3A_132 : i32 to vector<16xi32>
    %add3A_134 = arith.addi %iota3A_130, %add3A_133 : vector<16xi32>
    %add3A_135 = arith.constant 160 : i32
    %add3A_136 = vector.broadcast %add3A_135 : i32 to vector<16xi32>
    %add3A_137 = arith.addi %add3A_134, %add3A_136 : vector<16xi32>
    %and3A_138 = arith.constant 8191 : i32
    %and3A_139 = vector.broadcast %and3A_138 : i32 to vector<16xi32>
    %and3A_140 = arith.andi %add3A_137, %and3A_139 : vector<16xi32>
    %swap3A_141 = arith.constant 160 : index
    %swap3A_142 = tpu.vector_load %arg9[%swap3A_141] {strides = array<i32>} : memref<1152xi32, #tpu.memory_space<vmem>>, vector<16xi32>,
    tpu.vector_store %arg9[%swap3A_141], %and3A_140 {strides = array<i32>} : memref<1152xi32, #tpu.memory_space<vmem>>, vector<16xi32>,
    %iota3A_143 = tpu.iota {dimensions = array<i32: 0>} : vector<16xi32>
    %mul3A_144 = arith.constant 1152 : i32
    %mul3A_145 = arith.muli %arg1, %mul3A_144 : i32
    %add3A_146 = vector.broadcast %mul3A_145 : i32 to vector<16xi32>
    %add3A_147 = arith.addi %iota3A_143, %add3A_146 : vector<16xi32>
    %add3A_148 = arith.constant 176 : i32
    %add3A_149 = vector.broadcast %add3A_148 : i32 to vector<16xi32>
    %add3A_150 = arith.addi %add3A_147, %add3A_149 : vector<16xi32>
    %and3A_151 = arith.constant 8191 : i32
    %and3A_152 = vector.broadcast %and3A_151 : i32 to vector<16xi32>
    %and3A_153 = arith.andi %add3A_150, %and3A_152 : vector<16xi32>
    %swap3A_154 = arith.constant 176 : index
    %swap3A_155 = tpu.vector_load %arg9[%swap3A_154] {strides = array<i32>} : memref<1152xi32, #tpu.memory_space<vmem>>, vector<16xi32>,
    tpu.vector_store %arg9[%swap3A_154], %and3A_153 {strides = array<i32>} : memref<1152xi32, #tpu.memory_space<vmem>>, vector<16xi32>,
    %iota3A_156 = tpu.iota {dimensions = array<i32: 0>} : vector<16xi32>
    %mul3A_157 = arith.constant 1152 : i32
    %mul3A_158 = arith.muli %arg1, %mul3A_157 : i32
    %add3A_159 = vector.broadcast %mul3A_158 : i32 to vector<16xi32>
    %add3A_160 = arith.addi %iota3A_156, %add3A_159 : vector<16xi32>
    %add3A_161 = arith.constant 192 : i32
    %add3A_162 = vector.broadcast %add3A_161 : i32 to vector<16xi32>
    %add3A_163 = arith.addi %add3A_160, %add3A_162 : vector<16xi32>
    %and3A_164 = arith.constant 8191 : i32
    %and3A_165 = vector.broadcast %and3A_164 : i32 to vector<16xi32>
    %and3A_166 = arith.andi %add3A_163, %and3A_165 : vector<16xi32>
    %swap3A_167 = arith.constant 192 : index
    %swap3A_168 = tpu.vector_load %arg9[%swap3A_167] {strides = array<i32>} : memref<1152xi32, #tpu.memory_space<vmem>>, vector<16xi32>,
    tpu.vector_store %arg9[%swap3A_167], %and3A_166 {strides = array<i32>} : memref<1152xi32, #tpu.memory_space<vmem>>, vector<16xi32>,
    %iota3A_169 = tpu.iota {dimensions = array<i32: 0>} : vector<16xi32>
    %mul3A_170 = arith.constant 1152 : i32
    %mul3A_171 = arith.muli %arg1, %mul3A_170 : i32
    %add3A_172 = vector.broadcast %mul3A_171 : i32 to vector<16xi32>
    %add3A_173 = arith.addi %iota3A_169, %add3A_172 : vector<16xi32>
    %add3A_174 = arith.constant 208 : i32
    %add3A_175 = vector.broadcast %add3A_174 : i32 to vector<16xi32>
    %add3A_176 = arith.addi %add3A_173, %add3A_175 : vector<16xi32>
    %and3A_177 = arith.constant 8191 : i32
    %and3A_178 = vector.broadcast %and3A_177 : i32 to vector<16xi32>
    %and3A_179 = arith.andi %add3A_176, %and3A_178 : vector<16xi32>
    %swap3A_180 = arith.constant 208 : index
    %swap3A_181 = tpu.vector_load %arg9[%swap3A_180] {strides = array<i32>} : memref<1152xi32, #tpu.memory_space<vmem>>, vector<16xi32>,
    tpu.vector_store %arg9[%swap3A_180], %and3A_179 {strides = array<i32>} : memref<1152xi32, #tpu.memory_space<vmem>>, vector<16xi32>,
    %iota3A_182 = tpu.iota {dimensions = array<i32: 0>} : vector<16xi32>
    %mul3A_183 = arith.constant 1152 : i32
    %mul3A_184 = arith.muli %arg1, %mul3A_183 : i32
    %add3A_185 = vector.broadcast %mul3A_184 : i32 to vector<16xi32>
    %add3A_186 = arith.addi %iota3A_182, %add3A_185 : vector<16xi32>
    %add3A_187 = arith.constant 224 : i32
    %add3A_188 = vector.broadcast %add3A_187 : i32 to vector<16xi32>
    %add3A_189 = arith.addi %add3A_186, %add3A_188 : vector<16xi32>
    %and3A_190 = arith.constant 8191 : i32
    %and3A_191 = vector.broadcast %and3A_190 : i32 to vector<16xi32>
    %and3A_192 = arith.andi %add3A_189, %and3A_191 : vector<16xi32>
    %swap3A_193 = arith.constant 224 : index
    %swap3A_194 = tpu.vector_load %arg9[%swap3A_193] {strides = array<i32>} : memref<1152xi32, #tpu.memory_space<vmem>>, vector<16xi32>,
    tpu.vector_store %arg9[%swap3A_193], %and3A_192 {strides = array<i32>} : memref<1152xi32, #tpu.memory_space<vmem>>, vector<16xi32>,
    %iota3A_195 = tpu.iota {dimensions = array<i32: 0>} : vector<16xi32>
    %mul3A_196 = arith.constant 1152 : i32
    %mul3A_197 = arith.muli %arg1, %mul3A_196 : i32
    %add3A_198 = vector.broadcast %mul3A_197 : i32 to vector<16xi32>
    %add3A_199 = arith.addi %iota3A_195, %add3A_198 : vector<16xi32>
    %add3A_200 = arith.constant 240 : i32
    %add3A_201 = vector.broadcast %add3A_200 : i32 to vector<16xi32>
    %add3A_202 = arith.addi %add3A_199, %add3A_201 : vector<16xi32>
    %and3A_203 = arith.constant 8191 : i32
    %and3A_204 = vector.broadcast %and3A_203 : i32 to vector<16xi32>
    %and3A_205 = arith.andi %add3A_202, %and3A_204 : vector<16xi32>
    %swap3A_206 = arith.constant 240 : index
    %swap3A_207 = tpu.vector_load %arg9[%swap3A_206] {strides = array<i32>} : memref<1152xi32, #tpu.memory_space<vmem>>, vector<16xi32>,
    tpu.vector_store %arg9[%swap3A_206], %and3A_205 {strides = array<i32>} : memref<1152xi32, #tpu.memory_space<vmem>>, vector<16xi32>,
    %iota3A_208 = tpu.iota {dimensions = array<i32: 0>} : vector<16xi32>
    %mul3A_209 = arith.constant 1152 : i32
    %mul3A_210 = arith.muli %arg1, %mul3A_209 : i32
    %add3A_211 = vector.broadcast %mul3A_210 : i32 to vector<16xi32>
    %add3A_212 = arith.addi %iota3A_208, %add3A_211 : vector<16xi32>
    %add3A_213 = arith.constant 256 : i32
    %add3A_214 = vector.broadcast %add3A_213 : i32 to vector<16xi32>
    %add3A_215 = arith.addi %add3A_212, %add3A_214 : vector<16xi32>
    %and3A_216 = arith.constant 8191 : i32
    %and3A_217 = vector.broadcast %and3A_216 : i32 to vector<16xi32>
    %and3A_218 = arith.andi %add3A_215, %and3A_217 : vector<16xi32>
    %swap3A_219 = arith.constant 256 : index
    %swap3A_220 = tpu.vector_load %arg9[%swap3A_219] {strides = array<i32>} : memref<1152xi32, #tpu.memory_space<vmem>>, vector<16xi32>,
    tpu.vector_store %arg9[%swap3A_219], %and3A_218 {strides = array<i32>} : memref<1152xi32, #tpu.memory_space<vmem>>, vector<16xi32>,
    %iota3A_221 = tpu.iota {dimensions = array<i32: 0>} : vector<16xi32>
    %mul3A_222 = arith.constant 1152 : i32
    %mul3A_223 = arith.muli %arg1, %mul3A_222 : i32
    %add3A_224 = vector.broadcast %mul3A_223 : i32 to vector<16xi32>
    %add3A_225 = arith.addi %iota3A_221, %add3A_224 : vector<16xi32>
    %add3A_226 = arith.constant 272 : i32
    %add3A_227 = vector.broadcast %add3A_226 : i32 to vector<16xi32>
    %add3A_228 = arith.addi %add3A_225, %add3A_227 : vector<16xi32>
    %and3A_229 = arith.constant 8191 : i32
    %and3A_230 = vector.broadcast %and3A_229 : i32 to vector<16xi32>
    %and3A_231 = arith.andi %add3A_228, %and3A_230 : vector<16xi32>
    %swap3A_232 = arith.constant 272 : index
    %swap3A_233 = tpu.vector_load %arg9[%swap3A_232] {strides = array<i32>} : memref<1152xi32, #tpu.memory_space<vmem>>, vector<16xi32>,
    tpu.vector_store %arg9[%swap3A_232], %and3A_231 {strides = array<i32>} : memref<1152xi32, #tpu.memory_space<vmem>>, vector<16xi32>,
    %iota3A_234 = tpu.iota {dimensions = array<i32: 0>} : vector<16xi32>
    %mul3A_235 = arith.constant 1152 : i32
    %mul3A_236 = arith.muli %arg1, %mul3A_235 : i32
    %add3A_237 = vector.broadcast %mul3A_236 : i32 to vector<16xi32>
    %add3A_238 = arith.addi %iota3A_234, %add3A_237 : vector<16xi32>
    %add3A_239 = arith.constant 288 : i32
    %add3A_240 = vector.broadcast %add3A_239 : i32 to vector<16xi32>
    %add3A_241 = arith.addi %add3A_238, %add3A_240 : vector<16xi32>
    %and3A_242 = arith.constant 8191 : i32
    %and3A_243 = vector.broadcast %and3A_242 : i32 to vector<16xi32>
    %and3A_244 = arith.andi %add3A_241, %and3A_243 : vector<16xi32>
    %swap3A_245 = arith.constant 288 : index
    %swap3A_246 = tpu.vector_load %arg9[%swap3A_245] {strides = array<i32>} : memref<1152xi32, #tpu.memory_space<vmem>>, vector<16xi32>,
    tpu.vector_store %arg9[%swap3A_245], %and3A_244 {strides = array<i32>} : memref<1152xi32, #tpu.memory_space<vmem>>, vector<16xi32>,
    %iota3A_247 = tpu.iota {dimensions = array<i32: 0>} : vector<16xi32>
    %mul3A_248 = arith.constant 1152 : i32
    %mul3A_249 = arith.muli %arg1, %mul3A_248 : i32
    %add3A_250 = vector.broadcast %mul3A_249 : i32 to vector<16xi32>
    %add3A_251 = arith.addi %iota3A_247, %add3A_250 : vector<16xi32>
    %add3A_252 = arith.constant 304 : i32
    %add3A_253 = vector.broadcast %add3A_252 : i32 to vector<16xi32>
    %add3A_254 = arith.addi %add3A_251, %add3A_253 : vector<16xi32>
    %and3A_255 = arith.constant 8191 : i32
    %and3A_256 = vector.broadcast %and3A_255 : i32 to vector<16xi32>
    %and3A_257 = arith.andi %add3A_254, %and3A_256 : vector<16xi32>
    %swap3A_258 = arith.constant 304 : index
    %swap3A_259 = tpu.vector_load %arg9[%swap3A_258] {strides = array<i32>} : memref<1152xi32, #tpu.memory_space<vmem>>, vector<16xi32>,
    tpu.vector_store %arg9[%swap3A_258], %and3A_257 {strides = array<i32>} : memref<1152xi32, #tpu.memory_space<vmem>>, vector<16xi32>,
    %iota3A_260 = tpu.iota {dimensions = array<i32: 0>} : vector<16xi32>
    %mul3A_261 = arith.constant 1152 : i32
    %mul3A_262 = arith.muli %arg1, %mul3A_261 : i32
    %add3A_263 = vector.broadcast %mul3A_262 : i32 to vector<16xi32>
    %add3A_264 = arith.addi %iota3A_260, %add3A_263 : vector<16xi32>
    %add3A_265 = arith.constant 320 : i32
    %add3A_266 = vector.broadcast %add3A_265 : i32 to vector<16xi32>
    %add3A_267 = arith.addi %add3A_264, %add3A_266 : vector<16xi32>
    %and3A_268 = arith.constant 8191 : i32
    %and3A_269 = vector.broadcast %and3A_268 : i32 to vector<16xi32>
    %and3A_270 = arith.andi %add3A_267, %and3A_269 : vector<16xi32>
    %swap3A_271 = arith.constant 320 : index
    %swap3A_272 = tpu.vector_load %arg9[%swap3A_271] {strides = array<i32>} : memref<1152xi32, #tpu.memory_space<vmem>>, vector<16xi32>,
    tpu.vector_store %arg9[%swap3A_271], %and3A_270 {strides = array<i32>} : memref<1152xi32, #tpu.memory_space<vmem>>, vector<16xi32>,
    %iota3A_273 = tpu.iota {dimensions = array<i32: 0>} : vector<16xi32>
    %mul3A_274 = arith.constant 1152 : i32
    %mul3A_275 = arith.muli %arg1, %mul3A_274 : i32
    %add3A_276 = vector.broadcast %mul3A_275 : i32 to vector<16xi32>
    %add3A_277 = arith.addi %iota3A_273, %add3A_276 : vector<16xi32>
    %add3A_278 = arith.constant 336 : i32
    %add3A_279 = vector.broadcast %add3A_278 : i32 to vector<16xi32>
    %add3A_280 = arith.addi %add3A_277, %add3A_279 : vector<16xi32>
    %and3A_281 = arith.constant 8191 : i32
    %and3A_282 = vector.broadcast %and3A_281 : i32 to vector<16xi32>
    %and3A_283 = arith.andi %add3A_280, %and3A_282 : vector<16xi32>
    %swap3A_284 = arith.constant 336 : index
    %swap3A_285 = tpu.vector_load %arg9[%swap3A_284] {strides = array<i32>} : memref<1152xi32, #tpu.memory_space<vmem>>, vector<16xi32>,
    tpu.vector_store %arg9[%swap3A_284], %and3A_283 {strides = array<i32>} : memref<1152xi32, #tpu.memory_space<vmem>>, vector<16xi32>,
    %iota3A_286 = tpu.iota {dimensions = array<i32: 0>} : vector<16xi32>
    %mul3A_287 = arith.constant 1152 : i32
    %mul3A_288 = arith.muli %arg1, %mul3A_287 : i32
    %add3A_289 = vector.broadcast %mul3A_288 : i32 to vector<16xi32>
    %add3A_290 = arith.addi %iota3A_286, %add3A_289 : vector<16xi32>
    %add3A_291 = arith.constant 352 : i32
    %add3A_292 = vector.broadcast %add3A_291 : i32 to vector<16xi32>
    %add3A_293 = arith.addi %add3A_290, %add3A_292 : vector<16xi32>
    %and3A_294 = arith.constant 8191 : i32
    %and3A_295 = vector.broadcast %and3A_294 : i32 to vector<16xi32>
    %and3A_296 = arith.andi %add3A_293, %and3A_295 : vector<16xi32>
    %swap3A_297 = arith.constant 352 : index
    %swap3A_298 = tpu.vector_load %arg9[%swap3A_297] {strides = array<i32>} : memref<1152xi32, #tpu.memory_space<vmem>>, vector<16xi32>,
    tpu.vector_store %arg9[%swap3A_297], %and3A_296 {strides = array<i32>} : memref<1152xi32, #tpu.memory_space<vmem>>, vector<16xi32>,
    %iota3A_299 = tpu.iota {dimensions = array<i32: 0>} : vector<16xi32>
    %mul3A_300 = arith.constant 1152 : i32
    %mul3A_301 = arith.muli %arg1, %mul3A_300 : i32
    %add3A_302 = vector.broadcast %mul3A_301 : i32 to vector<16xi32>
    %add3A_303 = arith.addi %iota3A_299, %add3A_302 : vector<16xi32>
    %add3A_304 = arith.constant 368 : i32
    %add3A_305 = vector.broadcast %add3A_304 : i32 to vector<16xi32>
    %add3A_306 = arith.addi %add3A_303, %add3A_305 : vector<16xi32>
    %and3A_307 = arith.constant 8191 : i32
    %and3A_308 = vector.broadcast %and3A_307 : i32 to vector<16xi32>
    %and3A_309 = arith.andi %add3A_306, %and3A_308 : vector<16xi32>
    %swap3A_310 = arith.constant 368 : index
    %swap3A_311 = tpu.vector_load %arg9[%swap3A_310] {strides = array<i32>} : memref<1152xi32, #tpu.memory_space<vmem>>, vector<16xi32>,
    tpu.vector_store %arg9[%swap3A_310], %and3A_309 {strides = array<i32>} : memref<1152xi32, #tpu.memory_space<vmem>>, vector<16xi32>,
    %iota3A_312 = tpu.iota {dimensions = array<i32: 0>} : vector<16xi32>
    %mul3A_313 = arith.constant 1152 : i32
    %mul3A_314 = arith.muli %arg1, %mul3A_313 : i32
    %add3A_315 = vector.broadcast %mul3A_314 : i32 to vector<16xi32>
    %add3A_316 = arith.addi %iota3A_312, %add3A_315 : vector<16xi32>
    %add3A_317 = arith.constant 384 : i32
    %add3A_318 = vector.broadcast %add3A_317 : i32 to vector<16xi32>
    %add3A_319 = arith.addi %add3A_316, %add3A_318 : vector<16xi32>
    %and3A_320 = arith.constant 8191 : i32
    %and3A_321 = vector.broadcast %and3A_320 : i32 to vector<16xi32>
    %and3A_322 = arith.andi %add3A_319, %and3A_321 : vector<16xi32>
    %swap3A_323 = arith.constant 384 : index
    %swap3A_324 = tpu.vector_load %arg9[%swap3A_323] {strides = array<i32>} : memref<1152xi32, #tpu.memory_space<vmem>>, vector<16xi32>,
    tpu.vector_store %arg9[%swap3A_323], %and3A_322 {strides = array<i32>} : memref<1152xi32, #tpu.memory_space<vmem>>, vector<16xi32>,
    %iota3A_325 = tpu.iota {dimensions = array<i32: 0>} : vector<16xi32>
    %mul3A_326 = arith.constant 1152 : i32
    %mul3A_327 = arith.muli %arg1, %mul3A_326 : i32
    %add3A_328 = vector.broadcast %mul3A_327 : i32 to vector<16xi32>
    %add3A_329 = arith.addi %iota3A_325, %add3A_328 : vector<16xi32>
    %add3A_330 = arith.constant 400 : i32
    %add3A_331 = vector.broadcast %add3A_330 : i32 to vector<16xi32>
    %add3A_332 = arith.addi %add3A_329, %add3A_331 : vector<16xi32>
    %and3A_333 = arith.constant 8191 : i32
    %and3A_334 = vector.broadcast %and3A_333 : i32 to vector<16xi32>
    %and3A_335 = arith.andi %add3A_332, %and3A_334 : vector<16xi32>
    %swap3A_336 = arith.constant 400 : index
    %swap3A_337 = tpu.vector_load %arg9[%swap3A_336] {strides = array<i32>} : memref<1152xi32, #tpu.memory_space<vmem>>, vector<16xi32>,
    tpu.vector_store %arg9[%swap3A_336], %and3A_335 {strides = array<i32>} : memref<1152xi32, #tpu.memory_space<vmem>>, vector<16xi32>,
    %iota3A_338 = tpu.iota {dimensions = array<i32: 0>} : vector<16xi32>
    %mul3A_339 = arith.constant 1152 : i32
    %mul3A_340 = arith.muli %arg1, %mul3A_339 : i32
    %add3A_341 = vector.broadcast %mul3A_340 : i32 to vector<16xi32>
    %add3A_342 = arith.addi %iota3A_338, %add3A_341 : vector<16xi32>
    %add3A_343 = arith.constant 416 : i32
    %add3A_344 = vector.broadcast %add3A_343 : i32 to vector<16xi32>
    %add3A_345 = arith.addi %add3A_342, %add3A_344 : vector<16xi32>
    %and3A_346 = arith.constant 8191 : i32
    %and3A_347 = vector.broadcast %and3A_346 : i32 to vector<16xi32>
    %and3A_348 = arith.andi %add3A_345, %and3A_347 : vector<16xi32>
    %swap3A_349 = arith.constant 416 : index
    %swap3A_350 = tpu.vector_load %arg9[%swap3A_349] {strides = array<i32>} : memref<1152xi32, #tpu.memory_space<vmem>>, vector<16xi32>,
    tpu.vector_store %arg9[%swap3A_349], %and3A_348 {strides = array<i32>} : memref<1152xi32, #tpu.memory_space<vmem>>, vector<16xi32>,
    %iota3A_351 = tpu.iota {dimensions = array<i32: 0>} : vector<16xi32>
    %mul3A_352 = arith.constant 1152 : i32
    %mul3A_353 = arith.muli %arg1, %mul3A_352 : i32
    %add3A_354 = vector.broadcast %mul3A_353 : i32 to vector<16xi32>
    %add3A_355 = arith.addi %iota3A_351, %add3A_354 : vector<16xi32>
    %add3A_356 = arith.constant 432 : i32
    %add3A_357 = vector.broadcast %add3A_356 : i32 to vector<16xi32>
    %add3A_358 = arith.addi %add3A_355, %add3A_357 : vector<16xi32>
    %and3A_359 = arith.constant 8191 : i32
    %and3A_360 = vector.broadcast %and3A_359 : i32 to vector<16xi32>
    %and3A_361 = arith.andi %add3A_358, %and3A_360 : vector<16xi32>
    %swap3A_362 = arith.constant 432 : index
    %swap3A_363 = tpu.vector_load %arg9[%swap3A_362] {strides = array<i32>} : memref<1152xi32, #tpu.memory_space<vmem>>, vector<16xi32>,
    tpu.vector_store %arg9[%swap3A_362], %and3A_361 {strides = array<i32>} : memref<1152xi32, #tpu.memory_space<vmem>>, vector<16xi32>,
    %iota3A_364 = tpu.iota {dimensions = array<i32: 0>} : vector<16xi32>
    %mul3A_365 = arith.constant 1152 : i32
    %mul3A_366 = arith.muli %arg1, %mul3A_365 : i32
    %add3A_367 = vector.broadcast %mul3A_366 : i32 to vector<16xi32>
    %add3A_368 = arith.addi %iota3A_364, %add3A_367 : vector<16xi32>
    %add3A_369 = arith.constant 448 : i32
    %add3A_370 = vector.broadcast %add3A_369 : i32 to vector<16xi32>
    %add3A_371 = arith.addi %add3A_368, %add3A_370 : vector<16xi32>
    %and3A_372 = arith.constant 8191 : i32
    %and3A_373 = vector.broadcast %and3A_372 : i32 to vector<16xi32>
    %and3A_374 = arith.andi %add3A_371, %and3A_373 : vector<16xi32>
    %swap3A_375 = arith.constant 448 : index
    %swap3A_376 = tpu.vector_load %arg9[%swap3A_375] {strides = array<i32>} : memref<1152xi32, #tpu.memory_space<vmem>>, vector<16xi32>,
    tpu.vector_store %arg9[%swap3A_375], %and3A_374 {strides = array<i32>} : memref<1152xi32, #tpu.memory_space<vmem>>, vector<16xi32>,
    %iota3A_377 = tpu.iota {dimensions = array<i32: 0>} : vector<16xi32>
    %mul3A_378 = arith.constant 1152 : i32
    %mul3A_379 = arith.muli %arg1, %mul3A_378 : i32
    %add3A_380 = vector.broadcast %mul3A_379 : i32 to vector<16xi32>
    %add3A_381 = arith.addi %iota3A_377, %add3A_380 : vector<16xi32>
    %add3A_382 = arith.constant 464 : i32
    %add3A_383 = vector.broadcast %add3A_382 : i32 to vector<16xi32>
    %add3A_384 = arith.addi %add3A_381, %add3A_383 : vector<16xi32>
    %and3A_385 = arith.constant 8191 : i32
    %and3A_386 = vector.broadcast %and3A_385 : i32 to vector<16xi32>
    %and3A_387 = arith.andi %add3A_384, %and3A_386 : vector<16xi32>
    %swap3A_388 = arith.constant 464 : index
    %swap3A_389 = tpu.vector_load %arg9[%swap3A_388] {strides = array<i32>} : memref<1152xi32, #tpu.memory_space<vmem>>, vector<16xi32>,
    tpu.vector_store %arg9[%swap3A_388], %and3A_387 {strides = array<i32>} : memref<1152xi32, #tpu.memory_space<vmem>>, vector<16xi32>,
    %iota3A_390 = tpu.iota {dimensions = array<i32: 0>} : vector<16xi32>
    %mul3A_391 = arith.constant 1152 : i32
    %mul3A_392 = arith.muli %arg1, %mul3A_391 : i32
    %add3A_393 = vector.broadcast %mul3A_392 : i32 to vector<16xi32>
    %add3A_394 = arith.addi %iota3A_390, %add3A_393 : vector<16xi32>
    %add3A_395 = arith.constant 480 : i32
    %add3A_396 = vector.broadcast %add3A_395 : i32 to vector<16xi32>
    %add3A_397 = arith.addi %add3A_394, %add3A_396 : vector<16xi32>
    %and3A_398 = arith.constant 8191 : i32
    %and3A_399 = vector.broadcast %and3A_398 : i32 to vector<16xi32>
    %and3A_400 = arith.andi %add3A_397, %and3A_399 : vector<16xi32>
    %swap3A_401 = arith.constant 480 : index
    %swap3A_402 = tpu.vector_load %arg9[%swap3A_401] {strides = array<i32>} : memref<1152xi32, #tpu.memory_space<vmem>>, vector<16xi32>,
    tpu.vector_store %arg9[%swap3A_401], %and3A_400 {strides = array<i32>} : memref<1152xi32, #tpu.memory_space<vmem>>, vector<16xi32>,
    %iota3A_403 = tpu.iota {dimensions = array<i32: 0>} : vector<16xi32>
    %mul3A_404 = arith.constant 1152 : i32
    %mul3A_405 = arith.muli %arg1, %mul3A_404 : i32
    %add3A_406 = vector.broadcast %mul3A_405 : i32 to vector<16xi32>
    %add3A_407 = arith.addi %iota3A_403, %add3A_406 : vector<16xi32>
    %add3A_408 = arith.constant 496 : i32
    %add3A_409 = vector.broadcast %add3A_408 : i32 to vector<16xi32>
    %add3A_410 = arith.addi %add3A_407, %add3A_409 : vector<16xi32>
    %and3A_411 = arith.constant 8191 : i32
    %and3A_412 = vector.broadcast %and3A_411 : i32 to vector<16xi32>
    %and3A_413 = arith.andi %add3A_410, %and3A_412 : vector<16xi32>
    %swap3A_414 = arith.constant 496 : index
    %swap3A_415 = tpu.vector_load %arg9[%swap3A_414] {strides = array<i32>} : memref<1152xi32, #tpu.memory_space<vmem>>, vector<16xi32>,
    tpu.vector_store %arg9[%swap3A_414], %and3A_413 {strides = array<i32>} : memref<1152xi32, #tpu.memory_space<vmem>>, vector<16xi32>,
    %iota3A_416 = tpu.iota {dimensions = array<i32: 0>} : vector<16xi32>
    %mul3A_417 = arith.constant 1152 : i32
    %mul3A_418 = arith.muli %arg1, %mul3A_417 : i32
    %add3A_419 = vector.broadcast %mul3A_418 : i32 to vector<16xi32>
    %add3A_420 = arith.addi %iota3A_416, %add3A_419 : vector<16xi32>
    %add3A_421 = arith.constant 512 : i32
    %add3A_422 = vector.broadcast %add3A_421 : i32 to vector<16xi32>
    %add3A_423 = arith.addi %add3A_420, %add3A_422 : vector<16xi32>
    %and3A_424 = arith.constant 8191 : i32
    %and3A_425 = vector.broadcast %and3A_424 : i32 to vector<16xi32>
    %and3A_426 = arith.andi %add3A_423, %and3A_425 : vector<16xi32>
    %swap3A_427 = arith.constant 512 : index
    %swap3A_428 = tpu.vector_load %arg9[%swap3A_427] {strides = array<i32>} : memref<1152xi32, #tpu.memory_space<vmem>>, vector<16xi32>,
    tpu.vector_store %arg9[%swap3A_427], %and3A_426 {strides = array<i32>} : memref<1152xi32, #tpu.memory_space<vmem>>, vector<16xi32>,
    %iota3A_429 = tpu.iota {dimensions = array<i32: 0>} : vector<16xi32>
    %mul3A_430 = arith.constant 1152 : i32
    %mul3A_431 = arith.muli %arg1, %mul3A_430 : i32
    %add3A_432 = vector.broadcast %mul3A_431 : i32 to vector<16xi32>
    %add3A_433 = arith.addi %iota3A_429, %add3A_432 : vector<16xi32>
    %add3A_434 = arith.constant 528 : i32
    %add3A_435 = vector.broadcast %add3A_434 : i32 to vector<16xi32>
    %add3A_436 = arith.addi %add3A_433, %add3A_435 : vector<16xi32>
    %and3A_437 = arith.constant 8191 : i32
    %and3A_438 = vector.broadcast %and3A_437 : i32 to vector<16xi32>
    %and3A_439 = arith.andi %add3A_436, %and3A_438 : vector<16xi32>
    %swap3A_440 = arith.constant 528 : index
    %swap3A_441 = tpu.vector_load %arg9[%swap3A_440] {strides = array<i32>} : memref<1152xi32, #tpu.memory_space<vmem>>, vector<16xi32>,
    tpu.vector_store %arg9[%swap3A_440], %and3A_439 {strides = array<i32>} : memref<1152xi32, #tpu.memory_space<vmem>>, vector<16xi32>,
    %iota3A_442 = tpu.iota {dimensions = array<i32: 0>} : vector<16xi32>
    %mul3A_443 = arith.constant 1152 : i32
    %mul3A_444 = arith.muli %arg1, %mul3A_443 : i32
    %add3A_445 = vector.broadcast %mul3A_444 : i32 to vector<16xi32>
    %add3A_446 = arith.addi %iota3A_442, %add3A_445 : vector<16xi32>
    %add3A_447 = arith.constant 544 : i32
    %add3A_448 = vector.broadcast %add3A_447 : i32 to vector<16xi32>
    %add3A_449 = arith.addi %add3A_446, %add3A_448 : vector<16xi32>
    %and3A_450 = arith.constant 8191 : i32
    %and3A_451 = vector.broadcast %and3A_450 : i32 to vector<16xi32>
    %and3A_452 = arith.andi %add3A_449, %and3A_451 : vector<16xi32>
    %swap3A_453 = arith.constant 544 : index
    %swap3A_454 = tpu.vector_load %arg9[%swap3A_453] {strides = array<i32>} : memref<1152xi32, #tpu.memory_space<vmem>>, vector<16xi32>,
    tpu.vector_store %arg9[%swap3A_453], %and3A_452 {strides = array<i32>} : memref<1152xi32, #tpu.memory_space<vmem>>, vector<16xi32>,
    %iota3A_455 = tpu.iota {dimensions = array<i32: 0>} : vector<16xi32>
    %mul3A_456 = arith.constant 1152 : i32
    %mul3A_457 = arith.muli %arg1, %mul3A_456 : i32
    %add3A_458 = vector.broadcast %mul3A_457 : i32 to vector<16xi32>
    %add3A_459 = arith.addi %iota3A_455, %add3A_458 : vector<16xi32>
    %add3A_460 = arith.constant 560 : i32
    %add3A_461 = vector.broadcast %add3A_460 : i32 to vector<16xi32>
    %add3A_462 = arith.addi %add3A_459, %add3A_461 : vector<16xi32>
    %and3A_463 = arith.constant 8191 : i32
    %and3A_464 = vector.broadcast %and3A_463 : i32 to vector<16xi32>
    %and3A_465 = arith.andi %add3A_462, %and3A_464 : vector<16xi32>
    %swap3A_466 = arith.constant 560 : index
    %swap3A_467 = tpu.vector_load %arg9[%swap3A_466] {strides = array<i32>} : memref<1152xi32, #tpu.memory_space<vmem>>, vector<16xi32>,
    tpu.vector_store %arg9[%swap3A_466], %and3A_465 {strides = array<i32>} : memref<1152xi32, #tpu.memory_space<vmem>>, vector<16xi32>,
    %iota3A_468 = tpu.iota {dimensions = array<i32: 0>} : vector<16xi32>
    %mul3A_469 = arith.constant 1152 : i32
    %mul3A_470 = arith.muli %arg1, %mul3A_469 : i32
    %add3A_471 = vector.broadcast %mul3A_470 : i32 to vector<16xi32>
    %add3A_472 = arith.addi %iota3A_468, %add3A_471 : vector<16xi32>
    %add3A_473 = arith.constant 576 : i32
    %add3A_474 = vector.broadcast %add3A_473 : i32 to vector<16xi32>
    %add3A_475 = arith.addi %add3A_472, %add3A_474 : vector<16xi32>
    %and3A_476 = arith.constant 8191 : i32
    %and3A_477 = vector.broadcast %and3A_476 : i32 to vector<16xi32>
    %and3A_478 = arith.andi %add3A_475, %and3A_477 : vector<16xi32>
    %swap3A_479 = arith.constant 576 : index
    %swap3A_480 = tpu.vector_load %arg9[%swap3A_479] {strides = array<i32>} : memref<1152xi32, #tpu.memory_space<vmem>>, vector<16xi32>,
    tpu.vector_store %arg9[%swap3A_479], %and3A_478 {strides = array<i32>} : memref<1152xi32, #tpu.memory_space<vmem>>, vector<16xi32>,
    %iota3A_481 = tpu.iota {dimensions = array<i32: 0>} : vector<16xi32>
    %mul3A_482 = arith.constant 1152 : i32
    %mul3A_483 = arith.muli %arg1, %mul3A_482 : i32
    %add3A_484 = vector.broadcast %mul3A_483 : i32 to vector<16xi32>
    %add3A_485 = arith.addi %iota3A_481, %add3A_484 : vector<16xi32>
    %add3A_486 = arith.constant 592 : i32
    %add3A_487 = vector.broadcast %add3A_486 : i32 to vector<16xi32>
    %add3A_488 = arith.addi %add3A_485, %add3A_487 : vector<16xi32>
    %and3A_489 = arith.constant 8191 : i32
    %and3A_490 = vector.broadcast %and3A_489 : i32 to vector<16xi32>
    %and3A_491 = arith.andi %add3A_488, %and3A_490 : vector<16xi32>
    %swap3A_492 = arith.constant 592 : index
    %swap3A_493 = tpu.vector_load %arg9[%swap3A_492] {strides = array<i32>} : memref<1152xi32, #tpu.memory_space<vmem>>, vector<16xi32>,
    tpu.vector_store %arg9[%swap3A_492], %and3A_491 {strides = array<i32>} : memref<1152xi32, #tpu.memory_space<vmem>>, vector<16xi32>,
    %iota3A_494 = tpu.iota {dimensions = array<i32: 0>} : vector<16xi32>
    %mul3A_495 = arith.constant 1152 : i32
    %mul3A_496 = arith.muli %arg1, %mul3A_495 : i32
    %add3A_497 = vector.broadcast %mul3A_496 : i32 to vector<16xi32>
    %add3A_498 = arith.addi %iota3A_494, %add3A_497 : vector<16xi32>
    %add3A_499 = arith.constant 608 : i32
    %add3A_500 = vector.broadcast %add3A_499 : i32 to vector<16xi32>
    %add3A_501 = arith.addi %add3A_498, %add3A_500 : vector<16xi32>
    %and3A_502 = arith.constant 8191 : i32
    %and3A_503 = vector.broadcast %and3A_502 : i32 to vector<16xi32>
    %and3A_504 = arith.andi %add3A_501, %and3A_503 : vector<16xi32>
    %swap3A_505 = arith.constant 608 : index
    %swap3A_506 = tpu.vector_load %arg9[%swap3A_505] {strides = array<i32>} : memref<1152xi32, #tpu.memory_space<vmem>>, vector<16xi32>,
    tpu.vector_store %arg9[%swap3A_505], %and3A_504 {strides = array<i32>} : memref<1152xi32, #tpu.memory_space<vmem>>, vector<16xi32>,
    %iota3A_507 = tpu.iota {dimensions = array<i32: 0>} : vector<16xi32>
    %mul3A_508 = arith.constant 1152 : i32
    %mul3A_509 = arith.muli %arg1, %mul3A_508 : i32
    %add3A_510 = vector.broadcast %mul3A_509 : i32 to vector<16xi32>
    %add3A_511 = arith.addi %iota3A_507, %add3A_510 : vector<16xi32>
    %add3A_512 = arith.constant 624 : i32
    %add3A_513 = vector.broadcast %add3A_512 : i32 to vector<16xi32>
    %add3A_514 = arith.addi %add3A_511, %add3A_513 : vector<16xi32>
    %and3A_515 = arith.constant 8191 : i32
    %and3A_516 = vector.broadcast %and3A_515 : i32 to vector<16xi32>
    %and3A_517 = arith.andi %add3A_514, %and3A_516 : vector<16xi32>
    %swap3A_518 = arith.constant 624 : index
    %swap3A_519 = tpu.vector_load %arg9[%swap3A_518] {strides = array<i32>} : memref<1152xi32, #tpu.memory_space<vmem>>, vector<16xi32>,
    tpu.vector_store %arg9[%swap3A_518], %and3A_517 {strides = array<i32>} : memref<1152xi32, #tpu.memory_space<vmem>>, vector<16xi32>,
    %iota3A_520 = tpu.iota {dimensions = array<i32: 0>} : vector<16xi32>
    %mul3A_521 = arith.constant 1152 : i32
    %mul3A_522 = arith.muli %arg1, %mul3A_521 : i32
    %add3A_523 = vector.broadcast %mul3A_522 : i32 to vector<16xi32>
    %add3A_524 = arith.addi %iota3A_520, %add3A_523 : vector<16xi32>
    %add3A_525 = arith.constant 640 : i32
    %add3A_526 = vector.broadcast %add3A_525 : i32 to vector<16xi32>
    %add3A_527 = arith.addi %add3A_524, %add3A_526 : vector<16xi32>
    %and3A_528 = arith.constant 8191 : i32
    %and3A_529 = vector.broadcast %and3A_528 : i32 to vector<16xi32>
    %and3A_530 = arith.andi %add3A_527, %and3A_529 : vector<16xi32>
    %swap3A_531 = arith.constant 640 : index
    %swap3A_532 = tpu.vector_load %arg9[%swap3A_531] {strides = array<i32>} : memref<1152xi32, #tpu.memory_space<vmem>>, vector<16xi32>,
    tpu.vector_store %arg9[%swap3A_531], %and3A_530 {strides = array<i32>} : memref<1152xi32, #tpu.memory_space<vmem>>, vector<16xi32>,
    %iota3A_533 = tpu.iota {dimensions = array<i32: 0>} : vector<16xi32>
    %mul3A_534 = arith.constant 1152 : i32
    %mul3A_535 = arith.muli %arg1, %mul3A_534 : i32
    %add3A_536 = vector.broadcast %mul3A_535 : i32 to vector<16xi32>
    %add3A_537 = arith.addi %iota3A_533, %add3A_536 : vector<16xi32>
    %add3A_538 = arith.constant 656 : i32
    %add3A_539 = vector.broadcast %add3A_538 : i32 to vector<16xi32>
    %add3A_540 = arith.addi %add3A_537, %add3A_539 : vector<16xi32>
    %and3A_541 = arith.constant 8191 : i32
    %and3A_542 = vector.broadcast %and3A_541 : i32 to vector<16xi32>
    %and3A_543 = arith.andi %add3A_540, %and3A_542 : vector<16xi32>
    %swap3A_544 = arith.constant 656 : index
    %swap3A_545 = tpu.vector_load %arg9[%swap3A_544] {strides = array<i32>} : memref<1152xi32, #tpu.memory_space<vmem>>, vector<16xi32>,
    tpu.vector_store %arg9[%swap3A_544], %and3A_543 {strides = array<i32>} : memref<1152xi32, #tpu.memory_space<vmem>>, vector<16xi32>,
    %iota3A_546 = tpu.iota {dimensions = array<i32: 0>} : vector<16xi32>
    %mul3A_547 = arith.constant 1152 : i32
    %mul3A_548 = arith.muli %arg1, %mul3A_547 : i32
    %add3A_549 = vector.broadcast %mul3A_548 : i32 to vector<16xi32>
    %add3A_550 = arith.addi %iota3A_546, %add3A_549 : vector<16xi32>
    %add3A_551 = arith.constant 672 : i32
    %add3A_552 = vector.broadcast %add3A_551 : i32 to vector<16xi32>
    %add3A_553 = arith.addi %add3A_550, %add3A_552 : vector<16xi32>
    %and3A_554 = arith.constant 8191 : i32
    %and3A_555 = vector.broadcast %and3A_554 : i32 to vector<16xi32>
    %and3A_556 = arith.andi %add3A_553, %and3A_555 : vector<16xi32>
    %swap3A_557 = arith.constant 672 : index
    %swap3A_558 = tpu.vector_load %arg9[%swap3A_557] {strides = array<i32>} : memref<1152xi32, #tpu.memory_space<vmem>>, vector<16xi32>,
    tpu.vector_store %arg9[%swap3A_557], %and3A_556 {strides = array<i32>} : memref<1152xi32, #tpu.memory_space<vmem>>, vector<16xi32>,
    %iota3A_559 = tpu.iota {dimensions = array<i32: 0>} : vector<16xi32>
    %mul3A_560 = arith.constant 1152 : i32
    %mul3A_561 = arith.muli %arg1, %mul3A_560 : i32
    %add3A_562 = vector.broadcast %mul3A_561 : i32 to vector<16xi32>
    %add3A_563 = arith.addi %iota3A_559, %add3A_562 : vector<16xi32>
    %add3A_564 = arith.constant 688 : i32
    %add3A_565 = vector.broadcast %add3A_564 : i32 to vector<16xi32>
    %add3A_566 = arith.addi %add3A_563, %add3A_565 : vector<16xi32>
    %and3A_567 = arith.constant 8191 : i32
    %and3A_568 = vector.broadcast %and3A_567 : i32 to vector<16xi32>
    %and3A_569 = arith.andi %add3A_566, %and3A_568 : vector<16xi32>
    %swap3A_570 = arith.constant 688 : index
    %swap3A_571 = tpu.vector_load %arg9[%swap3A_570] {strides = array<i32>} : memref<1152xi32, #tpu.memory_space<vmem>>, vector<16xi32>,
    tpu.vector_store %arg9[%swap3A_570], %and3A_569 {strides = array<i32>} : memref<1152xi32, #tpu.memory_space<vmem>>, vector<16xi32>,
    %iota3A_572 = tpu.iota {dimensions = array<i32: 0>} : vector<16xi32>
    %mul3A_573 = arith.constant 1152 : i32
    %mul3A_574 = arith.muli %arg1, %mul3A_573 : i32
    %add3A_575 = vector.broadcast %mul3A_574 : i32 to vector<16xi32>
    %add3A_576 = arith.addi %iota3A_572, %add3A_575 : vector<16xi32>
    %add3A_577 = arith.constant 704 : i32
    %add3A_578 = vector.broadcast %add3A_577 : i32 to vector<16xi32>
    %add3A_579 = arith.addi %add3A_576, %add3A_578 : vector<16xi32>
    %and3A_580 = arith.constant 8191 : i32
    %and3A_581 = vector.broadcast %and3A_580 : i32 to vector<16xi32>
    %and3A_582 = arith.andi %add3A_579, %and3A_581 : vector<16xi32>
    %swap3A_583 = arith.constant 704 : index
    %swap3A_584 = tpu.vector_load %arg9[%swap3A_583] {strides = array<i32>} : memref<1152xi32, #tpu.memory_space<vmem>>, vector<16xi32>,
    tpu.vector_store %arg9[%swap3A_583], %and3A_582 {strides = array<i32>} : memref<1152xi32, #tpu.memory_space<vmem>>, vector<16xi32>,
    %iota3A_585 = tpu.iota {dimensions = array<i32: 0>} : vector<16xi32>
    %mul3A_586 = arith.constant 1152 : i32
    %mul3A_587 = arith.muli %arg1, %mul3A_586 : i32
    %add3A_588 = vector.broadcast %mul3A_587 : i32 to vector<16xi32>
    %add3A_589 = arith.addi %iota3A_585, %add3A_588 : vector<16xi32>
    %add3A_590 = arith.constant 720 : i32
    %add3A_591 = vector.broadcast %add3A_590 : i32 to vector<16xi32>
    %add3A_592 = arith.addi %add3A_589, %add3A_591 : vector<16xi32>
    %and3A_593 = arith.constant 8191 : i32
    %and3A_594 = vector.broadcast %and3A_593 : i32 to vector<16xi32>
    %and3A_595 = arith.andi %add3A_592, %and3A_594 : vector<16xi32>
    %swap3A_596 = arith.constant 720 : index
    %swap3A_597 = tpu.vector_load %arg9[%swap3A_596] {strides = array<i32>} : memref<1152xi32, #tpu.memory_space<vmem>>, vector<16xi32>,
    tpu.vector_store %arg9[%swap3A_596], %and3A_595 {strides = array<i32>} : memref<1152xi32, #tpu.memory_space<vmem>>, vector<16xi32>,
    %iota3A_598 = tpu.iota {dimensions = array<i32: 0>} : vector<16xi32>
    %mul3A_599 = arith.constant 1152 : i32
    %mul3A_600 = arith.muli %arg1, %mul3A_599 : i32
    %add3A_601 = vector.broadcast %mul3A_600 : i32 to vector<16xi32>
    %add3A_602 = arith.addi %iota3A_598, %add3A_601 : vector<16xi32>
    %add3A_603 = arith.constant 736 : i32
    %add3A_604 = vector.broadcast %add3A_603 : i32 to vector<16xi32>
    %add3A_605 = arith.addi %add3A_602, %add3A_604 : vector<16xi32>
    %and3A_606 = arith.constant 8191 : i32
    %and3A_607 = vector.broadcast %and3A_606 : i32 to vector<16xi32>
    %and3A_608 = arith.andi %add3A_605, %and3A_607 : vector<16xi32>
    %swap3A_609 = arith.constant 736 : index
    %swap3A_610 = tpu.vector_load %arg9[%swap3A_609] {strides = array<i32>} : memref<1152xi32, #tpu.memory_space<vmem>>, vector<16xi32>,
    tpu.vector_store %arg9[%swap3A_609], %and3A_608 {strides = array<i32>} : memref<1152xi32, #tpu.memory_space<vmem>>, vector<16xi32>,
    %iota3A_611 = tpu.iota {dimensions = array<i32: 0>} : vector<16xi32>
    %mul3A_612 = arith.constant 1152 : i32
    %mul3A_613 = arith.muli %arg1, %mul3A_612 : i32
    %add3A_614 = vector.broadcast %mul3A_613 : i32 to vector<16xi32>
    %add3A_615 = arith.addi %iota3A_611, %add3A_614 : vector<16xi32>
    %add3A_616 = arith.constant 752 : i32
    %add3A_617 = vector.broadcast %add3A_616 : i32 to vector<16xi32>
    %add3A_618 = arith.addi %add3A_615, %add3A_617 : vector<16xi32>
    %and3A_619 = arith.constant 8191 : i32
    %and3A_620 = vector.broadcast %and3A_619 : i32 to vector<16xi32>
    %and3A_621 = arith.andi %add3A_618, %and3A_620 : vector<16xi32>
    %swap3A_622 = arith.constant 752 : index
    %swap3A_623 = tpu.vector_load %arg9[%swap3A_622] {strides = array<i32>} : memref<1152xi32, #tpu.memory_space<vmem>>, vector<16xi32>,
    tpu.vector_store %arg9[%swap3A_622], %and3A_621 {strides = array<i32>} : memref<1152xi32, #tpu.memory_space<vmem>>, vector<16xi32>,
    %iota3A_624 = tpu.iota {dimensions = array<i32: 0>} : vector<16xi32>
    %mul3A_625 = arith.constant 1152 : i32
    %mul3A_626 = arith.muli %arg1, %mul3A_625 : i32
    %add3A_627 = vector.broadcast %mul3A_626 : i32 to vector<16xi32>
    %add3A_628 = arith.addi %iota3A_624, %add3A_627 : vector<16xi32>
    %add3A_629 = arith.constant 768 : i32
    %add3A_630 = vector.broadcast %add3A_629 : i32 to vector<16xi32>
    %add3A_631 = arith.addi %add3A_628, %add3A_630 : vector<16xi32>
    %and3A_632 = arith.constant 8191 : i32
    %and3A_633 = vector.broadcast %and3A_632 : i32 to vector<16xi32>
    %and3A_634 = arith.andi %add3A_631, %and3A_633 : vector<16xi32>
    %swap3A_635 = arith.constant 768 : index
    %swap3A_636 = tpu.vector_load %arg9[%swap3A_635] {strides = array<i32>} : memref<1152xi32, #tpu.memory_space<vmem>>, vector<16xi32>,
    tpu.vector_store %arg9[%swap3A_635], %and3A_634 {strides = array<i32>} : memref<1152xi32, #tpu.memory_space<vmem>>, vector<16xi32>,
    %iota3A_637 = tpu.iota {dimensions = array<i32: 0>} : vector<16xi32>
    %mul3A_638 = arith.constant 1152 : i32
    %mul3A_639 = arith.muli %arg1, %mul3A_638 : i32
    %add3A_640 = vector.broadcast %mul3A_639 : i32 to vector<16xi32>
    %add3A_641 = arith.addi %iota3A_637, %add3A_640 : vector<16xi32>
    %add3A_642 = arith.constant 784 : i32
    %add3A_643 = vector.broadcast %add3A_642 : i32 to vector<16xi32>
    %add3A_644 = arith.addi %add3A_641, %add3A_643 : vector<16xi32>
    %and3A_645 = arith.constant 8191 : i32
    %and3A_646 = vector.broadcast %and3A_645 : i32 to vector<16xi32>
    %and3A_647 = arith.andi %add3A_644, %and3A_646 : vector<16xi32>
    %swap3A_648 = arith.constant 784 : index
    %swap3A_649 = tpu.vector_load %arg9[%swap3A_648] {strides = array<i32>} : memref<1152xi32, #tpu.memory_space<vmem>>, vector<16xi32>,
    tpu.vector_store %arg9[%swap3A_648], %and3A_647 {strides = array<i32>} : memref<1152xi32, #tpu.memory_space<vmem>>, vector<16xi32>,
    %iota3A_650 = tpu.iota {dimensions = array<i32: 0>} : vector<16xi32>
    %mul3A_651 = arith.constant 1152 : i32
    %mul3A_652 = arith.muli %arg1, %mul3A_651 : i32
    %add3A_653 = vector.broadcast %mul3A_652 : i32 to vector<16xi32>
    %add3A_654 = arith.addi %iota3A_650, %add3A_653 : vector<16xi32>
    %add3A_655 = arith.constant 800 : i32
    %add3A_656 = vector.broadcast %add3A_655 : i32 to vector<16xi32>
    %add3A_657 = arith.addi %add3A_654, %add3A_656 : vector<16xi32>
    %and3A_658 = arith.constant 8191 : i32
    %and3A_659 = vector.broadcast %and3A_658 : i32 to vector<16xi32>
    %and3A_660 = arith.andi %add3A_657, %and3A_659 : vector<16xi32>
    %swap3A_661 = arith.constant 800 : index
    %swap3A_662 = tpu.vector_load %arg9[%swap3A_661] {strides = array<i32>} : memref<1152xi32, #tpu.memory_space<vmem>>, vector<16xi32>,
    tpu.vector_store %arg9[%swap3A_661], %and3A_660 {strides = array<i32>} : memref<1152xi32, #tpu.memory_space<vmem>>, vector<16xi32>,
    %iota3A_663 = tpu.iota {dimensions = array<i32: 0>} : vector<16xi32>
    %mul3A_664 = arith.constant 1152 : i32
    %mul3A_665 = arith.muli %arg1, %mul3A_664 : i32
    %add3A_666 = vector.broadcast %mul3A_665 : i32 to vector<16xi32>
    %add3A_667 = arith.addi %iota3A_663, %add3A_666 : vector<16xi32>
    %add3A_668 = arith.constant 816 : i32
    %add3A_669 = vector.broadcast %add3A_668 : i32 to vector<16xi32>
    %add3A_670 = arith.addi %add3A_667, %add3A_669 : vector<16xi32>
    %and3A_671 = arith.constant 8191 : i32
    %and3A_672 = vector.broadcast %and3A_671 : i32 to vector<16xi32>
    %and3A_673 = arith.andi %add3A_670, %and3A_672 : vector<16xi32>
    %swap3A_674 = arith.constant 816 : index
    %swap3A_675 = tpu.vector_load %arg9[%swap3A_674] {strides = array<i32>} : memref<1152xi32, #tpu.memory_space<vmem>>, vector<16xi32>,
    tpu.vector_store %arg9[%swap3A_674], %and3A_673 {strides = array<i32>} : memref<1152xi32, #tpu.memory_space<vmem>>, vector<16xi32>,
    %iota3A_676 = tpu.iota {dimensions = array<i32: 0>} : vector<16xi32>
    %mul3A_677 = arith.constant 1152 : i32
    %mul3A_678 = arith.muli %arg1, %mul3A_677 : i32
    %add3A_679 = vector.broadcast %mul3A_678 : i32 to vector<16xi32>
    %add3A_680 = arith.addi %iota3A_676, %add3A_679 : vector<16xi32>
    %add3A_681 = arith.constant 832 : i32
    %add3A_682 = vector.broadcast %add3A_681 : i32 to vector<16xi32>
    %add3A_683 = arith.addi %add3A_680, %add3A_682 : vector<16xi32>
    %and3A_684 = arith.constant 8191 : i32
    %and3A_685 = vector.broadcast %and3A_684 : i32 to vector<16xi32>
    %and3A_686 = arith.andi %add3A_683, %and3A_685 : vector<16xi32>
    %swap3A_687 = arith.constant 832 : index
    %swap3A_688 = tpu.vector_load %arg9[%swap3A_687] {strides = array<i32>} : memref<1152xi32, #tpu.memory_space<vmem>>, vector<16xi32>,
    tpu.vector_store %arg9[%swap3A_687], %and3A_686 {strides = array<i32>} : memref<1152xi32, #tpu.memory_space<vmem>>, vector<16xi32>,
    %iota3A_689 = tpu.iota {dimensions = array<i32: 0>} : vector<16xi32>
    %mul3A_690 = arith.constant 1152 : i32
    %mul3A_691 = arith.muli %arg1, %mul3A_690 : i32
    %add3A_692 = vector.broadcast %mul3A_691 : i32 to vector<16xi32>
    %add3A_693 = arith.addi %iota3A_689, %add3A_692 : vector<16xi32>
    %add3A_694 = arith.constant 848 : i32
    %add3A_695 = vector.broadcast %add3A_694 : i32 to vector<16xi32>
    %add3A_696 = arith.addi %add3A_693, %add3A_695 : vector<16xi32>
    %and3A_697 = arith.constant 8191 : i32
    %and3A_698 = vector.broadcast %and3A_697 : i32 to vector<16xi32>
    %and3A_699 = arith.andi %add3A_696, %and3A_698 : vector<16xi32>
    %swap3A_700 = arith.constant 848 : index
    %swap3A_701 = tpu.vector_load %arg9[%swap3A_700] {strides = array<i32>} : memref<1152xi32, #tpu.memory_space<vmem>>, vector<16xi32>,
    tpu.vector_store %arg9[%swap3A_700], %and3A_699 {strides = array<i32>} : memref<1152xi32, #tpu.memory_space<vmem>>, vector<16xi32>,
    %iota3A_702 = tpu.iota {dimensions = array<i32: 0>} : vector<16xi32>
    %mul3A_703 = arith.constant 1152 : i32
    %mul3A_704 = arith.muli %arg1, %mul3A_703 : i32
    %add3A_705 = vector.broadcast %mul3A_704 : i32 to vector<16xi32>
    %add3A_706 = arith.addi %iota3A_702, %add3A_705 : vector<16xi32>
    %add3A_707 = arith.constant 864 : i32
    %add3A_708 = vector.broadcast %add3A_707 : i32 to vector<16xi32>
    %add3A_709 = arith.addi %add3A_706, %add3A_708 : vector<16xi32>
    %and3A_710 = arith.constant 8191 : i32
    %and3A_711 = vector.broadcast %and3A_710 : i32 to vector<16xi32>
    %and3A_712 = arith.andi %add3A_709, %and3A_711 : vector<16xi32>
    %swap3A_713 = arith.constant 864 : index
    %swap3A_714 = tpu.vector_load %arg9[%swap3A_713] {strides = array<i32>} : memref<1152xi32, #tpu.memory_space<vmem>>, vector<16xi32>,
    tpu.vector_store %arg9[%swap3A_713], %and3A_712 {strides = array<i32>} : memref<1152xi32, #tpu.memory_space<vmem>>, vector<16xi32>,
    %iota3A_715 = tpu.iota {dimensions = array<i32: 0>} : vector<16xi32>
    %mul3A_716 = arith.constant 1152 : i32
    %mul3A_717 = arith.muli %arg1, %mul3A_716 : i32
    %add3A_718 = vector.broadcast %mul3A_717 : i32 to vector<16xi32>
    %add3A_719 = arith.addi %iota3A_715, %add3A_718 : vector<16xi32>
    %add3A_720 = arith.constant 880 : i32
    %add3A_721 = vector.broadcast %add3A_720 : i32 to vector<16xi32>
    %add3A_722 = arith.addi %add3A_719, %add3A_721 : vector<16xi32>
    %and3A_723 = arith.constant 8191 : i32
    %and3A_724 = vector.broadcast %and3A_723 : i32 to vector<16xi32>
    %and3A_725 = arith.andi %add3A_722, %and3A_724 : vector<16xi32>
    %swap3A_726 = arith.constant 880 : index
    %swap3A_727 = tpu.vector_load %arg9[%swap3A_726] {strides = array<i32>} : memref<1152xi32, #tpu.memory_space<vmem>>, vector<16xi32>,
    tpu.vector_store %arg9[%swap3A_726], %and3A_725 {strides = array<i32>} : memref<1152xi32, #tpu.memory_space<vmem>>, vector<16xi32>,
    %iota3A_728 = tpu.iota {dimensions = array<i32: 0>} : vector<16xi32>
    %mul3A_729 = arith.constant 1152 : i32
    %mul3A_730 = arith.muli %arg1, %mul3A_729 : i32
    %add3A_731 = vector.broadcast %mul3A_730 : i32 to vector<16xi32>
    %add3A_732 = arith.addi %iota3A_728, %add3A_731 : vector<16xi32>
    %add3A_733 = arith.constant 896 : i32
    %add3A_734 = vector.broadcast %add3A_733 : i32 to vector<16xi32>
    %add3A_735 = arith.addi %add3A_732, %add3A_734 : vector<16xi32>
    %and3A_736 = arith.constant 8191 : i32
    %and3A_737 = vector.broadcast %and3A_736 : i32 to vector<16xi32>
    %and3A_738 = arith.andi %add3A_735, %and3A_737 : vector<16xi32>
    %swap3A_739 = arith.constant 896 : index
    %swap3A_740 = tpu.vector_load %arg9[%swap3A_739] {strides = array<i32>} : memref<1152xi32, #tpu.memory_space<vmem>>, vector<16xi32>,
    tpu.vector_store %arg9[%swap3A_739], %and3A_738 {strides = array<i32>} : memref<1152xi32, #tpu.memory_space<vmem>>, vector<16xi32>,
    %iota3A_741 = tpu.iota {dimensions = array<i32: 0>} : vector<16xi32>
    %mul3A_742 = arith.constant 1152 : i32
    %mul3A_743 = arith.muli %arg1, %mul3A_742 : i32
    %add3A_744 = vector.broadcast %mul3A_743 : i32 to vector<16xi32>
    %add3A_745 = arith.addi %iota3A_741, %add3A_744 : vector<16xi32>
    %add3A_746 = arith.constant 912 : i32
    %add3A_747 = vector.broadcast %add3A_746 : i32 to vector<16xi32>
    %add3A_748 = arith.addi %add3A_745, %add3A_747 : vector<16xi32>
    %and3A_749 = arith.constant 8191 : i32
    %and3A_750 = vector.broadcast %and3A_749 : i32 to vector<16xi32>
    %and3A_751 = arith.andi %add3A_748, %and3A_750 : vector<16xi32>
    %swap3A_752 = arith.constant 912 : index
    %swap3A_753 = tpu.vector_load %arg9[%swap3A_752] {strides = array<i32>} : memref<1152xi32, #tpu.memory_space<vmem>>, vector<16xi32>,
    tpu.vector_store %arg9[%swap3A_752], %and3A_751 {strides = array<i32>} : memref<1152xi32, #tpu.memory_space<vmem>>, vector<16xi32>,
    %iota3A_754 = tpu.iota {dimensions = array<i32: 0>} : vector<16xi32>
    %mul3A_755 = arith.constant 1152 : i32
    %mul3A_756 = arith.muli %arg1, %mul3A_755 : i32
    %add3A_757 = vector.broadcast %mul3A_756 : i32 to vector<16xi32>
    %add3A_758 = arith.addi %iota3A_754, %add3A_757 : vector<16xi32>
    %add3A_759 = arith.constant 928 : i32
    %add3A_760 = vector.broadcast %add3A_759 : i32 to vector<16xi32>
    %add3A_761 = arith.addi %add3A_758, %add3A_760 : vector<16xi32>
    %and3A_762 = arith.constant 8191 : i32
    %and3A_763 = vector.broadcast %and3A_762 : i32 to vector<16xi32>
    %and3A_764 = arith.andi %add3A_761, %and3A_763 : vector<16xi32>
    %swap3A_765 = arith.constant 928 : index
    %swap3A_766 = tpu.vector_load %arg9[%swap3A_765] {strides = array<i32>} : memref<1152xi32, #tpu.memory_space<vmem>>, vector<16xi32>,
    tpu.vector_store %arg9[%swap3A_765], %and3A_764 {strides = array<i32>} : memref<1152xi32, #tpu.memory_space<vmem>>, vector<16xi32>,
    %iota3A_767 = tpu.iota {dimensions = array<i32: 0>} : vector<16xi32>
    %mul3A_768 = arith.constant 1152 : i32
    %mul3A_769 = arith.muli %arg1, %mul3A_768 : i32
    %add3A_770 = vector.broadcast %mul3A_769 : i32 to vector<16xi32>
    %add3A_771 = arith.addi %iota3A_767, %add3A_770 : vector<16xi32>
    %add3A_772 = arith.constant 944 : i32
    %add3A_773 = vector.broadcast %add3A_772 : i32 to vector<16xi32>
    %add3A_774 = arith.addi %add3A_771, %add3A_773 : vector<16xi32>
    %and3A_775 = arith.constant 8191 : i32
    %and3A_776 = vector.broadcast %and3A_775 : i32 to vector<16xi32>
    %and3A_777 = arith.andi %add3A_774, %and3A_776 : vector<16xi32>
    %swap3A_778 = arith.constant 944 : index
    %swap3A_779 = tpu.vector_load %arg9[%swap3A_778] {strides = array<i32>} : memref<1152xi32, #tpu.memory_space<vmem>>, vector<16xi32>,
    tpu.vector_store %arg9[%swap3A_778], %and3A_777 {strides = array<i32>} : memref<1152xi32, #tpu.memory_space<vmem>>, vector<16xi32>,
    %iota3A_780 = tpu.iota {dimensions = array<i32: 0>} : vector<16xi32>
    %mul3A_781 = arith.constant 1152 : i32
    %mul3A_782 = arith.muli %arg1, %mul3A_781 : i32
    %add3A_783 = vector.broadcast %mul3A_782 : i32 to vector<16xi32>
    %add3A_784 = arith.addi %iota3A_780, %add3A_783 : vector<16xi32>
    %add3A_785 = arith.constant 960 : i32
    %add3A_786 = vector.broadcast %add3A_785 : i32 to vector<16xi32>
    %add3A_787 = arith.addi %add3A_784, %add3A_786 : vector<16xi32>
    %and3A_788 = arith.constant 8191 : i32
    %and3A_789 = vector.broadcast %and3A_788 : i32 to vector<16xi32>
    %and3A_790 = arith.andi %add3A_787, %and3A_789 : vector<16xi32>
    %swap3A_791 = arith.constant 960 : index
    %swap3A_792 = tpu.vector_load %arg9[%swap3A_791] {strides = array<i32>} : memref<1152xi32, #tpu.memory_space<vmem>>, vector<16xi32>,
    tpu.vector_store %arg9[%swap3A_791], %and3A_790 {strides = array<i32>} : memref<1152xi32, #tpu.memory_space<vmem>>, vector<16xi32>,
    %iota3A_793 = tpu.iota {dimensions = array<i32: 0>} : vector<16xi32>
    %mul3A_794 = arith.constant 1152 : i32
    %mul3A_795 = arith.muli %arg1, %mul3A_794 : i32
    %add3A_796 = vector.broadcast %mul3A_795 : i32 to vector<16xi32>
    %add3A_797 = arith.addi %iota3A_793, %add3A_796 : vector<16xi32>
    %add3A_798 = arith.constant 976 : i32
    %add3A_799 = vector.broadcast %add3A_798 : i32 to vector<16xi32>
    %add3A_800 = arith.addi %add3A_797, %add3A_799 : vector<16xi32>
    %and3A_801 = arith.constant 8191 : i32
    %and3A_802 = vector.broadcast %and3A_801 : i32 to vector<16xi32>
    %and3A_803 = arith.andi %add3A_800, %and3A_802 : vector<16xi32>
    %swap3A_804 = arith.constant 976 : index
    %swap3A_805 = tpu.vector_load %arg9[%swap3A_804] {strides = array<i32>} : memref<1152xi32, #tpu.memory_space<vmem>>, vector<16xi32>,
    tpu.vector_store %arg9[%swap3A_804], %and3A_803 {strides = array<i32>} : memref<1152xi32, #tpu.memory_space<vmem>>, vector<16xi32>,
    %iota3A_806 = tpu.iota {dimensions = array<i32: 0>} : vector<16xi32>
    %mul3A_807 = arith.constant 1152 : i32
    %mul3A_808 = arith.muli %arg1, %mul3A_807 : i32
    %add3A_809 = vector.broadcast %mul3A_808 : i32 to vector<16xi32>
    %add3A_810 = arith.addi %iota3A_806, %add3A_809 : vector<16xi32>
    %add3A_811 = arith.constant 992 : i32
    %add3A_812 = vector.broadcast %add3A_811 : i32 to vector<16xi32>
    %add3A_813 = arith.addi %add3A_810, %add3A_812 : vector<16xi32>
    %and3A_814 = arith.constant 8191 : i32
    %and3A_815 = vector.broadcast %and3A_814 : i32 to vector<16xi32>
    %and3A_816 = arith.andi %add3A_813, %and3A_815 : vector<16xi32>
    %swap3A_817 = arith.constant 992 : index
    %swap3A_818 = tpu.vector_load %arg9[%swap3A_817] {strides = array<i32>} : memref<1152xi32, #tpu.memory_space<vmem>>, vector<16xi32>,
    tpu.vector_store %arg9[%swap3A_817], %and3A_816 {strides = array<i32>} : memref<1152xi32, #tpu.memory_space<vmem>>, vector<16xi32>,
    %iota3A_819 = tpu.iota {dimensions = array<i32: 0>} : vector<16xi32>
    %mul3A_820 = arith.constant 1152 : i32
    %mul3A_821 = arith.muli %arg1, %mul3A_820 : i32
    %add3A_822 = vector.broadcast %mul3A_821 : i32 to vector<16xi32>
    %add3A_823 = arith.addi %iota3A_819, %add3A_822 : vector<16xi32>
    %add3A_824 = arith.constant 1008 : i32
    %add3A_825 = vector.broadcast %add3A_824 : i32 to vector<16xi32>
    %add3A_826 = arith.addi %add3A_823, %add3A_825 : vector<16xi32>
    %and3A_827 = arith.constant 8191 : i32
    %and3A_828 = vector.broadcast %and3A_827 : i32 to vector<16xi32>
    %and3A_829 = arith.andi %add3A_826, %and3A_828 : vector<16xi32>
    %swap3A_830 = arith.constant 1008 : index
    %swap3A_831 = tpu.vector_load %arg9[%swap3A_830] {strides = array<i32>} : memref<1152xi32, #tpu.memory_space<vmem>>, vector<16xi32>,
    tpu.vector_store %arg9[%swap3A_830], %and3A_829 {strides = array<i32>} : memref<1152xi32, #tpu.memory_space<vmem>>, vector<16xi32>,
    %iota3A_832 = tpu.iota {dimensions = array<i32: 0>} : vector<16xi32>
    %mul3A_833 = arith.constant 1152 : i32
    %mul3A_834 = arith.muli %arg1, %mul3A_833 : i32
    %add3A_835 = vector.broadcast %mul3A_834 : i32 to vector<16xi32>
    %add3A_836 = arith.addi %iota3A_832, %add3A_835 : vector<16xi32>
    %add3A_837 = arith.constant 1024 : i32
    %add3A_838 = vector.broadcast %add3A_837 : i32 to vector<16xi32>
    %add3A_839 = arith.addi %add3A_836, %add3A_838 : vector<16xi32>
    %and3A_840 = arith.constant 8191 : i32
    %and3A_841 = vector.broadcast %and3A_840 : i32 to vector<16xi32>
    %and3A_842 = arith.andi %add3A_839, %and3A_841 : vector<16xi32>
    %swap3A_843 = arith.constant 1024 : index
    %swap3A_844 = tpu.vector_load %arg9[%swap3A_843] {strides = array<i32>} : memref<1152xi32, #tpu.memory_space<vmem>>, vector<16xi32>,
    tpu.vector_store %arg9[%swap3A_843], %and3A_842 {strides = array<i32>} : memref<1152xi32, #tpu.memory_space<vmem>>, vector<16xi32>,
    %iota3A_845 = tpu.iota {dimensions = array<i32: 0>} : vector<16xi32>
    %mul3A_846 = arith.constant 1152 : i32
    %mul3A_847 = arith.muli %arg1, %mul3A_846 : i32
    %add3A_848 = vector.broadcast %mul3A_847 : i32 to vector<16xi32>
    %add3A_849 = arith.addi %iota3A_845, %add3A_848 : vector<16xi32>
    %add3A_850 = arith.constant 1040 : i32
    %add3A_851 = vector.broadcast %add3A_850 : i32 to vector<16xi32>
    %add3A_852 = arith.addi %add3A_849, %add3A_851 : vector<16xi32>
    %and3A_853 = arith.constant 8191 : i32
    %and3A_854 = vector.broadcast %and3A_853 : i32 to vector<16xi32>
    %and3A_855 = arith.andi %add3A_852, %and3A_854 : vector<16xi32>
    %swap3A_856 = arith.constant 1040 : index
    %swap3A_857 = tpu.vector_load %arg9[%swap3A_856] {strides = array<i32>} : memref<1152xi32, #tpu.memory_space<vmem>>, vector<16xi32>,
    tpu.vector_store %arg9[%swap3A_856], %and3A_855 {strides = array<i32>} : memref<1152xi32, #tpu.memory_space<vmem>>, vector<16xi32>,
    %iota3A_858 = tpu.iota {dimensions = array<i32: 0>} : vector<16xi32>
    %mul3A_859 = arith.constant 1152 : i32
    %mul3A_860 = arith.muli %arg1, %mul3A_859 : i32
    %add3A_861 = vector.broadcast %mul3A_860 : i32 to vector<16xi32>
    %add3A_862 = arith.addi %iota3A_858, %add3A_861 : vector<16xi32>
    %add3A_863 = arith.constant 1056 : i32
    %add3A_864 = vector.broadcast %add3A_863 : i32 to vector<16xi32>
    %add3A_865 = arith.addi %add3A_862, %add3A_864 : vector<16xi32>
    %and3A_866 = arith.constant 8191 : i32
    %and3A_867 = vector.broadcast %and3A_866 : i32 to vector<16xi32>
    %and3A_868 = arith.andi %add3A_865, %and3A_867 : vector<16xi32>
    %swap3A_869 = arith.constant 1056 : index
    %swap3A_870 = tpu.vector_load %arg9[%swap3A_869] {strides = array<i32>} : memref<1152xi32, #tpu.memory_space<vmem>>, vector<16xi32>,
    tpu.vector_store %arg9[%swap3A_869], %and3A_868 {strides = array<i32>} : memref<1152xi32, #tpu.memory_space<vmem>>, vector<16xi32>,
    %iota3A_871 = tpu.iota {dimensions = array<i32: 0>} : vector<16xi32>
    %mul3A_872 = arith.constant 1152 : i32
    %mul3A_873 = arith.muli %arg1, %mul3A_872 : i32
    %add3A_874 = vector.broadcast %mul3A_873 : i32 to vector<16xi32>
    %add3A_875 = arith.addi %iota3A_871, %add3A_874 : vector<16xi32>
    %add3A_876 = arith.constant 1072 : i32
    %add3A_877 = vector.broadcast %add3A_876 : i32 to vector<16xi32>
    %add3A_878 = arith.addi %add3A_875, %add3A_877 : vector<16xi32>
    %and3A_879 = arith.constant 8191 : i32
    %and3A_880 = vector.broadcast %and3A_879 : i32 to vector<16xi32>
    %and3A_881 = arith.andi %add3A_878, %and3A_880 : vector<16xi32>
    %swap3A_882 = arith.constant 1072 : index
    %swap3A_883 = tpu.vector_load %arg9[%swap3A_882] {strides = array<i32>} : memref<1152xi32, #tpu.memory_space<vmem>>, vector<16xi32>,
    tpu.vector_store %arg9[%swap3A_882], %and3A_881 {strides = array<i32>} : memref<1152xi32, #tpu.memory_space<vmem>>, vector<16xi32>,
    %iota3A_884 = tpu.iota {dimensions = array<i32: 0>} : vector<16xi32>
    %mul3A_885 = arith.constant 1152 : i32
    %mul3A_886 = arith.muli %arg1, %mul3A_885 : i32
    %add3A_887 = vector.broadcast %mul3A_886 : i32 to vector<16xi32>
    %add3A_888 = arith.addi %iota3A_884, %add3A_887 : vector<16xi32>
    %add3A_889 = arith.constant 1088 : i32
    %add3A_890 = vector.broadcast %add3A_889 : i32 to vector<16xi32>
    %add3A_891 = arith.addi %add3A_888, %add3A_890 : vector<16xi32>
    %and3A_892 = arith.constant 8191 : i32
    %and3A_893 = vector.broadcast %and3A_892 : i32 to vector<16xi32>
    %and3A_894 = arith.andi %add3A_891, %and3A_893 : vector<16xi32>
    %swap3A_895 = arith.constant 1088 : index
    %swap3A_896 = tpu.vector_load %arg9[%swap3A_895] {strides = array<i32>} : memref<1152xi32, #tpu.memory_space<vmem>>, vector<16xi32>,
    tpu.vector_store %arg9[%swap3A_895], %and3A_894 {strides = array<i32>} : memref<1152xi32, #tpu.memory_space<vmem>>, vector<16xi32>,
    %iota3A_897 = tpu.iota {dimensions = array<i32: 0>} : vector<16xi32>
    %mul3A_898 = arith.constant 1152 : i32
    %mul3A_899 = arith.muli %arg1, %mul3A_898 : i32
    %add3A_900 = vector.broadcast %mul3A_899 : i32 to vector<16xi32>
    %add3A_901 = arith.addi %iota3A_897, %add3A_900 : vector<16xi32>
    %add3A_902 = arith.constant 1104 : i32
    %add3A_903 = vector.broadcast %add3A_902 : i32 to vector<16xi32>
    %add3A_904 = arith.addi %add3A_901, %add3A_903 : vector<16xi32>
    %and3A_905 = arith.constant 8191 : i32
    %and3A_906 = vector.broadcast %and3A_905 : i32 to vector<16xi32>
    %and3A_907 = arith.andi %add3A_904, %and3A_906 : vector<16xi32>
    %swap3A_908 = arith.constant 1104 : index
    %swap3A_909 = tpu.vector_load %arg9[%swap3A_908] {strides = array<i32>} : memref<1152xi32, #tpu.memory_space<vmem>>, vector<16xi32>,
    tpu.vector_store %arg9[%swap3A_908], %and3A_907 {strides = array<i32>} : memref<1152xi32, #tpu.memory_space<vmem>>, vector<16xi32>,
    %iota3A_910 = tpu.iota {dimensions = array<i32: 0>} : vector<16xi32>
    %mul3A_911 = arith.constant 1152 : i32
    %mul3A_912 = arith.muli %arg1, %mul3A_911 : i32
    %add3A_913 = vector.broadcast %mul3A_912 : i32 to vector<16xi32>
    %add3A_914 = arith.addi %iota3A_910, %add3A_913 : vector<16xi32>
    %add3A_915 = arith.constant 1120 : i32
    %add3A_916 = vector.broadcast %add3A_915 : i32 to vector<16xi32>
    %add3A_917 = arith.addi %add3A_914, %add3A_916 : vector<16xi32>
    %and3A_918 = arith.constant 8191 : i32
    %and3A_919 = vector.broadcast %and3A_918 : i32 to vector<16xi32>
    %and3A_920 = arith.andi %add3A_917, %and3A_919 : vector<16xi32>
    %swap3A_921 = arith.constant 1120 : index
    %swap3A_922 = tpu.vector_load %arg9[%swap3A_921] {strides = array<i32>} : memref<1152xi32, #tpu.memory_space<vmem>>, vector<16xi32>,
    tpu.vector_store %arg9[%swap3A_921], %and3A_920 {strides = array<i32>} : memref<1152xi32, #tpu.memory_space<vmem>>, vector<16xi32>,
    %iota3A_923 = tpu.iota {dimensions = array<i32: 0>} : vector<16xi32>
    %mul3A_924 = arith.constant 1152 : i32
    %mul3A_925 = arith.muli %arg1, %mul3A_924 : i32
    %add3A_926 = vector.broadcast %mul3A_925 : i32 to vector<16xi32>
    %add3A_927 = arith.addi %iota3A_923, %add3A_926 : vector<16xi32>
    %add3A_928 = arith.constant 1136 : i32
    %add3A_929 = vector.broadcast %add3A_928 : i32 to vector<16xi32>
    %add3A_930 = arith.addi %add3A_927, %add3A_929 : vector<16xi32>
    %and3A_931 = arith.constant 8191 : i32
    %and3A_932 = vector.broadcast %and3A_931 : i32 to vector<16xi32>
    %and3A_933 = arith.andi %add3A_930, %and3A_932 : vector<16xi32>
    %swap3A_934 = arith.constant 1136 : index
    %swap3A_935 = tpu.vector_load %arg9[%swap3A_934] {strides = array<i32>} : memref<1152xi32, #tpu.memory_space<vmem>>, vector<16xi32>,
    tpu.vector_store %arg9[%swap3A_934], %and3A_933 {strides = array<i32>} : memref<1152xi32, #tpu.memory_space<vmem>>, vector<16xi32>,
    %mul3A_936 = arith.constant 1152 : i32
    %mul3A_937 = arith.muli %arg1, %mul3A_936 : i32
    "tpu.region"() ({
      %run_scoped3A = tpu.sem_alloc : memref<!tpu.dma_semaphore, #tpu.memory_space<semaphore_mem>>
      %dma_start3A_1884 = tpu.memref_slice %arg7[%mul3A_937] : memref<18432xi32, #tpu.memory_space<vmem_shared>> -> memref<1152xi32, #tpu.memory_space<vmem_shared>>
      %dma_start3A_1885 = tpu.memref_slice %arg7[%mul3A_937] : memref<18432xi32, #tpu.memory_space<vmem_shared>> -> memref<1152xi32, #tpu.memory_space<vmem_shared>>
      tpu.enqueue_dma source(%arg9 : memref<1152xi32, #tpu.memory_space<vmem>>) target(%dma_start3A_1885 : memref<1152xi32, #tpu.memory_space<vmem_shared>>) target_semaphore(%run_scoped3A : memref<!tpu.dma_semaphore, #tpu.memory_space<semaphore_mem>>)
      %dma_wait3A_1886 = tpu.memref_slice %arg7[%mul3A_937] : memref<18432xi32, #tpu.memory_space<vmem_shared>> -> memref<1152xi32, #tpu.memory_space<vmem_shared>>
      %dma_wait3A_1887 = tpu.memref_slice %arg7[%mul3A_937] : memref<18432xi32, #tpu.memory_space<vmem_shared>> -> memref<1152xi32, #tpu.memory_space<vmem_shared>>
      tpu.wait_dma2 semaphore(%run_scoped3A : memref<!tpu.dma_semaphore, #tpu.memory_space<semaphore_mem>>) src(%arg9 : memref<1152xi32, #tpu.memory_space<vmem>>) dst(%dma_wait3A_1887 : memref<1152xi32, #tpu.memory_space<vmem_shared>>)
      tpu.yield
    }) : () -> ()
    %barrier3A = arith.constant 0 : index
    tpu.barrier barrier_id(%barrier3A)
    %iota3A_938 = tpu.iota {dimensions = array<i32: 0>} : vector<16xi32>
    %add3A_939 = vector.broadcast %mul3A_2 : i32 to vector<16xi32>
    %add3A_940 = arith.addi %iota3A_938, %add3A_939 : vector<16xi32>
    %add3A_941 = arith.constant 0 : i32
    %add3A_942 = vector.broadcast %add3A_941 : i32 to vector<16xi32>
    %add3A_943 = arith.addi %add3A_940, %add3A_942 : vector<16xi32>
    %and3A_944 = arith.constant 8191 : i32
    %and3A_945 = vector.broadcast %and3A_944 : i32 to vector<16xi32>
    %and3A_946 = arith.andi %add3A_943, %and3A_945 : vector<16xi32>
    %swap3A_947 = arith.constant 0 : index
    %swap3A_948 = tpu.vector_load %arg9[%swap3A_947] {strides = array<i32>} : memref<1152xi32, #tpu.memory_space<vmem>>, vector<16xi32>,
    tpu.vector_store %arg9[%swap3A_947], %and3A_946 {strides = array<i32>} : memref<1152xi32, #tpu.memory_space<vmem>>, vector<16xi32>,
    %iota3A_949 = tpu.iota {dimensions = array<i32: 0>} : vector<16xi32>
    %add3A_950 = vector.broadcast %mul3A_2 : i32 to vector<16xi32>
    %add3A_951 = arith.addi %iota3A_949, %add3A_950 : vector<16xi32>
    %add3A_952 = arith.constant 16 : i32
    %add3A_953 = vector.broadcast %add3A_952 : i32 to vector<16xi32>
    %add3A_954 = arith.addi %add3A_951, %add3A_953 : vector<16xi32>
    %and3A_955 = arith.constant 8191 : i32
    %and3A_956 = vector.broadcast %and3A_955 : i32 to vector<16xi32>
    %and3A_957 = arith.andi %add3A_954, %and3A_956 : vector<16xi32>
    %swap3A_958 = arith.constant 16 : index
    %swap3A_959 = tpu.vector_load %arg9[%swap3A_958] {strides = array<i32>} : memref<1152xi32, #tpu.memory_space<vmem>>, vector<16xi32>,
    tpu.vector_store %arg9[%swap3A_958], %and3A_957 {strides = array<i32>} : memref<1152xi32, #tpu.memory_space<vmem>>, vector<16xi32>,
    %iota3A_960 = tpu.iota {dimensions = array<i32: 0>} : vector<16xi32>
    %add3A_961 = vector.broadcast %mul3A_2 : i32 to vector<16xi32>
    %add3A_962 = arith.addi %iota3A_960, %add3A_961 : vector<16xi32>
    %add3A_963 = arith.constant 32 : i32
    %add3A_964 = vector.broadcast %add3A_963 : i32 to vector<16xi32>
    %add3A_965 = arith.addi %add3A_962, %add3A_964 : vector<16xi32>
    %and3A_966 = arith.constant 8191 : i32
    %and3A_967 = vector.broadcast %and3A_966 : i32 to vector<16xi32>
    %and3A_968 = arith.andi %add3A_965, %and3A_967 : vector<16xi32>
    %swap3A_969 = arith.constant 32 : index
    %swap3A_970 = tpu.vector_load %arg9[%swap3A_969] {strides = array<i32>} : memref<1152xi32, #tpu.memory_space<vmem>>, vector<16xi32>,
    tpu.vector_store %arg9[%swap3A_969], %and3A_968 {strides = array<i32>} : memref<1152xi32, #tpu.memory_space<vmem>>, vector<16xi32>,
    %iota3A_971 = tpu.iota {dimensions = array<i32: 0>} : vector<16xi32>
    %add3A_972 = vector.broadcast %mul3A_2 : i32 to vector<16xi32>
    %add3A_973 = arith.addi %iota3A_971, %add3A_972 : vector<16xi32>
    %add3A_974 = arith.constant 48 : i32
    %add3A_975 = vector.broadcast %add3A_974 : i32 to vector<16xi32>
    %add3A_976 = arith.addi %add3A_973, %add3A_975 : vector<16xi32>
    %and3A_977 = arith.constant 8191 : i32
    %and3A_978 = vector.broadcast %and3A_977 : i32 to vector<16xi32>
    %and3A_979 = arith.andi %add3A_976, %and3A_978 : vector<16xi32>
    %swap3A_980 = arith.constant 48 : index
    %swap3A_981 = tpu.vector_load %arg9[%swap3A_980] {strides = array<i32>} : memref<1152xi32, #tpu.memory_space<vmem>>, vector<16xi32>,
    tpu.vector_store %arg9[%swap3A_980], %and3A_979 {strides = array<i32>} : memref<1152xi32, #tpu.memory_space<vmem>>, vector<16xi32>,
    %iota3A_982 = tpu.iota {dimensions = array<i32: 0>} : vector<16xi32>
    %add3A_983 = vector.broadcast %mul3A_2 : i32 to vector<16xi32>
    %add3A_984 = arith.addi %iota3A_982, %add3A_983 : vector<16xi32>
    %add3A_985 = arith.constant 64 : i32
    %add3A_986 = vector.broadcast %add3A_985 : i32 to vector<16xi32>
    %add3A_987 = arith.addi %add3A_984, %add3A_986 : vector<16xi32>
    %and3A_988 = arith.constant 8191 : i32
    %and3A_989 = vector.broadcast %and3A_988 : i32 to vector<16xi32>
    %and3A_990 = arith.andi %add3A_987, %and3A_989 : vector<16xi32>
    %swap3A_991 = arith.constant 64 : index
    %swap3A_992 = tpu.vector_load %arg9[%swap3A_991] {strides = array<i32>} : memref<1152xi32, #tpu.memory_space<vmem>>, vector<16xi32>,
    tpu.vector_store %arg9[%swap3A_991], %and3A_990 {strides = array<i32>} : memref<1152xi32, #tpu.memory_space<vmem>>, vector<16xi32>,
    %iota3A_993 = tpu.iota {dimensions = array<i32: 0>} : vector<16xi32>
    %add3A_994 = vector.broadcast %mul3A_2 : i32 to vector<16xi32>
    %add3A_995 = arith.addi %iota3A_993, %add3A_994 : vector<16xi32>
    %add3A_996 = arith.constant 80 : i32
    %add3A_997 = vector.broadcast %add3A_996 : i32 to vector<16xi32>
    %add3A_998 = arith.addi %add3A_995, %add3A_997 : vector<16xi32>
    %and3A_999 = arith.constant 8191 : i32
    %and3A_1000 = vector.broadcast %and3A_999 : i32 to vector<16xi32>
    %and3A_1001 = arith.andi %add3A_998, %and3A_1000 : vector<16xi32>
    %swap3A_1002 = arith.constant 80 : index
    %swap3A_1003 = tpu.vector_load %arg9[%swap3A_1002] {strides = array<i32>} : memref<1152xi32, #tpu.memory_space<vmem>>, vector<16xi32>,
    tpu.vector_store %arg9[%swap3A_1002], %and3A_1001 {strides = array<i32>} : memref<1152xi32, #tpu.memory_space<vmem>>, vector<16xi32>,
    %iota3A_1004 = tpu.iota {dimensions = array<i32: 0>} : vector<16xi32>
    %add3A_1005 = vector.broadcast %mul3A_2 : i32 to vector<16xi32>
    %add3A_1006 = arith.addi %iota3A_1004, %add3A_1005 : vector<16xi32>
    %add3A_1007 = arith.constant 96 : i32
    %add3A_1008 = vector.broadcast %add3A_1007 : i32 to vector<16xi32>
    %add3A_1009 = arith.addi %add3A_1006, %add3A_1008 : vector<16xi32>
    %and3A_1010 = arith.constant 8191 : i32
    %and3A_1011 = vector.broadcast %and3A_1010 : i32 to vector<16xi32>
    %and3A_1012 = arith.andi %add3A_1009, %and3A_1011 : vector<16xi32>
    %swap3A_1013 = arith.constant 96 : index
    %swap3A_1014 = tpu.vector_load %arg9[%swap3A_1013] {strides = array<i32>} : memref<1152xi32, #tpu.memory_space<vmem>>, vector<16xi32>,
    tpu.vector_store %arg9[%swap3A_1013], %and3A_1012 {strides = array<i32>} : memref<1152xi32, #tpu.memory_space<vmem>>, vector<16xi32>,
    %iota3A_1015 = tpu.iota {dimensions = array<i32: 0>} : vector<16xi32>
    %add3A_1016 = vector.broadcast %mul3A_2 : i32 to vector<16xi32>
    %add3A_1017 = arith.addi %iota3A_1015, %add3A_1016 : vector<16xi32>
    %add3A_1018 = arith.constant 112 : i32
    %add3A_1019 = vector.broadcast %add3A_1018 : i32 to vector<16xi32>
    %add3A_1020 = arith.addi %add3A_1017, %add3A_1019 : vector<16xi32>
    %and3A_1021 = arith.constant 8191 : i32
    %and3A_1022 = vector.broadcast %and3A_1021 : i32 to vector<16xi32>
    %and3A_1023 = arith.andi %add3A_1020, %and3A_1022 : vector<16xi32>
    %swap3A_1024 = arith.constant 112 : index
    %swap3A_1025 = tpu.vector_load %arg9[%swap3A_1024] {strides = array<i32>} : memref<1152xi32, #tpu.memory_space<vmem>>, vector<16xi32>,
    tpu.vector_store %arg9[%swap3A_1024], %and3A_1023 {strides = array<i32>} : memref<1152xi32, #tpu.memory_space<vmem>>, vector<16xi32>,
    %iota3A_1026 = tpu.iota {dimensions = array<i32: 0>} : vector<16xi32>
    %add3A_1027 = vector.broadcast %mul3A_2 : i32 to vector<16xi32>
    %add3A_1028 = arith.addi %iota3A_1026, %add3A_1027 : vector<16xi32>
    %add3A_1029 = arith.constant 128 : i32
    %add3A_1030 = vector.broadcast %add3A_1029 : i32 to vector<16xi32>
    %add3A_1031 = arith.addi %add3A_1028, %add3A_1030 : vector<16xi32>
    %and3A_1032 = arith.constant 8191 : i32
    %and3A_1033 = vector.broadcast %and3A_1032 : i32 to vector<16xi32>
    %and3A_1034 = arith.andi %add3A_1031, %and3A_1033 : vector<16xi32>
    %swap3A_1035 = arith.constant 128 : index
    %swap3A_1036 = tpu.vector_load %arg9[%swap3A_1035] {strides = array<i32>} : memref<1152xi32, #tpu.memory_space<vmem>>, vector<16xi32>,
    tpu.vector_store %arg9[%swap3A_1035], %and3A_1034 {strides = array<i32>} : memref<1152xi32, #tpu.memory_space<vmem>>, vector<16xi32>,
    %iota3A_1037 = tpu.iota {dimensions = array<i32: 0>} : vector<16xi32>
    %add3A_1038 = vector.broadcast %mul3A_2 : i32 to vector<16xi32>
    %add3A_1039 = arith.addi %iota3A_1037, %add3A_1038 : vector<16xi32>
    %add3A_1040 = arith.constant 144 : i32
    %add3A_1041 = vector.broadcast %add3A_1040 : i32 to vector<16xi32>
    %add3A_1042 = arith.addi %add3A_1039, %add3A_1041 : vector<16xi32>
    %and3A_1043 = arith.constant 8191 : i32
    %and3A_1044 = vector.broadcast %and3A_1043 : i32 to vector<16xi32>
    %and3A_1045 = arith.andi %add3A_1042, %and3A_1044 : vector<16xi32>
    %swap3A_1046 = arith.constant 144 : index
    %swap3A_1047 = tpu.vector_load %arg9[%swap3A_1046] {strides = array<i32>} : memref<1152xi32, #tpu.memory_space<vmem>>, vector<16xi32>,
    tpu.vector_store %arg9[%swap3A_1046], %and3A_1045 {strides = array<i32>} : memref<1152xi32, #tpu.memory_space<vmem>>, vector<16xi32>,
    %iota3A_1048 = tpu.iota {dimensions = array<i32: 0>} : vector<16xi32>
    %add3A_1049 = vector.broadcast %mul3A_2 : i32 to vector<16xi32>
    %add3A_1050 = arith.addi %iota3A_1048, %add3A_1049 : vector<16xi32>
    %add3A_1051 = arith.constant 160 : i32
    %add3A_1052 = vector.broadcast %add3A_1051 : i32 to vector<16xi32>
    %add3A_1053 = arith.addi %add3A_1050, %add3A_1052 : vector<16xi32>
    %and3A_1054 = arith.constant 8191 : i32
    %and3A_1055 = vector.broadcast %and3A_1054 : i32 to vector<16xi32>
    %and3A_1056 = arith.andi %add3A_1053, %and3A_1055 : vector<16xi32>
    %swap3A_1057 = arith.constant 160 : index
    %swap3A_1058 = tpu.vector_load %arg9[%swap3A_1057] {strides = array<i32>} : memref<1152xi32, #tpu.memory_space<vmem>>, vector<16xi32>,
    tpu.vector_store %arg9[%swap3A_1057], %and3A_1056 {strides = array<i32>} : memref<1152xi32, #tpu.memory_space<vmem>>, vector<16xi32>,
    %iota3A_1059 = tpu.iota {dimensions = array<i32: 0>} : vector<16xi32>
    %add3A_1060 = vector.broadcast %mul3A_2 : i32 to vector<16xi32>
    %add3A_1061 = arith.addi %iota3A_1059, %add3A_1060 : vector<16xi32>
    %add3A_1062 = arith.constant 176 : i32
    %add3A_1063 = vector.broadcast %add3A_1062 : i32 to vector<16xi32>
    %add3A_1064 = arith.addi %add3A_1061, %add3A_1063 : vector<16xi32>
    %and3A_1065 = arith.constant 8191 : i32
    %and3A_1066 = vector.broadcast %and3A_1065 : i32 to vector<16xi32>
    %and3A_1067 = arith.andi %add3A_1064, %and3A_1066 : vector<16xi32>
    %swap3A_1068 = arith.constant 176 : index
    %swap3A_1069 = tpu.vector_load %arg9[%swap3A_1068] {strides = array<i32>} : memref<1152xi32, #tpu.memory_space<vmem>>, vector<16xi32>,
    tpu.vector_store %arg9[%swap3A_1068], %and3A_1067 {strides = array<i32>} : memref<1152xi32, #tpu.memory_space<vmem>>, vector<16xi32>,
    %iota3A_1070 = tpu.iota {dimensions = array<i32: 0>} : vector<16xi32>
    %add3A_1071 = vector.broadcast %mul3A_2 : i32 to vector<16xi32>
    %add3A_1072 = arith.addi %iota3A_1070, %add3A_1071 : vector<16xi32>
    %add3A_1073 = arith.constant 192 : i32
    %add3A_1074 = vector.broadcast %add3A_1073 : i32 to vector<16xi32>
    %add3A_1075 = arith.addi %add3A_1072, %add3A_1074 : vector<16xi32>
    %and3A_1076 = arith.constant 8191 : i32
    %and3A_1077 = vector.broadcast %and3A_1076 : i32 to vector<16xi32>
    %and3A_1078 = arith.andi %add3A_1075, %and3A_1077 : vector<16xi32>
    %swap3A_1079 = arith.constant 192 : index
    %swap3A_1080 = tpu.vector_load %arg9[%swap3A_1079] {strides = array<i32>} : memref<1152xi32, #tpu.memory_space<vmem>>, vector<16xi32>,
    tpu.vector_store %arg9[%swap3A_1079], %and3A_1078 {strides = array<i32>} : memref<1152xi32, #tpu.memory_space<vmem>>, vector<16xi32>,
    %iota3A_1081 = tpu.iota {dimensions = array<i32: 0>} : vector<16xi32>
    %add3A_1082 = vector.broadcast %mul3A_2 : i32 to vector<16xi32>
    %add3A_1083 = arith.addi %iota3A_1081, %add3A_1082 : vector<16xi32>
    %add3A_1084 = arith.constant 208 : i32
    %add3A_1085 = vector.broadcast %add3A_1084 : i32 to vector<16xi32>
    %add3A_1086 = arith.addi %add3A_1083, %add3A_1085 : vector<16xi32>
    %and3A_1087 = arith.constant 8191 : i32
    %and3A_1088 = vector.broadcast %and3A_1087 : i32 to vector<16xi32>
    %and3A_1089 = arith.andi %add3A_1086, %and3A_1088 : vector<16xi32>
    %swap3A_1090 = arith.constant 208 : index
    %swap3A_1091 = tpu.vector_load %arg9[%swap3A_1090] {strides = array<i32>} : memref<1152xi32, #tpu.memory_space<vmem>>, vector<16xi32>,
    tpu.vector_store %arg9[%swap3A_1090], %and3A_1089 {strides = array<i32>} : memref<1152xi32, #tpu.memory_space<vmem>>, vector<16xi32>,
    %iota3A_1092 = tpu.iota {dimensions = array<i32: 0>} : vector<16xi32>
    %add3A_1093 = vector.broadcast %mul3A_2 : i32 to vector<16xi32>
    %add3A_1094 = arith.addi %iota3A_1092, %add3A_1093 : vector<16xi32>
    %add3A_1095 = arith.constant 224 : i32
    %add3A_1096 = vector.broadcast %add3A_1095 : i32 to vector<16xi32>
    %add3A_1097 = arith.addi %add3A_1094, %add3A_1096 : vector<16xi32>
    %and3A_1098 = arith.constant 8191 : i32
    %and3A_1099 = vector.broadcast %and3A_1098 : i32 to vector<16xi32>
    %and3A_1100 = arith.andi %add3A_1097, %and3A_1099 : vector<16xi32>
    %swap3A_1101 = arith.constant 224 : index
    %swap3A_1102 = tpu.vector_load %arg9[%swap3A_1101] {strides = array<i32>} : memref<1152xi32, #tpu.memory_space<vmem>>, vector<16xi32>,
    tpu.vector_store %arg9[%swap3A_1101], %and3A_1100 {strides = array<i32>} : memref<1152xi32, #tpu.memory_space<vmem>>, vector<16xi32>,
    %iota3A_1103 = tpu.iota {dimensions = array<i32: 0>} : vector<16xi32>
    %add3A_1104 = vector.broadcast %mul3A_2 : i32 to vector<16xi32>
    %add3A_1105 = arith.addi %iota3A_1103, %add3A_1104 : vector<16xi32>
    %add3A_1106 = arith.constant 240 : i32
    %add3A_1107 = vector.broadcast %add3A_1106 : i32 to vector<16xi32>
    %add3A_1108 = arith.addi %add3A_1105, %add3A_1107 : vector<16xi32>
    %and3A_1109 = arith.constant 8191 : i32
    %and3A_1110 = vector.broadcast %and3A_1109 : i32 to vector<16xi32>
    %and3A_1111 = arith.andi %add3A_1108, %and3A_1110 : vector<16xi32>
    %swap3A_1112 = arith.constant 240 : index
    %swap3A_1113 = tpu.vector_load %arg9[%swap3A_1112] {strides = array<i32>} : memref<1152xi32, #tpu.memory_space<vmem>>, vector<16xi32>,
    tpu.vector_store %arg9[%swap3A_1112], %and3A_1111 {strides = array<i32>} : memref<1152xi32, #tpu.memory_space<vmem>>, vector<16xi32>,
    %iota3A_1114 = tpu.iota {dimensions = array<i32: 0>} : vector<16xi32>
    %add3A_1115 = vector.broadcast %mul3A_2 : i32 to vector<16xi32>
    %add3A_1116 = arith.addi %iota3A_1114, %add3A_1115 : vector<16xi32>
    %add3A_1117 = arith.constant 256 : i32
    %add3A_1118 = vector.broadcast %add3A_1117 : i32 to vector<16xi32>
    %add3A_1119 = arith.addi %add3A_1116, %add3A_1118 : vector<16xi32>
    %and3A_1120 = arith.constant 8191 : i32
    %and3A_1121 = vector.broadcast %and3A_1120 : i32 to vector<16xi32>
    %and3A_1122 = arith.andi %add3A_1119, %and3A_1121 : vector<16xi32>
    %swap3A_1123 = arith.constant 256 : index
    %swap3A_1124 = tpu.vector_load %arg9[%swap3A_1123] {strides = array<i32>} : memref<1152xi32, #tpu.memory_space<vmem>>, vector<16xi32>,
    tpu.vector_store %arg9[%swap3A_1123], %and3A_1122 {strides = array<i32>} : memref<1152xi32, #tpu.memory_space<vmem>>, vector<16xi32>,
    %iota3A_1125 = tpu.iota {dimensions = array<i32: 0>} : vector<16xi32>
    %add3A_1126 = vector.broadcast %mul3A_2 : i32 to vector<16xi32>
    %add3A_1127 = arith.addi %iota3A_1125, %add3A_1126 : vector<16xi32>
    %add3A_1128 = arith.constant 272 : i32
    %add3A_1129 = vector.broadcast %add3A_1128 : i32 to vector<16xi32>
    %add3A_1130 = arith.addi %add3A_1127, %add3A_1129 : vector<16xi32>
    %and3A_1131 = arith.constant 8191 : i32
    %and3A_1132 = vector.broadcast %and3A_1131 : i32 to vector<16xi32>
    %and3A_1133 = arith.andi %add3A_1130, %and3A_1132 : vector<16xi32>
    %swap3A_1134 = arith.constant 272 : index
    %swap3A_1135 = tpu.vector_load %arg9[%swap3A_1134] {strides = array<i32>} : memref<1152xi32, #tpu.memory_space<vmem>>, vector<16xi32>,
    tpu.vector_store %arg9[%swap3A_1134], %and3A_1133 {strides = array<i32>} : memref<1152xi32, #tpu.memory_space<vmem>>, vector<16xi32>,
    %iota3A_1136 = tpu.iota {dimensions = array<i32: 0>} : vector<16xi32>
    %add3A_1137 = vector.broadcast %mul3A_2 : i32 to vector<16xi32>
    %add3A_1138 = arith.addi %iota3A_1136, %add3A_1137 : vector<16xi32>
    %add3A_1139 = arith.constant 288 : i32
    %add3A_1140 = vector.broadcast %add3A_1139 : i32 to vector<16xi32>
    %add3A_1141 = arith.addi %add3A_1138, %add3A_1140 : vector<16xi32>
    %and3A_1142 = arith.constant 8191 : i32
    %and3A_1143 = vector.broadcast %and3A_1142 : i32 to vector<16xi32>
    %and3A_1144 = arith.andi %add3A_1141, %and3A_1143 : vector<16xi32>
    %swap3A_1145 = arith.constant 288 : index
    %swap3A_1146 = tpu.vector_load %arg9[%swap3A_1145] {strides = array<i32>} : memref<1152xi32, #tpu.memory_space<vmem>>, vector<16xi32>,
    tpu.vector_store %arg9[%swap3A_1145], %and3A_1144 {strides = array<i32>} : memref<1152xi32, #tpu.memory_space<vmem>>, vector<16xi32>,
    %iota3A_1147 = tpu.iota {dimensions = array<i32: 0>} : vector<16xi32>
    %add3A_1148 = vector.broadcast %mul3A_2 : i32 to vector<16xi32>
    %add3A_1149 = arith.addi %iota3A_1147, %add3A_1148 : vector<16xi32>
    %add3A_1150 = arith.constant 304 : i32
    %add3A_1151 = vector.broadcast %add3A_1150 : i32 to vector<16xi32>
    %add3A_1152 = arith.addi %add3A_1149, %add3A_1151 : vector<16xi32>
    %and3A_1153 = arith.constant 8191 : i32
    %and3A_1154 = vector.broadcast %and3A_1153 : i32 to vector<16xi32>
    %and3A_1155 = arith.andi %add3A_1152, %and3A_1154 : vector<16xi32>
    %swap3A_1156 = arith.constant 304 : index
    %swap3A_1157 = tpu.vector_load %arg9[%swap3A_1156] {strides = array<i32>} : memref<1152xi32, #tpu.memory_space<vmem>>, vector<16xi32>,
    tpu.vector_store %arg9[%swap3A_1156], %and3A_1155 {strides = array<i32>} : memref<1152xi32, #tpu.memory_space<vmem>>, vector<16xi32>,
    %iota3A_1158 = tpu.iota {dimensions = array<i32: 0>} : vector<16xi32>
    %add3A_1159 = vector.broadcast %mul3A_2 : i32 to vector<16xi32>
    %add3A_1160 = arith.addi %iota3A_1158, %add3A_1159 : vector<16xi32>
    %add3A_1161 = arith.constant 320 : i32
    %add3A_1162 = vector.broadcast %add3A_1161 : i32 to vector<16xi32>
    %add3A_1163 = arith.addi %add3A_1160, %add3A_1162 : vector<16xi32>
    %and3A_1164 = arith.constant 8191 : i32
    %and3A_1165 = vector.broadcast %and3A_1164 : i32 to vector<16xi32>
    %and3A_1166 = arith.andi %add3A_1163, %and3A_1165 : vector<16xi32>
    %swap3A_1167 = arith.constant 320 : index
    %swap3A_1168 = tpu.vector_load %arg9[%swap3A_1167] {strides = array<i32>} : memref<1152xi32, #tpu.memory_space<vmem>>, vector<16xi32>,
    tpu.vector_store %arg9[%swap3A_1167], %and3A_1166 {strides = array<i32>} : memref<1152xi32, #tpu.memory_space<vmem>>, vector<16xi32>,
    %iota3A_1169 = tpu.iota {dimensions = array<i32: 0>} : vector<16xi32>
    %add3A_1170 = vector.broadcast %mul3A_2 : i32 to vector<16xi32>
    %add3A_1171 = arith.addi %iota3A_1169, %add3A_1170 : vector<16xi32>
    %add3A_1172 = arith.constant 336 : i32
    %add3A_1173 = vector.broadcast %add3A_1172 : i32 to vector<16xi32>
    %add3A_1174 = arith.addi %add3A_1171, %add3A_1173 : vector<16xi32>
    %and3A_1175 = arith.constant 8191 : i32
    %and3A_1176 = vector.broadcast %and3A_1175 : i32 to vector<16xi32>
    %and3A_1177 = arith.andi %add3A_1174, %and3A_1176 : vector<16xi32>
    %swap3A_1178 = arith.constant 336 : index
    %swap3A_1179 = tpu.vector_load %arg9[%swap3A_1178] {strides = array<i32>} : memref<1152xi32, #tpu.memory_space<vmem>>, vector<16xi32>,
    tpu.vector_store %arg9[%swap3A_1178], %and3A_1177 {strides = array<i32>} : memref<1152xi32, #tpu.memory_space<vmem>>, vector<16xi32>,
    %iota3A_1180 = tpu.iota {dimensions = array<i32: 0>} : vector<16xi32>
    %add3A_1181 = vector.broadcast %mul3A_2 : i32 to vector<16xi32>
    %add3A_1182 = arith.addi %iota3A_1180, %add3A_1181 : vector<16xi32>
    %add3A_1183 = arith.constant 352 : i32
    %add3A_1184 = vector.broadcast %add3A_1183 : i32 to vector<16xi32>
    %add3A_1185 = arith.addi %add3A_1182, %add3A_1184 : vector<16xi32>
    %and3A_1186 = arith.constant 8191 : i32
    %and3A_1187 = vector.broadcast %and3A_1186 : i32 to vector<16xi32>
    %and3A_1188 = arith.andi %add3A_1185, %and3A_1187 : vector<16xi32>
    %swap3A_1189 = arith.constant 352 : index
    %swap3A_1190 = tpu.vector_load %arg9[%swap3A_1189] {strides = array<i32>} : memref<1152xi32, #tpu.memory_space<vmem>>, vector<16xi32>,
    tpu.vector_store %arg9[%swap3A_1189], %and3A_1188 {strides = array<i32>} : memref<1152xi32, #tpu.memory_space<vmem>>, vector<16xi32>,
    %iota3A_1191 = tpu.iota {dimensions = array<i32: 0>} : vector<16xi32>
    %add3A_1192 = vector.broadcast %mul3A_2 : i32 to vector<16xi32>
    %add3A_1193 = arith.addi %iota3A_1191, %add3A_1192 : vector<16xi32>
    %add3A_1194 = arith.constant 368 : i32
    %add3A_1195 = vector.broadcast %add3A_1194 : i32 to vector<16xi32>
    %add3A_1196 = arith.addi %add3A_1193, %add3A_1195 : vector<16xi32>
    %and3A_1197 = arith.constant 8191 : i32
    %and3A_1198 = vector.broadcast %and3A_1197 : i32 to vector<16xi32>
    %and3A_1199 = arith.andi %add3A_1196, %and3A_1198 : vector<16xi32>
    %swap3A_1200 = arith.constant 368 : index
    %swap3A_1201 = tpu.vector_load %arg9[%swap3A_1200] {strides = array<i32>} : memref<1152xi32, #tpu.memory_space<vmem>>, vector<16xi32>,
    tpu.vector_store %arg9[%swap3A_1200], %and3A_1199 {strides = array<i32>} : memref<1152xi32, #tpu.memory_space<vmem>>, vector<16xi32>,
    %iota3A_1202 = tpu.iota {dimensions = array<i32: 0>} : vector<16xi32>
    %add3A_1203 = vector.broadcast %mul3A_2 : i32 to vector<16xi32>
    %add3A_1204 = arith.addi %iota3A_1202, %add3A_1203 : vector<16xi32>
    %add3A_1205 = arith.constant 384 : i32
    %add3A_1206 = vector.broadcast %add3A_1205 : i32 to vector<16xi32>
    %add3A_1207 = arith.addi %add3A_1204, %add3A_1206 : vector<16xi32>
    %and3A_1208 = arith.constant 8191 : i32
    %and3A_1209 = vector.broadcast %and3A_1208 : i32 to vector<16xi32>
    %and3A_1210 = arith.andi %add3A_1207, %and3A_1209 : vector<16xi32>
    %swap3A_1211 = arith.constant 384 : index
    %swap3A_1212 = tpu.vector_load %arg9[%swap3A_1211] {strides = array<i32>} : memref<1152xi32, #tpu.memory_space<vmem>>, vector<16xi32>,
    tpu.vector_store %arg9[%swap3A_1211], %and3A_1210 {strides = array<i32>} : memref<1152xi32, #tpu.memory_space<vmem>>, vector<16xi32>,
    %iota3A_1213 = tpu.iota {dimensions = array<i32: 0>} : vector<16xi32>
    %add3A_1214 = vector.broadcast %mul3A_2 : i32 to vector<16xi32>
    %add3A_1215 = arith.addi %iota3A_1213, %add3A_1214 : vector<16xi32>
    %add3A_1216 = arith.constant 400 : i32
    %add3A_1217 = vector.broadcast %add3A_1216 : i32 to vector<16xi32>
    %add3A_1218 = arith.addi %add3A_1215, %add3A_1217 : vector<16xi32>
    %and3A_1219 = arith.constant 8191 : i32
    %and3A_1220 = vector.broadcast %and3A_1219 : i32 to vector<16xi32>
    %and3A_1221 = arith.andi %add3A_1218, %and3A_1220 : vector<16xi32>
    %swap3A_1222 = arith.constant 400 : index
    %swap3A_1223 = tpu.vector_load %arg9[%swap3A_1222] {strides = array<i32>} : memref<1152xi32, #tpu.memory_space<vmem>>, vector<16xi32>,
    tpu.vector_store %arg9[%swap3A_1222], %and3A_1221 {strides = array<i32>} : memref<1152xi32, #tpu.memory_space<vmem>>, vector<16xi32>,
    %iota3A_1224 = tpu.iota {dimensions = array<i32: 0>} : vector<16xi32>
    %add3A_1225 = vector.broadcast %mul3A_2 : i32 to vector<16xi32>
    %add3A_1226 = arith.addi %iota3A_1224, %add3A_1225 : vector<16xi32>
    %add3A_1227 = arith.constant 416 : i32
    %add3A_1228 = vector.broadcast %add3A_1227 : i32 to vector<16xi32>
    %add3A_1229 = arith.addi %add3A_1226, %add3A_1228 : vector<16xi32>
    %and3A_1230 = arith.constant 8191 : i32
    %and3A_1231 = vector.broadcast %and3A_1230 : i32 to vector<16xi32>
    %and3A_1232 = arith.andi %add3A_1229, %and3A_1231 : vector<16xi32>
    %swap3A_1233 = arith.constant 416 : index
    %swap3A_1234 = tpu.vector_load %arg9[%swap3A_1233] {strides = array<i32>} : memref<1152xi32, #tpu.memory_space<vmem>>, vector<16xi32>,
    tpu.vector_store %arg9[%swap3A_1233], %and3A_1232 {strides = array<i32>} : memref<1152xi32, #tpu.memory_space<vmem>>, vector<16xi32>,
    %iota3A_1235 = tpu.iota {dimensions = array<i32: 0>} : vector<16xi32>
    %add3A_1236 = vector.broadcast %mul3A_2 : i32 to vector<16xi32>
    %add3A_1237 = arith.addi %iota3A_1235, %add3A_1236 : vector<16xi32>
    %add3A_1238 = arith.constant 432 : i32
    %add3A_1239 = vector.broadcast %add3A_1238 : i32 to vector<16xi32>
    %add3A_1240 = arith.addi %add3A_1237, %add3A_1239 : vector<16xi32>
    %and3A_1241 = arith.constant 8191 : i32
    %and3A_1242 = vector.broadcast %and3A_1241 : i32 to vector<16xi32>
    %and3A_1243 = arith.andi %add3A_1240, %and3A_1242 : vector<16xi32>
    %swap3A_1244 = arith.constant 432 : index
    %swap3A_1245 = tpu.vector_load %arg9[%swap3A_1244] {strides = array<i32>} : memref<1152xi32, #tpu.memory_space<vmem>>, vector<16xi32>,
    tpu.vector_store %arg9[%swap3A_1244], %and3A_1243 {strides = array<i32>} : memref<1152xi32, #tpu.memory_space<vmem>>, vector<16xi32>,
    %iota3A_1246 = tpu.iota {dimensions = array<i32: 0>} : vector<16xi32>
    %add3A_1247 = vector.broadcast %mul3A_2 : i32 to vector<16xi32>
    %add3A_1248 = arith.addi %iota3A_1246, %add3A_1247 : vector<16xi32>
    %add3A_1249 = arith.constant 448 : i32
    %add3A_1250 = vector.broadcast %add3A_1249 : i32 to vector<16xi32>
    %add3A_1251 = arith.addi %add3A_1248, %add3A_1250 : vector<16xi32>
    %and3A_1252 = arith.constant 8191 : i32
    %and3A_1253 = vector.broadcast %and3A_1252 : i32 to vector<16xi32>
    %and3A_1254 = arith.andi %add3A_1251, %and3A_1253 : vector<16xi32>
    %swap3A_1255 = arith.constant 448 : index
    %swap3A_1256 = tpu.vector_load %arg9[%swap3A_1255] {strides = array<i32>} : memref<1152xi32, #tpu.memory_space<vmem>>, vector<16xi32>,
    tpu.vector_store %arg9[%swap3A_1255], %and3A_1254 {strides = array<i32>} : memref<1152xi32, #tpu.memory_space<vmem>>, vector<16xi32>,
    %iota3A_1257 = tpu.iota {dimensions = array<i32: 0>} : vector<16xi32>
    %add3A_1258 = vector.broadcast %mul3A_2 : i32 to vector<16xi32>
    %add3A_1259 = arith.addi %iota3A_1257, %add3A_1258 : vector<16xi32>
    %add3A_1260 = arith.constant 464 : i32
    %add3A_1261 = vector.broadcast %add3A_1260 : i32 to vector<16xi32>
    %add3A_1262 = arith.addi %add3A_1259, %add3A_1261 : vector<16xi32>
    %and3A_1263 = arith.constant 8191 : i32
    %and3A_1264 = vector.broadcast %and3A_1263 : i32 to vector<16xi32>
    %and3A_1265 = arith.andi %add3A_1262, %and3A_1264 : vector<16xi32>
    %swap3A_1266 = arith.constant 464 : index
    %swap3A_1267 = tpu.vector_load %arg9[%swap3A_1266] {strides = array<i32>} : memref<1152xi32, #tpu.memory_space<vmem>>, vector<16xi32>,
    tpu.vector_store %arg9[%swap3A_1266], %and3A_1265 {strides = array<i32>} : memref<1152xi32, #tpu.memory_space<vmem>>, vector<16xi32>,
    %iota3A_1268 = tpu.iota {dimensions = array<i32: 0>} : vector<16xi32>
    %add3A_1269 = vector.broadcast %mul3A_2 : i32 to vector<16xi32>
    %add3A_1270 = arith.addi %iota3A_1268, %add3A_1269 : vector<16xi32>
    %add3A_1271 = arith.constant 480 : i32
    %add3A_1272 = vector.broadcast %add3A_1271 : i32 to vector<16xi32>
    %add3A_1273 = arith.addi %add3A_1270, %add3A_1272 : vector<16xi32>
    %and3A_1274 = arith.constant 8191 : i32
    %and3A_1275 = vector.broadcast %and3A_1274 : i32 to vector<16xi32>
    %and3A_1276 = arith.andi %add3A_1273, %and3A_1275 : vector<16xi32>
    %swap3A_1277 = arith.constant 480 : index
    %swap3A_1278 = tpu.vector_load %arg9[%swap3A_1277] {strides = array<i32>} : memref<1152xi32, #tpu.memory_space<vmem>>, vector<16xi32>,
    tpu.vector_store %arg9[%swap3A_1277], %and3A_1276 {strides = array<i32>} : memref<1152xi32, #tpu.memory_space<vmem>>, vector<16xi32>,
    %iota3A_1279 = tpu.iota {dimensions = array<i32: 0>} : vector<16xi32>
    %add3A_1280 = vector.broadcast %mul3A_2 : i32 to vector<16xi32>
    %add3A_1281 = arith.addi %iota3A_1279, %add3A_1280 : vector<16xi32>
    %add3A_1282 = arith.constant 496 : i32
    %add3A_1283 = vector.broadcast %add3A_1282 : i32 to vector<16xi32>
    %add3A_1284 = arith.addi %add3A_1281, %add3A_1283 : vector<16xi32>
    %and3A_1285 = arith.constant 8191 : i32
    %and3A_1286 = vector.broadcast %and3A_1285 : i32 to vector<16xi32>
    %and3A_1287 = arith.andi %add3A_1284, %and3A_1286 : vector<16xi32>
    %swap3A_1288 = arith.constant 496 : index
    %swap3A_1289 = tpu.vector_load %arg9[%swap3A_1288] {strides = array<i32>} : memref<1152xi32, #tpu.memory_space<vmem>>, vector<16xi32>,
    tpu.vector_store %arg9[%swap3A_1288], %and3A_1287 {strides = array<i32>} : memref<1152xi32, #tpu.memory_space<vmem>>, vector<16xi32>,
    %iota3A_1290 = tpu.iota {dimensions = array<i32: 0>} : vector<16xi32>
    %add3A_1291 = vector.broadcast %mul3A_2 : i32 to vector<16xi32>
    %add3A_1292 = arith.addi %iota3A_1290, %add3A_1291 : vector<16xi32>
    %add3A_1293 = arith.constant 512 : i32
    %add3A_1294 = vector.broadcast %add3A_1293 : i32 to vector<16xi32>
    %add3A_1295 = arith.addi %add3A_1292, %add3A_1294 : vector<16xi32>
    %and3A_1296 = arith.constant 8191 : i32
    %and3A_1297 = vector.broadcast %and3A_1296 : i32 to vector<16xi32>
    %and3A_1298 = arith.andi %add3A_1295, %and3A_1297 : vector<16xi32>
    %swap3A_1299 = arith.constant 512 : index
    %swap3A_1300 = tpu.vector_load %arg9[%swap3A_1299] {strides = array<i32>} : memref<1152xi32, #tpu.memory_space<vmem>>, vector<16xi32>,
    tpu.vector_store %arg9[%swap3A_1299], %and3A_1298 {strides = array<i32>} : memref<1152xi32, #tpu.memory_space<vmem>>, vector<16xi32>,
    %iota3A_1301 = tpu.iota {dimensions = array<i32: 0>} : vector<16xi32>
    %add3A_1302 = vector.broadcast %mul3A_2 : i32 to vector<16xi32>
    %add3A_1303 = arith.addi %iota3A_1301, %add3A_1302 : vector<16xi32>
    %add3A_1304 = arith.constant 528 : i32
    %add3A_1305 = vector.broadcast %add3A_1304 : i32 to vector<16xi32>
    %add3A_1306 = arith.addi %add3A_1303, %add3A_1305 : vector<16xi32>
    %and3A_1307 = arith.constant 8191 : i32
    %and3A_1308 = vector.broadcast %and3A_1307 : i32 to vector<16xi32>
    %and3A_1309 = arith.andi %add3A_1306, %and3A_1308 : vector<16xi32>
    %swap3A_1310 = arith.constant 528 : index
    %swap3A_1311 = tpu.vector_load %arg9[%swap3A_1310] {strides = array<i32>} : memref<1152xi32, #tpu.memory_space<vmem>>, vector<16xi32>,
    tpu.vector_store %arg9[%swap3A_1310], %and3A_1309 {strides = array<i32>} : memref<1152xi32, #tpu.memory_space<vmem>>, vector<16xi32>,
    %iota3A_1312 = tpu.iota {dimensions = array<i32: 0>} : vector<16xi32>
    %add3A_1313 = vector.broadcast %mul3A_2 : i32 to vector<16xi32>
    %add3A_1314 = arith.addi %iota3A_1312, %add3A_1313 : vector<16xi32>
    %add3A_1315 = arith.constant 544 : i32
    %add3A_1316 = vector.broadcast %add3A_1315 : i32 to vector<16xi32>
    %add3A_1317 = arith.addi %add3A_1314, %add3A_1316 : vector<16xi32>
    %and3A_1318 = arith.constant 8191 : i32
    %and3A_1319 = vector.broadcast %and3A_1318 : i32 to vector<16xi32>
    %and3A_1320 = arith.andi %add3A_1317, %and3A_1319 : vector<16xi32>
    %swap3A_1321 = arith.constant 544 : index
    %swap3A_1322 = tpu.vector_load %arg9[%swap3A_1321] {strides = array<i32>} : memref<1152xi32, #tpu.memory_space<vmem>>, vector<16xi32>,
    tpu.vector_store %arg9[%swap3A_1321], %and3A_1320 {strides = array<i32>} : memref<1152xi32, #tpu.memory_space<vmem>>, vector<16xi32>,
    %iota3A_1323 = tpu.iota {dimensions = array<i32: 0>} : vector<16xi32>
    %add3A_1324 = vector.broadcast %mul3A_2 : i32 to vector<16xi32>
    %add3A_1325 = arith.addi %iota3A_1323, %add3A_1324 : vector<16xi32>
    %add3A_1326 = arith.constant 560 : i32
    %add3A_1327 = vector.broadcast %add3A_1326 : i32 to vector<16xi32>
    %add3A_1328 = arith.addi %add3A_1325, %add3A_1327 : vector<16xi32>
    %and3A_1329 = arith.constant 8191 : i32
    %and3A_1330 = vector.broadcast %and3A_1329 : i32 to vector<16xi32>
    %and3A_1331 = arith.andi %add3A_1328, %and3A_1330 : vector<16xi32>
    %swap3A_1332 = arith.constant 560 : index
    %swap3A_1333 = tpu.vector_load %arg9[%swap3A_1332] {strides = array<i32>} : memref<1152xi32, #tpu.memory_space<vmem>>, vector<16xi32>,
    tpu.vector_store %arg9[%swap3A_1332], %and3A_1331 {strides = array<i32>} : memref<1152xi32, #tpu.memory_space<vmem>>, vector<16xi32>,
    %iota3A_1334 = tpu.iota {dimensions = array<i32: 0>} : vector<16xi32>
    %add3A_1335 = vector.broadcast %mul3A_2 : i32 to vector<16xi32>
    %add3A_1336 = arith.addi %iota3A_1334, %add3A_1335 : vector<16xi32>
    %add3A_1337 = arith.constant 576 : i32
    %add3A_1338 = vector.broadcast %add3A_1337 : i32 to vector<16xi32>
    %add3A_1339 = arith.addi %add3A_1336, %add3A_1338 : vector<16xi32>
    %and3A_1340 = arith.constant 8191 : i32
    %and3A_1341 = vector.broadcast %and3A_1340 : i32 to vector<16xi32>
    %and3A_1342 = arith.andi %add3A_1339, %and3A_1341 : vector<16xi32>
    %swap3A_1343 = arith.constant 576 : index
    %swap3A_1344 = tpu.vector_load %arg9[%swap3A_1343] {strides = array<i32>} : memref<1152xi32, #tpu.memory_space<vmem>>, vector<16xi32>,
    tpu.vector_store %arg9[%swap3A_1343], %and3A_1342 {strides = array<i32>} : memref<1152xi32, #tpu.memory_space<vmem>>, vector<16xi32>,
    %iota3A_1345 = tpu.iota {dimensions = array<i32: 0>} : vector<16xi32>
    %add3A_1346 = vector.broadcast %mul3A_2 : i32 to vector<16xi32>
    %add3A_1347 = arith.addi %iota3A_1345, %add3A_1346 : vector<16xi32>
    %add3A_1348 = arith.constant 592 : i32
    %add3A_1349 = vector.broadcast %add3A_1348 : i32 to vector<16xi32>
    %add3A_1350 = arith.addi %add3A_1347, %add3A_1349 : vector<16xi32>
    %and3A_1351 = arith.constant 8191 : i32
    %and3A_1352 = vector.broadcast %and3A_1351 : i32 to vector<16xi32>
    %and3A_1353 = arith.andi %add3A_1350, %and3A_1352 : vector<16xi32>
    %swap3A_1354 = arith.constant 592 : index
    %swap3A_1355 = tpu.vector_load %arg9[%swap3A_1354] {strides = array<i32>} : memref<1152xi32, #tpu.memory_space<vmem>>, vector<16xi32>,
    tpu.vector_store %arg9[%swap3A_1354], %and3A_1353 {strides = array<i32>} : memref<1152xi32, #tpu.memory_space<vmem>>, vector<16xi32>,
    %iota3A_1356 = tpu.iota {dimensions = array<i32: 0>} : vector<16xi32>
    %add3A_1357 = vector.broadcast %mul3A_2 : i32 to vector<16xi32>
    %add3A_1358 = arith.addi %iota3A_1356, %add3A_1357 : vector<16xi32>
    %add3A_1359 = arith.constant 608 : i32
    %add3A_1360 = vector.broadcast %add3A_1359 : i32 to vector<16xi32>
    %add3A_1361 = arith.addi %add3A_1358, %add3A_1360 : vector<16xi32>
    %and3A_1362 = arith.constant 8191 : i32
    %and3A_1363 = vector.broadcast %and3A_1362 : i32 to vector<16xi32>
    %and3A_1364 = arith.andi %add3A_1361, %and3A_1363 : vector<16xi32>
    %swap3A_1365 = arith.constant 608 : index
    %swap3A_1366 = tpu.vector_load %arg9[%swap3A_1365] {strides = array<i32>} : memref<1152xi32, #tpu.memory_space<vmem>>, vector<16xi32>,
    tpu.vector_store %arg9[%swap3A_1365], %and3A_1364 {strides = array<i32>} : memref<1152xi32, #tpu.memory_space<vmem>>, vector<16xi32>,
    %iota3A_1367 = tpu.iota {dimensions = array<i32: 0>} : vector<16xi32>
    %add3A_1368 = vector.broadcast %mul3A_2 : i32 to vector<16xi32>
    %add3A_1369 = arith.addi %iota3A_1367, %add3A_1368 : vector<16xi32>
    %add3A_1370 = arith.constant 624 : i32
    %add3A_1371 = vector.broadcast %add3A_1370 : i32 to vector<16xi32>
    %add3A_1372 = arith.addi %add3A_1369, %add3A_1371 : vector<16xi32>
    %and3A_1373 = arith.constant 8191 : i32
    %and3A_1374 = vector.broadcast %and3A_1373 : i32 to vector<16xi32>
    %and3A_1375 = arith.andi %add3A_1372, %and3A_1374 : vector<16xi32>
    %swap3A_1376 = arith.constant 624 : index
    %swap3A_1377 = tpu.vector_load %arg9[%swap3A_1376] {strides = array<i32>} : memref<1152xi32, #tpu.memory_space<vmem>>, vector<16xi32>,
    tpu.vector_store %arg9[%swap3A_1376], %and3A_1375 {strides = array<i32>} : memref<1152xi32, #tpu.memory_space<vmem>>, vector<16xi32>,
    %iota3A_1378 = tpu.iota {dimensions = array<i32: 0>} : vector<16xi32>
    %add3A_1379 = vector.broadcast %mul3A_2 : i32 to vector<16xi32>
    %add3A_1380 = arith.addi %iota3A_1378, %add3A_1379 : vector<16xi32>
    %add3A_1381 = arith.constant 640 : i32
    %add3A_1382 = vector.broadcast %add3A_1381 : i32 to vector<16xi32>
    %add3A_1383 = arith.addi %add3A_1380, %add3A_1382 : vector<16xi32>
    %and3A_1384 = arith.constant 8191 : i32
    %and3A_1385 = vector.broadcast %and3A_1384 : i32 to vector<16xi32>
    %and3A_1386 = arith.andi %add3A_1383, %and3A_1385 : vector<16xi32>
    %swap3A_1387 = arith.constant 640 : index
    %swap3A_1388 = tpu.vector_load %arg9[%swap3A_1387] {strides = array<i32>} : memref<1152xi32, #tpu.memory_space<vmem>>, vector<16xi32>,
    tpu.vector_store %arg9[%swap3A_1387], %and3A_1386 {strides = array<i32>} : memref<1152xi32, #tpu.memory_space<vmem>>, vector<16xi32>,
    %iota3A_1389 = tpu.iota {dimensions = array<i32: 0>} : vector<16xi32>
    %add3A_1390 = vector.broadcast %mul3A_2 : i32 to vector<16xi32>
    %add3A_1391 = arith.addi %iota3A_1389, %add3A_1390 : vector<16xi32>
    %add3A_1392 = arith.constant 656 : i32
    %add3A_1393 = vector.broadcast %add3A_1392 : i32 to vector<16xi32>
    %add3A_1394 = arith.addi %add3A_1391, %add3A_1393 : vector<16xi32>
    %and3A_1395 = arith.constant 8191 : i32
    %and3A_1396 = vector.broadcast %and3A_1395 : i32 to vector<16xi32>
    %and3A_1397 = arith.andi %add3A_1394, %and3A_1396 : vector<16xi32>
    %swap3A_1398 = arith.constant 656 : index
    %swap3A_1399 = tpu.vector_load %arg9[%swap3A_1398] {strides = array<i32>} : memref<1152xi32, #tpu.memory_space<vmem>>, vector<16xi32>,
    tpu.vector_store %arg9[%swap3A_1398], %and3A_1397 {strides = array<i32>} : memref<1152xi32, #tpu.memory_space<vmem>>, vector<16xi32>,
    %iota3A_1400 = tpu.iota {dimensions = array<i32: 0>} : vector<16xi32>
    %add3A_1401 = vector.broadcast %mul3A_2 : i32 to vector<16xi32>
    %add3A_1402 = arith.addi %iota3A_1400, %add3A_1401 : vector<16xi32>
    %add3A_1403 = arith.constant 672 : i32
    %add3A_1404 = vector.broadcast %add3A_1403 : i32 to vector<16xi32>
    %add3A_1405 = arith.addi %add3A_1402, %add3A_1404 : vector<16xi32>
    %and3A_1406 = arith.constant 8191 : i32
    %and3A_1407 = vector.broadcast %and3A_1406 : i32 to vector<16xi32>
    %and3A_1408 = arith.andi %add3A_1405, %and3A_1407 : vector<16xi32>
    %swap3A_1409 = arith.constant 672 : index
    %swap3A_1410 = tpu.vector_load %arg9[%swap3A_1409] {strides = array<i32>} : memref<1152xi32, #tpu.memory_space<vmem>>, vector<16xi32>,
    tpu.vector_store %arg9[%swap3A_1409], %and3A_1408 {strides = array<i32>} : memref<1152xi32, #tpu.memory_space<vmem>>, vector<16xi32>,
    %iota3A_1411 = tpu.iota {dimensions = array<i32: 0>} : vector<16xi32>
    %add3A_1412 = vector.broadcast %mul3A_2 : i32 to vector<16xi32>
    %add3A_1413 = arith.addi %iota3A_1411, %add3A_1412 : vector<16xi32>
    %add3A_1414 = arith.constant 688 : i32
    %add3A_1415 = vector.broadcast %add3A_1414 : i32 to vector<16xi32>
    %add3A_1416 = arith.addi %add3A_1413, %add3A_1415 : vector<16xi32>
    %and3A_1417 = arith.constant 8191 : i32
    %and3A_1418 = vector.broadcast %and3A_1417 : i32 to vector<16xi32>
    %and3A_1419 = arith.andi %add3A_1416, %and3A_1418 : vector<16xi32>
    %swap3A_1420 = arith.constant 688 : index
    %swap3A_1421 = tpu.vector_load %arg9[%swap3A_1420] {strides = array<i32>} : memref<1152xi32, #tpu.memory_space<vmem>>, vector<16xi32>,
    tpu.vector_store %arg9[%swap3A_1420], %and3A_1419 {strides = array<i32>} : memref<1152xi32, #tpu.memory_space<vmem>>, vector<16xi32>,
    %iota3A_1422 = tpu.iota {dimensions = array<i32: 0>} : vector<16xi32>
    %add3A_1423 = vector.broadcast %mul3A_2 : i32 to vector<16xi32>
    %add3A_1424 = arith.addi %iota3A_1422, %add3A_1423 : vector<16xi32>
    %add3A_1425 = arith.constant 704 : i32
    %add3A_1426 = vector.broadcast %add3A_1425 : i32 to vector<16xi32>
    %add3A_1427 = arith.addi %add3A_1424, %add3A_1426 : vector<16xi32>
    %and3A_1428 = arith.constant 8191 : i32
    %and3A_1429 = vector.broadcast %and3A_1428 : i32 to vector<16xi32>
    %and3A_1430 = arith.andi %add3A_1427, %and3A_1429 : vector<16xi32>
    %swap3A_1431 = arith.constant 704 : index
    %swap3A_1432 = tpu.vector_load %arg9[%swap3A_1431] {strides = array<i32>} : memref<1152xi32, #tpu.memory_space<vmem>>, vector<16xi32>,
    tpu.vector_store %arg9[%swap3A_1431], %and3A_1430 {strides = array<i32>} : memref<1152xi32, #tpu.memory_space<vmem>>, vector<16xi32>,
    %iota3A_1433 = tpu.iota {dimensions = array<i32: 0>} : vector<16xi32>
    %add3A_1434 = vector.broadcast %mul3A_2 : i32 to vector<16xi32>
    %add3A_1435 = arith.addi %iota3A_1433, %add3A_1434 : vector<16xi32>
    %add3A_1436 = arith.constant 720 : i32
    %add3A_1437 = vector.broadcast %add3A_1436 : i32 to vector<16xi32>
    %add3A_1438 = arith.addi %add3A_1435, %add3A_1437 : vector<16xi32>
    %and3A_1439 = arith.constant 8191 : i32
    %and3A_1440 = vector.broadcast %and3A_1439 : i32 to vector<16xi32>
    %and3A_1441 = arith.andi %add3A_1438, %and3A_1440 : vector<16xi32>
    %swap3A_1442 = arith.constant 720 : index
    %swap3A_1443 = tpu.vector_load %arg9[%swap3A_1442] {strides = array<i32>} : memref<1152xi32, #tpu.memory_space<vmem>>, vector<16xi32>,
    tpu.vector_store %arg9[%swap3A_1442], %and3A_1441 {strides = array<i32>} : memref<1152xi32, #tpu.memory_space<vmem>>, vector<16xi32>,
    %iota3A_1444 = tpu.iota {dimensions = array<i32: 0>} : vector<16xi32>
    %add3A_1445 = vector.broadcast %mul3A_2 : i32 to vector<16xi32>
    %add3A_1446 = arith.addi %iota3A_1444, %add3A_1445 : vector<16xi32>
    %add3A_1447 = arith.constant 736 : i32
    %add3A_1448 = vector.broadcast %add3A_1447 : i32 to vector<16xi32>
    %add3A_1449 = arith.addi %add3A_1446, %add3A_1448 : vector<16xi32>
    %and3A_1450 = arith.constant 8191 : i32
    %and3A_1451 = vector.broadcast %and3A_1450 : i32 to vector<16xi32>
    %and3A_1452 = arith.andi %add3A_1449, %and3A_1451 : vector<16xi32>
    %swap3A_1453 = arith.constant 736 : index
    %swap3A_1454 = tpu.vector_load %arg9[%swap3A_1453] {strides = array<i32>} : memref<1152xi32, #tpu.memory_space<vmem>>, vector<16xi32>,
    tpu.vector_store %arg9[%swap3A_1453], %and3A_1452 {strides = array<i32>} : memref<1152xi32, #tpu.memory_space<vmem>>, vector<16xi32>,
    %iota3A_1455 = tpu.iota {dimensions = array<i32: 0>} : vector<16xi32>
    %add3A_1456 = vector.broadcast %mul3A_2 : i32 to vector<16xi32>
    %add3A_1457 = arith.addi %iota3A_1455, %add3A_1456 : vector<16xi32>
    %add3A_1458 = arith.constant 752 : i32
    %add3A_1459 = vector.broadcast %add3A_1458 : i32 to vector<16xi32>
    %add3A_1460 = arith.addi %add3A_1457, %add3A_1459 : vector<16xi32>
    %and3A_1461 = arith.constant 8191 : i32
    %and3A_1462 = vector.broadcast %and3A_1461 : i32 to vector<16xi32>
    %and3A_1463 = arith.andi %add3A_1460, %and3A_1462 : vector<16xi32>
    %swap3A_1464 = arith.constant 752 : index
    %swap3A_1465 = tpu.vector_load %arg9[%swap3A_1464] {strides = array<i32>} : memref<1152xi32, #tpu.memory_space<vmem>>, vector<16xi32>,
    tpu.vector_store %arg9[%swap3A_1464], %and3A_1463 {strides = array<i32>} : memref<1152xi32, #tpu.memory_space<vmem>>, vector<16xi32>,
    %iota3A_1466 = tpu.iota {dimensions = array<i32: 0>} : vector<16xi32>
    %add3A_1467 = vector.broadcast %mul3A_2 : i32 to vector<16xi32>
    %add3A_1468 = arith.addi %iota3A_1466, %add3A_1467 : vector<16xi32>
    %add3A_1469 = arith.constant 768 : i32
    %add3A_1470 = vector.broadcast %add3A_1469 : i32 to vector<16xi32>
    %add3A_1471 = arith.addi %add3A_1468, %add3A_1470 : vector<16xi32>
    %and3A_1472 = arith.constant 8191 : i32
    %and3A_1473 = vector.broadcast %and3A_1472 : i32 to vector<16xi32>
    %and3A_1474 = arith.andi %add3A_1471, %and3A_1473 : vector<16xi32>
    %swap3A_1475 = arith.constant 768 : index
    %swap3A_1476 = tpu.vector_load %arg9[%swap3A_1475] {strides = array<i32>} : memref<1152xi32, #tpu.memory_space<vmem>>, vector<16xi32>,
    tpu.vector_store %arg9[%swap3A_1475], %and3A_1474 {strides = array<i32>} : memref<1152xi32, #tpu.memory_space<vmem>>, vector<16xi32>,
    %iota3A_1477 = tpu.iota {dimensions = array<i32: 0>} : vector<16xi32>
    %add3A_1478 = vector.broadcast %mul3A_2 : i32 to vector<16xi32>
    %add3A_1479 = arith.addi %iota3A_1477, %add3A_1478 : vector<16xi32>
    %add3A_1480 = arith.constant 784 : i32
    %add3A_1481 = vector.broadcast %add3A_1480 : i32 to vector<16xi32>
    %add3A_1482 = arith.addi %add3A_1479, %add3A_1481 : vector<16xi32>
    %and3A_1483 = arith.constant 8191 : i32
    %and3A_1484 = vector.broadcast %and3A_1483 : i32 to vector<16xi32>
    %and3A_1485 = arith.andi %add3A_1482, %and3A_1484 : vector<16xi32>
    %swap3A_1486 = arith.constant 784 : index
    %swap3A_1487 = tpu.vector_load %arg9[%swap3A_1486] {strides = array<i32>} : memref<1152xi32, #tpu.memory_space<vmem>>, vector<16xi32>,
    tpu.vector_store %arg9[%swap3A_1486], %and3A_1485 {strides = array<i32>} : memref<1152xi32, #tpu.memory_space<vmem>>, vector<16xi32>,
    %iota3A_1488 = tpu.iota {dimensions = array<i32: 0>} : vector<16xi32>
    %add3A_1489 = vector.broadcast %mul3A_2 : i32 to vector<16xi32>
    %add3A_1490 = arith.addi %iota3A_1488, %add3A_1489 : vector<16xi32>
    %add3A_1491 = arith.constant 800 : i32
    %add3A_1492 = vector.broadcast %add3A_1491 : i32 to vector<16xi32>
    %add3A_1493 = arith.addi %add3A_1490, %add3A_1492 : vector<16xi32>
    %and3A_1494 = arith.constant 8191 : i32
    %and3A_1495 = vector.broadcast %and3A_1494 : i32 to vector<16xi32>
    %and3A_1496 = arith.andi %add3A_1493, %and3A_1495 : vector<16xi32>
    %swap3A_1497 = arith.constant 800 : index
    %swap3A_1498 = tpu.vector_load %arg9[%swap3A_1497] {strides = array<i32>} : memref<1152xi32, #tpu.memory_space<vmem>>, vector<16xi32>,
    tpu.vector_store %arg9[%swap3A_1497], %and3A_1496 {strides = array<i32>} : memref<1152xi32, #tpu.memory_space<vmem>>, vector<16xi32>,
    %iota3A_1499 = tpu.iota {dimensions = array<i32: 0>} : vector<16xi32>
    %add3A_1500 = vector.broadcast %mul3A_2 : i32 to vector<16xi32>
    %add3A_1501 = arith.addi %iota3A_1499, %add3A_1500 : vector<16xi32>
    %add3A_1502 = arith.constant 816 : i32
    %add3A_1503 = vector.broadcast %add3A_1502 : i32 to vector<16xi32>
    %add3A_1504 = arith.addi %add3A_1501, %add3A_1503 : vector<16xi32>
    %and3A_1505 = arith.constant 8191 : i32
    %and3A_1506 = vector.broadcast %and3A_1505 : i32 to vector<16xi32>
    %and3A_1507 = arith.andi %add3A_1504, %and3A_1506 : vector<16xi32>
    %swap3A_1508 = arith.constant 816 : index
    %swap3A_1509 = tpu.vector_load %arg9[%swap3A_1508] {strides = array<i32>} : memref<1152xi32, #tpu.memory_space<vmem>>, vector<16xi32>,
    tpu.vector_store %arg9[%swap3A_1508], %and3A_1507 {strides = array<i32>} : memref<1152xi32, #tpu.memory_space<vmem>>, vector<16xi32>,
    %iota3A_1510 = tpu.iota {dimensions = array<i32: 0>} : vector<16xi32>
    %add3A_1511 = vector.broadcast %mul3A_2 : i32 to vector<16xi32>
    %add3A_1512 = arith.addi %iota3A_1510, %add3A_1511 : vector<16xi32>
    %add3A_1513 = arith.constant 832 : i32
    %add3A_1514 = vector.broadcast %add3A_1513 : i32 to vector<16xi32>
    %add3A_1515 = arith.addi %add3A_1512, %add3A_1514 : vector<16xi32>
    %and3A_1516 = arith.constant 8191 : i32
    %and3A_1517 = vector.broadcast %and3A_1516 : i32 to vector<16xi32>
    %and3A_1518 = arith.andi %add3A_1515, %and3A_1517 : vector<16xi32>
    %swap3A_1519 = arith.constant 832 : index
    %swap3A_1520 = tpu.vector_load %arg9[%swap3A_1519] {strides = array<i32>} : memref<1152xi32, #tpu.memory_space<vmem>>, vector<16xi32>,
    tpu.vector_store %arg9[%swap3A_1519], %and3A_1518 {strides = array<i32>} : memref<1152xi32, #tpu.memory_space<vmem>>, vector<16xi32>,
    %iota3A_1521 = tpu.iota {dimensions = array<i32: 0>} : vector<16xi32>
    %add3A_1522 = vector.broadcast %mul3A_2 : i32 to vector<16xi32>
    %add3A_1523 = arith.addi %iota3A_1521, %add3A_1522 : vector<16xi32>
    %add3A_1524 = arith.constant 848 : i32
    %add3A_1525 = vector.broadcast %add3A_1524 : i32 to vector<16xi32>
    %add3A_1526 = arith.addi %add3A_1523, %add3A_1525 : vector<16xi32>
    %and3A_1527 = arith.constant 8191 : i32
    %and3A_1528 = vector.broadcast %and3A_1527 : i32 to vector<16xi32>
    %and3A_1529 = arith.andi %add3A_1526, %and3A_1528 : vector<16xi32>
    %swap3A_1530 = arith.constant 848 : index
    %swap3A_1531 = tpu.vector_load %arg9[%swap3A_1530] {strides = array<i32>} : memref<1152xi32, #tpu.memory_space<vmem>>, vector<16xi32>,
    tpu.vector_store %arg9[%swap3A_1530], %and3A_1529 {strides = array<i32>} : memref<1152xi32, #tpu.memory_space<vmem>>, vector<16xi32>,
    %iota3A_1532 = tpu.iota {dimensions = array<i32: 0>} : vector<16xi32>
    %add3A_1533 = vector.broadcast %mul3A_2 : i32 to vector<16xi32>
    %add3A_1534 = arith.addi %iota3A_1532, %add3A_1533 : vector<16xi32>
    %add3A_1535 = arith.constant 864 : i32
    %add3A_1536 = vector.broadcast %add3A_1535 : i32 to vector<16xi32>
    %add3A_1537 = arith.addi %add3A_1534, %add3A_1536 : vector<16xi32>
    %and3A_1538 = arith.constant 8191 : i32
    %and3A_1539 = vector.broadcast %and3A_1538 : i32 to vector<16xi32>
    %and3A_1540 = arith.andi %add3A_1537, %and3A_1539 : vector<16xi32>
    %swap3A_1541 = arith.constant 864 : index
    %swap3A_1542 = tpu.vector_load %arg9[%swap3A_1541] {strides = array<i32>} : memref<1152xi32, #tpu.memory_space<vmem>>, vector<16xi32>,
    tpu.vector_store %arg9[%swap3A_1541], %and3A_1540 {strides = array<i32>} : memref<1152xi32, #tpu.memory_space<vmem>>, vector<16xi32>,
    %iota3A_1543 = tpu.iota {dimensions = array<i32: 0>} : vector<16xi32>
    %add3A_1544 = vector.broadcast %mul3A_2 : i32 to vector<16xi32>
    %add3A_1545 = arith.addi %iota3A_1543, %add3A_1544 : vector<16xi32>
    %add3A_1546 = arith.constant 880 : i32
    %add3A_1547 = vector.broadcast %add3A_1546 : i32 to vector<16xi32>
    %add3A_1548 = arith.addi %add3A_1545, %add3A_1547 : vector<16xi32>
    %and3A_1549 = arith.constant 8191 : i32
    %and3A_1550 = vector.broadcast %and3A_1549 : i32 to vector<16xi32>
    %and3A_1551 = arith.andi %add3A_1548, %and3A_1550 : vector<16xi32>
    %swap3A_1552 = arith.constant 880 : index
    %swap3A_1553 = tpu.vector_load %arg9[%swap3A_1552] {strides = array<i32>} : memref<1152xi32, #tpu.memory_space<vmem>>, vector<16xi32>,
    tpu.vector_store %arg9[%swap3A_1552], %and3A_1551 {strides = array<i32>} : memref<1152xi32, #tpu.memory_space<vmem>>, vector<16xi32>,
    %iota3A_1554 = tpu.iota {dimensions = array<i32: 0>} : vector<16xi32>
    %add3A_1555 = vector.broadcast %mul3A_2 : i32 to vector<16xi32>
    %add3A_1556 = arith.addi %iota3A_1554, %add3A_1555 : vector<16xi32>
    %add3A_1557 = arith.constant 896 : i32
    %add3A_1558 = vector.broadcast %add3A_1557 : i32 to vector<16xi32>
    %add3A_1559 = arith.addi %add3A_1556, %add3A_1558 : vector<16xi32>
    %and3A_1560 = arith.constant 8191 : i32
    %and3A_1561 = vector.broadcast %and3A_1560 : i32 to vector<16xi32>
    %and3A_1562 = arith.andi %add3A_1559, %and3A_1561 : vector<16xi32>
    %swap3A_1563 = arith.constant 896 : index
    %swap3A_1564 = tpu.vector_load %arg9[%swap3A_1563] {strides = array<i32>} : memref<1152xi32, #tpu.memory_space<vmem>>, vector<16xi32>,
    tpu.vector_store %arg9[%swap3A_1563], %and3A_1562 {strides = array<i32>} : memref<1152xi32, #tpu.memory_space<vmem>>, vector<16xi32>,
    %iota3A_1565 = tpu.iota {dimensions = array<i32: 0>} : vector<16xi32>
    %add3A_1566 = vector.broadcast %mul3A_2 : i32 to vector<16xi32>
    %add3A_1567 = arith.addi %iota3A_1565, %add3A_1566 : vector<16xi32>
    %add3A_1568 = arith.constant 912 : i32
    %add3A_1569 = vector.broadcast %add3A_1568 : i32 to vector<16xi32>
    %add3A_1570 = arith.addi %add3A_1567, %add3A_1569 : vector<16xi32>
    %and3A_1571 = arith.constant 8191 : i32
    %and3A_1572 = vector.broadcast %and3A_1571 : i32 to vector<16xi32>
    %and3A_1573 = arith.andi %add3A_1570, %and3A_1572 : vector<16xi32>
    %swap3A_1574 = arith.constant 912 : index
    %swap3A_1575 = tpu.vector_load %arg9[%swap3A_1574] {strides = array<i32>} : memref<1152xi32, #tpu.memory_space<vmem>>, vector<16xi32>,
    tpu.vector_store %arg9[%swap3A_1574], %and3A_1573 {strides = array<i32>} : memref<1152xi32, #tpu.memory_space<vmem>>, vector<16xi32>,
    %iota3A_1576 = tpu.iota {dimensions = array<i32: 0>} : vector<16xi32>
    %add3A_1577 = vector.broadcast %mul3A_2 : i32 to vector<16xi32>
    %add3A_1578 = arith.addi %iota3A_1576, %add3A_1577 : vector<16xi32>
    %add3A_1579 = arith.constant 928 : i32
    %add3A_1580 = vector.broadcast %add3A_1579 : i32 to vector<16xi32>
    %add3A_1581 = arith.addi %add3A_1578, %add3A_1580 : vector<16xi32>
    %and3A_1582 = arith.constant 8191 : i32
    %and3A_1583 = vector.broadcast %and3A_1582 : i32 to vector<16xi32>
    %and3A_1584 = arith.andi %add3A_1581, %and3A_1583 : vector<16xi32>
    %swap3A_1585 = arith.constant 928 : index
    %swap3A_1586 = tpu.vector_load %arg9[%swap3A_1585] {strides = array<i32>} : memref<1152xi32, #tpu.memory_space<vmem>>, vector<16xi32>,
    tpu.vector_store %arg9[%swap3A_1585], %and3A_1584 {strides = array<i32>} : memref<1152xi32, #tpu.memory_space<vmem>>, vector<16xi32>,
    %iota3A_1587 = tpu.iota {dimensions = array<i32: 0>} : vector<16xi32>
    %add3A_1588 = vector.broadcast %mul3A_2 : i32 to vector<16xi32>
    %add3A_1589 = arith.addi %iota3A_1587, %add3A_1588 : vector<16xi32>
    %add3A_1590 = arith.constant 944 : i32
    %add3A_1591 = vector.broadcast %add3A_1590 : i32 to vector<16xi32>
    %add3A_1592 = arith.addi %add3A_1589, %add3A_1591 : vector<16xi32>
    %and3A_1593 = arith.constant 8191 : i32
    %and3A_1594 = vector.broadcast %and3A_1593 : i32 to vector<16xi32>
    %and3A_1595 = arith.andi %add3A_1592, %and3A_1594 : vector<16xi32>
    %swap3A_1596 = arith.constant 944 : index
    %swap3A_1597 = tpu.vector_load %arg9[%swap3A_1596] {strides = array<i32>} : memref<1152xi32, #tpu.memory_space<vmem>>, vector<16xi32>,
    tpu.vector_store %arg9[%swap3A_1596], %and3A_1595 {strides = array<i32>} : memref<1152xi32, #tpu.memory_space<vmem>>, vector<16xi32>,
    %iota3A_1598 = tpu.iota {dimensions = array<i32: 0>} : vector<16xi32>
    %add3A_1599 = vector.broadcast %mul3A_2 : i32 to vector<16xi32>
    %add3A_1600 = arith.addi %iota3A_1598, %add3A_1599 : vector<16xi32>
    %add3A_1601 = arith.constant 960 : i32
    %add3A_1602 = vector.broadcast %add3A_1601 : i32 to vector<16xi32>
    %add3A_1603 = arith.addi %add3A_1600, %add3A_1602 : vector<16xi32>
    %and3A_1604 = arith.constant 8191 : i32
    %and3A_1605 = vector.broadcast %and3A_1604 : i32 to vector<16xi32>
    %and3A_1606 = arith.andi %add3A_1603, %and3A_1605 : vector<16xi32>
    %swap3A_1607 = arith.constant 960 : index
    %swap3A_1608 = tpu.vector_load %arg9[%swap3A_1607] {strides = array<i32>} : memref<1152xi32, #tpu.memory_space<vmem>>, vector<16xi32>,
    tpu.vector_store %arg9[%swap3A_1607], %and3A_1606 {strides = array<i32>} : memref<1152xi32, #tpu.memory_space<vmem>>, vector<16xi32>,
    %iota3A_1609 = tpu.iota {dimensions = array<i32: 0>} : vector<16xi32>
    %add3A_1610 = vector.broadcast %mul3A_2 : i32 to vector<16xi32>
    %add3A_1611 = arith.addi %iota3A_1609, %add3A_1610 : vector<16xi32>
    %add3A_1612 = arith.constant 976 : i32
    %add3A_1613 = vector.broadcast %add3A_1612 : i32 to vector<16xi32>
    %add3A_1614 = arith.addi %add3A_1611, %add3A_1613 : vector<16xi32>
    %and3A_1615 = arith.constant 8191 : i32
    %and3A_1616 = vector.broadcast %and3A_1615 : i32 to vector<16xi32>
    %and3A_1617 = arith.andi %add3A_1614, %and3A_1616 : vector<16xi32>
    %swap3A_1618 = arith.constant 976 : index
    %swap3A_1619 = tpu.vector_load %arg9[%swap3A_1618] {strides = array<i32>} : memref<1152xi32, #tpu.memory_space<vmem>>, vector<16xi32>,
    tpu.vector_store %arg9[%swap3A_1618], %and3A_1617 {strides = array<i32>} : memref<1152xi32, #tpu.memory_space<vmem>>, vector<16xi32>,
    %iota3A_1620 = tpu.iota {dimensions = array<i32: 0>} : vector<16xi32>
    %add3A_1621 = vector.broadcast %mul3A_2 : i32 to vector<16xi32>
    %add3A_1622 = arith.addi %iota3A_1620, %add3A_1621 : vector<16xi32>
    %add3A_1623 = arith.constant 992 : i32
    %add3A_1624 = vector.broadcast %add3A_1623 : i32 to vector<16xi32>
    %add3A_1625 = arith.addi %add3A_1622, %add3A_1624 : vector<16xi32>
    %and3A_1626 = arith.constant 8191 : i32
    %and3A_1627 = vector.broadcast %and3A_1626 : i32 to vector<16xi32>
    %and3A_1628 = arith.andi %add3A_1625, %and3A_1627 : vector<16xi32>
    %swap3A_1629 = arith.constant 992 : index
    %swap3A_1630 = tpu.vector_load %arg9[%swap3A_1629] {strides = array<i32>} : memref<1152xi32, #tpu.memory_space<vmem>>, vector<16xi32>,
    tpu.vector_store %arg9[%swap3A_1629], %and3A_1628 {strides = array<i32>} : memref<1152xi32, #tpu.memory_space<vmem>>, vector<16xi32>,
    %iota3A_1631 = tpu.iota {dimensions = array<i32: 0>} : vector<16xi32>
    %add3A_1632 = vector.broadcast %mul3A_2 : i32 to vector<16xi32>
    %add3A_1633 = arith.addi %iota3A_1631, %add3A_1632 : vector<16xi32>
    %add3A_1634 = arith.constant 1008 : i32
    %add3A_1635 = vector.broadcast %add3A_1634 : i32 to vector<16xi32>
    %add3A_1636 = arith.addi %add3A_1633, %add3A_1635 : vector<16xi32>
    %and3A_1637 = arith.constant 8191 : i32
    %and3A_1638 = vector.broadcast %and3A_1637 : i32 to vector<16xi32>
    %and3A_1639 = arith.andi %add3A_1636, %and3A_1638 : vector<16xi32>
    %swap3A_1640 = arith.constant 1008 : index
    %swap3A_1641 = tpu.vector_load %arg9[%swap3A_1640] {strides = array<i32>} : memref<1152xi32, #tpu.memory_space<vmem>>, vector<16xi32>,
    tpu.vector_store %arg9[%swap3A_1640], %and3A_1639 {strides = array<i32>} : memref<1152xi32, #tpu.memory_space<vmem>>, vector<16xi32>,
    "tpu.region"() ({
      %run_scoped3A = tpu.sem_alloc : memref<!tpu.dma_semaphore, #tpu.memory_space<semaphore_mem>>
      %dma_start3A_1884 = arith.constant 0 : i32
      %dma_start3A_1885 = tpu.memref_slice %arg9[%dma_start3A_1884] : memref<1152xi32, #tpu.memory_space<vmem>> -> memref<1024xi32, #tpu.memory_space<vmem>>
      %dma_start3A_1886 = arith.constant 0 : i32
      %dma_start3A_1887 = tpu.memref_slice %arg7[%dma_start3A_1886] : memref<18432xi32, #tpu.memory_space<vmem_shared>> -> memref<18432xi32, #tpu.memory_space<vmem_shared>>
      tpu.enqueue_indirect_dma source(%dma_start3A_1885 : memref<1024xi32, #tpu.memory_space<vmem>>) target(%dma_start3A_1887 : memref<18432xi32, #tpu.memory_space<vmem_shared>>) offsets(%arg10 : memref<1024xi32, #tpu.memory_space<vmem>>) semaphore(%run_scoped3A : memref<!tpu.dma_semaphore, #tpu.memory_space<semaphore_mem>>)
      %dma_wait3A_1888 = arith.constant 0 : i32
      %dma_wait3A_1889 = tpu.memref_slice %arg9[%dma_wait3A_1888] : memref<1152xi32, #tpu.memory_space<vmem>> -> memref<1024xi32, #tpu.memory_space<vmem>>
      %dma_wait3A_1890 = arith.constant 0 : i32
      %dma_wait3A_1891 = tpu.memref_slice %arg7[%dma_wait3A_1890] : memref<18432xi32, #tpu.memory_space<vmem_shared>> -> memref<18432xi32, #tpu.memory_space<vmem_shared>>
      tpu.wait_indirect_dma semaphore(%run_scoped3A : memref<!tpu.dma_semaphore, #tpu.memory_space<semaphore_mem>>) src(%dma_wait3A_1889 : memref<1024xi32, #tpu.memory_space<vmem>>) dst(%dma_wait3A_1891 : memref<18432xi32, #tpu.memory_space<vmem_shared>>)
      tpu.yield
    }) : () -> ()
    "tpu.region"() ({
      %run_scoped3A = tpu.sem_alloc : memref<!tpu.dma_semaphore, #tpu.memory_space<semaphore_mem>>
      %dma_start3A_1884 = arith.constant 0 : i32
      %dma_start3A_1885 = tpu.memref_slice %arg8[%dma_start3A_1884] : memref<18432xf32, #tpu.memory_space<vmem_shared>> -> memref<18432xf32, #tpu.memory_space<vmem_shared>>
      tpu.enqueue_indirect_dma source(%arg11 : memref<1024xf32, #tpu.memory_space<vmem>>) target(%dma_start3A_1885 : memref<18432xf32, #tpu.memory_space<vmem_shared>>) offsets(%arg10 : memref<1024xi32, #tpu.memory_space<vmem>>) semaphore(%run_scoped3A : memref<!tpu.dma_semaphore, #tpu.memory_space<semaphore_mem>>)
      %dma_wait3A_1886 = arith.constant 0 : i32
      %dma_wait3A_1887 = tpu.memref_slice %arg8[%dma_wait3A_1886] : memref<18432xf32, #tpu.memory_space<vmem_shared>> -> memref<18432xf32, #tpu.memory_space<vmem_shared>>
      tpu.wait_indirect_dma semaphore(%run_scoped3A : memref<!tpu.dma_semaphore, #tpu.memory_space<semaphore_mem>>) src(%arg11 : memref<1024xf32, #tpu.memory_space<vmem>>) dst(%dma_wait3A_1887 : memref<18432xf32, #tpu.memory_space<vmem_shared>>)
      tpu.yield
    }) : () -> ()
    %barrier3A_1642 = arith.constant 0 : index
    tpu.barrier barrier_id(%barrier3A_1642)
    %eq3A = arith.constant 0 : i32
    %eq3A_1643 = arith.cmpi eq, %add3A, %eq3A : i32
    %convert_element_type3A = arith.extui %eq3A_1643 : i1 to i32
    %cond3A = arith.constant 0 : i32
    %cond3A_1644 = arith.cmpi ne, %convert_element_type3A, %cond3A : i32
    scf.if %cond3A_1644 {
      "tpu.region"() ({
        %run_scoped3A = tpu.sem_alloc : memref<!tpu.dma_semaphore, #tpu.memory_space<semaphore_mem>>
        tpu.enqueue_dma source(%arg8 : memref<18432xf32, #tpu.memory_space<vmem_shared>>) target(%arg6 : memref<18432xf32, #tpu.memory_space<hbm>>) target_semaphore(%run_scoped3A : memref<!tpu.dma_semaphore, #tpu.memory_space<semaphore_mem>>)
        tpu.wait_dma2 semaphore(%run_scoped3A : memref<!tpu.dma_semaphore, #tpu.memory_space<semaphore_mem>>) src(%arg8 : memref<18432xf32, #tpu.memory_space<vmem_shared>>) dst(%arg6 : memref<18432xf32, #tpu.memory_space<hbm>>)
        tpu.yield
      }) : () -> ()
    } else {
    }
    %mul3A_1645 = arith.constant 576 : i32
    %mul3A_1646 = arith.muli %add3A, %mul3A_1645 : i32
    "tpu.region"() ({
      %run_scoped3A = tpu.sem_alloc : memref<!tpu.dma_semaphore, #tpu.memory_space<semaphore_mem>>
      %dma_start3A_1884 = tpu.memref_slice %arg7[%mul3A_1646] : memref<18432xi32, #tpu.memory_space<vmem_shared>> -> memref<576xi32, #tpu.memory_space<vmem_shared>>
      %dma_start3A_1885 = tpu.memref_slice %arg7[%mul3A_1646] : memref<18432xi32, #tpu.memory_space<vmem_shared>> -> memref<576xi32, #tpu.memory_space<vmem_shared>>
      tpu.enqueue_dma source(%dma_start3A_1885 : memref<576xi32, #tpu.memory_space<vmem_shared>>) target(%arg12 : memref<576xi32, #tpu.memory_space<vmem>>) target_semaphore(%run_scoped3A : memref<!tpu.dma_semaphore, #tpu.memory_space<semaphore_mem>>)
      %dma_wait3A_1886 = tpu.memref_slice %arg7[%mul3A_1646] : memref<18432xi32, #tpu.memory_space<vmem_shared>> -> memref<576xi32, #tpu.memory_space<vmem_shared>>
      %dma_wait3A_1887 = tpu.memref_slice %arg7[%mul3A_1646] : memref<18432xi32, #tpu.memory_space<vmem_shared>> -> memref<576xi32, #tpu.memory_space<vmem_shared>>
      tpu.wait_dma2 semaphore(%run_scoped3A : memref<!tpu.dma_semaphore, #tpu.memory_space<semaphore_mem>>) src(%dma_wait3A_1887 : memref<576xi32, #tpu.memory_space<vmem_shared>>) dst(%arg12 : memref<576xi32, #tpu.memory_space<vmem>>)
      tpu.yield
    }) : () -> ()
    %get3A = arith.constant 0 : index
    %get3A_1647 = tpu.vector_load %arg12[%get3A] {strides = array<i32>} : memref<576xi32, #tpu.memory_space<vmem>>, vector<16xi32>,
    %swap3A_1648 = arith.constant 0 : index
    %swap3A_1649 = tpu.vector_load %arg13[%swap3A_1648] {strides = array<i32>} : memref<96xi32, #tpu.memory_space<vmem>>, vector<16xi32>,
    tpu.vector_store %arg13[%swap3A_1648], %get3A_1647 {strides = array<i32>} : memref<96xi32, #tpu.memory_space<vmem>>, vector<16xi32>,
    %get3A_1650 = arith.constant 16 : index
    %get3A_1651 = tpu.vector_load %arg12[%get3A_1650] {strides = array<i32>} : memref<576xi32, #tpu.memory_space<vmem>>, vector<16xi32>,
    %swap3A_1652 = arith.constant 16 : index
    %swap3A_1653 = tpu.vector_load %arg13[%swap3A_1652] {strides = array<i32>} : memref<96xi32, #tpu.memory_space<vmem>>, vector<16xi32>,
    tpu.vector_store %arg13[%swap3A_1652], %get3A_1651 {strides = array<i32>} : memref<96xi32, #tpu.memory_space<vmem>>, vector<16xi32>,
    %get3A_1654 = arith.constant 32 : index
    %get3A_1655 = tpu.vector_load %arg12[%get3A_1654] {strides = array<i32>} : memref<576xi32, #tpu.memory_space<vmem>>, vector<16xi32>,
    %swap3A_1656 = arith.constant 32 : index
    %swap3A_1657 = tpu.vector_load %arg13[%swap3A_1656] {strides = array<i32>} : memref<96xi32, #tpu.memory_space<vmem>>, vector<16xi32>,
    tpu.vector_store %arg13[%swap3A_1656], %get3A_1655 {strides = array<i32>} : memref<96xi32, #tpu.memory_space<vmem>>, vector<16xi32>,
    %get3A_1658 = arith.constant 48 : index
    %get3A_1659 = tpu.vector_load %arg12[%get3A_1658] {strides = array<i32>} : memref<576xi32, #tpu.memory_space<vmem>>, vector<16xi32>,
    %swap3A_1660 = arith.constant 48 : index
    %swap3A_1661 = tpu.vector_load %arg13[%swap3A_1660] {strides = array<i32>} : memref<96xi32, #tpu.memory_space<vmem>>, vector<16xi32>,
    tpu.vector_store %arg13[%swap3A_1660], %get3A_1659 {strides = array<i32>} : memref<96xi32, #tpu.memory_space<vmem>>, vector<16xi32>,
    %get3A_1662 = arith.constant 64 : index
    %get3A_1663 = tpu.vector_load %arg12[%get3A_1662] {strides = array<i32>} : memref<576xi32, #tpu.memory_space<vmem>>, vector<16xi32>,
    %swap3A_1664 = arith.constant 64 : index
    %swap3A_1665 = tpu.vector_load %arg13[%swap3A_1664] {strides = array<i32>} : memref<96xi32, #tpu.memory_space<vmem>>, vector<16xi32>,
    tpu.vector_store %arg13[%swap3A_1664], %get3A_1663 {strides = array<i32>} : memref<96xi32, #tpu.memory_space<vmem>>, vector<16xi32>,
    %get3A_1666 = arith.constant 80 : index
    %get3A_1667 = tpu.vector_load %arg12[%get3A_1666] {strides = array<i32>} : memref<576xi32, #tpu.memory_space<vmem>>, vector<16xi32>,
    %swap3A_1668 = arith.constant 80 : index
    %swap3A_1669 = tpu.vector_load %arg13[%swap3A_1668] {strides = array<i32>} : memref<96xi32, #tpu.memory_space<vmem>>, vector<16xi32>,
    tpu.vector_store %arg13[%swap3A_1668], %get3A_1667 {strides = array<i32>} : memref<96xi32, #tpu.memory_space<vmem>>, vector<16xi32>,
    %dma_start3A = arith.constant 0 : i32
    %dma_start3A_1670 = arith.constant 0 : i32
    %dma_start3A_1671 = tpu.memref_slice %arg4[%dma_start3A, %dma_start3A_1670] : memref<8192x384xi32, #tpu.memory_space<hbm>> -> memref<8192x384xi32, #tpu.memory_space<hbm>>
    tpu.enqueue_indirect_dma source(%dma_start3A_1671 : memref<8192x384xi32, #tpu.memory_space<hbm>>) target(%arg16 : memref<96x384xi32, #tpu.memory_space<vmem>>) offsets(%arg13 : memref<96xi32, #tpu.memory_space<vmem>>) semaphore(%arg19 : memref<!tpu.dma_semaphore, #tpu.memory_space<semaphore_mem>>)
    %get3A_1672 = arith.constant 96 : index
    %get3A_1673 = tpu.vector_load %arg12[%get3A_1672] {strides = array<i32>} : memref<576xi32, #tpu.memory_space<vmem>>, vector<16xi32>,
    %swap3A_1674 = arith.constant 0 : index
    %swap3A_1675 = tpu.vector_load %arg14[%swap3A_1674] {strides = array<i32>} : memref<96xi32, #tpu.memory_space<vmem>>, vector<16xi32>,
    tpu.vector_store %arg14[%swap3A_1674], %get3A_1673 {strides = array<i32>} : memref<96xi32, #tpu.memory_space<vmem>>, vector<16xi32>,
    %get3A_1676 = arith.constant 112 : index
    %get3A_1677 = tpu.vector_load %arg12[%get3A_1676] {strides = array<i32>} : memref<576xi32, #tpu.memory_space<vmem>>, vector<16xi32>,
    %swap3A_1678 = arith.constant 16 : index
    %swap3A_1679 = tpu.vector_load %arg14[%swap3A_1678] {strides = array<i32>} : memref<96xi32, #tpu.memory_space<vmem>>, vector<16xi32>,
    tpu.vector_store %arg14[%swap3A_1678], %get3A_1677 {strides = array<i32>} : memref<96xi32, #tpu.memory_space<vmem>>, vector<16xi32>,
    %get3A_1680 = arith.constant 128 : index
    %get3A_1681 = tpu.vector_load %arg12[%get3A_1680] {strides = array<i32>} : memref<576xi32, #tpu.memory_space<vmem>>, vector<16xi32>,
    %swap3A_1682 = arith.constant 32 : index
    %swap3A_1683 = tpu.vector_load %arg14[%swap3A_1682] {strides = array<i32>} : memref<96xi32, #tpu.memory_space<vmem>>, vector<16xi32>,
    tpu.vector_store %arg14[%swap3A_1682], %get3A_1681 {strides = array<i32>} : memref<96xi32, #tpu.memory_space<vmem>>, vector<16xi32>,
    %get3A_1684 = arith.constant 144 : index
    %get3A_1685 = tpu.vector_load %arg12[%get3A_1684] {strides = array<i32>} : memref<576xi32, #tpu.memory_space<vmem>>, vector<16xi32>,
    %swap3A_1686 = arith.constant 48 : index
    %swap3A_1687 = tpu.vector_load %arg14[%swap3A_1686] {strides = array<i32>} : memref<96xi32, #tpu.memory_space<vmem>>, vector<16xi32>,
    tpu.vector_store %arg14[%swap3A_1686], %get3A_1685 {strides = array<i32>} : memref<96xi32, #tpu.memory_space<vmem>>, vector<16xi32>,
    %get3A_1688 = arith.constant 160 : index
    %get3A_1689 = tpu.vector_load %arg12[%get3A_1688] {strides = array<i32>} : memref<576xi32, #tpu.memory_space<vmem>>, vector<16xi32>,
    %swap3A_1690 = arith.constant 64 : index
    %swap3A_1691 = tpu.vector_load %arg14[%swap3A_1690] {strides = array<i32>} : memref<96xi32, #tpu.memory_space<vmem>>, vector<16xi32>,
    tpu.vector_store %arg14[%swap3A_1690], %get3A_1689 {strides = array<i32>} : memref<96xi32, #tpu.memory_space<vmem>>, vector<16xi32>,
    %get3A_1692 = arith.constant 176 : index
    %get3A_1693 = tpu.vector_load %arg12[%get3A_1692] {strides = array<i32>} : memref<576xi32, #tpu.memory_space<vmem>>, vector<16xi32>,
    %swap3A_1694 = arith.constant 80 : index
    %swap3A_1695 = tpu.vector_load %arg14[%swap3A_1694] {strides = array<i32>} : memref<96xi32, #tpu.memory_space<vmem>>, vector<16xi32>,
    tpu.vector_store %arg14[%swap3A_1694], %get3A_1693 {strides = array<i32>} : memref<96xi32, #tpu.memory_space<vmem>>, vector<16xi32>,
    %dma_start3A_1696 = arith.constant 0 : i32
    %dma_start3A_1697 = arith.constant 0 : i32
    %dma_start3A_1698 = tpu.memref_slice %arg4[%dma_start3A_1696, %dma_start3A_1697] : memref<8192x384xi32, #tpu.memory_space<hbm>> -> memref<8192x384xi32, #tpu.memory_space<hbm>>
    tpu.enqueue_indirect_dma source(%dma_start3A_1698 : memref<8192x384xi32, #tpu.memory_space<hbm>>) target(%arg17 : memref<96x384xi32, #tpu.memory_space<vmem>>) offsets(%arg14 : memref<96xi32, #tpu.memory_space<vmem>>) semaphore(%arg20 : memref<!tpu.dma_semaphore, #tpu.memory_space<semaphore_mem>>)
    %dma_wait3A = arith.constant 0 : i32
    %dma_wait3A_1699 = arith.constant 0 : i32
    %dma_wait3A_1700 = tpu.memref_slice %arg4[%dma_wait3A, %dma_wait3A_1699] : memref<8192x384xi32, #tpu.memory_space<hbm>> -> memref<8192x384xi32, #tpu.memory_space<hbm>>
    tpu.wait_indirect_dma semaphore(%arg19 : memref<!tpu.dma_semaphore, #tpu.memory_space<semaphore_mem>>) src(%dma_wait3A_1700 : memref<8192x384xi32, #tpu.memory_space<hbm>>) dst(%arg16 : memref<96x384xi32, #tpu.memory_space<vmem>>)
    %add3A_1701 = arith.constant 0 : i32
    %add3A_1702 = arith.addi %mul3A_1646, %add3A_1701 : i32
    %dma_start3A_1703 = arith.constant 0 : i32
    %dma_start3A_1704 = tpu.memref_slice %arg5[%add3A_1702, %dma_start3A_1703] : memref<18432x384xi32, #tpu.memory_space<hbm>> -> memref<96x384xi32, #tpu.memory_space<hbm>>
    %dma_start3A_1705 = arith.constant 0 : i32
    %dma_start3A_1706 = tpu.memref_slice %arg5[%add3A_1702, %dma_start3A_1705] : memref<18432x384xi32, #tpu.memory_space<hbm>> -> memref<96x384xi32, #tpu.memory_space<hbm>>
    tpu.enqueue_dma source(%arg16 : memref<96x384xi32, #tpu.memory_space<vmem>>) target(%dma_start3A_1706 : memref<96x384xi32, #tpu.memory_space<hbm>>) target_semaphore(%arg22 : memref<!tpu.dma_semaphore, #tpu.memory_space<semaphore_mem>>)
    %get3A_1707 = arith.constant 192 : index
    %get3A_1708 = tpu.vector_load %arg12[%get3A_1707] {strides = array<i32>} : memref<576xi32, #tpu.memory_space<vmem>>, vector<16xi32>,
    %swap3A_1709 = arith.constant 0 : index
    %swap3A_1710 = tpu.vector_load %arg15[%swap3A_1709] {strides = array<i32>} : memref<96xi32, #tpu.memory_space<vmem>>, vector<16xi32>,
    tpu.vector_store %arg15[%swap3A_1709], %get3A_1708 {strides = array<i32>} : memref<96xi32, #tpu.memory_space<vmem>>, vector<16xi32>,
    %get3A_1711 = arith.constant 208 : index
    %get3A_1712 = tpu.vector_load %arg12[%get3A_1711] {strides = array<i32>} : memref<576xi32, #tpu.memory_space<vmem>>, vector<16xi32>,
    %swap3A_1713 = arith.constant 16 : index
    %swap3A_1714 = tpu.vector_load %arg15[%swap3A_1713] {strides = array<i32>} : memref<96xi32, #tpu.memory_space<vmem>>, vector<16xi32>,
    tpu.vector_store %arg15[%swap3A_1713], %get3A_1712 {strides = array<i32>} : memref<96xi32, #tpu.memory_space<vmem>>, vector<16xi32>,
    %get3A_1715 = arith.constant 224 : index
    %get3A_1716 = tpu.vector_load %arg12[%get3A_1715] {strides = array<i32>} : memref<576xi32, #tpu.memory_space<vmem>>, vector<16xi32>,
    %swap3A_1717 = arith.constant 32 : index
    %swap3A_1718 = tpu.vector_load %arg15[%swap3A_1717] {strides = array<i32>} : memref<96xi32, #tpu.memory_space<vmem>>, vector<16xi32>,
    tpu.vector_store %arg15[%swap3A_1717], %get3A_1716 {strides = array<i32>} : memref<96xi32, #tpu.memory_space<vmem>>, vector<16xi32>,
    %get3A_1719 = arith.constant 240 : index
    %get3A_1720 = tpu.vector_load %arg12[%get3A_1719] {strides = array<i32>} : memref<576xi32, #tpu.memory_space<vmem>>, vector<16xi32>,
    %swap3A_1721 = arith.constant 48 : index
    %swap3A_1722 = tpu.vector_load %arg15[%swap3A_1721] {strides = array<i32>} : memref<96xi32, #tpu.memory_space<vmem>>, vector<16xi32>,
    tpu.vector_store %arg15[%swap3A_1721], %get3A_1720 {strides = array<i32>} : memref<96xi32, #tpu.memory_space<vmem>>, vector<16xi32>,
    %get3A_1723 = arith.constant 256 : index
    %get3A_1724 = tpu.vector_load %arg12[%get3A_1723] {strides = array<i32>} : memref<576xi32, #tpu.memory_space<vmem>>, vector<16xi32>,
    %swap3A_1725 = arith.constant 64 : index
    %swap3A_1726 = tpu.vector_load %arg15[%swap3A_1725] {strides = array<i32>} : memref<96xi32, #tpu.memory_space<vmem>>, vector<16xi32>,
    tpu.vector_store %arg15[%swap3A_1725], %get3A_1724 {strides = array<i32>} : memref<96xi32, #tpu.memory_space<vmem>>, vector<16xi32>,
    %get3A_1727 = arith.constant 272 : index
    %get3A_1728 = tpu.vector_load %arg12[%get3A_1727] {strides = array<i32>} : memref<576xi32, #tpu.memory_space<vmem>>, vector<16xi32>,
    %swap3A_1729 = arith.constant 80 : index
    %swap3A_1730 = tpu.vector_load %arg15[%swap3A_1729] {strides = array<i32>} : memref<96xi32, #tpu.memory_space<vmem>>, vector<16xi32>,
    tpu.vector_store %arg15[%swap3A_1729], %get3A_1728 {strides = array<i32>} : memref<96xi32, #tpu.memory_space<vmem>>, vector<16xi32>,
    %dma_start3A_1731 = arith.constant 0 : i32
    %dma_start3A_1732 = arith.constant 0 : i32
    %dma_start3A_1733 = tpu.memref_slice %arg4[%dma_start3A_1731, %dma_start3A_1732] : memref<8192x384xi32, #tpu.memory_space<hbm>> -> memref<8192x384xi32, #tpu.memory_space<hbm>>
    tpu.enqueue_indirect_dma source(%dma_start3A_1733 : memref<8192x384xi32, #tpu.memory_space<hbm>>) target(%arg18 : memref<96x384xi32, #tpu.memory_space<vmem>>) offsets(%arg15 : memref<96xi32, #tpu.memory_space<vmem>>) semaphore(%arg21 : memref<!tpu.dma_semaphore, #tpu.memory_space<semaphore_mem>>)
    %dma_wait3A_1734 = arith.constant 0 : i32
    %dma_wait3A_1735 = arith.constant 0 : i32
    %dma_wait3A_1736 = tpu.memref_slice %arg4[%dma_wait3A_1734, %dma_wait3A_1735] : memref<8192x384xi32, #tpu.memory_space<hbm>> -> memref<8192x384xi32, #tpu.memory_space<hbm>>
    tpu.wait_indirect_dma semaphore(%arg20 : memref<!tpu.dma_semaphore, #tpu.memory_space<semaphore_mem>>) src(%dma_wait3A_1736 : memref<8192x384xi32, #tpu.memory_space<hbm>>) dst(%arg17 : memref<96x384xi32, #tpu.memory_space<vmem>>)
    %add3A_1737 = arith.constant 96 : i32
    %add3A_1738 = arith.addi %mul3A_1646, %add3A_1737 : i32
    %dma_start3A_1739 = arith.constant 0 : i32
    %dma_start3A_1740 = tpu.memref_slice %arg5[%add3A_1738, %dma_start3A_1739] : memref<18432x384xi32, #tpu.memory_space<hbm>> -> memref<96x384xi32, #tpu.memory_space<hbm>>
    %dma_start3A_1741 = arith.constant 0 : i32
    %dma_start3A_1742 = tpu.memref_slice %arg5[%add3A_1738, %dma_start3A_1741] : memref<18432x384xi32, #tpu.memory_space<hbm>> -> memref<96x384xi32, #tpu.memory_space<hbm>>
    tpu.enqueue_dma source(%arg17 : memref<96x384xi32, #tpu.memory_space<vmem>>) target(%dma_start3A_1742 : memref<96x384xi32, #tpu.memory_space<hbm>>) target_semaphore(%arg23 : memref<!tpu.dma_semaphore, #tpu.memory_space<semaphore_mem>>)
    %dma_wait3A_1743 = arith.constant 0 : i32
    %dma_wait3A_1744 = tpu.memref_slice %arg5[%add3A_1702, %dma_wait3A_1743] : memref<18432x384xi32, #tpu.memory_space<hbm>> -> memref<96x384xi32, #tpu.memory_space<hbm>>
    %dma_wait3A_1745 = arith.constant 0 : i32
    %dma_wait3A_1746 = tpu.memref_slice %arg5[%add3A_1702, %dma_wait3A_1745] : memref<18432x384xi32, #tpu.memory_space<hbm>> -> memref<96x384xi32, #tpu.memory_space<hbm>>
    tpu.wait_dma2 semaphore(%arg22 : memref<!tpu.dma_semaphore, #tpu.memory_space<semaphore_mem>>) src(%arg16 : memref<96x384xi32, #tpu.memory_space<vmem>>) dst(%dma_wait3A_1746 : memref<96x384xi32, #tpu.memory_space<hbm>>)
    %get3A_1747 = arith.constant 288 : index
    %get3A_1748 = tpu.vector_load %arg12[%get3A_1747] {strides = array<i32>} : memref<576xi32, #tpu.memory_space<vmem>>, vector<16xi32>,
    %swap3A_1749 = arith.constant 0 : index
    %swap3A_1750 = tpu.vector_load %arg13[%swap3A_1749] {strides = array<i32>} : memref<96xi32, #tpu.memory_space<vmem>>, vector<16xi32>,
    tpu.vector_store %arg13[%swap3A_1749], %get3A_1748 {strides = array<i32>} : memref<96xi32, #tpu.memory_space<vmem>>, vector<16xi32>,
    %get3A_1751 = arith.constant 304 : index
    %get3A_1752 = tpu.vector_load %arg12[%get3A_1751] {strides = array<i32>} : memref<576xi32, #tpu.memory_space<vmem>>, vector<16xi32>,
    %swap3A_1753 = arith.constant 16 : index
    %swap3A_1754 = tpu.vector_load %arg13[%swap3A_1753] {strides = array<i32>} : memref<96xi32, #tpu.memory_space<vmem>>, vector<16xi32>,
    tpu.vector_store %arg13[%swap3A_1753], %get3A_1752 {strides = array<i32>} : memref<96xi32, #tpu.memory_space<vmem>>, vector<16xi32>,
    %get3A_1755 = arith.constant 320 : index
    %get3A_1756 = tpu.vector_load %arg12[%get3A_1755] {strides = array<i32>} : memref<576xi32, #tpu.memory_space<vmem>>, vector<16xi32>,
    %swap3A_1757 = arith.constant 32 : index
    %swap3A_1758 = tpu.vector_load %arg13[%swap3A_1757] {strides = array<i32>} : memref<96xi32, #tpu.memory_space<vmem>>, vector<16xi32>,
    tpu.vector_store %arg13[%swap3A_1757], %get3A_1756 {strides = array<i32>} : memref<96xi32, #tpu.memory_space<vmem>>, vector<16xi32>,
    %get3A_1759 = arith.constant 336 : index
    %get3A_1760 = tpu.vector_load %arg12[%get3A_1759] {strides = array<i32>} : memref<576xi32, #tpu.memory_space<vmem>>, vector<16xi32>,
    %swap3A_1761 = arith.constant 48 : index
    %swap3A_1762 = tpu.vector_load %arg13[%swap3A_1761] {strides = array<i32>} : memref<96xi32, #tpu.memory_space<vmem>>, vector<16xi32>,
    tpu.vector_store %arg13[%swap3A_1761], %get3A_1760 {strides = array<i32>} : memref<96xi32, #tpu.memory_space<vmem>>, vector<16xi32>,
    %get3A_1763 = arith.constant 352 : index
    %get3A_1764 = tpu.vector_load %arg12[%get3A_1763] {strides = array<i32>} : memref<576xi32, #tpu.memory_space<vmem>>, vector<16xi32>,
    %swap3A_1765 = arith.constant 64 : index
    %swap3A_1766 = tpu.vector_load %arg13[%swap3A_1765] {strides = array<i32>} : memref<96xi32, #tpu.memory_space<vmem>>, vector<16xi32>,
    tpu.vector_store %arg13[%swap3A_1765], %get3A_1764 {strides = array<i32>} : memref<96xi32, #tpu.memory_space<vmem>>, vector<16xi32>,
    %get3A_1767 = arith.constant 368 : index
    %get3A_1768 = tpu.vector_load %arg12[%get3A_1767] {strides = array<i32>} : memref<576xi32, #tpu.memory_space<vmem>>, vector<16xi32>,
    %swap3A_1769 = arith.constant 80 : index
    %swap3A_1770 = tpu.vector_load %arg13[%swap3A_1769] {strides = array<i32>} : memref<96xi32, #tpu.memory_space<vmem>>, vector<16xi32>,
    tpu.vector_store %arg13[%swap3A_1769], %get3A_1768 {strides = array<i32>} : memref<96xi32, #tpu.memory_space<vmem>>, vector<16xi32>,
    %dma_start3A_1771 = arith.constant 0 : i32
    %dma_start3A_1772 = arith.constant 0 : i32
    %dma_start3A_1773 = tpu.memref_slice %arg4[%dma_start3A_1771, %dma_start3A_1772] : memref<8192x384xi32, #tpu.memory_space<hbm>> -> memref<8192x384xi32, #tpu.memory_space<hbm>>
    tpu.enqueue_indirect_dma source(%dma_start3A_1773 : memref<8192x384xi32, #tpu.memory_space<hbm>>) target(%arg16 : memref<96x384xi32, #tpu.memory_space<vmem>>) offsets(%arg13 : memref<96xi32, #tpu.memory_space<vmem>>) semaphore(%arg19 : memref<!tpu.dma_semaphore, #tpu.memory_space<semaphore_mem>>)
    %dma_wait3A_1774 = arith.constant 0 : i32
    %dma_wait3A_1775 = arith.constant 0 : i32
    %dma_wait3A_1776 = tpu.memref_slice %arg4[%dma_wait3A_1774, %dma_wait3A_1775] : memref<8192x384xi32, #tpu.memory_space<hbm>> -> memref<8192x384xi32, #tpu.memory_space<hbm>>
    tpu.wait_indirect_dma semaphore(%arg21 : memref<!tpu.dma_semaphore, #tpu.memory_space<semaphore_mem>>) src(%dma_wait3A_1776 : memref<8192x384xi32, #tpu.memory_space<hbm>>) dst(%arg18 : memref<96x384xi32, #tpu.memory_space<vmem>>)
    %add3A_1777 = arith.constant 192 : i32
    %add3A_1778 = arith.addi %mul3A_1646, %add3A_1777 : i32
    %dma_start3A_1779 = arith.constant 0 : i32
    %dma_start3A_1780 = tpu.memref_slice %arg5[%add3A_1778, %dma_start3A_1779] : memref<18432x384xi32, #tpu.memory_space<hbm>> -> memref<96x384xi32, #tpu.memory_space<hbm>>
    %dma_start3A_1781 = arith.constant 0 : i32
    %dma_start3A_1782 = tpu.memref_slice %arg5[%add3A_1778, %dma_start3A_1781] : memref<18432x384xi32, #tpu.memory_space<hbm>> -> memref<96x384xi32, #tpu.memory_space<hbm>>
    tpu.enqueue_dma source(%arg18 : memref<96x384xi32, #tpu.memory_space<vmem>>) target(%dma_start3A_1782 : memref<96x384xi32, #tpu.memory_space<hbm>>) target_semaphore(%arg24 : memref<!tpu.dma_semaphore, #tpu.memory_space<semaphore_mem>>)
    %dma_wait3A_1783 = arith.constant 0 : i32
    %dma_wait3A_1784 = tpu.memref_slice %arg5[%add3A_1738, %dma_wait3A_1783] : memref<18432x384xi32, #tpu.memory_space<hbm>> -> memref<96x384xi32, #tpu.memory_space<hbm>>
    %dma_wait3A_1785 = arith.constant 0 : i32
    %dma_wait3A_1786 = tpu.memref_slice %arg5[%add3A_1738, %dma_wait3A_1785] : memref<18432x384xi32, #tpu.memory_space<hbm>> -> memref<96x384xi32, #tpu.memory_space<hbm>>
    tpu.wait_dma2 semaphore(%arg23 : memref<!tpu.dma_semaphore, #tpu.memory_space<semaphore_mem>>) src(%arg17 : memref<96x384xi32, #tpu.memory_space<vmem>>) dst(%dma_wait3A_1786 : memref<96x384xi32, #tpu.memory_space<hbm>>)
    %get3A_1787 = arith.constant 384 : index
    %get3A_1788 = tpu.vector_load %arg12[%get3A_1787] {strides = array<i32>} : memref<576xi32, #tpu.memory_space<vmem>>, vector<16xi32>,
    %swap3A_1789 = arith.constant 0 : index
    %swap3A_1790 = tpu.vector_load %arg14[%swap3A_1789] {strides = array<i32>} : memref<96xi32, #tpu.memory_space<vmem>>, vector<16xi32>,
    tpu.vector_store %arg14[%swap3A_1789], %get3A_1788 {strides = array<i32>} : memref<96xi32, #tpu.memory_space<vmem>>, vector<16xi32>,
    %get3A_1791 = arith.constant 400 : index
    %get3A_1792 = tpu.vector_load %arg12[%get3A_1791] {strides = array<i32>} : memref<576xi32, #tpu.memory_space<vmem>>, vector<16xi32>,
    %swap3A_1793 = arith.constant 16 : index
    %swap3A_1794 = tpu.vector_load %arg14[%swap3A_1793] {strides = array<i32>} : memref<96xi32, #tpu.memory_space<vmem>>, vector<16xi32>,
    tpu.vector_store %arg14[%swap3A_1793], %get3A_1792 {strides = array<i32>} : memref<96xi32, #tpu.memory_space<vmem>>, vector<16xi32>,
    %get3A_1795 = arith.constant 416 : index
    %get3A_1796 = tpu.vector_load %arg12[%get3A_1795] {strides = array<i32>} : memref<576xi32, #tpu.memory_space<vmem>>, vector<16xi32>,
    %swap3A_1797 = arith.constant 32 : index
    %swap3A_1798 = tpu.vector_load %arg14[%swap3A_1797] {strides = array<i32>} : memref<96xi32, #tpu.memory_space<vmem>>, vector<16xi32>,
    tpu.vector_store %arg14[%swap3A_1797], %get3A_1796 {strides = array<i32>} : memref<96xi32, #tpu.memory_space<vmem>>, vector<16xi32>,
    %get3A_1799 = arith.constant 432 : index
    %get3A_1800 = tpu.vector_load %arg12[%get3A_1799] {strides = array<i32>} : memref<576xi32, #tpu.memory_space<vmem>>, vector<16xi32>,
    %swap3A_1801 = arith.constant 48 : index
    %swap3A_1802 = tpu.vector_load %arg14[%swap3A_1801] {strides = array<i32>} : memref<96xi32, #tpu.memory_space<vmem>>, vector<16xi32>,
    tpu.vector_store %arg14[%swap3A_1801], %get3A_1800 {strides = array<i32>} : memref<96xi32, #tpu.memory_space<vmem>>, vector<16xi32>,
    %get3A_1803 = arith.constant 448 : index
    %get3A_1804 = tpu.vector_load %arg12[%get3A_1803] {strides = array<i32>} : memref<576xi32, #tpu.memory_space<vmem>>, vector<16xi32>,
    %swap3A_1805 = arith.constant 64 : index
    %swap3A_1806 = tpu.vector_load %arg14[%swap3A_1805] {strides = array<i32>} : memref<96xi32, #tpu.memory_space<vmem>>, vector<16xi32>,
    tpu.vector_store %arg14[%swap3A_1805], %get3A_1804 {strides = array<i32>} : memref<96xi32, #tpu.memory_space<vmem>>, vector<16xi32>,
    %get3A_1807 = arith.constant 464 : index
    %get3A_1808 = tpu.vector_load %arg12[%get3A_1807] {strides = array<i32>} : memref<576xi32, #tpu.memory_space<vmem>>, vector<16xi32>,
    %swap3A_1809 = arith.constant 80 : index
    %swap3A_1810 = tpu.vector_load %arg14[%swap3A_1809] {strides = array<i32>} : memref<96xi32, #tpu.memory_space<vmem>>, vector<16xi32>,
    tpu.vector_store %arg14[%swap3A_1809], %get3A_1808 {strides = array<i32>} : memref<96xi32, #tpu.memory_space<vmem>>, vector<16xi32>,
    %dma_start3A_1811 = arith.constant 0 : i32
    %dma_start3A_1812 = arith.constant 0 : i32
    %dma_start3A_1813 = tpu.memref_slice %arg4[%dma_start3A_1811, %dma_start3A_1812] : memref<8192x384xi32, #tpu.memory_space<hbm>> -> memref<8192x384xi32, #tpu.memory_space<hbm>>
    tpu.enqueue_indirect_dma source(%dma_start3A_1813 : memref<8192x384xi32, #tpu.memory_space<hbm>>) target(%arg17 : memref<96x384xi32, #tpu.memory_space<vmem>>) offsets(%arg14 : memref<96xi32, #tpu.memory_space<vmem>>) semaphore(%arg20 : memref<!tpu.dma_semaphore, #tpu.memory_space<semaphore_mem>>)
    %dma_wait3A_1814 = arith.constant 0 : i32
    %dma_wait3A_1815 = arith.constant 0 : i32
    %dma_wait3A_1816 = tpu.memref_slice %arg4[%dma_wait3A_1814, %dma_wait3A_1815] : memref<8192x384xi32, #tpu.memory_space<hbm>> -> memref<8192x384xi32, #tpu.memory_space<hbm>>
    tpu.wait_indirect_dma semaphore(%arg19 : memref<!tpu.dma_semaphore, #tpu.memory_space<semaphore_mem>>) src(%dma_wait3A_1816 : memref<8192x384xi32, #tpu.memory_space<hbm>>) dst(%arg16 : memref<96x384xi32, #tpu.memory_space<vmem>>)
    %add3A_1817 = arith.constant 288 : i32
    %add3A_1818 = arith.addi %mul3A_1646, %add3A_1817 : i32
    %dma_start3A_1819 = arith.constant 0 : i32
    %dma_start3A_1820 = tpu.memref_slice %arg5[%add3A_1818, %dma_start3A_1819] : memref<18432x384xi32, #tpu.memory_space<hbm>> -> memref<96x384xi32, #tpu.memory_space<hbm>>
    %dma_start3A_1821 = arith.constant 0 : i32
    %dma_start3A_1822 = tpu.memref_slice %arg5[%add3A_1818, %dma_start3A_1821] : memref<18432x384xi32, #tpu.memory_space<hbm>> -> memref<96x384xi32, #tpu.memory_space<hbm>>
    tpu.enqueue_dma source(%arg16 : memref<96x384xi32, #tpu.memory_space<vmem>>) target(%dma_start3A_1822 : memref<96x384xi32, #tpu.memory_space<hbm>>) target_semaphore(%arg22 : memref<!tpu.dma_semaphore, #tpu.memory_space<semaphore_mem>>)
    %dma_wait3A_1823 = arith.constant 0 : i32
    %dma_wait3A_1824 = tpu.memref_slice %arg5[%add3A_1778, %dma_wait3A_1823] : memref<18432x384xi32, #tpu.memory_space<hbm>> -> memref<96x384xi32, #tpu.memory_space<hbm>>
    %dma_wait3A_1825 = arith.constant 0 : i32
    %dma_wait3A_1826 = tpu.memref_slice %arg5[%add3A_1778, %dma_wait3A_1825] : memref<18432x384xi32, #tpu.memory_space<hbm>> -> memref<96x384xi32, #tpu.memory_space<hbm>>
    tpu.wait_dma2 semaphore(%arg24 : memref<!tpu.dma_semaphore, #tpu.memory_space<semaphore_mem>>) src(%arg18 : memref<96x384xi32, #tpu.memory_space<vmem>>) dst(%dma_wait3A_1826 : memref<96x384xi32, #tpu.memory_space<hbm>>)
    %get3A_1827 = arith.constant 480 : index
    %get3A_1828 = tpu.vector_load %arg12[%get3A_1827] {strides = array<i32>} : memref<576xi32, #tpu.memory_space<vmem>>, vector<16xi32>,
    %swap3A_1829 = arith.constant 0 : index
    %swap3A_1830 = tpu.vector_load %arg15[%swap3A_1829] {strides = array<i32>} : memref<96xi32, #tpu.memory_space<vmem>>, vector<16xi32>,
    tpu.vector_store %arg15[%swap3A_1829], %get3A_1828 {strides = array<i32>} : memref<96xi32, #tpu.memory_space<vmem>>, vector<16xi32>,
    %get3A_1831 = arith.constant 496 : index
    %get3A_1832 = tpu.vector_load %arg12[%get3A_1831] {strides = array<i32>} : memref<576xi32, #tpu.memory_space<vmem>>, vector<16xi32>,
    %swap3A_1833 = arith.constant 16 : index
    %swap3A_1834 = tpu.vector_load %arg15[%swap3A_1833] {strides = array<i32>} : memref<96xi32, #tpu.memory_space<vmem>>, vector<16xi32>,
    tpu.vector_store %arg15[%swap3A_1833], %get3A_1832 {strides = array<i32>} : memref<96xi32, #tpu.memory_space<vmem>>, vector<16xi32>,
    %get3A_1835 = arith.constant 512 : index
    %get3A_1836 = tpu.vector_load %arg12[%get3A_1835] {strides = array<i32>} : memref<576xi32, #tpu.memory_space<vmem>>, vector<16xi32>,
    %swap3A_1837 = arith.constant 32 : index
    %swap3A_1838 = tpu.vector_load %arg15[%swap3A_1837] {strides = array<i32>} : memref<96xi32, #tpu.memory_space<vmem>>, vector<16xi32>,
    tpu.vector_store %arg15[%swap3A_1837], %get3A_1836 {strides = array<i32>} : memref<96xi32, #tpu.memory_space<vmem>>, vector<16xi32>,
    %get3A_1839 = arith.constant 528 : index
    %get3A_1840 = tpu.vector_load %arg12[%get3A_1839] {strides = array<i32>} : memref<576xi32, #tpu.memory_space<vmem>>, vector<16xi32>,
    %swap3A_1841 = arith.constant 48 : index
    %swap3A_1842 = tpu.vector_load %arg15[%swap3A_1841] {strides = array<i32>} : memref<96xi32, #tpu.memory_space<vmem>>, vector<16xi32>,
    tpu.vector_store %arg15[%swap3A_1841], %get3A_1840 {strides = array<i32>} : memref<96xi32, #tpu.memory_space<vmem>>, vector<16xi32>,
    %get3A_1843 = arith.constant 544 : index
    %get3A_1844 = tpu.vector_load %arg12[%get3A_1843] {strides = array<i32>} : memref<576xi32, #tpu.memory_space<vmem>>, vector<16xi32>,
    %swap3A_1845 = arith.constant 64 : index
    %swap3A_1846 = tpu.vector_load %arg15[%swap3A_1845] {strides = array<i32>} : memref<96xi32, #tpu.memory_space<vmem>>, vector<16xi32>,
    tpu.vector_store %arg15[%swap3A_1845], %get3A_1844 {strides = array<i32>} : memref<96xi32, #tpu.memory_space<vmem>>, vector<16xi32>,
    %get3A_1847 = arith.constant 560 : index
    %get3A_1848 = tpu.vector_load %arg12[%get3A_1847] {strides = array<i32>} : memref<576xi32, #tpu.memory_space<vmem>>, vector<16xi32>,
    %swap3A_1849 = arith.constant 80 : index
    %swap3A_1850 = tpu.vector_load %arg15[%swap3A_1849] {strides = array<i32>} : memref<96xi32, #tpu.memory_space<vmem>>, vector<16xi32>,
    tpu.vector_store %arg15[%swap3A_1849], %get3A_1848 {strides = array<i32>} : memref<96xi32, #tpu.memory_space<vmem>>, vector<16xi32>,
    %dma_start3A_1851 = arith.constant 0 : i32
    %dma_start3A_1852 = arith.constant 0 : i32
    %dma_start3A_1853 = tpu.memref_slice %arg4[%dma_start3A_1851, %dma_start3A_1852] : memref<8192x384xi32, #tpu.memory_space<hbm>> -> memref<8192x384xi32, #tpu.memory_space<hbm>>
    tpu.enqueue_indirect_dma source(%dma_start3A_1853 : memref<8192x384xi32, #tpu.memory_space<hbm>>) target(%arg18 : memref<96x384xi32, #tpu.memory_space<vmem>>) offsets(%arg15 : memref<96xi32, #tpu.memory_space<vmem>>) semaphore(%arg21 : memref<!tpu.dma_semaphore, #tpu.memory_space<semaphore_mem>>)
    %dma_wait3A_1854 = arith.constant 0 : i32
    %dma_wait3A_1855 = arith.constant 0 : i32
    %dma_wait3A_1856 = tpu.memref_slice %arg4[%dma_wait3A_1854, %dma_wait3A_1855] : memref<8192x384xi32, #tpu.memory_space<hbm>> -> memref<8192x384xi32, #tpu.memory_space<hbm>>
    tpu.wait_indirect_dma semaphore(%arg20 : memref<!tpu.dma_semaphore, #tpu.memory_space<semaphore_mem>>) src(%dma_wait3A_1856 : memref<8192x384xi32, #tpu.memory_space<hbm>>) dst(%arg17 : memref<96x384xi32, #tpu.memory_space<vmem>>)
    %add3A_1857 = arith.constant 384 : i32
    %add3A_1858 = arith.addi %mul3A_1646, %add3A_1857 : i32
    %dma_start3A_1859 = arith.constant 0 : i32
    %dma_start3A_1860 = tpu.memref_slice %arg5[%add3A_1858, %dma_start3A_1859] : memref<18432x384xi32, #tpu.memory_space<hbm>> -> memref<96x384xi32, #tpu.memory_space<hbm>>
    %dma_start3A_1861 = arith.constant 0 : i32
    %dma_start3A_1862 = tpu.memref_slice %arg5[%add3A_1858, %dma_start3A_1861] : memref<18432x384xi32, #tpu.memory_space<hbm>> -> memref<96x384xi32, #tpu.memory_space<hbm>>
    tpu.enqueue_dma source(%arg17 : memref<96x384xi32, #tpu.memory_space<vmem>>) target(%dma_start3A_1862 : memref<96x384xi32, #tpu.memory_space<hbm>>) target_semaphore(%arg23 : memref<!tpu.dma_semaphore, #tpu.memory_space<semaphore_mem>>)
    %dma_wait3A_1863 = arith.constant 0 : i32
    %dma_wait3A_1864 = arith.constant 0 : i32
    %dma_wait3A_1865 = tpu.memref_slice %arg4[%dma_wait3A_1863, %dma_wait3A_1864] : memref<8192x384xi32, #tpu.memory_space<hbm>> -> memref<8192x384xi32, #tpu.memory_space<hbm>>
    tpu.wait_indirect_dma semaphore(%arg21 : memref<!tpu.dma_semaphore, #tpu.memory_space<semaphore_mem>>) src(%dma_wait3A_1865 : memref<8192x384xi32, #tpu.memory_space<hbm>>) dst(%arg18 : memref<96x384xi32, #tpu.memory_space<vmem>>)
    %add3A_1866 = arith.constant 480 : i32
    %add3A_1867 = arith.addi %mul3A_1646, %add3A_1866 : i32
    %dma_start3A_1868 = arith.constant 0 : i32
    %dma_start3A_1869 = tpu.memref_slice %arg5[%add3A_1867, %dma_start3A_1868] : memref<18432x384xi32, #tpu.memory_space<hbm>> -> memref<96x384xi32, #tpu.memory_space<hbm>>
    %dma_start3A_1870 = arith.constant 0 : i32
    %dma_start3A_1871 = tpu.memref_slice %arg5[%add3A_1867, %dma_start3A_1870] : memref<18432x384xi32, #tpu.memory_space<hbm>> -> memref<96x384xi32, #tpu.memory_space<hbm>>
    tpu.enqueue_dma source(%arg18 : memref<96x384xi32, #tpu.memory_space<vmem>>) target(%dma_start3A_1871 : memref<96x384xi32, #tpu.memory_space<hbm>>) target_semaphore(%arg24 : memref<!tpu.dma_semaphore, #tpu.memory_space<semaphore_mem>>)
    %dma_wait3A_1872 = arith.constant 0 : i32
    %dma_wait3A_1873 = tpu.memref_slice %arg5[%add3A_1818, %dma_wait3A_1872] : memref<18432x384xi32, #tpu.memory_space<hbm>> -> memref<96x384xi32, #tpu.memory_space<hbm>>
    %dma_wait3A_1874 = arith.constant 0 : i32
    %dma_wait3A_1875 = tpu.memref_slice %arg5[%add3A_1818, %dma_wait3A_1874] : memref<18432x384xi32, #tpu.memory_space<hbm>> -> memref<96x384xi32, #tpu.memory_space<hbm>>
    tpu.wait_dma2 semaphore(%arg22 : memref<!tpu.dma_semaphore, #tpu.memory_space<semaphore_mem>>) src(%arg16 : memref<96x384xi32, #tpu.memory_space<vmem>>) dst(%dma_wait3A_1875 : memref<96x384xi32, #tpu.memory_space<hbm>>)
    %dma_wait3A_1876 = arith.constant 0 : i32
    %dma_wait3A_1877 = tpu.memref_slice %arg5[%add3A_1858, %dma_wait3A_1876] : memref<18432x384xi32, #tpu.memory_space<hbm>> -> memref<96x384xi32, #tpu.memory_space<hbm>>
    %dma_wait3A_1878 = arith.constant 0 : i32
    %dma_wait3A_1879 = tpu.memref_slice %arg5[%add3A_1858, %dma_wait3A_1878] : memref<18432x384xi32, #tpu.memory_space<hbm>> -> memref<96x384xi32, #tpu.memory_space<hbm>>
    tpu.wait_dma2 semaphore(%arg23 : memref<!tpu.dma_semaphore, #tpu.memory_space<semaphore_mem>>) src(%arg17 : memref<96x384xi32, #tpu.memory_space<vmem>>) dst(%dma_wait3A_1879 : memref<96x384xi32, #tpu.memory_space<hbm>>)
    %dma_wait3A_1880 = arith.constant 0 : i32
    %dma_wait3A_1881 = tpu.memref_slice %arg5[%add3A_1867, %dma_wait3A_1880] : memref<18432x384xi32, #tpu.memory_space<hbm>> -> memref<96x384xi32, #tpu.memory_space<hbm>>
    %dma_wait3A_1882 = arith.constant 0 : i32
    %dma_wait3A_1883 = tpu.memref_slice %arg5[%add3A_1867, %dma_wait3A_1882] : memref<18432x384xi32, #tpu.memory_space<hbm>> -> memref<96x384xi32, #tpu.memory_space<hbm>>
    tpu.wait_dma2 semaphore(%arg24 : memref<!tpu.dma_semaphore, #tpu.memory_space<semaphore_mem>>) src(%arg18 : memref<96x384xi32, #tpu.memory_space<vmem>>) dst(%dma_wait3A_1883 : memref<96x384xi32, #tpu.memory_space<hbm>>)
    return
  }
}

module attributes {stable_mosaic.version = 14 : i64} {
  func.func @_router_kernel(%arg0: i32, %arg1: memref<1024x768xf32, #tpu.memory_space<vmem>>, %arg2: memref<1024x10xf32, #tpu.memory_space<vmem>>, %arg3: memref<768x8xf32, #tpu.memory_space<vmem>>, %arg4: memref<10x8xf32, #tpu.memory_space<vmem>>, %arg5: memref<1x8xf32, #tpu.memory_space<vmem>>, %arg6: memref<1024x1024xf32, #tpu.memory_space<vmem>>, %arg7: memref<1024x1xf32, #tpu.memory_space<vmem>>, %arg8: memref<1024x1xf32, #tpu.memory_space<vmem>>, %arg9: memref<1x1xf32, #tpu.memory_space<vmem>>, %arg10: memref<1024x384xi32, #tpu.memory_space<vmem>>, %arg11: memref<2048x1xi32, #tpu.memory_space<vmem>>, %arg12: memref<2048x1xi32, #tpu.memory_space<vmem>>, %arg13: memref<72x1xi32, #tpu.memory_space<vmem>>, %arg14: memref<8192x8xf32, #tpu.memory_space<vmem>>, %arg15: memref<1x8xf32, #tpu.memory_space<vmem>>, %arg16: memref<1x8xf32, #tpu.memory_space<vmem>>, %arg17: memref<8192x2xi32, #tpu.memory_space<vmem>>, %arg18: memref<8192x2xf32, #tpu.memory_space<vmem>>, %arg19: memref<1x8xf32, #tpu.memory_space<vmem>>) attributes {dimension_semantics = [#tpu.dimension_semantics<arbitrary>], iteration_bounds = array<i64: 20>, scalar_prefetch = 0 : i64, scratch_operands = 6 : i64, tpu.core_type = #tpu.core_type<tc>, window_params = [{transform_indices = @transform_0, window_bounds = array<i64: 1024, 768>}, {transform_indices = @transform_1, window_bounds = array<i64: 1024, 10>}, {pipeline_mode = #tpu.pipeline_mode<synchronous>, transform_indices = @transform_2, window_bounds = array<i64: 768, 8>}, {pipeline_mode = #tpu.pipeline_mode<synchronous>, transform_indices = @transform_3, window_bounds = array<i64: 10, 8>}, {pipeline_mode = #tpu.pipeline_mode<synchronous>, transform_indices = @transform_4, window_bounds = array<i64: 1, 8>}, {pipeline_mode = #tpu.pipeline_mode<synchronous>, transform_indices = @transform_5, window_bounds = array<i64: 1024, 1024>}, {transform_indices = @transform_6, window_bounds = array<i64: 1024, 1>}, {transform_indices = @transform_7, window_bounds = array<i64: 1024, 1>}, {pipeline_mode = #tpu.pipeline_mode<synchronous>, transform_indices = @transform_8, window_bounds = array<i64: 1, 1>}, {transform_indices = @transform_9, window_bounds = array<i64: 1024, 384>}, {transform_indices = @transform_10, window_bounds = array<i64: 2048, 1>}, {transform_indices = @transform_11, window_bounds = array<i64: 2048, 1>}, {pipeline_mode = #tpu.pipeline_mode<synchronous>, transform_indices = @transform_12, window_bounds = array<i64: 72, 1>}]} {
    %eq3A = arith.constant 0 : i32
    %eq3A_0 = arith.cmpi eq, %arg0, %eq3A : i32
    %convert_element_type3A = arith.extui %eq3A_0 : i1 to i32
    %cond3A = arith.constant 0 : i32
    %cond3A_1 = arith.cmpi ne, %convert_element_type3A, %cond3A : i32
    scf.if %cond3A_1 {
      %broadcast_in_dim3A = arith.constant 0.000000e+00 : f32
      %broadcast_in_dim3A_22 = vector.broadcast %broadcast_in_dim3A : f32 to vector<1x8xf32>
      %swap3A = arith.constant 0 : index
      %swap3A_23 = arith.constant 0 : index
      %swap3A_24 = vector.load %arg15[%swap3A, %swap3A_23] : memref<1x8xf32, #tpu.memory_space<vmem>>, vector<1x8xf32>
      tpu.vector_store %arg15[%swap3A, %swap3A_23], %broadcast_in_dim3A_22 {strides = array<i32>} : memref<1x8xf32, #tpu.memory_space<vmem>>, vector<1x8xf32>,
      %broadcast_in_dim3A_25 = arith.constant 0.000000e+00 : f32
      %broadcast_in_dim3A_26 = vector.broadcast %broadcast_in_dim3A_25 : f32 to vector<1x8xf32>
      %swap3A_27 = arith.constant 0 : index
      %swap3A_28 = arith.constant 0 : index
      %swap3A_29 = vector.load %arg16[%swap3A_27, %swap3A_28] : memref<1x8xf32, #tpu.memory_space<vmem>>, vector<1x8xf32>
      tpu.vector_store %arg16[%swap3A_27, %swap3A_28], %broadcast_in_dim3A_26 {strides = array<i32>} : memref<1x8xf32, #tpu.memory_space<vmem>>, vector<1x8xf32>,
    } else {
    }
    %lt3A = arith.constant 8 : i32
    %lt3A_2 = arith.cmpi slt, %arg0, %lt3A : i32
    %convert_element_type3A_3 = arith.extui %lt3A_2 : i1 to i32
    %cond3A_4 = arith.constant 0 : i32
    %cond3A_5 = arith.cmpi ne, %convert_element_type3A_3, %cond3A_4 : i32
    scf.if %cond3A_5 {
      %get3A = arith.constant 0 : index
      %get3A_22 = arith.constant 0 : index
      %get3A_23 = vector.load %arg1[%get3A, %get3A_22] : memref<1024x768xf32, #tpu.memory_space<vmem>>, vector<1024x768xf32>
      %get3A_24 = arith.constant 0 : index
      %get3A_25 = arith.constant 0 : index
      %get3A_26 = vector.load %arg3[%get3A_24, %get3A_25] : memref<768x8xf32, #tpu.memory_space<vmem>>, vector<768x8xf32>
      %dot_general3A = arith.constant dense<0.000000e+00> : vector<1024x8xf32>
      %dot_general3A_27 = tpu.matmul %get3A_23, %get3A_26, %dot_general3A {dimension_numbers = #tpu.dot_dimension_numbers<[1], [0], [0], [1], [0, 0, 1, 1], [], []>, transpose_lhs_hint = false} : vector<1024x768xf32>, vector<768x8xf32>, vector<1024x8xf32> -> vector<1024x8xf32>
      %get3A_28 = arith.constant 0 : index
      %get3A_29 = arith.constant 0 : index
      %get3A_30 = vector.load %arg2[%get3A_28, %get3A_29] : memref<1024x10xf32, #tpu.memory_space<vmem>>, vector<1024x10xf32>
      %get3A_31 = arith.constant 0 : index
      %get3A_32 = arith.constant 0 : index
      %get3A_33 = vector.load %arg4[%get3A_31, %get3A_32] : memref<10x8xf32, #tpu.memory_space<vmem>>, vector<10x8xf32>
      %dot_general3A_34 = arith.constant dense<0.000000e+00> : vector<1024x8xf32>
      %dot_general3A_35 = tpu.matmul %get3A_30, %get3A_33, %dot_general3A_34 {dimension_numbers = #tpu.dot_dimension_numbers<[1], [0], [0], [1], [0, 0, 1, 1], [], []>, transpose_lhs_hint = false} : vector<1024x10xf32>, vector<10x8xf32>, vector<1024x8xf32> -> vector<1024x8xf32>
      %add3A = arith.addf %dot_general3A_27, %dot_general3A_35 : vector<1024x8xf32>
      %get3A_36 = arith.constant 0 : index
      %get3A_37 = arith.constant 0 : index
      %get3A_38 = vector.load %arg5[%get3A_36, %get3A_37] : memref<1x8xf32, #tpu.memory_space<vmem>>, vector<1x8xf32>
      %add3A_39 = vector.broadcast %get3A_38 : vector<1x8xf32> to vector<1024x8xf32>
      %add3A_40 = arith.addf %add3A, %add3A_39 : vector<1024x8xf32>
      %reduce_max3A = arith.constant dense<0xFF800000> : vector<1024xf32>
      %reduce_max3A_41 = vector.multi_reduction <maximumf>, %add3A_40, %reduce_max3A [1] : vector<1024x8xf32> to vector<1024xf32>
      %broadcast_in_dim3A = vector.shape_cast %reduce_max3A_41 : vector<1024xf32> to vector<1024x1xf32>
      %sub3A = vector.broadcast %broadcast_in_dim3A : vector<1024x1xf32> to vector<1024x8xf32>
      %sub3A_42 = arith.subf %add3A_40, %sub3A : vector<1024x8xf32>
      %exp3A = math.exp %sub3A_42 : vector<1024x8xf32>
      %reduce_sum3A = arith.constant dense<0.000000e+00> : vector<1024xf32>
      %reduce_sum3A_43 = vector.multi_reduction <add>, %exp3A, %reduce_sum3A [1] : vector<1024x8xf32> to vector<1024xf32>
      %broadcast_in_dim3A_44 = vector.shape_cast %reduce_sum3A_43 : vector<1024xf32> to vector<1024x1xf32>
      %div3A = vector.broadcast %broadcast_in_dim3A_44 : vector<1024x1xf32> to vector<1024x8xf32>
      %div3A_45 = arith.divf %exp3A, %div3A : vector<1024x8xf32>
      %iota3A = tpu.iota {dimensions = array<i32: 1>} : vector<1024x8xi32>
      %reduce_max3A_46 = arith.constant dense<0xFF800000> : vector<1024xf32>
      %reduce_max3A_47 = vector.multi_reduction <maximumf>, %div3A_45, %reduce_max3A_46 [1] : vector<1024x8xf32> to vector<1024xf32>
      %broadcast_in_dim3A_48 = vector.shape_cast %reduce_max3A_47 : vector<1024xf32> to vector<1024x1xf32>
      %eq3A_49 = vector.broadcast %broadcast_in_dim3A_48 : vector<1024x1xf32> to vector<1024x8xf32>
      %eq3A_50 = arith.cmpf oeq, %div3A_45, %eq3A_49 : vector<1024x8xf32>
      %jit3A = arith.constant 8 : i32
      %broadcast_in_dim3A_51 = vector.broadcast %jit3A : i32 to vector<1024x8xi32>
      %select_n3A = arith.select %eq3A_50, %iota3A, %broadcast_in_dim3A_51 : vector<1024x8xi1>, vector<1024x8xi32>
      %reduce_min3A = arith.constant dense<2147483647> : vector<1024xi32>
      %reduce_min3A_52 = vector.multi_reduction <minsi>, %select_n3A, %reduce_min3A [1] : vector<1024x8xi32> to vector<1024xi32>
      %broadcast_in_dim3A_53 = vector.shape_cast %reduce_min3A_52 : vector<1024xi32> to vector<1024x1xi32>
      %eq3A_54 = vector.broadcast %broadcast_in_dim3A_53 : vector<1024x1xi32> to vector<1024x8xi32>
      %eq3A_55 = arith.cmpi eq, %iota3A, %eq3A_54 : vector<1024x8xi32>
      %jit3A_56 = arith.constant 0xFF800000 : f32
      %broadcast_in_dim3A_57 = vector.broadcast %jit3A_56 : f32 to vector<1024x8xf32>
      %select_n3A_58 = arith.select %eq3A_55, %broadcast_in_dim3A_57, %div3A_45 : vector<1024x8xi1>, vector<1024x8xf32>
      %reduce_max3A_59 = arith.constant dense<0xFF800000> : vector<1024xf32>
      %reduce_max3A_60 = vector.multi_reduction <maximumf>, %select_n3A_58, %reduce_max3A_59 [1] : vector<1024x8xf32> to vector<1024xf32>
      %broadcast_in_dim3A_61 = vector.shape_cast %reduce_max3A_60 : vector<1024xf32> to vector<1024x1xf32>
      %eq3A_62 = vector.broadcast %broadcast_in_dim3A_61 : vector<1024x1xf32> to vector<1024x8xf32>
      %eq3A_63 = arith.cmpf oeq, %select_n3A_58, %eq3A_62 : vector<1024x8xf32>
      %jit3A_64 = arith.constant 8 : i32
      %broadcast_in_dim3A_65 = vector.broadcast %jit3A_64 : i32 to vector<1024x8xi32>
      %select_n3A_66 = arith.select %eq3A_63, %iota3A, %broadcast_in_dim3A_65 : vector<1024x8xi1>, vector<1024x8xi32>
      %reduce_min3A_67 = arith.constant dense<2147483647> : vector<1024xi32>
      %reduce_min3A_68 = vector.multi_reduction <minsi>, %select_n3A_66, %reduce_min3A_67 [1] : vector<1024x8xi32> to vector<1024xi32>
      %broadcast_in_dim3A_69 = vector.shape_cast %reduce_min3A_68 : vector<1024xi32> to vector<1024x1xi32>
      %add3A_70 = arith.addf %broadcast_in_dim3A_48, %broadcast_in_dim3A_61 : vector<1024x1xf32>
      %eq3A_71 = vector.broadcast %broadcast_in_dim3A_53 : vector<1024x1xi32> to vector<1024x8xi32>
      %eq3A_72 = arith.cmpi eq, %iota3A, %eq3A_71 : vector<1024x8xi32>
      %convert_element_type3A_73 = arith.extui %eq3A_72 : vector<1024x8xi1> to vector<1024x8xi32>
      %convert_element_type3A_74 = arith.sitofp %convert_element_type3A_73 : vector<1024x8xi32> to vector<1024x8xf32>
      %eq3A_75 = vector.broadcast %broadcast_in_dim3A_69 : vector<1024x1xi32> to vector<1024x8xi32>
      %eq3A_76 = arith.cmpi eq, %iota3A, %eq3A_75 : vector<1024x8xi32>
      %convert_element_type3A_77 = arith.extui %eq3A_76 : vector<1024x8xi1> to vector<1024x8xi32>
      %convert_element_type3A_78 = arith.sitofp %convert_element_type3A_77 : vector<1024x8xi32> to vector<1024x8xf32>
      %mul3A = arith.constant 1024 : i32
      %mul3A_79 = arith.muli %arg0, %mul3A : i32
      %swap3A = arith.index_cast %mul3A_79 : i32 to index
      %swap3A_80 = arith.constant 0 : index
      %swap3A_81 = vector.load %arg17[%swap3A, %swap3A_80] : memref<8192x2xi32, #tpu.memory_space<vmem>>, vector<1024x1xi32>
      tpu.vector_store %arg17[%swap3A, %swap3A_80], %broadcast_in_dim3A_53 {strides = array<i32>} : memref<8192x2xi32, #tpu.memory_space<vmem>>, vector<1024x1xi32>,
      %mul3A_82 = arith.constant 1024 : i32
      %mul3A_83 = arith.muli %arg0, %mul3A_82 : i32
      %swap3A_84 = arith.index_cast %mul3A_83 : i32 to index
      %swap3A_85 = arith.constant 1 : index
      %swap3A_86 = vector.load %arg17[%swap3A_84, %swap3A_85] : memref<8192x2xi32, #tpu.memory_space<vmem>>, vector<1024x1xi32>
      tpu.vector_store %arg17[%swap3A_84, %swap3A_85], %broadcast_in_dim3A_69 {strides = array<i32>} : memref<8192x2xi32, #tpu.memory_space<vmem>>, vector<1024x1xi32>,
      %div3A_87 = arith.divf %broadcast_in_dim3A_48, %add3A_70 : vector<1024x1xf32>
      %swap3A_88 = arith.constant 0 : index
      %swap3A_89 = arith.constant 0 : index
      %swap3A_90 = vector.load %arg7[%swap3A_88, %swap3A_89] : memref<1024x1xf32, #tpu.memory_space<vmem>>, vector<1024x1xf32>
      tpu.vector_store %arg7[%swap3A_88, %swap3A_89], %div3A_87 {strides = array<i32>} : memref<1024x1xf32, #tpu.memory_space<vmem>>, vector<1024x1xf32>,
      %div3A_91 = arith.divf %broadcast_in_dim3A_61, %add3A_70 : vector<1024x1xf32>
      %swap3A_92 = arith.constant 0 : index
      %swap3A_93 = arith.constant 0 : index
      %swap3A_94 = vector.load %arg8[%swap3A_92, %swap3A_93] : memref<1024x1xf32, #tpu.memory_space<vmem>>, vector<1024x1xf32>
      tpu.vector_store %arg8[%swap3A_92, %swap3A_93], %div3A_91 {strides = array<i32>} : memref<1024x1xf32, #tpu.memory_space<vmem>>, vector<1024x1xf32>,
      %get3A_95 = arith.constant 0 : index
      %get3A_96 = arith.constant 0 : index
      %get3A_97 = vector.load %arg1[%get3A_95, %get3A_96] : memref<1024x768xf32, #tpu.memory_space<vmem>>, vector<1024x768xf32>
      %slice3A = vector.extract_strided_slice %get3A_97 {offsets = [0, 0], sizes = [1024, 384], strides = [1, 1]} : vector<1024x768xf32> to vector<1024x384xf32>
      %slice3A_98 = vector.extract_strided_slice %get3A_97 {offsets = [0, 384], sizes = [1024, 384], strides = [1, 1]} : vector<1024x768xf32> to vector<1024x384xf32>
      %convert_element_type3A_99 = arith.truncf %slice3A : vector<1024x384xf32> to vector<1024x384xbf16>
      %convert_element_type3A_100 = arith.extf %convert_element_type3A_99 : vector<1024x384xbf16> to vector<1024x384xf32>
      %bitcast_convert_type3A = tpu.bitcast %convert_element_type3A_100 : vector<1024x384xf32> -> vector<1024x384xi32>
      %convert_element_type3A_101 = arith.truncf %slice3A_98 : vector<1024x384xf32> to vector<1024x384xbf16>
      %convert_element_type3A_102 = arith.extf %convert_element_type3A_101 : vector<1024x384xbf16> to vector<1024x384xf32>
      %bitcast_convert_type3A_103 = tpu.bitcast %convert_element_type3A_102 : vector<1024x384xf32> -> vector<1024x384xi32>
      %shift_right_logical3A = arith.constant 16 : i32
      %shift_right_logical3A_104 = vector.broadcast %shift_right_logical3A : i32 to vector<1024x384xi32>
      %shift_right_logical3A_105 = arith.shrui %bitcast_convert_type3A, %shift_right_logical3A_104 : vector<1024x384xi32>
      %and3A_106 = arith.constant -65536 : i32
      %and3A_107 = vector.broadcast %and3A_106 : i32 to vector<1024x384xi32>
      %and3A_108 = arith.andi %bitcast_convert_type3A_103, %and3A_107 : vector<1024x384xi32>
      %or3A = arith.ori %shift_right_logical3A_105, %and3A_108 : vector<1024x384xi32>
      %swap3A_109 = arith.constant 0 : index
      %swap3A_110 = arith.constant 0 : index
      %swap3A_111 = vector.load %arg10[%swap3A_109, %swap3A_110] : memref<1024x384xi32, #tpu.memory_space<vmem>>, vector<1024x384xi32>
      tpu.vector_store %arg10[%swap3A_109, %swap3A_110], %or3A {strides = array<i32>} : memref<1024x384xi32, #tpu.memory_space<vmem>>, vector<1024x384xi32>,
      %mul3A_112 = arith.constant 1024 : i32
      %mul3A_113 = arith.muli %arg0, %mul3A_112 : i32
      %swap3A_114 = arith.index_cast %mul3A_113 : i32 to index
      %swap3A_115 = arith.constant 0 : index
      %swap3A_116 = vector.load %arg14[%swap3A_114, %swap3A_115] : memref<8192x8xf32, #tpu.memory_space<vmem>>, vector<1024x8xf32>
      tpu.vector_store %arg14[%swap3A_114, %swap3A_115], %convert_element_type3A_78 {strides = array<i32>} : memref<8192x8xf32, #tpu.memory_space<vmem>>, vector<1024x8xf32>,
      %get3A_117 = arith.constant 0 : index
      %get3A_118 = arith.constant 0 : index
      %get3A_119 = vector.load %arg15[%get3A_117, %get3A_118] : memref<1x8xf32, #tpu.memory_space<vmem>>, vector<1x8xf32>
      %get3A_120 = arith.constant 0 : index
      %get3A_121 = arith.constant 0 : index
      %get3A_122 = vector.load %arg6[%get3A_120, %get3A_121] : memref<1024x1024xf32, #tpu.memory_space<vmem>>, vector<1024x1024xf32>
      %dot_general3A_123 = arith.constant dense<0.000000e+00> : vector<1024x8xf32>
      %dot_general3A_124 = tpu.matmul %get3A_122, %convert_element_type3A_74, %dot_general3A_123 {dimension_numbers = #tpu.dot_dimension_numbers<[1], [0], [0], [1], [0, 0, 1, 1], [], []>, transpose_lhs_hint = false} : vector<1024x1024xf32>, vector<1024x8xf32>, vector<1024x8xf32> -> vector<1024x8xf32>
      %add3A_125 = vector.broadcast %get3A_119 : vector<1x8xf32> to vector<1024x8xf32>
      %add3A_126 = arith.addf %add3A_125, %dot_general3A_124 : vector<1024x8xf32>
      %mul3A_127 = arith.mulf %convert_element_type3A_74, %add3A_126 : vector<1024x8xf32>
      %reduce_sum3A_128 = arith.constant dense<0.000000e+00> : vector<1024xf32>
      %reduce_sum3A_129 = vector.multi_reduction <add>, %mul3A_127, %reduce_sum3A_128 [1] : vector<1024x8xf32> to vector<1024xf32>
      %broadcast_in_dim3A_130 = vector.shape_cast %reduce_sum3A_129 : vector<1024xf32> to vector<1024x1xf32>
      %mul3A_131 = arith.constant 1024 : i32
      %mul3A_132 = arith.muli %arg0, %mul3A_131 : i32
      %swap3A_133 = arith.index_cast %mul3A_132 : i32 to index
      %swap3A_134 = arith.constant 0 : index
      %swap3A_135 = vector.load %arg18[%swap3A_133, %swap3A_134] : memref<8192x2xf32, #tpu.memory_space<vmem>>, vector<1024x1xf32>
      tpu.vector_store %arg18[%swap3A_133, %swap3A_134], %broadcast_in_dim3A_130 {strides = array<i32>} : memref<8192x2xf32, #tpu.memory_space<vmem>>, vector<1024x1xf32>,
      %get3A_136 = arith.constant 0 : index
      %get3A_137 = arith.constant 0 : index
      %get3A_138 = vector.load %arg15[%get3A_136, %get3A_137] : memref<1x8xf32, #tpu.memory_space<vmem>>, vector<1x8xf32>
      %reduce_sum3A_139 = arith.constant dense<0.000000e+00> : vector<8xf32>
      %reduce_sum3A_140 = vector.multi_reduction <add>, %convert_element_type3A_74, %reduce_sum3A_139 [0] : vector<1024x8xf32> to vector<8xf32>
      %broadcast_in_dim3A_141 = vector.shape_cast %reduce_sum3A_140 : vector<8xf32> to vector<1x8xf32>
      %add3A_142 = arith.addf %get3A_138, %broadcast_in_dim3A_141 : vector<1x8xf32>
      %swap3A_143 = arith.constant 0 : index
      %swap3A_144 = arith.constant 0 : index
      %swap3A_145 = vector.load %arg15[%swap3A_143, %swap3A_144] : memref<1x8xf32, #tpu.memory_space<vmem>>, vector<1x8xf32>
      tpu.vector_store %arg15[%swap3A_143, %swap3A_144], %add3A_142 {strides = array<i32>} : memref<1x8xf32, #tpu.memory_space<vmem>>, vector<1x8xf32>,
      %get3A_146 = arith.constant 0 : index
      %get3A_147 = arith.constant 0 : index
      %get3A_148 = vector.load %arg16[%get3A_146, %get3A_147] : memref<1x8xf32, #tpu.memory_space<vmem>>, vector<1x8xf32>
      %reduce_sum3A_149 = arith.constant dense<0.000000e+00> : vector<8xf32>
      %reduce_sum3A_150 = vector.multi_reduction <add>, %div3A_45, %reduce_sum3A_149 [0] : vector<1024x8xf32> to vector<8xf32>
      %broadcast_in_dim3A_151 = vector.shape_cast %reduce_sum3A_150 : vector<8xf32> to vector<1x8xf32>
      %add3A_152 = arith.addf %get3A_148, %broadcast_in_dim3A_151 : vector<1x8xf32>
      %swap3A_153 = arith.constant 0 : index
      %swap3A_154 = arith.constant 0 : index
      %swap3A_155 = vector.load %arg16[%swap3A_153, %swap3A_154] : memref<1x8xf32, #tpu.memory_space<vmem>>, vector<1x8xf32>
      tpu.vector_store %arg16[%swap3A_153, %swap3A_154], %add3A_152 {strides = array<i32>} : memref<1x8xf32, #tpu.memory_space<vmem>>, vector<1x8xf32>,
    } else {
    }
    %ge3A = arith.constant 8 : i32
    %ge3A_6 = arith.cmpi sge, %arg0, %ge3A : i32
    %lt3A_7 = arith.constant 16 : i32
    %lt3A_8 = arith.cmpi slt, %arg0, %lt3A_7 : i32
    %and3A = arith.andi %ge3A_6, %lt3A_8 : i1
    %convert_element_type3A_9 = arith.extui %and3A : i1 to i32
    %cond3A_10 = arith.constant 0 : i32
    %cond3A_11 = arith.cmpi ne, %convert_element_type3A_9, %cond3A_10 : i32
    scf.if %cond3A_11 {
      %sub3A = arith.constant 8 : i32
      %sub3A_22 = arith.subi %arg0, %sub3A : i32
      %mul3A = arith.constant 1024 : i32
      %mul3A_23 = arith.muli %sub3A_22, %mul3A : i32
      %get3A = arith.index_cast %mul3A_23 : i32 to index
      %get3A_24 = arith.constant 0 : index
      %get3A_25 = vector.load %arg14[%get3A, %get3A_24] : memref<8192x8xf32, #tpu.memory_space<vmem>>, vector<1024x8xf32>
      %get3A_26 = arith.constant 0 : index
      %get3A_27 = arith.constant 0 : index
      %get3A_28 = vector.load %arg15[%get3A_26, %get3A_27] : memref<1x8xf32, #tpu.memory_space<vmem>>, vector<1x8xf32>
      %get3A_29 = arith.constant 0 : index
      %get3A_30 = arith.constant 0 : index
      %get3A_31 = vector.load %arg6[%get3A_29, %get3A_30] : memref<1024x1024xf32, #tpu.memory_space<vmem>>, vector<1024x1024xf32>
      %dot_general3A = arith.constant dense<0.000000e+00> : vector<1024x8xf32>
      %dot_general3A_32 = tpu.matmul %get3A_31, %get3A_25, %dot_general3A {dimension_numbers = #tpu.dot_dimension_numbers<[1], [0], [0], [1], [0, 0, 1, 1], [], []>, transpose_lhs_hint = false} : vector<1024x1024xf32>, vector<1024x8xf32>, vector<1024x8xf32> -> vector<1024x8xf32>
      %add3A = vector.broadcast %get3A_28 : vector<1x8xf32> to vector<1024x8xf32>
      %add3A_33 = arith.addf %add3A, %dot_general3A_32 : vector<1024x8xf32>
      %mul3A_34 = arith.mulf %get3A_25, %add3A_33 : vector<1024x8xf32>
      %reduce_sum3A = arith.constant dense<0.000000e+00> : vector<1024xf32>
      %reduce_sum3A_35 = vector.multi_reduction <add>, %mul3A_34, %reduce_sum3A [1] : vector<1024x8xf32> to vector<1024xf32>
      %broadcast_in_dim3A = vector.shape_cast %reduce_sum3A_35 : vector<1024xf32> to vector<1024x1xf32>
      %mul3A_36 = arith.constant 1024 : i32
      %mul3A_37 = arith.muli %sub3A_22, %mul3A_36 : i32
      %swap3A = arith.index_cast %mul3A_37 : i32 to index
      %swap3A_38 = arith.constant 1 : index
      %swap3A_39 = vector.load %arg18[%swap3A, %swap3A_38] : memref<8192x2xf32, #tpu.memory_space<vmem>>, vector<1024x1xf32>
      tpu.vector_store %arg18[%swap3A, %swap3A_38], %broadcast_in_dim3A {strides = array<i32>} : memref<8192x2xf32, #tpu.memory_space<vmem>>, vector<1024x1xf32>,
      %get3A_40 = arith.constant 0 : index
      %get3A_41 = arith.constant 0 : index
      %get3A_42 = vector.load %arg15[%get3A_40, %get3A_41] : memref<1x8xf32, #tpu.memory_space<vmem>>, vector<1x8xf32>
      %reduce_sum3A_43 = arith.constant dense<0.000000e+00> : vector<8xf32>
      %reduce_sum3A_44 = vector.multi_reduction <add>, %get3A_25, %reduce_sum3A_43 [0] : vector<1024x8xf32> to vector<8xf32>
      %broadcast_in_dim3A_45 = vector.shape_cast %reduce_sum3A_44 : vector<8xf32> to vector<1x8xf32>
      %add3A_46 = arith.addf %get3A_42, %broadcast_in_dim3A_45 : vector<1x8xf32>
      %swap3A_47 = arith.constant 0 : index
      %swap3A_48 = arith.constant 0 : index
      %swap3A_49 = vector.load %arg15[%swap3A_47, %swap3A_48] : memref<1x8xf32, #tpu.memory_space<vmem>>, vector<1x8xf32>
      tpu.vector_store %arg15[%swap3A_47, %swap3A_48], %add3A_46 {strides = array<i32>} : memref<1x8xf32, #tpu.memory_space<vmem>>, vector<1x8xf32>,
    } else {
    }
    %eq3A_12 = arith.constant 15 : i32
    %eq3A_13 = arith.cmpi eq, %arg0, %eq3A_12 : i32
    %convert_element_type3A_14 = arith.extui %eq3A_13 : i1 to i32
    %cond3A_15 = arith.constant 0 : i32
    %cond3A_16 = arith.cmpi ne, %convert_element_type3A_14, %cond3A_15 : i32
    scf.if %cond3A_16 {
      %get3A = arith.constant 0 : index
      %get3A_22 = arith.constant 0 : index
      %get3A_23 = vector.load %arg15[%get3A, %get3A_22] : memref<1x8xf32, #tpu.memory_space<vmem>>, vector<1x8xf32>
      %get3A_24 = arith.constant 0 : index
      %get3A_25 = arith.constant 0 : index
      %get3A_26 = vector.load %arg16[%get3A_24, %get3A_25] : memref<1x8xf32, #tpu.memory_space<vmem>>, vector<1x8xf32>
      %div3A = arith.constant 8.192000e+03 : f32
      %div3A_27 = vector.broadcast %div3A : f32 to vector<1x8xf32>
      %div3A_28 = arith.divf %get3A_26, %div3A_27 : vector<1x8xf32>
      %div3A_29 = arith.constant 1.638400e+04 : f32
      %div3A_30 = vector.broadcast %div3A_29 : f32 to vector<1x8xf32>
      %div3A_31 = arith.divf %get3A_23, %div3A_30 : vector<1x8xf32>
      %mul3A = arith.mulf %div3A_28, %div3A_31 : vector<1x8xf32>
      %reduce_sum3A = arith.constant dense<0.000000e+00> : vector<1xf32>
      %reduce_sum3A_32 = vector.multi_reduction <add>, %mul3A, %reduce_sum3A [1] : vector<1x8xf32> to vector<1xf32>
      %broadcast_in_dim3A = vector.shape_cast %reduce_sum3A_32 : vector<1xf32> to vector<1x1xf32>
      %mul3A_33 = arith.constant 4.000000e+00 : f32
      %mul3A_34 = vector.broadcast %mul3A_33 : f32 to vector<1x1xf32>
      %mul3A_35 = arith.mulf %mul3A_34, %broadcast_in_dim3A : vector<1x1xf32>
      %swap3A = arith.constant 0 : index
      %swap3A_36 = arith.constant 0 : index
      %swap3A_37 = vector.load %arg9[%swap3A, %swap3A_36] : memref<1x1xf32, #tpu.memory_space<vmem>>, vector<1x1xf32>
      tpu.vector_store %arg9[%swap3A, %swap3A_36], %mul3A_35 {strides = array<i32>} : memref<1x1xf32, #tpu.memory_space<vmem>>, vector<1x1xf32>,
      %add3A = arith.constant 2.550000e+02 : f32
      %add3A_38 = vector.broadcast %add3A : f32 to vector<1x8xf32>
      %add3A_39 = arith.addf %get3A_23, %add3A_38 : vector<1x8xf32>
      %div3A_40 = arith.constant 2.560000e+02 : f32
      %div3A_41 = vector.broadcast %div3A_40 : f32 to vector<1x8xf32>
      %div3A_42 = arith.divf %add3A_39, %div3A_41 : vector<1x8xf32>
      %floor3A = math.floor %div3A_42 : vector<1x8xf32>
      %mul3A_43 = arith.constant 2.560000e+02 : f32
      %mul3A_44 = vector.broadcast %mul3A_43 : f32 to vector<1x8xf32>
      %mul3A_45 = arith.mulf %floor3A, %mul3A_44 : vector<1x8xf32>
      %iota3A = tpu.iota {dimensions = array<i32: 0>} : vector<8x8xi32>
      %iota3A_46 = tpu.iota {dimensions = array<i32: 1>} : vector<8x8xi32>
      %lt3A_47 = arith.cmpi slt, %iota3A, %iota3A_46 : vector<8x8xi32>
      %convert_element_type3A_48 = arith.extui %lt3A_47 : vector<8x8xi1> to vector<8x8xi32>
      %convert_element_type3A_49 = arith.sitofp %convert_element_type3A_48 : vector<8x8xi32> to vector<8x8xf32>
      %dot_general3A = arith.constant dense<0.000000e+00> : vector<1x8xf32>
      %dot_general3A_50 = tpu.matmul %mul3A_45, %convert_element_type3A_49, %dot_general3A {dimension_numbers = #tpu.dot_dimension_numbers<[1], [0], [0], [1], [0, 0, 1, 1], [], []>, transpose_lhs_hint = false} : vector<1x8xf32>, vector<8x8xf32>, vector<1x8xf32> -> vector<1x8xf32>
      %swap3A_51 = arith.constant 0 : index
      %swap3A_52 = arith.constant 0 : index
      %swap3A_53 = vector.load %arg19[%swap3A_51, %swap3A_52] : memref<1x8xf32, #tpu.memory_space<vmem>>, vector<1x8xf32>
      tpu.vector_store %arg19[%swap3A_51, %swap3A_52], %dot_general3A_50 {strides = array<i32>} : memref<1x8xf32, #tpu.memory_space<vmem>>, vector<1x8xf32>,
      %add3A_54 = arith.addf %dot_general3A_50, %mul3A_45 : vector<1x8xf32>
      %iota3A_55 = tpu.iota {dimensions = array<i32: 0>} : vector<72x8xi32>
      %mul3A_56 = arith.constant 256 : i32
      %mul3A_57 = vector.broadcast %mul3A_56 : i32 to vector<72x8xi32>
      %mul3A_58 = arith.muli %iota3A_55, %mul3A_57 : vector<72x8xi32>
      %convert_element_type3A_59 = arith.sitofp %mul3A_58 : vector<72x8xi32> to vector<72x8xf32>
      %le3A = vector.broadcast %add3A_54 : vector<1x8xf32> to vector<72x8xf32>
      %le3A_60 = arith.cmpf ole, %le3A, %convert_element_type3A_59 : vector<72x8xf32>
      %convert_element_type3A_61 = arith.extui %le3A_60 : vector<72x8xi1> to vector<72x8xi32>
      %convert_element_type3A_62 = arith.sitofp %convert_element_type3A_61 : vector<72x8xi32> to vector<72x8xf32>
      %reduce_sum3A_63 = arith.constant dense<0.000000e+00> : vector<72xf32>
      %reduce_sum3A_64 = vector.multi_reduction <add>, %convert_element_type3A_62, %reduce_sum3A_63 [1] : vector<72x8xf32> to vector<72xf32>
      %broadcast_in_dim3A_65 = vector.shape_cast %reduce_sum3A_64 : vector<72xf32> to vector<72x1xf32>
      %min3A = arith.constant 7.000000e+00 : f32
      %min3A_66 = vector.broadcast %min3A : f32 to vector<72x1xf32>
      %min3A_67 = arith.minimumf %broadcast_in_dim3A_65, %min3A_66 : vector<72x1xf32>
      %convert_element_type3A_68 = arith.fptosi %min3A_67 : vector<72x1xf32> to vector<72x1xi32>
      %swap3A_69 = arith.constant 0 : index
      %swap3A_70 = arith.constant 0 : index
      %swap3A_71 = vector.load %arg13[%swap3A_69, %swap3A_70] : memref<72x1xi32, #tpu.memory_space<vmem>>, vector<72x1xi32>
      tpu.vector_store %arg13[%swap3A_69, %swap3A_70], %convert_element_type3A_68 {strides = array<i32>} : memref<72x1xi32, #tpu.memory_space<vmem>>, vector<72x1xi32>,
    } else {
    }
    %ge3A_17 = arith.constant 16 : i32
    %ge3A_18 = arith.cmpi sge, %arg0, %ge3A_17 : i32
    %convert_element_type3A_19 = arith.extui %ge3A_18 : i1 to i32
    %cond3A_20 = arith.constant 0 : i32
    %cond3A_21 = arith.cmpi ne, %convert_element_type3A_19, %cond3A_20 : i32
    scf.if %cond3A_21 {
      %sub3A = arith.constant 16 : i32
      %sub3A_22 = arith.subi %arg0, %sub3A : i32
      %iota3A = tpu.iota {dimensions = array<i32: 1>} : vector<2048x8xi32>
      %get3A = arith.constant 0 : index
      %get3A_23 = arith.constant 0 : index
      %get3A_24 = vector.load %arg19[%get3A, %get3A_23] : memref<1x8xf32, #tpu.memory_space<vmem>>, vector<1x8xf32>
      %mul3A = arith.constant 2048 : i32
      %mul3A_25 = arith.muli %sub3A_22, %mul3A : i32
      %get3A_26 = arith.index_cast %mul3A_25 : i32 to index
      %get3A_27 = arith.constant 0 : index
      %get3A_28 = vector.load %arg17[%get3A_26, %get3A_27] : memref<8192x2xi32, #tpu.memory_space<vmem>>, vector<2048x2xi32>
      %mul3A_29 = arith.constant 2048 : i32
      %mul3A_30 = arith.muli %sub3A_22, %mul3A_29 : i32
      %get3A_31 = arith.index_cast %mul3A_30 : i32 to index
      %get3A_32 = arith.constant 0 : index
      %get3A_33 = vector.load %arg18[%get3A_31, %get3A_32] : memref<8192x2xf32, #tpu.memory_space<vmem>>, vector<2048x2xf32>
      %slice3A = vector.extract_strided_slice %get3A_28 {offsets = [0, 0], sizes = [2048, 1], strides = [1, 1]} : vector<2048x2xi32> to vector<2048x1xi32>
      %eq3A_34 = vector.broadcast %slice3A : vector<2048x1xi32> to vector<2048x8xi32>
      %eq3A_35 = arith.cmpi eq, %iota3A, %eq3A_34 : vector<2048x8xi32>
      %jit3A = arith.constant 0.000000e+00 : f32
      %broadcast_in_dim3A = vector.shape_cast %get3A_24 : vector<1x8xf32> to vector<1x8xf32>
      %broadcast_in_dim3A_36 = vector.broadcast %broadcast_in_dim3A : vector<1x8xf32> to vector<2048x8xf32>
      %broadcast_in_dim3A_37 = vector.broadcast %jit3A : f32 to vector<2048x8xf32>
      %select_n3A = arith.select %eq3A_35, %broadcast_in_dim3A_36, %broadcast_in_dim3A_37 : vector<2048x8xi1>, vector<2048x8xf32>
      %reduce_sum3A = arith.constant dense<0.000000e+00> : vector<2048xf32>
      %reduce_sum3A_38 = vector.multi_reduction <add>, %select_n3A, %reduce_sum3A [1] : vector<2048x8xf32> to vector<2048xf32>
      %broadcast_in_dim3A_39 = vector.shape_cast %reduce_sum3A_38 : vector<2048xf32> to vector<2048x1xf32>
      %slice3A_40 = vector.extract_strided_slice %get3A_28 {offsets = [0, 1], sizes = [2048, 1], strides = [1, 1]} : vector<2048x2xi32> to vector<2048x1xi32>
      %eq3A_41 = vector.broadcast %slice3A_40 : vector<2048x1xi32> to vector<2048x8xi32>
      %eq3A_42 = arith.cmpi eq, %iota3A, %eq3A_41 : vector<2048x8xi32>
      %jit3A_43 = arith.constant 0.000000e+00 : f32
      %broadcast_in_dim3A_44 = vector.shape_cast %get3A_24 : vector<1x8xf32> to vector<1x8xf32>
      %broadcast_in_dim3A_45 = vector.broadcast %broadcast_in_dim3A_44 : vector<1x8xf32> to vector<2048x8xf32>
      %broadcast_in_dim3A_46 = vector.broadcast %jit3A_43 : f32 to vector<2048x8xf32>
      %select_n3A_47 = arith.select %eq3A_42, %broadcast_in_dim3A_45, %broadcast_in_dim3A_46 : vector<2048x8xi1>, vector<2048x8xf32>
      %reduce_sum3A_48 = arith.constant dense<0.000000e+00> : vector<2048xf32>
      %reduce_sum3A_49 = vector.multi_reduction <add>, %select_n3A_47, %reduce_sum3A_48 [1] : vector<2048x8xf32> to vector<2048xf32>
      %broadcast_in_dim3A_50 = vector.shape_cast %reduce_sum3A_49 : vector<2048xf32> to vector<2048x1xf32>
      %slice3A_51 = vector.extract_strided_slice %get3A_33 {offsets = [0, 0], sizes = [2048, 1], strides = [1, 1]} : vector<2048x2xf32> to vector<2048x1xf32>
      %add3A = arith.addf %broadcast_in_dim3A_39, %slice3A_51 : vector<2048x1xf32>
      %convert_element_type3A_52 = arith.fptosi %add3A : vector<2048x1xf32> to vector<2048x1xi32>
      %swap3A = arith.constant 0 : index
      %swap3A_53 = arith.constant 0 : index
      %swap3A_54 = vector.load %arg11[%swap3A, %swap3A_53] : memref<2048x1xi32, #tpu.memory_space<vmem>>, vector<2048x1xi32>
      tpu.vector_store %arg11[%swap3A, %swap3A_53], %convert_element_type3A_52 {strides = array<i32>} : memref<2048x1xi32, #tpu.memory_space<vmem>>, vector<2048x1xi32>,
      %slice3A_55 = vector.extract_strided_slice %get3A_33 {offsets = [0, 1], sizes = [2048, 1], strides = [1, 1]} : vector<2048x2xf32> to vector<2048x1xf32>
      %add3A_56 = arith.addf %broadcast_in_dim3A_50, %slice3A_55 : vector<2048x1xf32>
      %convert_element_type3A_57 = arith.fptosi %add3A_56 : vector<2048x1xf32> to vector<2048x1xi32>
      %swap3A_58 = arith.constant 0 : index
      %swap3A_59 = arith.constant 0 : index
      %swap3A_60 = vector.load %arg12[%swap3A_58, %swap3A_59] : memref<2048x1xi32, #tpu.memory_space<vmem>>, vector<2048x1xi32>
      tpu.vector_store %arg12[%swap3A_58, %swap3A_59], %convert_element_type3A_57 {strides = array<i32>} : memref<2048x1xi32, #tpu.memory_space<vmem>>, vector<2048x1xi32>,
    } else {
    }
    return
  }
  func.func @transform_0(%arg0: i32) -> (i32, i32) {
    %min3A = arith.constant 7 : i32
    %min3A_0 = arith.minsi %arg0, %min3A : i32
    %c0_i32 = arith.constant 0 : i32
    %c0_i32_1 = arith.constant 0 : i32
    return %min3A_0, %c0_i32 : i32, i32
  }
  func.func @transform_1(%arg0: i32) -> (i32, i32) {
    %min3A = arith.constant 7 : i32
    %min3A_0 = arith.minsi %arg0, %min3A : i32
    %c0_i32 = arith.constant 0 : i32
    %c0_i32_1 = arith.constant 0 : i32
    return %min3A_0, %c0_i32 : i32, i32
  }
  func.func @transform_2(%arg0: i32) -> (i32, i32) {
    %c0_i32 = arith.constant 0 : i32
    %c0_i32_0 = arith.constant 0 : i32
    %c0_i32_1 = arith.constant 0 : i32
    return %c0_i32, %c0_i32_0 : i32, i32
  }
  func.func @transform_3(%arg0: i32) -> (i32, i32) {
    %c0_i32 = arith.constant 0 : i32
    %c0_i32_0 = arith.constant 0 : i32
    %c0_i32_1 = arith.constant 0 : i32
    return %c0_i32, %c0_i32_0 : i32, i32
  }
  func.func @transform_4(%arg0: i32) -> (i32, i32) {
    %c0_i32 = arith.constant 0 : i32
    %c0_i32_0 = arith.constant 0 : i32
    %c0_i32_1 = arith.constant 0 : i32
    return %c0_i32, %c0_i32_0 : i32, i32
  }
  func.func @transform_5(%arg0: i32) -> (i32, i32) {
    %c0_i32 = arith.constant 0 : i32
    %c0_i32_0 = arith.constant 0 : i32
    %c0_i32_1 = arith.constant 0 : i32
    return %c0_i32, %c0_i32_0 : i32, i32
  }
  func.func @transform_6(%arg0: i32) -> (i32, i32) {
    %min3A = arith.constant 7 : i32
    %min3A_0 = arith.minsi %arg0, %min3A : i32
    %c0_i32 = arith.constant 0 : i32
    %c0_i32_1 = arith.constant 0 : i32
    return %min3A_0, %c0_i32 : i32, i32
  }
  func.func @transform_7(%arg0: i32) -> (i32, i32) {
    %min3A = arith.constant 7 : i32
    %min3A_0 = arith.minsi %arg0, %min3A : i32
    %c0_i32 = arith.constant 0 : i32
    %c0_i32_1 = arith.constant 0 : i32
    return %min3A_0, %c0_i32 : i32, i32
  }
  func.func @transform_8(%arg0: i32) -> (i32, i32) {
    %c0_i32 = arith.constant 0 : i32
    %c0_i32_0 = arith.constant 0 : i32
    %c0_i32_1 = arith.constant 0 : i32
    return %c0_i32, %c0_i32_0 : i32, i32
  }
  func.func @transform_9(%arg0: i32) -> (i32, i32) {
    %min3A = arith.constant 7 : i32
    %min3A_0 = arith.minsi %arg0, %min3A : i32
    %c0_i32 = arith.constant 0 : i32
    %c0_i32_1 = arith.constant 0 : i32
    return %min3A_0, %c0_i32 : i32, i32
  }
  func.func @transform_10(%arg0: i32) -> (i32, i32) {
    %sub3A = arith.constant 16 : i32
    %sub3A_0 = arith.subi %arg0, %sub3A : i32
    %jit3A = arith.constant 0 : i32
    %jit3A_1 = arith.constant 3 : i32
    %max3A = arith.maxsi %jit3A, %sub3A_0 : i32
    %min3A = arith.minsi %jit3A_1, %max3A : i32
    %c0_i32 = arith.constant 0 : i32
    %c0_i32_2 = arith.constant 0 : i32
    return %min3A, %c0_i32 : i32, i32
  }
  func.func @transform_11(%arg0: i32) -> (i32, i32) {
    %sub3A = arith.constant 16 : i32
    %sub3A_0 = arith.subi %arg0, %sub3A : i32
    %jit3A = arith.constant 0 : i32
    %jit3A_1 = arith.constant 3 : i32
    %max3A = arith.maxsi %jit3A, %sub3A_0 : i32
    %min3A = arith.minsi %jit3A_1, %max3A : i32
    %c0_i32 = arith.constant 0 : i32
    %c0_i32_2 = arith.constant 0 : i32
    return %min3A, %c0_i32 : i32, i32
  }
  func.func @transform_12(%arg0: i32) -> (i32, i32) {
    %c0_i32 = arith.constant 0 : i32
    %c0_i32_0 = arith.constant 0 : i32
    %c0_i32_1 = arith.constant 0 : i32
    return %c0_i32, %c0_i32_0 : i32, i32
  }
}

module attributes {stable_mosaic.version = 14 : i64} {
  func.func @_mlp_kernel(%arg0: i32, %arg1: memref<72xi32, #tpu.memory_space<smem>>, %arg2: memref<256x384xi32, #tpu.memory_space<vmem>>, %arg3: memref<1x384x768xf32, #tpu.memory_space<vmem>>, %arg4: memref<1x384x768xf32, #tpu.memory_space<vmem>>, %arg5: memref<1x1x768xf32, #tpu.memory_space<vmem>>, %arg6: memref<1x768x768xf32, #tpu.memory_space<vmem>>, %arg7: memref<1x1x768xf32, #tpu.memory_space<vmem>>, %arg8: memref<256x1xf32, #tpu.memory_space<vmem>>, %arg9: memref<256x384xi32, #tpu.memory_space<vmem>>) attributes {dimension_semantics = [#tpu.dimension_semantics<arbitrary>], iteration_bounds = array<i64: 72>, scalar_prefetch = 1 : i64, scratch_operands = 0 : i64, tpu.core_type = #tpu.core_type<tc>, window_params = [{transform_indices = @transform_0, window_bounds = array<i64: 256, 384>}, {transform_indices = @transform_1, window_bounds = array<i64: 1, 384, 768>}, {transform_indices = @transform_2, window_bounds = array<i64: 1, 384, 768>}, {transform_indices = @transform_3, window_bounds = array<i64: 1, 1, 768>}, {transform_indices = @transform_4, window_bounds = array<i64: 1, 768, 768>}, {transform_indices = @transform_5, window_bounds = array<i64: 1, 1, 768>}, {transform_indices = @transform_6, window_bounds = array<i64: 256, 1>}, {transform_indices = @transform_7, window_bounds = array<i64: 256, 384>}]} {
    %get3A = arith.constant 0 : index
    %get3A_0 = arith.constant 0 : index
    %get3A_1 = vector.load %arg2[%get3A, %get3A_0] : memref<256x384xi32, #tpu.memory_space<vmem>>, vector<256x384xi32>
    %shift_left3A = arith.constant 16 : i32
    %shift_left3A_2 = vector.broadcast %shift_left3A : i32 to vector<256x384xi32>
    %shift_left3A_3 = arith.shli %get3A_1, %shift_left3A_2 : vector<256x384xi32>
    %bitcast_convert_type3A = tpu.bitcast %shift_left3A_3 : vector<256x384xi32> -> vector<256x384xf32>
    %and3A = arith.constant -65536 : i32
    %and3A_4 = vector.broadcast %and3A : i32 to vector<256x384xi32>
    %and3A_5 = arith.andi %get3A_1, %and3A_4 : vector<256x384xi32>
    %bitcast_convert_type3A_6 = tpu.bitcast %and3A_5 : vector<256x384xi32> -> vector<256x384xf32>
    %get3A_7 = arith.constant 0 : index
    %get3A_8 = arith.constant 0 : index
    %get3A_9 = arith.constant 0 : index
    %get3A_10 = vector.load %arg3[%get3A_7, %get3A_8, %get3A_9] : memref<1x384x768xf32, #tpu.memory_space<vmem>>, vector<1x384x768xf32>
    %get3A_11 = vector.shape_cast %get3A_10 : vector<1x384x768xf32> to vector<384x768xf32>
    %dot_general3A = arith.constant dense<0.000000e+00> : vector<256x768xf32>
    %dot_general3A_12 = tpu.matmul %bitcast_convert_type3A, %get3A_11, %dot_general3A {dimension_numbers = #tpu.dot_dimension_numbers<[1], [0], [0], [1], [0, 0, 1, 1], [], []>, transpose_lhs_hint = false} : vector<256x384xf32>, vector<384x768xf32>, vector<256x768xf32> -> vector<256x768xf32>
    %get3A_13 = arith.constant 0 : index
    %get3A_14 = arith.constant 0 : index
    %get3A_15 = arith.constant 0 : index
    %get3A_16 = vector.load %arg4[%get3A_13, %get3A_14, %get3A_15] : memref<1x384x768xf32, #tpu.memory_space<vmem>>, vector<1x384x768xf32>
    %get3A_17 = vector.shape_cast %get3A_16 : vector<1x384x768xf32> to vector<384x768xf32>
    %dot_general3A_18 = arith.constant dense<0.000000e+00> : vector<256x768xf32>
    %dot_general3A_19 = tpu.matmul %bitcast_convert_type3A_6, %get3A_17, %dot_general3A_18 {dimension_numbers = #tpu.dot_dimension_numbers<[1], [0], [0], [1], [0, 0, 1, 1], [], []>, transpose_lhs_hint = false} : vector<256x384xf32>, vector<384x768xf32>, vector<256x768xf32> -> vector<256x768xf32>
    %add3A = arith.addf %dot_general3A_12, %dot_general3A_19 : vector<256x768xf32>
    %get3A_20 = arith.constant 0 : index
    %get3A_21 = arith.constant 0 : index
    %get3A_22 = arith.constant 0 : index
    %get3A_23 = vector.load %arg5[%get3A_20, %get3A_21, %get3A_22] : memref<1x1x768xf32, #tpu.memory_space<vmem>>, vector<1x1x768xf32>
    %get3A_24 = vector.shape_cast %get3A_23 : vector<1x1x768xf32> to vector<1x768xf32>
    %add3A_25 = vector.broadcast %get3A_24 : vector<1x768xf32> to vector<256x768xf32>
    %add3A_26 = arith.addf %add3A, %add3A_25 : vector<256x768xf32>
    %integer_pow3A = arith.mulf %add3A_26, %add3A_26 : vector<256x768xf32>
    %integer_pow3A_27 = arith.mulf %add3A_26, %integer_pow3A : vector<256x768xf32>
    %mul3A = arith.constant 4.471500e-02 : f32
    %mul3A_28 = vector.broadcast %mul3A : f32 to vector<256x768xf32>
    %mul3A_29 = arith.mulf %mul3A_28, %integer_pow3A_27 : vector<256x768xf32>
    %add3A_30 = arith.addf %add3A_26, %mul3A_29 : vector<256x768xf32>
    %mul3A_31 = arith.constant 0.797884583 : f32
    %mul3A_32 = vector.broadcast %mul3A_31 : f32 to vector<256x768xf32>
    %mul3A_33 = arith.mulf %mul3A_32, %add3A_30 : vector<256x768xf32>
    %tanh3A = math.tanh %mul3A_33 : vector<256x768xf32>
    %add3A_34 = arith.constant 1.000000e+00 : f32
    %add3A_35 = vector.broadcast %add3A_34 : f32 to vector<256x768xf32>
    %add3A_36 = arith.addf %add3A_35, %tanh3A : vector<256x768xf32>
    %mul3A_37 = arith.constant 5.000000e-01 : f32
    %mul3A_38 = vector.broadcast %mul3A_37 : f32 to vector<256x768xf32>
    %mul3A_39 = arith.mulf %mul3A_38, %add3A_36 : vector<256x768xf32>
    %mul3A_40 = arith.mulf %add3A_26, %mul3A_39 : vector<256x768xf32>
    %get3A_41 = arith.constant 0 : index
    %get3A_42 = arith.constant 0 : index
    %get3A_43 = arith.constant 0 : index
    %get3A_44 = vector.load %arg6[%get3A_41, %get3A_42, %get3A_43] : memref<1x768x768xf32, #tpu.memory_space<vmem>>, vector<1x768x768xf32>
    %get3A_45 = vector.shape_cast %get3A_44 : vector<1x768x768xf32> to vector<768x768xf32>
    %dot_general3A_46 = arith.constant dense<0.000000e+00> : vector<256x768xf32>
    %dot_general3A_47 = tpu.matmul %mul3A_40, %get3A_45, %dot_general3A_46 {dimension_numbers = #tpu.dot_dimension_numbers<[1], [0], [0], [1], [0, 0, 1, 1], [], []>, transpose_lhs_hint = false} : vector<256x768xf32>, vector<768x768xf32>, vector<256x768xf32> -> vector<256x768xf32>
    %get3A_48 = arith.constant 0 : index
    %get3A_49 = arith.constant 0 : index
    %get3A_50 = arith.constant 0 : index
    %get3A_51 = vector.load %arg7[%get3A_48, %get3A_49, %get3A_50] : memref<1x1x768xf32, #tpu.memory_space<vmem>>, vector<1x1x768xf32>
    %get3A_52 = vector.shape_cast %get3A_51 : vector<1x1x768xf32> to vector<1x768xf32>
    %add3A_53 = vector.broadcast %get3A_52 : vector<1x768xf32> to vector<256x768xf32>
    %add3A_54 = arith.addf %dot_general3A_47, %add3A_53 : vector<256x768xf32>
    %get3A_55 = arith.constant 0 : index
    %get3A_56 = arith.constant 0 : index
    %get3A_57 = vector.load %arg8[%get3A_55, %get3A_56] : memref<256x1xf32, #tpu.memory_space<vmem>>, vector<256x1xf32>
    %mul3A_58 = vector.broadcast %get3A_57 : vector<256x1xf32> to vector<256x768xf32>
    %mul3A_59 = arith.mulf %add3A_54, %mul3A_58 : vector<256x768xf32>
    %slice3A = vector.extract_strided_slice %mul3A_59 {offsets = [0, 0], sizes = [256, 384], strides = [1, 1]} : vector<256x768xf32> to vector<256x384xf32>
    %slice3A_60 = vector.extract_strided_slice %mul3A_59 {offsets = [0, 384], sizes = [256, 384], strides = [1, 1]} : vector<256x768xf32> to vector<256x384xf32>
    %convert_element_type3A = arith.truncf %slice3A : vector<256x384xf32> to vector<256x384xbf16>
    %convert_element_type3A_61 = arith.extf %convert_element_type3A : vector<256x384xbf16> to vector<256x384xf32>
    %bitcast_convert_type3A_62 = tpu.bitcast %convert_element_type3A_61 : vector<256x384xf32> -> vector<256x384xi32>
    %convert_element_type3A_63 = arith.truncf %slice3A_60 : vector<256x384xf32> to vector<256x384xbf16>
    %convert_element_type3A_64 = arith.extf %convert_element_type3A_63 : vector<256x384xbf16> to vector<256x384xf32>
    %bitcast_convert_type3A_65 = tpu.bitcast %convert_element_type3A_64 : vector<256x384xf32> -> vector<256x384xi32>
    %shift_right_logical3A = arith.constant 16 : i32
    %shift_right_logical3A_66 = vector.broadcast %shift_right_logical3A : i32 to vector<256x384xi32>
    %shift_right_logical3A_67 = arith.shrui %bitcast_convert_type3A_62, %shift_right_logical3A_66 : vector<256x384xi32>
    %and3A_68 = arith.constant -65536 : i32
    %and3A_69 = vector.broadcast %and3A_68 : i32 to vector<256x384xi32>
    %and3A_70 = arith.andi %bitcast_convert_type3A_65, %and3A_69 : vector<256x384xi32>
    %or3A = arith.ori %shift_right_logical3A_67, %and3A_70 : vector<256x384xi32>
    %swap3A = arith.constant 0 : index
    %swap3A_71 = arith.constant 0 : index
    %swap3A_72 = vector.load %arg9[%swap3A, %swap3A_71] : memref<256x384xi32, #tpu.memory_space<vmem>>, vector<256x384xi32>
    tpu.vector_store %arg9[%swap3A, %swap3A_71], %or3A {strides = array<i32>} : memref<256x384xi32, #tpu.memory_space<vmem>>, vector<256x384xi32>,
    return
  }
  func.func @transform_0(%arg0: i32, %arg1: memref<72xi32, #tpu.memory_space<smem>>) -> (i32, i32) {
    %c0_i32 = arith.constant 0 : i32
    %c0_i32_0 = arith.constant 0 : i32
    return %arg0, %c0_i32 : i32, i32
  }
  func.func @transform_1(%arg0: i32, %arg1: memref<72xi32, #tpu.memory_space<smem>>) -> (i32, i32, i32) {
    %get3A = arith.index_cast %arg0 : i32 to index
    %get3A_0 = memref.load %arg1[%get3A] : memref<72xi32, #tpu.memory_space<smem>>
    %c0_i32 = arith.constant 0 : i32
    %c0_i32_1 = arith.constant 0 : i32
    %c0_i32_2 = arith.constant 0 : i32
    return %get3A_0, %c0_i32, %c0_i32_1 : i32, i32, i32
  }
  func.func @transform_2(%arg0: i32, %arg1: memref<72xi32, #tpu.memory_space<smem>>) -> (i32, i32, i32) {
    %get3A = arith.index_cast %arg0 : i32 to index
    %get3A_0 = memref.load %arg1[%get3A] : memref<72xi32, #tpu.memory_space<smem>>
    %c1_i32 = arith.constant 1 : i32
    %c0_i32 = arith.constant 0 : i32
    %c0_i32_1 = arith.constant 0 : i32
    return %get3A_0, %c1_i32, %c0_i32 : i32, i32, i32
  }
  func.func @transform_3(%arg0: i32, %arg1: memref<72xi32, #tpu.memory_space<smem>>) -> (i32, i32, i32) {
    %get3A = arith.index_cast %arg0 : i32 to index
    %get3A_0 = memref.load %arg1[%get3A] : memref<72xi32, #tpu.memory_space<smem>>
    %c0_i32 = arith.constant 0 : i32
    %c0_i32_1 = arith.constant 0 : i32
    %c0_i32_2 = arith.constant 0 : i32
    return %get3A_0, %c0_i32, %c0_i32_1 : i32, i32, i32
  }
  func.func @transform_4(%arg0: i32, %arg1: memref<72xi32, #tpu.memory_space<smem>>) -> (i32, i32, i32) {
    %get3A = arith.index_cast %arg0 : i32 to index
    %get3A_0 = memref.load %arg1[%get3A] : memref<72xi32, #tpu.memory_space<smem>>
    %c0_i32 = arith.constant 0 : i32
    %c0_i32_1 = arith.constant 0 : i32
    %c0_i32_2 = arith.constant 0 : i32
    return %get3A_0, %c0_i32, %c0_i32_1 : i32, i32, i32
  }
  func.func @transform_5(%arg0: i32, %arg1: memref<72xi32, #tpu.memory_space<smem>>) -> (i32, i32, i32) {
    %get3A = arith.index_cast %arg0 : i32 to index
    %get3A_0 = memref.load %arg1[%get3A] : memref<72xi32, #tpu.memory_space<smem>>
    %c0_i32 = arith.constant 0 : i32
    %c0_i32_1 = arith.constant 0 : i32
    %c0_i32_2 = arith.constant 0 : i32
    return %get3A_0, %c0_i32, %c0_i32_1 : i32, i32, i32
  }
  func.func @transform_6(%arg0: i32, %arg1: memref<72xi32, #tpu.memory_space<smem>>) -> (i32, i32) {
    %c0_i32 = arith.constant 0 : i32
    %c0_i32_0 = arith.constant 0 : i32
    return %arg0, %c0_i32 : i32, i32
  }
  func.func @transform_7(%arg0: i32, %arg1: memref<72xi32, #tpu.memory_space<smem>>) -> (i32, i32) {
    %c0_i32 = arith.constant 0 : i32
    %c0_i32_0 = arith.constant 0 : i32
    return %arg0, %c0_i32 : i32, i32
  }
}

module attributes {stable_mosaic.version = 14 : i64} {
  func.func @_add_kernel(%arg0: i32, %arg1: memref<2048x768xf32, #tpu.memory_space<vmem>>, %arg2: memref<2048x384xi32, #tpu.memory_space<vmem>>, %arg3: memref<2048x384xi32, #tpu.memory_space<vmem>>, %arg4: memref<2048x768xf32, #tpu.memory_space<vmem>>) attributes {dimension_semantics = [#tpu.dimension_semantics<arbitrary>], iteration_bounds = array<i64: 4>, scalar_prefetch = 0 : i64, scratch_operands = 0 : i64, tpu.core_type = #tpu.core_type<tc>, window_params = [{transform_indices = @transform_0, window_bounds = array<i64: 2048, 768>}, {transform_indices = @transform_1, window_bounds = array<i64: 2048, 384>}, {transform_indices = @transform_2, window_bounds = array<i64: 2048, 384>}, {transform_indices = @transform_3, window_bounds = array<i64: 2048, 768>}]} {
    %get3A = arith.constant 0 : index
    %get3A_0 = arith.constant 0 : index
    %get3A_1 = vector.load %arg1[%get3A, %get3A_0] : memref<2048x768xf32, #tpu.memory_space<vmem>>, vector<2048x768xf32>
    %get3A_2 = arith.constant 0 : index
    %get3A_3 = arith.constant 0 : index
    %get3A_4 = vector.load %arg2[%get3A_2, %get3A_3] : memref<2048x384xi32, #tpu.memory_space<vmem>>, vector<2048x384xi32>
    %get3A_5 = arith.constant 0 : index
    %get3A_6 = arith.constant 0 : index
    %get3A_7 = vector.load %arg3[%get3A_5, %get3A_6] : memref<2048x384xi32, #tpu.memory_space<vmem>>, vector<2048x384xi32>
    %slice3A = vector.extract_strided_slice %get3A_1 {offsets = [0, 0], sizes = [2048, 384], strides = [1, 1]} : vector<2048x768xf32> to vector<2048x384xf32>
    %shift_left3A = arith.constant 16 : i32
    %shift_left3A_8 = vector.broadcast %shift_left3A : i32 to vector<2048x384xi32>
    %shift_left3A_9 = arith.shli %get3A_4, %shift_left3A_8 : vector<2048x384xi32>
    %bitcast_convert_type3A = tpu.bitcast %shift_left3A_9 : vector<2048x384xi32> -> vector<2048x384xf32>
    %add3A = arith.addf %slice3A, %bitcast_convert_type3A : vector<2048x384xf32>
    %shift_left3A_10 = arith.constant 16 : i32
    %shift_left3A_11 = vector.broadcast %shift_left3A_10 : i32 to vector<2048x384xi32>
    %shift_left3A_12 = arith.shli %get3A_7, %shift_left3A_11 : vector<2048x384xi32>
    %bitcast_convert_type3A_13 = tpu.bitcast %shift_left3A_12 : vector<2048x384xi32> -> vector<2048x384xf32>
    %add3A_14 = arith.addf %add3A, %bitcast_convert_type3A_13 : vector<2048x384xf32>
    %swap3A = arith.constant 0 : index
    %swap3A_15 = arith.constant 0 : index
    %swap3A_16 = vector.load %arg4[%swap3A, %swap3A_15] : memref<2048x768xf32, #tpu.memory_space<vmem>>, vector<2048x384xf32>
    tpu.vector_store %arg4[%swap3A, %swap3A_15], %add3A_14 {strides = array<i32>} : memref<2048x768xf32, #tpu.memory_space<vmem>>, vector<2048x384xf32>,
    %slice3A_17 = vector.extract_strided_slice %get3A_1 {offsets = [0, 384], sizes = [2048, 384], strides = [1, 1]} : vector<2048x768xf32> to vector<2048x384xf32>
    %and3A = arith.constant -65536 : i32
    %and3A_18 = vector.broadcast %and3A : i32 to vector<2048x384xi32>
    %and3A_19 = arith.andi %get3A_4, %and3A_18 : vector<2048x384xi32>
    %bitcast_convert_type3A_20 = tpu.bitcast %and3A_19 : vector<2048x384xi32> -> vector<2048x384xf32>
    %add3A_21 = arith.addf %slice3A_17, %bitcast_convert_type3A_20 : vector<2048x384xf32>
    %and3A_22 = arith.constant -65536 : i32
    %and3A_23 = vector.broadcast %and3A_22 : i32 to vector<2048x384xi32>
    %and3A_24 = arith.andi %get3A_7, %and3A_23 : vector<2048x384xi32>
    %bitcast_convert_type3A_25 = tpu.bitcast %and3A_24 : vector<2048x384xi32> -> vector<2048x384xf32>
    %add3A_26 = arith.addf %add3A_21, %bitcast_convert_type3A_25 : vector<2048x384xf32>
    %swap3A_27 = arith.constant 0 : index
    %swap3A_28 = arith.constant 384 : index
    %swap3A_29 = vector.load %arg4[%swap3A_27, %swap3A_28] : memref<2048x768xf32, #tpu.memory_space<vmem>>, vector<2048x384xf32>
    tpu.vector_store %arg4[%swap3A_27, %swap3A_28], %add3A_26 {strides = array<i32>} : memref<2048x768xf32, #tpu.memory_space<vmem>>, vector<2048x384xf32>,
    return
  }
  func.func @transform_0(%arg0: i32) -> (i32, i32) {
    %c0_i32 = arith.constant 0 : i32
    %c0_i32_0 = arith.constant 0 : i32
    return %arg0, %c0_i32 : i32, i32
  }
  func.func @transform_1(%arg0: i32) -> (i32, i32) {
    %c0_i32 = arith.constant 0 : i32
    %c0_i32_0 = arith.constant 0 : i32
    return %arg0, %c0_i32 : i32, i32
  }
  func.func @transform_2(%arg0: i32) -> (i32, i32) {
    %c0_i32 = arith.constant 0 : i32
    %c0_i32_0 = arith.constant 0 : i32
    return %arg0, %c0_i32 : i32, i32
  }
  func.func @transform_3(%arg0: i32) -> (i32, i32) {
    %c0_i32 = arith.constant 0 : i32
    %c0_i32_0 = arith.constant 0 : i32
    return %arg0, %c0_i32 : i32, i32
  }
}

</mosaic_0001>

<sc_bundles>
// kernel: kernel.10.cloned.1.call-start
scs
__scs_entry_jumppad:
0x0: {  	(pc) =	sbr.rel $0x88, $3  }
0x1: {  	(tag) =	ssettag $0x0;
	lr =	simm.s32 $0x1  }
0x2: {  	[smem:$0x3F99] =	sst lr;
	_ =	strace $0xD0000000  }
0x3: {  	_ = 	snop  }
0x4: {  	_ = 	snop  }
0x5: {  	_ = 	snop  }
0x6: {  	_ = 	snop  }
0x7: {  	_ = 	snop  }
__scs_overlays_trampoline_lowered:
0x8: {  	[smem:$0x3FA8] =	sst s0  }
0x9: {  	[smem:$0x3FA9] =	sst s1  }
0xa: {  	[smem:$0x3FAA] =	sst s2  }
0xb: {  	[smem:$0x3FAB] =	sst s3  }
0xc: {  	[smem:$0x3FAC] =	sst s4  }
0xd: {  	[smem:$0x3FAD] =	sst s5  }
0xe: {  	[smem:$0x3FAE] =	sst s6  }
0xf: {  	[smem:$0x3FAF] =	sst s7  }
0x10: {  	[smem:$0x3FB0] =	sst s8  }
0x11: {  	[smem:$0x3FB1] =	sst s9;
	s0 =	simm.s32 @!p0 $0x0  }
0x12: {  	s1 =	sld [smem:$0x3F97];
	s0 =	simm.s32 @p0 $0x1  }
0x13: {  	[smem:$0x3FB2] =	sst s0;
	s0 =	simm.s32 @!p1 $0x0  }
0x14: {  	s2 =	sld [smem:$0x3F96];
	s0 =	simm.s32 @p1 $0x1  }
0x15: {  	[smem:$0x3FB3] =	sst s0;
	s0 =	simm.s32 @!p2 $0x0  }
0x16: {  	s3 =	sld [smem:$0x3FDB];
	s0 =	simm.s32 @p2 $0x1  }
0x17: {  	s4 =	simm.s32 $0x1BF5;
	[smem:$0x3FB5] =	sst s0  }
0x18: {  	s0 =	sld [smem:$0x3F98];
	_ =	swait.ge [sflag:s4], $0x0  }
0x19: {  	s7 =	sld [smem:$0x3F99]  }
0x1a: {  	s8 =	sadd.s32 $0xFFFFE003, lr  }
0x1b: {  	s9 =	sadd.s32 $0xFFFFFEF7, lr;
	s5 =	simm.s32 $0xFFFFFFFF;
	p2 =	slt.u32 s8, $0xFFFFF086  }
0x1c: {  	p1 =	slt.u32 s9, $0xF7A;
	s5 =	simm.s32 @!p2 $0x0  }
0x1d: {  	s5 =	simm.s32 @p1 $0x1;
	p0 =	seq.s32 s7, s2  }
0x1e: {  	s7 =	smul.u32 @!p0 $0xF7A, s2;
	p2 =	seq.s32 @!p0 s5, $0x0  }
0x1f: {  	s9 =	smul.u32 $0xF7A, s1;
	s8 =	simm.s32 @!p0 $0x1BF5;
	p2 =	por !p2, p0  }
0x20: {  	[sflag:s8] =	ssyncset.s32 @!p0 $0xFFFFF086;
	s6 =	sadd.s32 @!p0 s3, s7;
	s7 =	simm.s32 @!p0 $0x108  }
0x21: {  	s3 =	sadd.s32 s3, s9;
	s6 =	sadd.s32 @!p0 $0x88, s6;
	s7 =	simm.s32 @p2 $0x1082  }
0x22: {  	[simem:s7], [sflag:s8] =	dma.local @!p0 [hbm:s6], $0xF7A  }
0x23: {  	s9 =	sor.u32 $0xD0000000, s2;
	s6 =	simm.s32 $0x108;
	_ =	swait.ge @!p0 [sflag:s8], $0x0  }
0x24: {  	s3 =	sadd.s32 $0x88, s3;
	s6 =	simm.s32 @!p1 $0x1082;
	[sflag:s4] =	ssyncset.s32 $0xFFFFF086  }
0x25: {  	[simem:s6], [sflag:s4] =	dma.local [hbm:s3], $0xF7A  }
0x26: {  	[smem:$0x3F99] =	sst s1;
	(tag) =	ssettag s2;
	_ =	strace s9  }
0x27: {  	s1 =	sld [smem:$0x3FA9]  }
0x28: {  	s2 =	sld [smem:$0x3FAA]  }
0x29: {  	s4 =	sld [smem:$0x3FAC]  }
0x2a: {  	p0 =	seq.s32 s5, $0x0;
	s5 =	sld [smem:$0x3FAD]  }
0x2b: {  	s6 =	sld [smem:$0x3FAE]  }
0x2c: {  	s7 =	sld [smem:$0x3FAF]  }
0x2d: {  	s3 =	simm.s32 $0x108;
	s8 =	sld [smem:$0x3FB0]  }
0x2e: {  	s3 =	simm.s32 @!p0 $0x1082;
	s9 =	sld [smem:$0x3FB1]  }
0x2f: {  	lr =	sadd.s32 s0, s3;
	s0 =	sld [smem:$0x3FA8]  }
0x30: {  	s3 =	sld [smem:$0x3FAB]  }
0x31: {  	[smem:$0x3FB4] =	sst s10  }
0x32: {  	s10 =	sld [smem:$0x3FB2];
	_ =	sdelay $0x3  }
0x33: {  	p0 =	seq.s32 s10, $0x1;
	s10 =	sld [smem:$0x3FB4];
	_ =	sdelay $0x3  }
0x34: {  	[smem:$0x3FB4] =	sst s10  }
0x35: {  	s10 =	sld [smem:$0x3FB3];
	_ =	sdelay $0x3  }
0x36: {  	p1 =	seq.s32 s10, $0x1;
	s10 =	sld [smem:$0x3FB4];
	_ =	sdelay $0x3  }
0x37: {  	[smem:$0x3FB4] =	sst s10  }
0x38: {  	s10 =	sld [smem:$0x3FB5]  }
0x39: {  	_ = 	snop;
	(pc) =	sbr.ind lr, $3  }
0x3a: {  	_ = 	snop  }
0x3b: {  	_ = 	snop  }
0x3c: {  	p2 =	seq.s32 s10, $0x1;
	s10 =	sld [smem:$0x3FB4]  }
0x3d: {  	_ =	shalt  }
0x3e: {  	_ =	shalt  }
0x3f: {  	_ =	shalt  }
0x40: {  	_ =	shalt  }
0x41: {  	_ =	shalt  }
0x42: {  	_ =	shalt  }
0x43: {  	_ =	shalt  }
0x44: {  	_ =	shalt  }
0x45: {  	_ =	shalt  }
0x46: {  	_ =	shalt  }
0x47: {  	_ =	shalt  }
0x48: {  	_ =	shalt  }
0x49: {  	_ =	shalt  }
0x4a: {  	_ =	shalt  }
0x4b: {  	_ =	shalt  }
0x4c: {  	_ =	shalt  }
0x4d: {  	_ =	shalt  }
0x4e: {  	_ =	shalt  }
0x4f: {  	_ =	shalt  }
0x50: {  	_ =	shalt  }
0x51: {  	_ =	shalt  }
0x52: {  	_ =	shalt  }
0x53: {  	_ =	shalt  }
0x54: {  	_ =	shalt  }
0x55: {  	_ =	shalt  }
0x56: {  	_ =	shalt  }
0x57: {  	_ =	shalt  }
0x58: {  	_ =	shalt  }
0x59: {  	_ =	shalt  }
0x5a: {  	_ =	shalt  }
0x5b: {  	_ =	shalt  }
0x5c: {  	_ =	shalt  }
0x5d: {  	_ =	shalt  }
0x5e: {  	_ =	shalt  }
0x5f: {  	_ =	shalt  }
0x60: {  	_ =	shalt  }
0x61: {  	_ =	shalt  }
0x62: {  	_ =	shalt  }
0x63: {  	_ =	shalt  }
0x64: {  	_ =	shalt  }
0x65: {  	_ =	shalt  }
0x66: {  	_ =	shalt  }
0x67: {  	_ =	shalt  }
0x68: {  	_ =	shalt  }
0x69: {  	_ =	shalt  }
0x6a: {  	_ =	shalt  }
0x6b: {  	_ =	shalt  }
0x6c: {  	_ =	shalt  }
0x6d: {  	_ =	shalt  }
0x6e: {  	_ =	shalt  }
0x6f: {  	_ =	shalt  }
0x70: {  	_ =	shalt  }
0x71: {  	_ =	shalt  }
0x72: {  	_ =	shalt  }
0x73: {  	_ =	shalt  }
0x74: {  	_ =	shalt  }
0x75: {  	_ =	shalt  }
0x76: {  	_ =	shalt  }
0x77: {  	_ =	shalt  }
0x78: {  	_ =	shalt  }
0x79: {  	_ =	shalt  }
0x7a: {  	_ =	shalt  }
0x7b: {  	_ =	shalt  }
0x7c: {  	_ =	shalt  }
0x7d: {  	_ =	shalt  }
0x7e: {  	_ =	shalt  }
0x7f: {  	_ =	shalt  }
0x80: {  	_ =	shalt  }
0x81: {  	_ =	shalt  }
0x82: {  	_ =	shalt  }
0x83: {  	_ =	shalt  }
0x84: {  	_ =	shalt  }
0x85: {  	_ =	shalt  }
0x86: {  	_ =	shalt  }
0x87: {  	_ =	shalt  }
.Lfunc_end0:
.L_simem_size_0:
called_computation.1_lowered:
.L_overlay_start_0:
0x88: {  	s2 =	sld [smem:$0x3FD9]  }
0x89: {  	s3 =	sld [smem:$0x3FFE];
	_ =	sdelay $0x1  }
0x8a: {  	s1 =	srdreg.scid  }
0x8b: {  	s0 =	sand.u32 $0x1, s1  }
0x8c: {  	s14 =	sshll.u32 s0, $0xA;
	s2 =	sadd.s32 s3, s2  }
0x8d: {  	s2 =	sadd.s32 s2, s14  }
0x8e: {  	[smem:$0x3FC0] =	sst s2  }
0x8f: {  	_ = 	snop  }
0x90: {  	s2 =	sld [smem:$0x3FD0];
	_ =	sdelay $0x2  }
0x91: {  	s15 =	simm.s32 $0xA;
	s4 =	simm.s32 $0x10  }
0x92: {  	[smem:s4], [sflag:s15] =	dma.local [hbm:s2], $0x1  }
0x93: {  	_ =	swait.eq [sflag:s15], $0x1  }
0x94: {  	[sflag:s15] =	ssyncset.done $0x0  }
0x95: {  	[sflag:s15] =	ssyncadd.s32 $0xFFFFFFFF  }
0x96: {  	s16 =	sld [smem:$0x10];
	(tm) =	ssettm $0x1  }
0x97: {  	s17 =	sld [smem:$0x3FFB];
	_ =	sdelay $0x3  }
0x98: {  	_ =	strace s17  }
0x99: {  	s3 =	sld [smem:$0x3FFC];
	_ =	sdelay $0x3  }
0x9a: {  	_ =	strace s3  }
0x9b: {  	s3 =	sld [smem:$0x3FFD];
	_ =	sdelay $0x3  }
0x9c: {  	_ =	strace s3  }
0x9d: {  	_ =	strace $0x8FFFFFFF  }
0x9e: {  	s18 =	sld [smem:$0x3FDB];
	_ =	sdelay $0x1  }
0x9f: {  	s19 =	simm.s32 $_scs_section_size  }
0xa0: {  	s5 =	simm.s32 $_size__tile_overlayer_lowered;
	s6 =	simm.s32 $_tile_overlayer_lowered  }
0xa1: {  	s22 =	simm.s32 $0x1BFF;
	s21 =	sshll.u32 s6, $0x1;
	s3 =	sadd.s32 s19, s18  }
0xa2: {  	s7 =	simm.s32 $0x0;
	s20 =	sshll.u32 s5, $0x1;
	s5 =	sadd.s32 s21, s3  }
0xa3: {  	[timem:s7], [sflag:s22] =	dma.local [hbm:s5], s20  }
0xa4: {  	_ =	swait.ge [sflag:s22], s20  }
0xa5: {  	s4 =	ssub.s32 $0x0, s20;
	[sflag:s22] =	ssyncset.done $0x0  }
0xa6: {  	[sflag:s22] =	ssyncadd.s32 s4;
	_ =	sdelay $0x1  }
0xa7: {  	s23 =	simm.s32 $0x1B8B  }
0xa8: {  	_ =	swait.ge [sflag:s23], $0x1  }
0xa9: {  	[sflag:s23] =	ssyncset.done $0x0  }
0xaa: {  	s25 =	simm.s32 $0x1B8E;
	s24 =	sld [smem:$0x3FFE];
	[sflag:s23] =	ssyncadd.s32 $0xFFFFFFFF  }
0xab: {  	s26 =	simm.s32 $execute0_lowered;
	[smem:$0x3FD2] =	sst s25  }
0xac: {  	s5 =	sshll.u32 s26, $0x1;
	_ =	strace $0x80000049;
	[dreg:$0x1] =	wrdreg $0xFFFFFFFF  }
0xad: {  	s28 =	simm.s32 $_size_execute0_lowered;
	s3 =	sadd.s32 s3, s5;
	[dreg:$0x0] =	wrdreg $0x0  }
0xae: {  	s5 =	sshll.u32 s28, $0x1;
	[dreg:$0x2] =	wrdreg s3  }
0xaf: {  	[dreg:$0x3] =	wrdreg s5  }
0xb0: {  	[dreg:$0x4] =	wrdreg $0xC0  }
0xb1: {  	_ =	task [dreg:s7], $0x5FFFF  }
0xb2: {  	[dreg:$0x1] =	wrdreg $0xFFFFFFFF  }
0xb3: {  	[dreg:$0x0] =	wrdreg $0x60  }
0xb4: {  	[dreg:$0x2] =	wrdreg s24  }
0xb5: {  	[dreg:$0x3] =	wrdreg s16  }
0xb6: {  	[dreg:$0x4] =	wrdreg $0x9  }
0xb7: {  	_ =	task.clear_ibuf [dreg:s7], $0x5FFFF;
	_ =	strace $0x90000049  }
0xb8: {  	s29 =	simm.s32 $0x9;
	_ =	strace $0x8000004B  }
0xb9: {  	_ =	swait.ge [sflag:s29], $0x1  }
0xba: {  	[sflag:s29] =	ssyncadd.s32 $0xFFFFFFFF  }
0xbb: {  	_ =	strace $0x9000004B  }
0xbc: {  	_ =	sfence  }
0xbd: {  	s30 =	sld [smem:$0x0];
	_ =	sdelay $0x2  }
0xbe: {  	s31 =	sshll.u32 s1, $0xD;
	s1 =	sshrl.u32 s1, $0x2  }
0xbf: {  	s3 =	sand.u32 $0x4000, s31;
	s1 =	sadd.s32 s1, s30  }
0xc0: {  	s0 =	sor.u32 s3, s0;
	s1 =	sshll.u32 s1, $0x11  }
0xc1: {  	s0 =	sor.u32 s1, s0  }
0xc2: {  	s0 =	sadd.s32 $0x8F2B, s0  }
0xc3: {  	[sflag:s0] =	ssyncadd.remote.s32 $0x1  }
0xc4: {  	_ =	sfence.sel $0xFFFF  }
0xc5: {  	[dreg:$0x0] =	wrdreg $0xFFFFFFFF;
	(pc) =	sbr.abs _section_cstart, $3  }
0xc6: {  	[dreg:$0x1] =	wrdreg $0xFFFFFFFF  }
0xc7: {  	_ =	task.clear_ibuf [dreg:s7], $0x2FFFF;
	_ =	strace $0x9FFFFFFF  }
0xc8: {  	(tm) =	ssettm $0x7FFFFFFF  }
0xc9: {  	_ =	shalt  }
tec
execute0_lowered:
.L_overlay_start_1:
0x0: {  	(tag) =	ssettag $0x1  }
0x1: {  	s0 =	rddreg [dreg:$0x0]  }
0x2: {  	s1 =	rddreg [dreg:$0x1]  }
0x3: {  	s2 =	srdreg.scid;
	s3 =	stileid.u32  }
0x4: {  	s29 =	simm.s32 $0x2;
	s30 =	simm.s32 $0x3;
	s31 =	simm.s32 $0x4  }
0x5: {  	s4 =	sand.u32 $0x1, s2;
	s2 =	simm.s32 $0x0;
	s3 =	sshll.u32 s3, $0x6  }
0x6: {  	s6 =	sadd.s32 $0x200, s0;
	s28 =	sadd.s32 $0x600, s0;
	s5 =	sshll.u32 s4, $0x5  }
0x7: {  	[smem:$0x7FF] =	sst s2;
	s4 =	ssub.s32 $0x2, s4;
	s3 =	sor.u32 s5, s3  }
0x8: {  	_ =	strace $0x8000004A;
	s25 =	sshrl.u32 s4, $0x1;
	s7 =	sadd.s32 s6, s3  }
0x9: {  	s10 =	sadd.s32 s28, s3;
	s8 =	sor.u32 $0x8, s3;
	s9 =	smul.u32 $0x180, s3  }
0xa: {  	s15 =	sor.u32 $0x10, s3;
	s20 =	sor.u32 $0x18, s3;
	s3 =	sadd.s32 $0xDA400, s0  }
0xb: {  	s26 =	ssub.s32 s4, s25;
	s4 =	sadd.s32 $0xDA500, s0;
	[dreg:$0x3] =	wrdreg s7  }
0xc: {  	s25 =	simm.s32 $0x5600;
	[dreg:$0x4] =	wrdreg s10;
	s11 =	sadd.s32 s6, s8  }
0xd: {  	s12 =	sadd.s32 s28, s8;
	s10 =	sadd.s32 $0xA00, s0;
	s16 =	sadd.s32 s6, s15  }
0xe: {  	s8 =	smul.u32 $0x180, s8;
	s17 =	sadd.s32 s28, s15;
	[dreg:$0x5] =	wrdreg s11  }
0xf: {  	s6 =	sadd.s32 s6, s20;
	s21 =	smul.u32 $0x180, s15;
	[dreg:$0x6] =	wrdreg s12  }
0x10: {  	s5 =	sadd.s32 s28, s20;
	s23 =	smul.u32 $0x180, s20;
	[dreg:$0x9] =	wrdreg s16  }
0x11: {  	s15 =	simm.s32 $0x2600;
	s20 =	simm.s32 $0x3E00;
	[dreg:$0xa] =	wrdreg s17  }
0x12: {  	s7 =	simm.s32 $0x12200;
	s13 =	sadd.s32 s1, s9;
	[dreg:$0xd] =	wrdreg s6  }
0x13: {  	s14 =	sadd.s32 s10, s9;
	[dreg:$0xe] =	wrdreg s5;
	s5 =	smax.u32 s26, $0x1  }
0x14: {  	s6 =	simm.s32 $0x5;
	s11 =	simm.s32 $0x1;
	s12 =	simm.s32 $0x1600  }
0x15: {  	s16 =	simm.s32 $0x2E00;
	s26 =	simm.s32 $0x5E00;
	[dreg:$0x7] =	wrdreg s13  }
0x16: {  	s17 =	simm.s32 $0x7600;
	[dreg:$0x8] =	wrdreg s14;
	s18 =	sadd.s32 s1, s8  }
0x17: {  	s9 =	simm.s32 $0xBE00;
	s19 =	sadd.s32 s10, s8;
	[dreg:$0xb] =	wrdreg s18  }
0x18: {  	s22 =	sadd.s32 s1, s21;
	s24 =	sadd.s32 s10, s21;
	[dreg:$0xc] =	wrdreg s19  }
0x19: {  	s1 =	sadd.s32 s1, s23;
	s28 =	sadd.s32 s10, s23;
	[dreg:$0xf] =	wrdreg s22  }
0x1a: {  	s13 =	simm.s32 $0x1A00;
	s14 =	simm.s32 $0x2200;
	[dreg:$0x10] =	wrdreg s24  }
0x1b: {  	v2 =	vlaneseq.u32;
	s21 =	simm.s32 $0x4600;
	s23 =	simm.s32 $0x5200;
	[dreg:$0x11] =	wrdreg s1  }
0x1c: {  	vm0 =	vmmov $0xffff;
	vm1 =	vmmov $0xff;
	v1 =	vshrl.u32 v2, $0x3;
	s8 =	simm.s32 $0xC200;
	[dreg:$0x12] =	wrdreg s28;
	s18 =	simm.s32 $0x3200  }
0x1d: {  	v0 =	vand.u32 $0x7, v2;
	v2 =	vor.u32 $0x8, v2;
	v1 =	vmul.u32 $0x8, v1;
	s19 =	simm.s32 $0x3A00;
	s22 =	simm.s32 $0x4A00;
	s24 =	simm.s32 $0x7A00  }
.LBB2_1:
0x1e: {  	s0 =	rddreg [dreg:$0x3]  }
0x1f: {  	[tilespmem:s2], [sflag:$0x5] =	stream.linear.gather [hbm4b:s0+s2], $0x40, $0x38;
	[tilespmem:$0x18200] =	vst v63  }
0x20: {  	_ =	swait.ge [sflag:s6], $0x40  }
0x21: {  	[sflag:s6] =	ssyncset.done $0x0  }
0x22: {  	s1 =	simm.s32 $0x100;
	s28 =	rddreg [dreg:$0x4];
	[sflag:s6] =	ssyncadd.s32 $0xFFFFFFC0  }
0x23: {  	[tilespmem:s1], [sflag:$0x5] =	stream.linear.gather [hbm4b:s28+s2], $0x40, $0x38;
	[tilespmem:$0x18200] =	vst v63  }
0x24: {  	_ =	swait.ge [sflag:s6], $0x40  }
0x25: {  	[sflag:s6] =	ssyncset.done $0x0  }
0x26: {  	[sflag:s6] =	ssyncadd.s32 $0xFFFFFFC0  }
0x27: {  	v3 =	vld [tilespmem:$0x0];
	_ =	sdelay $0x4  }
0x28: {  	v4 =	vshrl.u32 v3, $0x3  }
0x29: {  	v4 =	vmul.u32 $0x18, v4  }
0x2a: {  	v3 =	vand.u32 $0x7, v3  }
0x2b: {  	v3 =	vor.u32 v3, v4  }
0x2c: {  	v4 =	vperm.xlane v3, v0;
	_ =	sdelay $0x1  }
0x2d: {  	v4 =	vadd.s32 v1, v4;
	_ =	sdelay $0x1  }
0x2e: {  	v3 =	vperm.xlane v3, v2;
	_ =	sdelay $0x1  }
0x2f: {  	s1 =	simm.s32 $0x200;
	v3 =	vadd.s32 v1, v3  }
0x30: {  	[tilespmem:s1], [sflag:$0x1] =	stream.indirect_vreg.gather [hbm4b:s3+s2], $0x80, v4, vm0, $0xb8;
	[tilespmem:$0x18200] =	vst v63  }
0x31: {  	s10 =	simm.s32 $0xA00  }
0x32: {  	[tilespmem:s10], [sflag:$0x1] =	stream.indirect_vreg.gather [hbm4b:s4+s2], $0x80, v4, vm1, $0xb8;
	[tilespmem:$0x18200] =	vst v63  }
0x33: {  	s28 =	simm.s32 $0xE00  }
0x34: {  	[tilespmem:s28], [sflag:$0x1] =	stream.indirect_vreg.gather [hbm4b:s3+s2], $0x80, v3, vm0, $0xb8;
	[tilespmem:$0x18200] =	vst v63  }
0x35: {  	_ = 	snop  }
0x36: {  	[tilespmem:s12], [sflag:$0x1] =	stream.indirect_vreg.gather [hbm4b:s4+s2], $0x80, v3, vm1, $0xb8;
	[tilespmem:$0x18200] =	vst v63  }
0x37: {  	v3 =	vld [tilespmem:$0x10];
	_ =	sdelay $0x4  }
0x38: {  	v33 =	vshrl.u32 v3, $0x3  }
0x39: {  	v4 =	vmul.u32 $0x18, v33  }
0x3a: {  	v3 =	vand.u32 $0x7, v3  }
0x3b: {  	v3 =	vor.u32 v3, v4  }
0x3c: {  	v4 =	vperm.xlane v3, v0;
	_ =	sdelay $0x1  }
0x3d: {  	v4 =	vadd.s32 v1, v4;
	_ =	sdelay $0x1  }
0x3e: {  	v3 =	vperm.xlane v3, v2;
	_ =	sdelay $0x1  }
0x3f: {  	v3 =	vadd.s32 v1, v3  }
0x40: {  	[tilespmem:s13], [sflag:$0x1] =	stream.indirect_vreg.gather [hbm4b:s3+s2], $0x80, v4, vm0, $0xb8;
	[tilespmem:$0x18200] =	vst v63  }
0x41: {  	_ = 	snop  }
0x42: {  	[tilespmem:s14], [sflag:$0x1] =	stream.indirect_vreg.gather [hbm4b:s4+s2], $0x80, v4, vm1, $0xb8;
	[tilespmem:$0x18200] =	vst v63  }
0x43: {  	_ = 	snop  }
0x44: {  	[tilespmem:s15], [sflag:$0x1] =	stream.indirect_vreg.gather [hbm4b:s3+s2], $0x80, v3, vm0, $0xb8;
	[tilespmem:$0x18200] =	vst v63  }
0x45: {  	_ = 	snop  }
0x46: {  	[tilespmem:s16], [sflag:$0x1] =	stream.indirect_vreg.gather [hbm4b:s4+s2], $0x80, v3, vm1, $0xb8;
	[tilespmem:$0x18200] =	vst v63  }
0x47: {  	v3 =	vld [tilespmem:$0x20];
	_ =	sdelay $0x4  }
0x48: {  	v34 =	vshrl.u32 v3, $0x3  }
0x49: {  	v4 =	vmul.u32 $0x18, v34  }
0x4a: {  	v3 =	vand.u32 $0x7, v3  }
0x4b: {  	v3 =	vor.u32 v3, v4  }
0x4c: {  	v4 =	vperm.xlane v3, v0;
	_ =	sdelay $0x1  }
0x4d: {  	v4 =	vadd.s32 v1, v4;
	_ =	sdelay $0x1  }
0x4e: {  	v3 =	vperm.xlane v3, v2;
	_ =	sdelay $0x1  }
0x4f: {  	v3 =	vadd.s32 v1, v3  }
0x50: {  	[tilespmem:s18], [sflag:$0x1] =	stream.indirect_vreg.gather [hbm4b:s3+s2], $0x80, v4, vm0, $0xb8;
	[tilespmem:$0x18200] =	vst v63  }
0x51: {  	_ = 	snop  }
0x52: {  	[tilespmem:s19], [sflag:$0x1] =	stream.indirect_vreg.gather [hbm4b:s4+s2], $0x80, v4, vm1, $0xb8;
	[tilespmem:$0x18200] =	vst v63  }
0x53: {  	_ = 	snop  }
0x54: {  	[tilespmem:s20], [sflag:$0x1] =	stream.indirect_vreg.gather [hbm4b:s3+s2], $0x80, v3, vm0, $0xb8;
	[tilespmem:$0x18200] =	vst v63  }
0x55: {  	_ = 	snop  }
0x56: {  	[tilespmem:s21], [sflag:$0x1] =	stream.indirect_vreg.gather [hbm4b:s4+s2], $0x80, v3, vm1, $0xb8;
	[tilespmem:$0x18200] =	vst v63  }
0x57: {  	v3 =	vld [tilespmem:$0x30];
	_ =	sdelay $0x4  }
0x58: {  	v35 =	vshrl.u32 v3, $0x3  }
0x59: {  	v4 =	vmul.u32 $0x18, v35  }
0x5a: {  	v3 =	vand.u32 $0x7, v3  }
0x5b: {  	v3 =	vor.u32 v3, v4  }
0x5c: {  	v4 =	vperm.xlane v3, v0;
	_ =	sdelay $0x1  }
0x5d: {  	v4 =	vadd.s32 v1, v4;
	_ =	sdelay $0x1  }
0x5e: {  	v3 =	vperm.xlane v3, v2;
	_ =	sdelay $0x1  }
0x5f: {  	v3 =	vadd.s32 v1, v3  }
0x60: {  	[tilespmem:s22], [sflag:$0x1] =	stream.indirect_vreg.gather [hbm4b:s3+s2], $0x80, v4, vm0, $0xb8;
	[tilespmem:$0x18200] =	vst v63  }
0x61: {  	_ = 	snop  }
0x62: {  	[tilespmem:s23], [sflag:$0x1] =	stream.indirect_vreg.gather [hbm4b:s4+s2], $0x80, v4, vm1, $0xb8;
	[tilespmem:$0x18200] =	vst v63  }
0x63: {  	_ = 	snop  }
0x64: {  	[tilespmem:s25], [sflag:$0x1] =	stream.indirect_vreg.gather [hbm4b:s3+s2], $0x80, v3, vm0, $0xb8;
	[tilespmem:$0x18200] =	vst v63  }
0x65: {  	_ = 	snop  }
0x66: {  	[tilespmem:s26], [sflag:$0x1] =	stream.indirect_vreg.gather [hbm4b:s4+s2], $0x80, v3, vm1, $0xb8;
	[tilespmem:$0x18200] =	vst v63  }
0x67: {  	v3 =	vld [tilespmem:$0x100];
	_ =	sdelay $0x4  }
0x68: {  	v36 =	vshrl.u32 v3, $0x3  }
0x69: {  	v4 =	vmul.u32 $0x18, v36  }
0x6a: {  	v3 =	vand.u32 $0x7, v3  }
0x6b: {  	v3 =	vor.u32 v3, v4  }
0x6c: {  	v4 =	vperm.xlane v3, v0;
	_ =	sdelay $0x1  }
0x6d: {  	v4 =	vadd.s32 v1, v4;
	_ =	sdelay $0x1  }
0x6e: {  	v3 =	vperm.xlane v3, v2;
	_ =	sdelay $0x1  }
0x6f: {  	s1 =	simm.s32 $0x6200;
	v3 =	vadd.s32 v1, v3  }
0x70: {  	[tilespmem:s1], [sflag:$0x2] =	stream.indirect_vreg.gather [hbm4b:s3+s2], $0x80, v4, vm0, $0xb8;
	[tilespmem:$0x18200] =	vst v63  }
0x71: {  	s10 =	simm.s32 $0x6A00  }
0x72: {  	[tilespmem:s10], [sflag:$0x2] =	stream.indirect_vreg.gather [hbm4b:s4+s2], $0x80, v4, vm1, $0xb8;
	[tilespmem:$0x18200] =	vst v63  }
0x73: {  	s28 =	simm.s32 $0x6E00  }
0x74: {  	[tilespmem:s28], [sflag:$0x2] =	stream.indirect_vreg.gather [hbm4b:s3+s2], $0x80, v3, vm0, $0xb8;
	[tilespmem:$0x18200] =	vst v63  }
0x75: {  	_ = 	snop  }
0x76: {  	[tilespmem:s17], [sflag:$0x2] =	stream.indirect_vreg.gather [hbm4b:s4+s2], $0x80, v3, vm1, $0xb8;
	[tilespmem:$0x18200] =	vst v63  }
0x77: {  	v3 =	vld [tilespmem:$0x110];
	_ =	sdelay $0x4  }
0x78: {  	v37 =	vshrl.u32 v3, $0x3  }
0x79: {  	v4 =	vmul.u32 $0x18, v37  }
0x7a: {  	v3 =	vand.u32 $0x7, v3  }
0x7b: {  	v3 =	vor.u32 v3, v4  }
0x7c: {  	v4 =	vperm.xlane v3, v0;
	_ =	sdelay $0x1  }
0x7d: {  	v4 =	vadd.s32 v1, v4;
	_ =	sdelay $0x1  }
0x7e: {  	v3 =	vperm.xlane v3, v2;
	_ =	sdelay $0x1  }
0x7f: {  	v3 =	vadd.s32 v1, v3  }
0x80: {  	[tilespmem:s24], [sflag:$0x2] =	stream.indirect_vreg.gather [hbm4b:s3+s2], $0x80, v4, vm0, $0xb8;
	[tilespmem:$0x18200] =	vst v63  }
0x81: {  	s1 =	simm.s32 $0x8200  }
0x82: {  	[tilespmem:s1], [sflag:$0x2] =	stream.indirect_vreg.gather [hbm4b:s4+s2], $0x80, v4, vm1, $0xb8;
	[tilespmem:$0x18200] =	vst v63  }
0x83: {  	s10 =	simm.s32 $0x8600  }
0x84: {  	[tilespmem:s10], [sflag:$0x2] =	stream.indirect_vreg.gather [hbm4b:s3+s2], $0x80, v3, vm0, $0xb8;
	[tilespmem:$0x18200] =	vst v63  }
0x85: {  	s28 =	simm.s32 $0x8E00  }
0x86: {  	[tilespmem:s28], [sflag:$0x2] =	stream.indirect_vreg.gather [hbm4b:s4+s2], $0x80, v3, vm1, $0xb8;
	[tilespmem:$0x18200] =	vst v63  }
0x87: {  	v3 =	vld [tilespmem:$0x120];
	_ =	sdelay $0x4  }
0x88: {  	v38 =	vshrl.u32 v3, $0x3  }
0x89: {  	v4 =	vmul.u32 $0x18, v38  }
0x8a: {  	v3 =	vand.u32 $0x7, v3  }
0x8b: {  	v3 =	vor.u32 v3, v4  }
0x8c: {  	v4 =	vperm.xlane v3, v0;
	_ =	sdelay $0x1  }
0x8d: {  	v4 =	vadd.s32 v1, v4;
	_ =	sdelay $0x1  }
0x8e: {  	v3 =	vperm.xlane v3, v2;
	_ =	sdelay $0x1  }
0x8f: {  	s1 =	simm.s32 $0x9200;
	v3 =	vadd.s32 v1, v3  }
0x90: {  	[tilespmem:s1], [sflag:$0x2] =	stream.indirect_vreg.gather [hbm4b:s3+s2], $0x80, v4, vm0, $0xb8;
	[tilespmem:$0x18200] =	vst v63  }
0x91: {  	s10 =	simm.s32 $0x9A00  }
0x92: {  	[tilespmem:s10], [sflag:$0x2] =	stream.indirect_vreg.gather [hbm4b:s4+s2], $0x80, v4, vm1, $0xb8;
	[tilespmem:$0x18200] =	vst v63  }
0x93: {  	s28 =	simm.s32 $0x9E00  }
0x94: {  	[tilespmem:s28], [sflag:$0x2] =	stream.indirect_vreg.gather [hbm4b:s3+s2], $0x80, v3, vm0, $0xb8;
	[tilespmem:$0x18200] =	vst v63  }
0x95: {  	s1 =	simm.s32 $0xA600  }
0x96: {  	[tilespmem:s1], [sflag:$0x2] =	stream.indirect_vreg.gather [hbm4b:s4+s2], $0x80, v3, vm1, $0xb8;
	[tilespmem:$0x18200] =	vst v63  }
0x97: {  	v3 =	vld [tilespmem:$0x130];
	_ =	sdelay $0x4  }
0x98: {  	v39 =	vshrl.u32 v3, $0x3  }
0x99: {  	v4 =	vmul.u32 $0x18, v39  }
0x9a: {  	v3 =	vand.u32 $0x7, v3  }
0x9b: {  	v3 =	vor.u32 v3, v4  }
0x9c: {  	v4 =	vperm.xlane v3, v0;
	_ =	sdelay $0x1  }
0x9d: {  	v4 =	vadd.s32 v1, v4;
	_ =	sdelay $0x1  }
0x9e: {  	v3 =	vperm.xlane v3, v2;
	_ =	sdelay $0x1  }
0x9f: {  	s10 =	simm.s32 $0xAA00;
	v3 =	vadd.s32 v1, v3  }
0xa0: {  	[tilespmem:s10], [sflag:$0x2] =	stream.indirect_vreg.gather [hbm4b:s3+s2], $0x80, v4, vm0, $0xb8;
	[tilespmem:$0x18200] =	vst v63  }
0xa1: {  	s28 =	simm.s32 $0xB200  }
0xa2: {  	[tilespmem:s28], [sflag:$0x2] =	stream.indirect_vreg.gather [hbm4b:s4+s2], $0x80, v4, vm1, $0xb8;
	[tilespmem:$0x18200] =	vst v63  }
0xa3: {  	s1 =	simm.s32 $0xB600  }
0xa4: {  	[tilespmem:s1], [sflag:$0x2] =	stream.indirect_vreg.gather [hbm4b:s3+s2], $0x80, v3, vm0, $0xb8;
	[tilespmem:$0x18200] =	vst v63  }
0xa5: {  	_ = 	snop  }
0xa6: {  	[tilespmem:s9], [sflag:$0x2] =	stream.indirect_vreg.gather [hbm4b:s4+s2], $0x80, v3, vm1, $0xb8;
	[tilespmem:$0x18200] =	vst v63  }
0xa7: {  	s10 =	rddreg [dreg:$0x5];
	s28 =	simm.s32 $0x80  }
0xa8: {  	[tilespmem:s28], [sflag:$0x5] =	stream.linear.gather [hbm4b:s10+s2], $0x40, $0x38;
	[tilespmem:$0x18200] =	vst v63  }
0xa9: {  	_ =	swait.ge [sflag:s6], $0x40  }
0xaa: {  	[sflag:s6] =	ssyncset.done $0x0  }
0xab: {  	s28 =	simm.s32 $0x180;
	s10 =	rddreg [dreg:$0x6];
	[sflag:s6] =	ssyncadd.s32 $0xFFFFFFC0  }
0xac: {  	[tilespmem:s28], [sflag:$0x5] =	stream.linear.gather [hbm4b:s10+s2], $0x40, $0x38;
	[tilespmem:$0x18200] =	vst v63  }
0xad: {  	_ =	swait.ge [sflag:s6], $0x40  }
0xae: {  	[sflag:s6] =	ssyncset.done $0x0  }
0xaf: {  	[sflag:s6] =	ssyncadd.s32 $0xFFFFFFC0  }
0xb0: {  	v3 =	vld [tilespmem:$0x80];
	_ =	sdelay $0x4  }
0xb1: {  	v40 =	vshrl.u32 v3, $0x3  }
0xb2: {  	v4 =	vmul.u32 $0x18, v40  }
0xb3: {  	v3 =	vand.u32 $0x7, v3  }
0xb4: {  	v3 =	vor.u32 v3, v4  }
0xb5: {  	v4 =	vperm.xlane v3, v0;
	_ =	sdelay $0x1  }
0xb6: {  	v4 =	vadd.s32 v1, v4;
	_ =	sdelay $0x1  }
0xb7: {  	v3 =	vperm.xlane v3, v2;
	_ =	sdelay $0x1  }
0xb8: {  	v3 =	vadd.s32 v1, v3  }
0xb9: {  	[tilespmem:s8], [sflag:$0x1] =	stream.indirect_vreg.gather [hbm4b:s3+s2], $0x80, v4, vm0, $0xb8;
	[tilespmem:$0x18200] =	vst v63  }
0xba: {  	s10 =	simm.s32 $0xCA00  }
0xbb: {  	[tilespmem:s10], [sflag:$0x1] =	stream.indirect_vreg.gather [hbm4b:s4+s2], $0x80, v4, vm1, $0xb8;
	[tilespmem:$0x18200] =	vst v63  }
0xbc: {  	s28 =	simm.s32 $0xCE00  }
0xbd: {  	[tilespmem:s28], [sflag:$0x1] =	stream.indirect_vreg.gather [hbm4b:s3+s2], $0x80, v3, vm0, $0xb8;
	[tilespmem:$0x18200] =	vst v63  }
0xbe: {  	s1 =	simm.s32 $0xD600  }
0xbf: {  	[tilespmem:s1], [sflag:$0x1] =	stream.indirect_vreg.gather [hbm4b:s4+s2], $0x80, v3, vm1, $0xb8;
	[tilespmem:$0x18200] =	vst v63  }
0xc0: {  	v3 =	vld [tilespmem:$0x90];
	_ =	sdelay $0x4  }
0xc1: {  	v41 =	vshrl.u32 v3, $0x3  }
0xc2: {  	v4 =	vmul.u32 $0x18, v41  }
0xc3: {  	v3 =	vand.u32 $0x7, v3  }
0xc4: {  	v3 =	vor.u32 v3, v4  }
0xc5: {  	v4 =	vperm.xlane v3, v0;
	_ =	sdelay $0x1  }
0xc6: {  	v4 =	vadd.s32 v1, v4;
	_ =	sdelay $0x1  }
0xc7: {  	v3 =	vperm.xlane v3, v2;
	_ =	sdelay $0x1  }
0xc8: {  	s10 =	simm.s32 $0xDA00;
	v3 =	vadd.s32 v1, v3  }
0xc9: {  	[tilespmem:s10], [sflag:$0x1] =	stream.indirect_vreg.gather [hbm4b:s3+s2], $0x80, v4, vm0, $0xb8;
	[tilespmem:$0x18200] =	vst v63  }
0xca: {  	s28 =	simm.s32 $0xE200  }
0xcb: {  	[tilespmem:s28], [sflag:$0x1] =	stream.indirect_vreg.gather [hbm4b:s4+s2], $0x80, v4, vm1, $0xb8;
	[tilespmem:$0x18200] =	vst v63  }
0xcc: {  	s1 =	simm.s32 $0xE600  }
0xcd: {  	[tilespmem:s1], [sflag:$0x1] =	stream.indirect_vreg.gather [hbm4b:s3+s2], $0x80, v3, vm0, $0xb8;
	[tilespmem:$0x18200] =	vst v63  }
0xce: {  	s10 =	simm.s32 $0xEE00  }
0xcf: {  	[tilespmem:s10], [sflag:$0x1] =	stream.indirect_vreg.gather [hbm4b:s4+s2], $0x80, v3, vm1, $0xb8;
	[tilespmem:$0x18200] =	vst v63  }
0xd0: {  	v3 =	vld [tilespmem:$0xA0];
	_ =	sdelay $0x4  }
0xd1: {  	v42 =	vshrl.u32 v3, $0x3  }
0xd2: {  	v4 =	vmul.u32 $0x18, v42  }
0xd3: {  	v3 =	vand.u32 $0x7, v3  }
0xd4: {  	v3 =	vor.u32 v3, v4  }
0xd5: {  	v4 =	vperm.xlane v3, v0;
	_ =	sdelay $0x1  }
0xd6: {  	v4 =	vadd.s32 v1, v4;
	_ =	sdelay $0x1  }
0xd7: {  	v3 =	vperm.xlane v3, v2;
	_ =	sdelay $0x1  }
0xd8: {  	s28 =	simm.s32 $0xF200;
	v3 =	vadd.s32 v1, v3  }
0xd9: {  	[tilespmem:s28], [sflag:$0x1] =	stream.indirect_vreg.gather [hbm4b:s3+s2], $0x80, v4, vm0, $0xb8;
	[tilespmem:$0x18200] =	vst v63  }
0xda: {  	s1 =	simm.s32 $0xFA00  }
0xdb: {  	[tilespmem:s1], [sflag:$0x1] =	stream.indirect_vreg.gather [hbm4b:s4+s2], $0x80, v4, vm1, $0xb8;
	[tilespmem:$0x18200] =	vst v63  }
0xdc: {  	s10 =	simm.s32 $0xFE00  }
0xdd: {  	[tilespmem:s10], [sflag:$0x1] =	stream.indirect_vreg.gather [hbm4b:s3+s2], $0x80, v3, vm0, $0xb8;
	[tilespmem:$0x18200] =	vst v63  }
0xde: {  	s28 =	simm.s32 $0x10600  }
0xdf: {  	[tilespmem:s28], [sflag:$0x1] =	stream.indirect_vreg.gather [hbm4b:s4+s2], $0x80, v3, vm1, $0xb8;
	[tilespmem:$0x18200] =	vst v63  }
0xe0: {  	v3 =	vld [tilespmem:$0xB0];
	_ =	sdelay $0x4  }
0xe1: {  	v43 =	vshrl.u32 v3, $0x3  }
0xe2: {  	v4 =	vmul.u32 $0x18, v43  }
0xe3: {  	v3 =	vand.u32 $0x7, v3  }
0xe4: {  	v3 =	vor.u32 v3, v4  }
0xe5: {  	v4 =	vperm.xlane v3, v0;
	_ =	sdelay $0x1  }
0xe6: {  	v4 =	vadd.s32 v1, v4;
	_ =	sdelay $0x1  }
0xe7: {  	v3 =	vperm.xlane v3, v2;
	_ =	sdelay $0x1  }
0xe8: {  	s1 =	simm.s32 $0x10A00;
	v3 =	vadd.s32 v1, v3  }
0xe9: {  	[tilespmem:s1], [sflag:$0x1] =	stream.indirect_vreg.gather [hbm4b:s3+s2], $0x80, v4, vm0, $0xb8;
	[tilespmem:$0x18200] =	vst v63  }
0xea: {  	s10 =	simm.s32 $0x11200  }
0xeb: {  	[tilespmem:s10], [sflag:$0x1] =	stream.indirect_vreg.gather [hbm4b:s4+s2], $0x80, v4, vm1, $0xb8;
	[tilespmem:$0x18200] =	vst v63  }
0xec: {  	s28 =	simm.s32 $0x11600  }
0xed: {  	[tilespmem:s28], [sflag:$0x1] =	stream.indirect_vreg.gather [hbm4b:s3+s2], $0x80, v3, vm0, $0xb8;
	[tilespmem:$0x18200] =	vst v63  }
0xee: {  	s1 =	simm.s32 $0x11E00  }
0xef: {  	[tilespmem:s1], [sflag:$0x1] =	stream.indirect_vreg.gather [hbm4b:s4+s2], $0x80, v3, vm1, $0xb8;
	[tilespmem:$0x18200] =	vst v63  }
0xf0: {  	v3 =	vld [tilespmem:$0x180];
	_ =	sdelay $0x4  }
0xf1: {  	v44 =	vshrl.u32 v3, $0x3  }
0xf2: {  	v4 =	vmul.u32 $0x18, v44  }
0xf3: {  	v3 =	vand.u32 $0x7, v3  }
0xf4: {  	v3 =	vor.u32 v3, v4  }
0xf5: {  	v4 =	vperm.xlane v3, v0;
	_ =	sdelay $0x1  }
0xf6: {  	v4 =	vadd.s32 v1, v4;
	_ =	sdelay $0x1  }
0xf7: {  	v3 =	vperm.xlane v3, v2;
	_ =	sdelay $0x1  }
0xf8: {  	v3 =	vadd.s32 v1, v3  }
0xf9: {  	[tilespmem:s7], [sflag:$0x2] =	stream.indirect_vreg.gather [hbm4b:s3+s2], $0x80, v4, vm0, $0xb8;
	[tilespmem:$0x18200] =	vst v63  }
0xfa: {  	s10 =	simm.s32 $0x12A00  }
0xfb: {  	[tilespmem:s10], [sflag:$0x2] =	stream.indirect_vreg.gather [hbm4b:s4+s2], $0x80, v4, vm1, $0xb8;
	[tilespmem:$0x18200] =	vst v63  }
0xfc: {  	s28 =	simm.s32 $0x12E00  }
0xfd: {  	[tilespmem:s28], [sflag:$0x2] =	stream.indirect_vreg.gather [hbm4b:s3+s2], $0x80, v3, vm0, $0xb8;
	[tilespmem:$0x18200] =	vst v63  }
0xfe: {  	s1 =	simm.s32 $0x13600  }
0xff: {  	[tilespmem:s1], [sflag:$0x2] =	stream.indirect_vreg.gather [hbm4b:s4+s2], $0x80, v3, vm1, $0xb8;
	[tilespmem:$0x18200] =	vst v63  }
0x100: {  	v3 =	vld [tilespmem:$0x190];
	_ =	sdelay $0x4  }
0x101: {  	v45 =	vshrl.u32 v3, $0x3  }
0x102: {  	v4 =	vmul.u32 $0x18, v45  }
0x103: {  	v3 =	vand.u32 $0x7, v3  }
0x104: {  	v3 =	vor.u32 v3, v4  }
0x105: {  	v4 =	vperm.xlane v3, v0;
	_ =	sdelay $0x1  }
0x106: {  	v4 =	vadd.s32 v1, v4;
	_ =	sdelay $0x1  }
0x107: {  	v3 =	vperm.xlane v3, v2;
	_ =	sdelay $0x1  }
0x108: {  	s10 =	simm.s32 $0x13A00;
	v3 =	vadd.s32 v1, v3  }
0x109: {  	[tilespmem:s10], [sflag:$0x2] =	stream.indirect_vreg.gather [hbm4b:s3+s2], $0x80, v4, vm0, $0xb8;
	[tilespmem:$0x18200] =	vst v63  }
0x10a: {  	s28 =	simm.s32 $0x14200  }
0x10b: {  	[tilespmem:s28], [sflag:$0x2] =	stream.indirect_vreg.gather [hbm4b:s4+s2], $0x80, v4, vm1, $0xb8;
	[tilespmem:$0x18200] =	vst v63  }
0x10c: {  	s1 =	simm.s32 $0x14600  }
0x10d: {  	[tilespmem:s1], [sflag:$0x2] =	stream.indirect_vreg.gather [hbm4b:s3+s2], $0x80, v3, vm0, $0xb8;
	[tilespmem:$0x18200] =	vst v63  }
0x10e: {  	s10 =	simm.s32 $0x14E00  }
0x10f: {  	[tilespmem:s10], [sflag:$0x2] =	stream.indirect_vreg.gather [hbm4b:s4+s2], $0x80, v3, vm1, $0xb8;
	[tilespmem:$0x18200] =	vst v63  }
0x110: {  	v3 =	vld [tilespmem:$0x1A0];
	_ =	sdelay $0x4  }
0x111: {  	v46 =	vshrl.u32 v3, $0x3  }
0x112: {  	v4 =	vmul.u32 $0x18, v46  }
0x113: {  	v3 =	vand.u32 $0x7, v3  }
0x114: {  	v3 =	vor.u32 v3, v4  }
0x115: {  	v4 =	vperm.xlane v3, v0;
	_ =	sdelay $0x1  }
0x116: {  	v4 =	vadd.s32 v1, v4;
	_ =	sdelay $0x1  }
0x117: {  	v3 =	vperm.xlane v3, v2;
	_ =	sdelay $0x1  }
0x118: {  	s28 =	simm.s32 $0x15200;
	v3 =	vadd.s32 v1, v3  }
0x119: {  	[tilespmem:s28], [sflag:$0x2] =	stream.indirect_vreg.gather [hbm4b:s3+s2], $0x80, v4, vm0, $0xb8;
	[tilespmem:$0x18200] =	vst v63  }
0x11a: {  	s1 =	simm.s32 $0x15A00  }
0x11b: {  	[tilespmem:s1], [sflag:$0x2] =	stream.indirect_vreg.gather [hbm4b:s4+s2], $0x80, v4, vm1, $0xb8;
	[tilespmem:$0x18200] =	vst v63  }
0x11c: {  	s10 =	simm.s32 $0x15E00  }
0x11d: {  	[tilespmem:s10], [sflag:$0x2] =	stream.indirect_vreg.gather [hbm4b:s3+s2], $0x80, v3, vm0, $0xb8;
	[tilespmem:$0x18200] =	vst v63  }
0x11e: {  	s28 =	simm.s32 $0x16600  }
0x11f: {  	[tilespmem:s28], [sflag:$0x2] =	stream.indirect_vreg.gather [hbm4b:s4+s2], $0x80, v3, vm1, $0xb8;
	[tilespmem:$0x18200] =	vst v63  }
0x120: {  	v3 =	vld [tilespmem:$0x1B0];
	_ =	sdelay $0x4  }
0x121: {  	v47 =	vshrl.u32 v3, $0x3  }
0x122: {  	v4 =	vmul.u32 $0x18, v47  }
0x123: {  	v3 =	vand.u32 $0x7, v3  }
0x124: {  	v3 =	vor.u32 v3, v4  }
0x125: {  	v4 =	vperm.xlane v3, v0;
	_ =	sdelay $0x1  }
0x126: {  	v4 =	vadd.s32 v1, v4;
	_ =	sdelay $0x1  }
0x127: {  	v3 =	vperm.xlane v3, v2;
	_ =	sdelay $0x1  }
0x128: {  	s1 =	simm.s32 $0x16A00;
	v3 =	vadd.s32 v1, v3  }
0x129: {  	[tilespmem:s1], [sflag:$0x2] =	stream.indirect_vreg.gather [hbm4b:s3+s2], $0x80, v4, vm0, $0xb8;
	[tilespmem:$0x18200] =	vst v63  }
0x12a: {  	s10 =	simm.s32 $0x17200  }
0x12b: {  	[tilespmem:s10], [sflag:$0x2] =	stream.indirect_vreg.gather [hbm4b:s4+s2], $0x80, v4, vm1, $0xb8;
	[tilespmem:$0x18200] =	vst v63  }
0x12c: {  	s28 =	simm.s32 $0x17600  }
0x12d: {  	[tilespmem:s28], [sflag:$0x2] =	stream.indirect_vreg.gather [hbm4b:s3+s2], $0x80, v3, vm0, $0xb8;
	[tilespmem:$0x18200] =	vst v63  }
0x12e: {  	s1 =	simm.s32 $0x17E00  }
0x12f: {  	[tilespmem:s1], [sflag:$0x2] =	stream.indirect_vreg.gather [hbm4b:s4+s2], $0x80, v3, vm1, $0xb8;
	[tilespmem:$0x18200] =	vst v63  }
0x130: {  	_ =	swait.ge [sflag:s11], $0x6000  }
0x131: {  	[sflag:s11] =	ssyncset.done $0x0  }
0x132: {  	[sflag:s11] =	ssyncadd.s32 $0xFFFFA000  }
0x133: {  	_ =	swait.ge [sflag:s29], $0x6000  }
0x134: {  	[sflag:s29] =	ssyncset.done $0x0  }
0x135: {  	s28 =	simm.s32 $0x200;
	s10 =	rddreg [dreg:$0x7];
	[sflag:s29] =	ssyncadd.s32 $0xFFFFA000  }
0x136: {  	[hbm4b:s10+s2] =	stream.linear.scatter [tilespmem:s28], [sflag:$0x3], $0x6000, $0x38;
	[tilespmem:$0x18200] =	vst v63  }
0x137: {  	s1 =	rddreg [dreg:$0x8];
	s10 =	simm.s32 $0x6200  }
0x138: {  	[hbm4b:s1+s2] =	stream.linear.scatter [tilespmem:s10], [sflag:$0x3], $0x6000, $0x38;
	[tilespmem:$0x18200] =	vst v63  }
0x139: {  	_ =	swait.ge [sflag:s30], $0x6000  }
0x13a: {  	[sflag:s30] =	ssyncset.done $0x0  }
0x13b: {  	[sflag:s30] =	ssyncadd.s32 $0xFFFFA000  }
0x13c: {  	_ =	swait.ge [sflag:s30], $0x6000  }
0x13d: {  	[sflag:s30] =	ssyncset.done $0x0  }
0x13e: {  	s1 =	rddreg [dreg:$0x9];
	[sflag:s30] =	ssyncadd.s32 $0xFFFFA000  }
0x13f: {  	[tilespmem:s2], [sflag:$0x5] =	stream.linear.gather [hbm4b:s1+s2], $0x40, $0x38;
	[tilespmem:$0x18200] =	vst v63  }
0x140: {  	_ =	swait.ge [sflag:s6], $0x40  }
0x141: {  	[sflag:s6] =	ssyncset.done $0x0  }
0x142: {  	s1 =	simm.s32 $0x100;
	s0 =	rddreg [dreg:$0xa];
	[sflag:s6] =	ssyncadd.s32 $0xFFFFFFC0  }
0x143: {  	[tilespmem:s1], [sflag:$0x5] =	stream.linear.gather [hbm4b:s0+s2], $0x40, $0x38;
	[tilespmem:$0x18200] =	vst v63  }
0x144: {  	_ =	swait.ge [sflag:s6], $0x40  }
0x145: {  	[sflag:s6] =	ssyncset.done $0x0  }
0x146: {  	[sflag:s6] =	ssyncadd.s32 $0xFFFFFFC0  }
0x147: {  	v3 =	vld [tilespmem:$0x0];
	_ =	sdelay $0x4  }
0x148: {  	v48 =	vshrl.u32 v3, $0x3  }
0x149: {  	v4 =	vmul.u32 $0x18, v48  }
0x14a: {  	v3 =	vand.u32 $0x7, v3  }
0x14b: {  	v3 =	vor.u32 v3, v4  }
0x14c: {  	v4 =	vperm.xlane v3, v0;
	_ =	sdelay $0x1  }
0x14d: {  	v4 =	vadd.s32 v1, v4;
	_ =	sdelay $0x1  }
0x14e: {  	v3 =	vperm.xlane v3, v2;
	_ =	sdelay $0x1  }
0x14f: {  	v3 =	vadd.s32 v1, v3  }
0x150: {  	[tilespmem:s28], [sflag:$0x1] =	stream.indirect_vreg.gather [hbm4b:s3+s2], $0x80, v4, vm0, $0xb8;
	[tilespmem:$0x18200] =	vst v63  }
0x151: {  	s1 =	simm.s32 $0xA00  }
0x152: {  	[tilespmem:s1], [sflag:$0x1] =	stream.indirect_vreg.gather [hbm4b:s4+s2], $0x80, v4, vm1, $0xb8;
	[tilespmem:$0x18200] =	vst v63  }
0x153: {  	s1 =	simm.s32 $0xE00  }
0x154: {  	[tilespmem:s1], [sflag:$0x1] =	stream.indirect_vreg.gather [hbm4b:s3+s2], $0x80, v3, vm0, $0xb8;
	[tilespmem:$0x18200] =	vst v63  }
0x155: {  	_ = 	snop  }
0x156: {  	[tilespmem:s12], [sflag:$0x1] =	stream.indirect_vreg.gather [hbm4b:s4+s2], $0x80, v3, vm1, $0xb8;
	[tilespmem:$0x18200] =	vst v63  }
0x157: {  	v3 =	vld [tilespmem:$0x10];
	_ =	sdelay $0x4  }
0x158: {  	v49 =	vshrl.u32 v3, $0x3  }
0x159: {  	v4 =	vmul.u32 $0x18, v49  }
0x15a: {  	v3 =	vand.u32 $0x7, v3  }
0x15b: {  	v3 =	vor.u32 v3, v4  }
0x15c: {  	v4 =	vperm.xlane v3, v0;
	_ =	sdelay $0x1  }
0x15d: {  	v4 =	vadd.s32 v1, v4;
	_ =	sdelay $0x1  }
0x15e: {  	v3 =	vperm.xlane v3, v2;
	_ =	sdelay $0x1  }
0x15f: {  	v3 =	vadd.s32 v1, v3  }
0x160: {  	[tilespmem:s13], [sflag:$0x1] =	stream.indirect_vreg.gather [hbm4b:s3+s2], $0x80, v4, vm0, $0xb8;
	[tilespmem:$0x18200] =	vst v63  }
0x161: {  	_ = 	snop  }
0x162: {  	[tilespmem:s14], [sflag:$0x1] =	stream.indirect_vreg.gather [hbm4b:s4+s2], $0x80, v4, vm1, $0xb8;
	[tilespmem:$0x18200] =	vst v63  }
0x163: {  	_ = 	snop  }
0x164: {  	[tilespmem:s15], [sflag:$0x1] =	stream.indirect_vreg.gather [hbm4b:s3+s2], $0x80, v3, vm0, $0xb8;
	[tilespmem:$0x18200] =	vst v63  }
0x165: {  	_ = 	snop  }
0x166: {  	[tilespmem:s16], [sflag:$0x1] =	stream.indirect_vreg.gather [hbm4b:s4+s2], $0x80, v3, vm1, $0xb8;
	[tilespmem:$0x18200] =	vst v63  }
0x167: {  	v3 =	vld [tilespmem:$0x20];
	_ =	sdelay $0x4  }
0x168: {  	v50 =	vshrl.u32 v3, $0x3  }
0x169: {  	v4 =	vmul.u32 $0x18, v50  }
0x16a: {  	v3 =	vand.u32 $0x7, v3  }
0x16b: {  	v3 =	vor.u32 v3, v4  }
0x16c: {  	v4 =	vperm.xlane v3, v0;
	_ =	sdelay $0x1  }
0x16d: {  	v4 =	vadd.s32 v1, v4;
	_ =	sdelay $0x1  }
0x16e: {  	v3 =	vperm.xlane v3, v2;
	_ =	sdelay $0x1  }
0x16f: {  	v3 =	vadd.s32 v1, v3  }
0x170: {  	[tilespmem:s18], [sflag:$0x1] =	stream.indirect_vreg.gather [hbm4b:s3+s2], $0x80, v4, vm0, $0xb8;
	[tilespmem:$0x18200] =	vst v63  }
0x171: {  	_ = 	snop  }
0x172: {  	[tilespmem:s19], [sflag:$0x1] =	stream.indirect_vreg.gather [hbm4b:s4+s2], $0x80, v4, vm1, $0xb8;
	[tilespmem:$0x18200] =	vst v63  }
0x173: {  	_ = 	snop  }
0x174: {  	[tilespmem:s20], [sflag:$0x1] =	stream.indirect_vreg.gather [hbm4b:s3+s2], $0x80, v3, vm0, $0xb8;
	[tilespmem:$0x18200] =	vst v63  }
0x175: {  	_ = 	snop  }
0x176: {  	[tilespmem:s21], [sflag:$0x1] =	stream.indirect_vreg.gather [hbm4b:s4+s2], $0x80, v3, vm1, $0xb8;
	[tilespmem:$0x18200] =	vst v63  }
0x177: {  	v3 =	vld [tilespmem:$0x30];
	_ =	sdelay $0x4  }
0x178: {  	v51 =	vshrl.u32 v3, $0x3  }
0x179: {  	v4 =	vmul.u32 $0x18, v51  }
0x17a: {  	v3 =	vand.u32 $0x7, v3  }
0x17b: {  	v3 =	vor.u32 v3, v4  }
0x17c: {  	v4 =	vperm.xlane v3, v0;
	_ =	sdelay $0x1  }
0x17d: {  	v4 =	vadd.s32 v1, v4;
	_ =	sdelay $0x1  }
0x17e: {  	v3 =	vperm.xlane v3, v2;
	_ =	sdelay $0x1  }
0x17f: {  	v3 =	vadd.s32 v1, v3  }
0x180: {  	[tilespmem:s22], [sflag:$0x1] =	stream.indirect_vreg.gather [hbm4b:s3+s2], $0x80, v4, vm0, $0xb8;
	[tilespmem:$0x18200] =	vst v63  }
0x181: {  	_ = 	snop  }
0x182: {  	[tilespmem:s23], [sflag:$0x1] =	stream.indirect_vreg.gather [hbm4b:s4+s2], $0x80, v4, vm1, $0xb8;
	[tilespmem:$0x18200] =	vst v63  }
0x183: {  	_ = 	snop  }
0x184: {  	[tilespmem:s25], [sflag:$0x1] =	stream.indirect_vreg.gather [hbm4b:s3+s2], $0x80, v3, vm0, $0xb8;
	[tilespmem:$0x18200] =	vst v63  }
0x185: {  	_ = 	snop  }
0x186: {  	[tilespmem:s26], [sflag:$0x1] =	stream.indirect_vreg.gather [hbm4b:s4+s2], $0x80, v3, vm1, $0xb8;
	[tilespmem:$0x18200] =	vst v63  }
0x187: {  	v3 =	vld [tilespmem:$0x100];
	_ =	sdelay $0x4  }
0x188: {  	v52 =	vshrl.u32 v3, $0x3  }
0x189: {  	v4 =	vmul.u32 $0x18, v52  }
0x18a: {  	v3 =	vand.u32 $0x7, v3  }
0x18b: {  	v3 =	vor.u32 v3, v4  }
0x18c: {  	v4 =	vperm.xlane v3, v0;
	_ =	sdelay $0x1  }
0x18d: {  	v4 =	vadd.s32 v1, v4;
	_ =	sdelay $0x1  }
0x18e: {  	v3 =	vperm.xlane v3, v2;
	_ =	sdelay $0x1  }
0x18f: {  	v3 =	vadd.s32 v1, v3  }
0x190: {  	[tilespmem:s10], [sflag:$0x2] =	stream.indirect_vreg.gather [hbm4b:s3+s2], $0x80, v4, vm0, $0xb8;
	[tilespmem:$0x18200] =	vst v63  }
0x191: {  	s1 =	simm.s32 $0x6A00  }
0x192: {  	[tilespmem:s1], [sflag:$0x2] =	stream.indirect_vreg.gather [hbm4b:s4+s2], $0x80, v4, vm1, $0xb8;
	[tilespmem:$0x18200] =	vst v63  }
0x193: {  	s1 =	simm.s32 $0x6E00  }
0x194: {  	[tilespmem:s1], [sflag:$0x2] =	stream.indirect_vreg.gather [hbm4b:s3+s2], $0x80, v3, vm0, $0xb8;
	[tilespmem:$0x18200] =	vst v63  }
0x195: {  	_ = 	snop  }
0x196: {  	[tilespmem:s17], [sflag:$0x2] =	stream.indirect_vreg.gather [hbm4b:s4+s2], $0x80, v3, vm1, $0xb8;
	[tilespmem:$0x18200] =	vst v63  }
0x197: {  	v3 =	vld [tilespmem:$0x110];
	_ =	sdelay $0x4  }
0x198: {  	v53 =	vshrl.u32 v3, $0x3  }
0x199: {  	v4 =	vmul.u32 $0x18, v53  }
0x19a: {  	v3 =	vand.u32 $0x7, v3  }
0x19b: {  	v3 =	vor.u32 v3, v4  }
0x19c: {  	v4 =	vperm.xlane v3, v0;
	_ =	sdelay $0x1  }
0x19d: {  	v4 =	vadd.s32 v1, v4;
	_ =	sdelay $0x1  }
0x19e: {  	v3 =	vperm.xlane v3, v2;
	_ =	sdelay $0x1  }
0x19f: {  	v3 =	vadd.s32 v1, v3  }
0x1a0: {  	[tilespmem:s24], [sflag:$0x2] =	stream.indirect_vreg.gather [hbm4b:s3+s2], $0x80, v4, vm0, $0xb8;
	[tilespmem:$0x18200] =	vst v63  }
0x1a1: {  	s1 =	simm.s32 $0x8200  }
0x1a2: {  	[tilespmem:s1], [sflag:$0x2] =	stream.indirect_vreg.gather [hbm4b:s4+s2], $0x80, v4, vm1, $0xb8;
	[tilespmem:$0x18200] =	vst v63  }
0x1a3: {  	s1 =	simm.s32 $0x8600  }
0x1a4: {  	[tilespmem:s1], [sflag:$0x2] =	stream.indirect_vreg.gather [hbm4b:s3+s2], $0x80, v3, vm0, $0xb8;
	[tilespmem:$0x18200] =	vst v63  }
0x1a5: {  	s1 =	simm.s32 $0x8E00  }
0x1a6: {  	[tilespmem:s1], [sflag:$0x2] =	stream.indirect_vreg.gather [hbm4b:s4+s2], $0x80, v3, vm1, $0xb8;
	[tilespmem:$0x18200] =	vst v63  }
0x1a7: {  	v3 =	vld [tilespmem:$0x120];
	_ =	sdelay $0x4  }
0x1a8: {  	v54 =	vshrl.u32 v3, $0x3  }
0x1a9: {  	v4 =	vmul.u32 $0x18, v54  }
0x1aa: {  	v3 =	vand.u32 $0x7, v3  }
0x1ab: {  	v3 =	vor.u32 v3, v4  }
0x1ac: {  	v4 =	vperm.xlane v3, v0;
	_ =	sdelay $0x1  }
0x1ad: {  	v4 =	vadd.s32 v1, v4;
	_ =	sdelay $0x1  }
0x1ae: {  	v3 =	vperm.xlane v3, v2;
	_ =	sdelay $0x1  }
0x1af: {  	s1 =	simm.s32 $0x9200;
	v3 =	vadd.s32 v1, v3  }
0x1b0: {  	[tilespmem:s1], [sflag:$0x2] =	stream.indirect_vreg.gather [hbm4b:s3+s2], $0x80, v4, vm0, $0xb8;
	[tilespmem:$0x18200] =	vst v63  }
0x1b1: {  	s1 =	simm.s32 $0x9A00  }
0x1b2: {  	[tilespmem:s1], [sflag:$0x2] =	stream.indirect_vreg.gather [hbm4b:s4+s2], $0x80, v4, vm1, $0xb8;
	[tilespmem:$0x18200] =	vst v63  }
0x1b3: {  	s1 =	simm.s32 $0x9E00  }
0x1b4: {  	[tilespmem:s1], [sflag:$0x2] =	stream.indirect_vreg.gather [hbm4b:s3+s2], $0x80, v3, vm0, $0xb8;
	[tilespmem:$0x18200] =	vst v63  }
0x1b5: {  	s1 =	simm.s32 $0xA600  }
0x1b6: {  	[tilespmem:s1], [sflag:$0x2] =	stream.indirect_vreg.gather [hbm4b:s4+s2], $0x80, v3, vm1, $0xb8;
	[tilespmem:$0x18200] =	vst v63  }
0x1b7: {  	v3 =	vld [tilespmem:$0x130];
	_ =	sdelay $0x4  }
0x1b8: {  	v55 =	vshrl.u32 v3, $0x3  }
0x1b9: {  	v4 =	vmul.u32 $0x18, v55  }
0x1ba: {  	v3 =	vand.u32 $0x7, v3  }
0x1bb: {  	v3 =	vor.u32 v3, v4  }
0x1bc: {  	v4 =	vperm.xlane v3, v0;
	_ =	sdelay $0x1  }
0x1bd: {  	v4 =	vadd.s32 v1, v4;
	_ =	sdelay $0x1  }
0x1be: {  	v3 =	vperm.xlane v3, v2;
	_ =	sdelay $0x1  }
0x1bf: {  	s1 =	simm.s32 $0xAA00;
	v3 =	vadd.s32 v1, v3  }
0x1c0: {  	[tilespmem:s1], [sflag:$0x2] =	stream.indirect_vreg.gather [hbm4b:s3+s2], $0x80, v4, vm0, $0xb8;
	[tilespmem:$0x18200] =	vst v63  }
0x1c1: {  	s1 =	simm.s32 $0xB200  }
0x1c2: {  	[tilespmem:s1], [sflag:$0x2] =	stream.indirect_vreg.gather [hbm4b:s4+s2], $0x80, v4, vm1, $0xb8;
	[tilespmem:$0x18200] =	vst v63  }
0x1c3: {  	s1 =	simm.s32 $0xB600  }
0x1c4: {  	[tilespmem:s1], [sflag:$0x2] =	stream.indirect_vreg.gather [hbm4b:s3+s2], $0x80, v3, vm0, $0xb8;
	[tilespmem:$0x18200] =	vst v63  }
0x1c5: {  	_ = 	snop  }
0x1c6: {  	[tilespmem:s9], [sflag:$0x2] =	stream.indirect_vreg.gather [hbm4b:s4+s2], $0x80, v3, vm1, $0xb8;
	[tilespmem:$0x18200] =	vst v63  }
0x1c7: {  	_ =	swait.ge [sflag:s11], $0x6000  }
0x1c8: {  	[sflag:s11] =	ssyncset.done $0x0  }
0x1c9: {  	[sflag:s11] =	ssyncadd.s32 $0xFFFFA000  }
0x1ca: {  	_ =	swait.ge [sflag:s29], $0x6000  }
0x1cb: {  	[sflag:s29] =	ssyncset.done $0x0  }
0x1cc: {  	s0 =	rddreg [dreg:$0xb];
	[sflag:s29] =	ssyncadd.s32 $0xFFFFA000  }
0x1cd: {  	[hbm4b:s0+s2] =	stream.linear.scatter [tilespmem:s8], [sflag:$0x4], $0x6000, $0x38;
	[tilespmem:$0x18200] =	vst v63  }
0x1ce: {  	s1 =	rddreg [dreg:$0xc]  }
0x1cf: {  	[hbm4b:s1+s2] =	stream.linear.scatter [tilespmem:s7], [sflag:$0x4], $0x6000, $0x38;
	[tilespmem:$0x18200] =	vst v63  }
0x1d0: {  	_ =	swait.ge [sflag:s31], $0x6000  }
0x1d1: {  	[sflag:s31] =	ssyncset.done $0x0  }
0x1d2: {  	[sflag:s31] =	ssyncadd.s32 $0xFFFFA000  }
0x1d3: {  	_ =	swait.ge [sflag:s31], $0x6000  }
0x1d4: {  	[sflag:s31] =	ssyncset.done $0x0  }
0x1d5: {  	s1 =	simm.s32 $0x80;
	s0 =	rddreg [dreg:$0xd];
	[sflag:s31] =	ssyncadd.s32 $0xFFFFA000  }
0x1d6: {  	[tilespmem:s1], [sflag:$0x5] =	stream.linear.gather [hbm4b:s0+s2], $0x40, $0x38;
	[tilespmem:$0x18200] =	vst v63  }
0x1d7: {  	_ =	swait.ge [sflag:s6], $0x40  }
0x1d8: {  	[sflag:s6] =	ssyncset.done $0x0  }
0x1d9: {  	s1 =	simm.s32 $0x180;
	s0 =	rddreg [dreg:$0xe];
	[sflag:s6] =	ssyncadd.s32 $0xFFFFFFC0  }
0x1da: {  	[tilespmem:s1], [sflag:$0x5] =	stream.linear.gather [hbm4b:s0+s2], $0x40, $0x38;
	[tilespmem:$0x18200] =	vst v63  }
0x1db: {  	_ =	swait.ge [sflag:s6], $0x40  }
0x1dc: {  	[sflag:s6] =	ssyncset.done $0x0  }
0x1dd: {  	[sflag:s6] =	ssyncadd.s32 $0xFFFFFFC0  }
0x1de: {  	v3 =	vld [tilespmem:$0x80];
	_ =	sdelay $0x4  }
0x1df: {  	v56 =	vshrl.u32 v3, $0x3  }
0x1e0: {  	v4 =	vmul.u32 $0x18, v56  }
0x1e1: {  	v3 =	vand.u32 $0x7, v3  }
0x1e2: {  	v3 =	vor.u32 v3, v4  }
0x1e3: {  	v4 =	vperm.xlane v3, v0;
	_ =	sdelay $0x1  }
0x1e4: {  	v4 =	vadd.s32 v1, v4;
	_ =	sdelay $0x1  }
0x1e5: {  	v3 =	vperm.xlane v3, v2;
	_ =	sdelay $0x1  }
0x1e6: {  	v3 =	vadd.s32 v1, v3  }
0x1e7: {  	[tilespmem:s8], [sflag:$0x1] =	stream.indirect_vreg.gather [hbm4b:s3+s2], $0x80, v4, vm0, $0xb8;
	[tilespmem:$0x18200] =	vst v63  }
0x1e8: {  	s1 =	simm.s32 $0xCA00  }
0x1e9: {  	[tilespmem:s1], [sflag:$0x1] =	stream.indirect_vreg.gather [hbm4b:s4+s2], $0x80, v4, vm1, $0xb8;
	[tilespmem:$0x18200] =	vst v63  }
0x1ea: {  	s1 =	simm.s32 $0xCE00  }
0x1eb: {  	[tilespmem:s1], [sflag:$0x1] =	stream.indirect_vreg.gather [hbm4b:s3+s2], $0x80, v3, vm0, $0xb8;
	[tilespmem:$0x18200] =	vst v63  }
0x1ec: {  	s1 =	simm.s32 $0xD600  }
0x1ed: {  	[tilespmem:s1], [sflag:$0x1] =	stream.indirect_vreg.gather [hbm4b:s4+s2], $0x80, v3, vm1, $0xb8;
	[tilespmem:$0x18200] =	vst v63  }
0x1ee: {  	v3 =	vld [tilespmem:$0x90];
	_ =	sdelay $0x4  }
0x1ef: {  	v57 =	vshrl.u32 v3, $0x3  }
0x1f0: {  	v4 =	vmul.u32 $0x18, v57  }
0x1f1: {  	v3 =	vand.u32 $0x7, v3  }
0x1f2: {  	v3 =	vor.u32 v3, v4  }
0x1f3: {  	v4 =	vperm.xlane v3, v0;
	_ =	sdelay $0x1  }
0x1f4: {  	v4 =	vadd.s32 v1, v4;
	_ =	sdelay $0x1  }
0x1f5: {  	v3 =	vperm.xlane v3, v2;
	_ =	sdelay $0x1  }
0x1f6: {  	s1 =	simm.s32 $0xDA00;
	v3 =	vadd.s32 v1, v3  }
0x1f7: {  	[tilespmem:s1], [sflag:$0x1] =	stream.indirect_vreg.gather [hbm4b:s3+s2], $0x80, v4, vm0, $0xb8;
	[tilespmem:$0x18200] =	vst v63  }
0x1f8: {  	s1 =	simm.s32 $0xE200  }
0x1f9: {  	[tilespmem:s1], [sflag:$0x1] =	stream.indirect_vreg.gather [hbm4b:s4+s2], $0x80, v4, vm1, $0xb8;
	[tilespmem:$0x18200] =	vst v63  }
0x1fa: {  	s1 =	simm.s32 $0xE600  }
0x1fb: {  	[tilespmem:s1], [sflag:$0x1] =	stream.indirect_vreg.gather [hbm4b:s3+s2], $0x80, v3, vm0, $0xb8;
	[tilespmem:$0x18200] =	vst v63  }
0x1fc: {  	s1 =	simm.s32 $0xEE00  }
0x1fd: {  	[tilespmem:s1], [sflag:$0x1] =	stream.indirect_vreg.gather [hbm4b:s4+s2], $0x80, v3, vm1, $0xb8;
	[tilespmem:$0x18200] =	vst v63  }
0x1fe: {  	v3 =	vld [tilespmem:$0xA0];
	_ =	sdelay $0x4  }
0x1ff: {  	v58 =	vshrl.u32 v3, $0x3  }
0x200: {  	v4 =	vmul.u32 $0x18, v58  }
0x201: {  	v3 =	vand.u32 $0x7, v3  }
0x202: {  	v3 =	vor.u32 v3, v4  }
0x203: {  	v4 =	vperm.xlane v3, v0;
	_ =	sdelay $0x1  }
0x204: {  	v4 =	vadd.s32 v1, v4;
	_ =	sdelay $0x1  }
0x205: {  	v3 =	vperm.xlane v3, v2;
	_ =	sdelay $0x1  }
0x206: {  	s1 =	simm.s32 $0xF200;
	v3 =	vadd.s32 v1, v3  }
0x207: {  	[tilespmem:s1], [sflag:$0x1] =	stream.indirect_vreg.gather [hbm4b:s3+s2], $0x80, v4, vm0, $0xb8;
	[tilespmem:$0x18200] =	vst v63  }
0x208: {  	s1 =	simm.s32 $0xFA00  }
0x209: {  	[tilespmem:s1], [sflag:$0x1] =	stream.indirect_vreg.gather [hbm4b:s4+s2], $0x80, v4, vm1, $0xb8;
	[tilespmem:$0x18200] =	vst v63  }
0x20a: {  	s1 =	simm.s32 $0xFE00  }
0x20b: {  	[tilespmem:s1], [sflag:$0x1] =	stream.indirect_vreg.gather [hbm4b:s3+s2], $0x80, v3, vm0, $0xb8;
	[tilespmem:$0x18200] =	vst v63  }
0x20c: {  	s1 =	simm.s32 $0x10600  }
0x20d: {  	[tilespmem:s1], [sflag:$0x1] =	stream.indirect_vreg.gather [hbm4b:s4+s2], $0x80, v3, vm1, $0xb8;
	[tilespmem:$0x18200] =	vst v63  }
0x20e: {  	v3 =	vld [tilespmem:$0xB0];
	_ =	sdelay $0x4  }
0x20f: {  	v59 =	vshrl.u32 v3, $0x3  }
0x210: {  	v4 =	vmul.u32 $0x18, v59  }
0x211: {  	v3 =	vand.u32 $0x7, v3  }
0x212: {  	v3 =	vor.u32 v3, v4  }
0x213: {  	v4 =	vperm.xlane v3, v0;
	_ =	sdelay $0x1  }
0x214: {  	v4 =	vadd.s32 v1, v4;
	_ =	sdelay $0x1  }
0x215: {  	v3 =	vperm.xlane v3, v2;
	_ =	sdelay $0x1  }
0x216: {  	s1 =	simm.s32 $0x10A00;
	v3 =	vadd.s32 v1, v3  }
0x217: {  	[tilespmem:s1], [sflag:$0x1] =	stream.indirect_vreg.gather [hbm4b:s3+s2], $0x80, v4, vm0, $0xb8;
	[tilespmem:$0x18200] =	vst v63  }
0x218: {  	s1 =	simm.s32 $0x11200  }
0x219: {  	[tilespmem:s1], [sflag:$0x1] =	stream.indirect_vreg.gather [hbm4b:s4+s2], $0x80, v4, vm1, $0xb8;
	[tilespmem:$0x18200] =	vst v63  }
0x21a: {  	s1 =	simm.s32 $0x11600  }
0x21b: {  	[tilespmem:s1], [sflag:$0x1] =	stream.indirect_vreg.gather [hbm4b:s3+s2], $0x80, v3, vm0, $0xb8;
	[tilespmem:$0x18200] =	vst v63  }
0x21c: {  	s1 =	simm.s32 $0x11E00  }
0x21d: {  	[tilespmem:s1], [sflag:$0x1] =	stream.indirect_vreg.gather [hbm4b:s4+s2], $0x80, v3, vm1, $0xb8;
	[tilespmem:$0x18200] =	vst v63  }
0x21e: {  	v3 =	vld [tilespmem:$0x180];
	_ =	sdelay $0x4  }
0x21f: {  	v60 =	vshrl.u32 v3, $0x3  }
0x220: {  	v4 =	vmul.u32 $0x18, v60  }
0x221: {  	v3 =	vand.u32 $0x7, v3  }
0x222: {  	v3 =	vor.u32 v3, v4  }
0x223: {  	v4 =	vperm.xlane v3, v0;
	_ =	sdelay $0x1  }
0x224: {  	v4 =	vadd.s32 v1, v4;
	_ =	sdelay $0x1  }
0x225: {  	v3 =	vperm.xlane v3, v2;
	_ =	sdelay $0x1  }
0x226: {  	v3 =	vadd.s32 v1, v3  }
0x227: {  	[tilespmem:s7], [sflag:$0x2] =	stream.indirect_vreg.gather [hbm4b:s3+s2], $0x80, v4, vm0, $0xb8;
	[tilespmem:$0x18200] =	vst v63  }
0x228: {  	s1 =	simm.s32 $0x12A00  }
0x229: {  	[tilespmem:s1], [sflag:$0x2] =	stream.indirect_vreg.gather [hbm4b:s4+s2], $0x80, v4, vm1, $0xb8;
	[tilespmem:$0x18200] =	vst v63  }
0x22a: {  	s1 =	simm.s32 $0x12E00  }
0x22b: {  	[tilespmem:s1], [sflag:$0x2] =	stream.indirect_vreg.gather [hbm4b:s3+s2], $0x80, v3, vm0, $0xb8;
	[tilespmem:$0x18200] =	vst v63  }
0x22c: {  	s1 =	simm.s32 $0x13600  }
0x22d: {  	[tilespmem:s1], [sflag:$0x2] =	stream.indirect_vreg.gather [hbm4b:s4+s2], $0x80, v3, vm1, $0xb8;
	[tilespmem:$0x18200] =	vst v63  }
0x22e: {  	v3 =	vld [tilespmem:$0x190];
	_ =	sdelay $0x4  }
0x22f: {  	v61 =	vshrl.u32 v3, $0x3  }
0x230: {  	v4 =	vmul.u32 $0x18, v61  }
0x231: {  	v3 =	vand.u32 $0x7, v3  }
0x232: {  	v3 =	vor.u32 v3, v4  }
0x233: {  	v4 =	vperm.xlane v3, v0;
	_ =	sdelay $0x1  }
0x234: {  	v4 =	vadd.s32 v1, v4;
	_ =	sdelay $0x1  }
0x235: {  	v3 =	vperm.xlane v3, v2;
	_ =	sdelay $0x1  }
0x236: {  	s1 =	simm.s32 $0x13A00;
	v3 =	vadd.s32 v1, v3  }
0x237: {  	[tilespmem:s1], [sflag:$0x2] =	stream.indirect_vreg.gather [hbm4b:s3+s2], $0x80, v4, vm0, $0xb8;
	[tilespmem:$0x18200] =	vst v63  }
0x238: {  	s1 =	simm.s32 $0x14200  }
0x239: {  	[tilespmem:s1], [sflag:$0x2] =	stream.indirect_vreg.gather [hbm4b:s4+s2], $0x80, v4, vm1, $0xb8;
	[tilespmem:$0x18200] =	vst v63  }
0x23a: {  	s1 =	simm.s32 $0x14600  }
0x23b: {  	[tilespmem:s1], [sflag:$0x2] =	stream.indirect_vreg.gather [hbm4b:s3+s2], $0x80, v3, vm0, $0xb8;
	[tilespmem:$0x18200] =	vst v63  }
0x23c: {  	s1 =	simm.s32 $0x14E00  }
0x23d: {  	[tilespmem:s1], [sflag:$0x2] =	stream.indirect_vreg.gather [hbm4b:s4+s2], $0x80, v3, vm1, $0xb8;
	[tilespmem:$0x18200] =	vst v63  }
0x23e: {  	v3 =	vld [tilespmem:$0x1A0];
	_ =	sdelay $0x4  }
0x23f: {  	v62 =	vshrl.u32 v3, $0x3  }
0x240: {  	v4 =	vmul.u32 $0x18, v62  }
0x241: {  	v3 =	vand.u32 $0x7, v3  }
0x242: {  	v3 =	vor.u32 v3, v4  }
0x243: {  	v4 =	vperm.xlane v3, v0;
	_ =	sdelay $0x1  }
0x244: {  	v4 =	vadd.s32 v1, v4;
	_ =	sdelay $0x1  }
0x245: {  	v3 =	vperm.xlane v3, v2;
	_ =	sdelay $0x1  }
0x246: {  	s1 =	simm.s32 $0x15200;
	v3 =	vadd.s32 v1, v3  }
0x247: {  	[tilespmem:s1], [sflag:$0x2] =	stream.indirect_vreg.gather [hbm4b:s3+s2], $0x80, v4, vm0, $0xb8;
	[tilespmem:$0x18200] =	vst v63  }
0x248: {  	s1 =	simm.s32 $0x15A00  }
0x249: {  	[tilespmem:s1], [sflag:$0x2] =	stream.indirect_vreg.gather [hbm4b:s4+s2], $0x80, v4, vm1, $0xb8;
	[tilespmem:$0x18200] =	vst v63  }
0x24a: {  	s1 =	simm.s32 $0x15E00  }
0x24b: {  	[tilespmem:s1], [sflag:$0x2] =	stream.indirect_vreg.gather [hbm4b:s3+s2], $0x80, v3, vm0, $0xb8;
	[tilespmem:$0x18200] =	vst v63  }
0x24c: {  	s1 =	simm.s32 $0x16600  }
0x24d: {  	[tilespmem:s1], [sflag:$0x2] =	stream.indirect_vreg.gather [hbm4b:s4+s2], $0x80, v3, vm1, $0xb8;
	[tilespmem:$0x18200] =	vst v63  }
0x24e: {  	v3 =	vld [tilespmem:$0x1B0];
	_ =	sdelay $0x4  }
0x24f: {  	v63 =	vshrl.u32 v3, $0x3  }
0x250: {  	v4 =	vmul.u32 $0x18, v63  }
0x251: {  	v3 =	vand.u32 $0x7, v3  }
0x252: {  	v3 =	vor.u32 v3, v4  }
0x253: {  	v4 =	vperm.xlane v3, v0;
	_ =	sdelay $0x1  }
0x254: {  	v4 =	vadd.s32 v1, v4;
	_ =	sdelay $0x1  }
0x255: {  	v3 =	vperm.xlane v3, v2;
	_ =	sdelay $0x1  }
0x256: {  	s1 =	simm.s32 $0x16A00;
	v3 =	vadd.s32 v1, v3  }
0x257: {  	[tilespmem:s1], [sflag:$0x2] =	stream.indirect_vreg.gather [hbm4b:s3+s2], $0x80, v4, vm0, $0xb8;
	[tilespmem:$0x18200] =	vst v63  }
0x258: {  	s1 =	simm.s32 $0x17200  }
0x259: {  	[tilespmem:s1], [sflag:$0x2] =	stream.indirect_vreg.gather [hbm4b:s4+s2], $0x80, v4, vm1, $0xb8;
	[tilespmem:$0x18200] =	vst v63  }
0x25a: {  	s1 =	simm.s32 $0x17600  }
0x25b: {  	[tilespmem:s1], [sflag:$0x2] =	stream.indirect_vreg.gather [hbm4b:s3+s2], $0x80, v3, vm0, $0xb8;
	[tilespmem:$0x18200] =	vst v63  }
0x25c: {  	s1 =	simm.s32 $0x17E00  }
0x25d: {  	[tilespmem:s1], [sflag:$0x2] =	stream.indirect_vreg.gather [hbm4b:s4+s2], $0x80, v3, vm1, $0xb8;
	[tilespmem:$0x18200] =	vst v63  }
0x25e: {  	_ =	swait.ge [sflag:s11], $0x6000  }
0x25f: {  	[sflag:s11] =	ssyncset.done $0x0  }
0x260: {  	[sflag:s11] =	ssyncadd.s32 $0xFFFFA000  }
0x261: {  	_ =	swait.ge [sflag:s29], $0x6000  }
0x262: {  	[sflag:s29] =	ssyncset.done $0x0  }
0x263: {  	s28 =	simm.s32 $0x200;
	s0 =	rddreg [dreg:$0xf];
	[sflag:s29] =	ssyncadd.s32 $0xFFFFA000  }
0x264: {  	[hbm4b:s0+s2] =	stream.linear.scatter [tilespmem:s28], [sflag:$0x3], $0x6000, $0x38;
	[tilespmem:$0x18200] =	vst v63  }
0x265: {  	s10 =	simm.s32 $0x6200;
	s1 =	rddreg [dreg:$0x10]  }
0x266: {  	[hbm4b:s1+s2] =	stream.linear.scatter [tilespmem:s10], [sflag:$0x3], $0x6000, $0x38;
	[tilespmem:$0x18200] =	vst v63  }
0x267: {  	_ =	swait.ge [sflag:s11], $0x6000  }
0x268: {  	[sflag:s11] =	ssyncset.done $0x0  }
0x269: {  	[sflag:s11] =	ssyncadd.s32 $0xFFFFA000  }
0x26a: {  	_ =	swait.ge [sflag:s29], $0x6000  }
0x26b: {  	[sflag:s29] =	ssyncset.done $0x0  }
0x26c: {  	s10 =	rddreg [dreg:$0x11];
	[sflag:s29] =	ssyncadd.s32 $0xFFFFA000  }
0x26d: {  	[hbm4b:s10+s2] =	stream.linear.scatter [tilespmem:s8], [sflag:$0x4], $0x6000, $0x38;
	[tilespmem:$0x18200] =	vst v63  }
0x26e: {  	s28 =	rddreg [dreg:$0x12]  }
0x26f: {  	[hbm4b:s28+s2] =	stream.linear.scatter [tilespmem:s7], [sflag:$0x4], $0x6000, $0x38;
	[tilespmem:$0x18200] =	vst v63  }
0x270: {  	_ =	swait.ge [sflag:s30], $0x6000  }
0x271: {  	[sflag:s30] =	ssyncset.done $0x0  }
0x272: {  	[sflag:s30] =	ssyncadd.s32 $0xFFFFA000  }
0x273: {  	_ =	swait.ge [sflag:s30], $0x6000  }
0x274: {  	[sflag:s30] =	ssyncset.done $0x0  }
0x275: {  	[sflag:s30] =	ssyncadd.s32 $0xFFFFA000  }
0x276: {  	p0 =	sne.s32 s5, $0x1;
	_ =	swait.ge [sflag:s31], $0x6000  }
.Ltmp0:
0x277: {  	[sflag:s31] =	ssyncset.done $0x0;
	(pc) =	sbr.rel @p0 .LBB2_1-.Ltmp0, $4  }
0x278: {  	[sflag:s31] =	ssyncadd.s32 $0xFFFFA000  }
0x279: {  	_ =	swait.ge [sflag:s31], $0x6000  }
0x27a: {  	[sflag:s31] =	ssyncset.done $0x0  }
0x27b: {  	s5 =	sadd.s32 $0xFFFFFFFF, s5;
	[sflag:s31] =	ssyncadd.s32 $0xFFFFA000  }
0x27c: {  	_ =	sfence.sel $0x180000  }
0x27d: {  	[bflag:$0x0] =	sbarrier.arrive $0xFFFF  }
0x27e: {  	_ =	strace $0x9000004A  }
0x27f: {  	s0 =	stileid.u32;
	[bflag:$0x2] =	sbarrier.arrive $0xFFFF  }
0x280: {  	p0 =	sne.s32 s0, $0x0;
	s0 =	rddreg [dreg:$0x2]  }
0x281: {  	s0 =	sadd.s32 @!p0 $0x100000, s0  }
0x282: {  	[sflag:s0] =	ssyncadd.tile.s32 @!p0 $0x1;
	_ =	shalt  }
.Lfunc_end2:
_tile_overlayer_lowered:
.L_overlay_start_2:
0x283: {  	(tag) =	ssettag $0x2  }
0x284: {  	s0 =	rddreg [dreg:$0x0];
	s2 =	stileid.u32  }
0x285: {  	s1 =	rddreg [dreg:$0x1];
	p0 =	sne.s32 s2, $0x0  }
0x286: {  	s3 =	rddreg [dreg:$0x2];
	[bflag:$0x3] =	sbarrier.arrive $0xFFFF;
	s2 =	simm.s32 @!p0 $0x1C05  }
0x287: {  	[timem:s3], [sflag:s2] =	dma.local @!p0 [hbm:s0], s1  }
0x288: {  	s0 =	simm.s32 @!p0 $0x5  }
0x289: {  	_ =	swait.ge @!p0 [sflag:s0], s1  }
0x28a: {  	s1 =	ssub.s32 @!p0 $0x0, s1;
	[sflag:s0] =	ssyncset.done @!p0 $0x0  }
0x28b: {  	[sflag:s0] =	ssyncadd.s32 @!p0 s1  }
0x28c: {  	[bflag:$0x3] =	sbarrier.arrive $0xFFFF  }
0x28d: {  	_ =	shalt  }

// kernel: kernel.7.cloned.1.call-start
scs
__scs_entry_jumppad:
0x0: {  	(pc) =	sbr.rel $0x88, $3  }
0x1: {  	(tag) =	ssettag $0x0;
	lr =	simm.s32 $0x1  }
0x2: {  	[smem:$0x3F99] =	sst lr;
	_ =	strace $0xD0000000  }
0x3: {  	_ = 	snop  }
0x4: {  	_ = 	snop  }
0x5: {  	_ = 	snop  }
0x6: {  	_ = 	snop  }
0x7: {  	_ = 	snop  }
__scs_overlays_trampoline_lowered:
0x8: {  	[smem:$0x3FA8] =	sst s0  }
0x9: {  	[smem:$0x3FA9] =	sst s1  }
0xa: {  	[smem:$0x3FAA] =	sst s2  }
0xb: {  	[smem:$0x3FAB] =	sst s3  }
0xc: {  	[smem:$0x3FAC] =	sst s4  }
0xd: {  	[smem:$0x3FAD] =	sst s5  }
0xe: {  	[smem:$0x3FAE] =	sst s6  }
0xf: {  	[smem:$0x3FAF] =	sst s7  }
0x10: {  	[smem:$0x3FB0] =	sst s8  }
0x11: {  	[smem:$0x3FB1] =	sst s9;
	s0 =	simm.s32 @!p0 $0x0  }
0x12: {  	s1 =	sld [smem:$0x3F97];
	s0 =	simm.s32 @p0 $0x1  }
0x13: {  	[smem:$0x3FB2] =	sst s0;
	s0 =	simm.s32 @!p1 $0x0  }
0x14: {  	s2 =	sld [smem:$0x3F96];
	s0 =	simm.s32 @p1 $0x1  }
0x15: {  	[smem:$0x3FB3] =	sst s0;
	s0 =	simm.s32 @!p2 $0x0  }
0x16: {  	s3 =	sld [smem:$0x3FDB];
	s0 =	simm.s32 @p2 $0x1  }
0x17: {  	s4 =	simm.s32 $0x1BF5;
	[smem:$0x3FB5] =	sst s0  }
0x18: {  	s0 =	sld [smem:$0x3F98];
	_ =	swait.ge [sflag:s4], $0x0  }
0x19: {  	s7 =	sld [smem:$0x3F99]  }
0x1a: {  	s8 =	sadd.s32 $0xFFFFE003, lr  }
0x1b: {  	s9 =	sadd.s32 $0xFFFFFEF7, lr;
	s5 =	simm.s32 $0xFFFFFFFF;
	p2 =	slt.u32 s8, $0xFFFFF086  }
0x1c: {  	p1 =	slt.u32 s9, $0xF7A;
	s5 =	simm.s32 @!p2 $0x0  }
0x1d: {  	s5 =	simm.s32 @p1 $0x1;
	p0 =	seq.s32 s7, s2  }
0x1e: {  	s7 =	smul.u32 @!p0 $0xF7A, s2;
	p2 =	seq.s32 @!p0 s5, $0x0  }
0x1f: {  	s9 =	smul.u32 $0xF7A, s1;
	s8 =	simm.s32 @!p0 $0x1BF5;
	p2 =	por !p2, p0  }
0x20: {  	[sflag:s8] =	ssyncset.s32 @!p0 $0xFFFFF086;
	s6 =	sadd.s32 @!p0 s3, s7;
	s7 =	simm.s32 @!p0 $0x108  }
0x21: {  	s3 =	sadd.s32 s3, s9;
	s6 =	sadd.s32 @!p0 $0x88, s6;
	s7 =	simm.s32 @p2 $0x1082  }
0x22: {  	[simem:s7], [sflag:s8] =	dma.local @!p0 [hbm:s6], $0xF7A  }
0x23: {  	s9 =	sor.u32 $0xD0000000, s2;
	s6 =	simm.s32 $0x108;
	_ =	swait.ge @!p0 [sflag:s8], $0x0  }
0x24: {  	s3 =	sadd.s32 $0x88, s3;
	s6 =	simm.s32 @!p1 $0x1082;
	[sflag:s4] =	ssyncset.s32 $0xFFFFF086  }
0x25: {  	[simem:s6], [sflag:s4] =	dma.local [hbm:s3], $0xF7A  }
0x26: {  	[smem:$0x3F99] =	sst s1;
	(tag) =	ssettag s2;
	_ =	strace s9  }
0x27: {  	s1 =	sld [smem:$0x3FA9]  }
0x28: {  	s2 =	sld [smem:$0x3FAA]  }
0x29: {  	s4 =	sld [smem:$0x3FAC]  }
0x2a: {  	p0 =	seq.s32 s5, $0x0;
	s5 =	sld [smem:$0x3FAD]  }
0x2b: {  	s6 =	sld [smem:$0x3FAE]  }
0x2c: {  	s7 =	sld [smem:$0x3FAF]  }
0x2d: {  	s3 =	simm.s32 $0x108;
	s8 =	sld [smem:$0x3FB0]  }
0x2e: {  	s3 =	simm.s32 @!p0 $0x1082;
	s9 =	sld [smem:$0x3FB1]  }
0x2f: {  	lr =	sadd.s32 s0, s3;
	s0 =	sld [smem:$0x3FA8]  }
0x30: {  	s3 =	sld [smem:$0x3FAB]  }
0x31: {  	[smem:$0x3FB4] =	sst s10  }
0x32: {  	s10 =	sld [smem:$0x3FB2];
	_ =	sdelay $0x3  }
0x33: {  	p0 =	seq.s32 s10, $0x1;
	s10 =	sld [smem:$0x3FB4];
	_ =	sdelay $0x3  }
0x34: {  	[smem:$0x3FB4] =	sst s10  }
0x35: {  	s10 =	sld [smem:$0x3FB3];
	_ =	sdelay $0x3  }
0x36: {  	p1 =	seq.s32 s10, $0x1;
	s10 =	sld [smem:$0x3FB4];
	_ =	sdelay $0x3  }
0x37: {  	[smem:$0x3FB4] =	sst s10  }
0x38: {  	s10 =	sld [smem:$0x3FB5]  }
0x39: {  	_ = 	snop;
	(pc) =	sbr.ind lr, $3  }
0x3a: {  	_ = 	snop  }
0x3b: {  	_ = 	snop  }
0x3c: {  	p2 =	seq.s32 s10, $0x1;
	s10 =	sld [smem:$0x3FB4]  }
0x3d: {  	_ =	shalt  }
0x3e: {  	_ =	shalt  }
0x3f: {  	_ =	shalt  }
0x40: {  	_ =	shalt  }
0x41: {  	_ =	shalt  }
0x42: {  	_ =	shalt  }
0x43: {  	_ =	shalt  }
0x44: {  	_ =	shalt  }
0x45: {  	_ =	shalt  }
0x46: {  	_ =	shalt  }
0x47: {  	_ =	shalt  }
0x48: {  	_ =	shalt  }
0x49: {  	_ =	shalt  }
0x4a: {  	_ =	shalt  }
0x4b: {  	_ =	shalt  }
0x4c: {  	_ =	shalt  }
0x4d: {  	_ =	shalt  }
0x4e: {  	_ =	shalt  }
0x4f: {  	_ =	shalt  }
0x50: {  	_ =	shalt  }
0x51: {  	_ =	shalt  }
0x52: {  	_ =	shalt  }
0x53: {  	_ =	shalt  }
0x54: {  	_ =	shalt  }
0x55: {  	_ =	shalt  }
0x56: {  	_ =	shalt  }
0x57: {  	_ =	shalt  }
0x58: {  	_ =	shalt  }
0x59: {  	_ =	shalt  }
0x5a: {  	_ =	shalt  }
0x5b: {  	_ =	shalt  }
0x5c: {  	_ =	shalt  }
0x5d: {  	_ =	shalt  }
0x5e: {  	_ =	shalt  }
0x5f: {  	_ =	shalt  }
0x60: {  	_ =	shalt  }
0x61: {  	_ =	shalt  }
0x62: {  	_ =	shalt  }
0x63: {  	_ =	shalt  }
0x64: {  	_ =	shalt  }
0x65: {  	_ =	shalt  }
0x66: {  	_ =	shalt  }
0x67: {  	_ =	shalt  }
0x68: {  	_ =	shalt  }
0x69: {  	_ =	shalt  }
0x6a: {  	_ =	shalt  }
0x6b: {  	_ =	shalt  }
0x6c: {  	_ =	shalt  }
0x6d: {  	_ =	shalt  }
0x6e: {  	_ =	shalt  }
0x6f: {  	_ =	shalt  }
0x70: {  	_ =	shalt  }
0x71: {  	_ =	shalt  }
0x72: {  	_ =	shalt  }
0x73: {  	_ =	shalt  }
0x74: {  	_ =	shalt  }
0x75: {  	_ =	shalt  }
0x76: {  	_ =	shalt  }
0x77: {  	_ =	shalt  }
0x78: {  	_ =	shalt  }
0x79: {  	_ =	shalt  }
0x7a: {  	_ =	shalt  }
0x7b: {  	_ =	shalt  }
0x7c: {  	_ =	shalt  }
0x7d: {  	_ =	shalt  }
0x7e: {  	_ =	shalt  }
0x7f: {  	_ =	shalt  }
0x80: {  	_ =	shalt  }
0x81: {  	_ =	shalt  }
0x82: {  	_ =	shalt  }
0x83: {  	_ =	shalt  }
0x84: {  	_ =	shalt  }
0x85: {  	_ =	shalt  }
0x86: {  	_ =	shalt  }
0x87: {  	_ =	shalt  }
.Lfunc_end0:
.L_simem_size_0:
called_computation_lowered:
.L_overlay_start_0:
0x88: {  	s2 =	sld [smem:$0x3FD9]  }
0x89: {  	s3 =	sld [smem:$0x3FFE];
	_ =	sdelay $0x1  }
0x8a: {  	s1 =	srdreg.scid  }
0x8b: {  	s0 =	sand.u32 $0x1, s1  }
0x8c: {  	s14 =	sshll.u32 s0, $0xA;
	s2 =	sadd.s32 s3, s2  }
0x8d: {  	s2 =	sadd.s32 s2, s14  }
0x8e: {  	[smem:$0x3FC0] =	sst s2  }
0x8f: {  	_ = 	snop  }
0x90: {  	s2 =	sld [smem:$0x3FD0];
	_ =	sdelay $0x2  }
0x91: {  	s15 =	simm.s32 $0xA;
	s4 =	simm.s32 $0x10  }
0x92: {  	[smem:s4], [sflag:s15] =	dma.local [hbm:s2], $0x1  }
0x93: {  	_ =	swait.eq [sflag:s15], $0x1  }
0x94: {  	[sflag:s15] =	ssyncset.done $0x0  }
0x95: {  	[sflag:s15] =	ssyncadd.s32 $0xFFFFFFFF  }
0x96: {  	s16 =	sld [smem:$0x10];
	(tm) =	ssettm $0x1  }
0x97: {  	s17 =	sld [smem:$0x3FFB];
	_ =	sdelay $0x3  }
0x98: {  	_ =	strace s17  }
0x99: {  	s3 =	sld [smem:$0x3FFC];
	_ =	sdelay $0x3  }
0x9a: {  	_ =	strace s3  }
0x9b: {  	s3 =	sld [smem:$0x3FFD];
	_ =	sdelay $0x3  }
0x9c: {  	_ =	strace s3  }
0x9d: {  	_ =	strace $0x8FFFFFFF  }
0x9e: {  	s18 =	sld [smem:$0x3FDB];
	_ =	sdelay $0x1  }
0x9f: {  	s19 =	simm.s32 $_scs_section_size  }
0xa0: {  	s5 =	simm.s32 $_size__tile_overlayer_lowered;
	s6 =	simm.s32 $_tile_overlayer_lowered  }
0xa1: {  	s22 =	simm.s32 $0x1BFF;
	s21 =	sshll.u32 s6, $0x1;
	s3 =	sadd.s32 s19, s18  }
0xa2: {  	s7 =	simm.s32 $0x0;
	s20 =	sshll.u32 s5, $0x1;
	s5 =	sadd.s32 s21, s3  }
0xa3: {  	[timem:s7], [sflag:s22] =	dma.local [hbm:s5], s20  }
0xa4: {  	_ =	swait.ge [sflag:s22], s20  }
0xa5: {  	s4 =	ssub.s32 $0x0, s20;
	[sflag:s22] =	ssyncset.done $0x0  }
0xa6: {  	[sflag:s22] =	ssyncadd.s32 s4;
	_ =	sdelay $0x1  }
0xa7: {  	s23 =	simm.s32 $0x1B8B  }
0xa8: {  	_ =	swait.ge [sflag:s23], $0x1  }
0xa9: {  	[sflag:s23] =	ssyncset.done $0x0  }
0xaa: {  	s25 =	simm.s32 $0x1B8E;
	s24 =	sld [smem:$0x3FFE];
	[sflag:s23] =	ssyncadd.s32 $0xFFFFFFFF  }
0xab: {  	s26 =	simm.s32 $execute0_lowered;
	[smem:$0x3FD2] =	sst s25  }
0xac: {  	s5 =	sshll.u32 s26, $0x1;
	_ =	strace $0x80000046;
	[dreg:$0x1] =	wrdreg $0xFFFFFFFF  }
0xad: {  	s28 =	simm.s32 $_size_execute0_lowered;
	s3 =	sadd.s32 s3, s5;
	[dreg:$0x0] =	wrdreg $0x0  }
0xae: {  	s5 =	sshll.u32 s28, $0x1;
	[dreg:$0x2] =	wrdreg s3  }
0xaf: {  	[dreg:$0x3] =	wrdreg s5  }
0xb0: {  	[dreg:$0x4] =	wrdreg $0xC0  }
0xb1: {  	_ =	task [dreg:s7], $0x5FFFF  }
0xb2: {  	[dreg:$0x1] =	wrdreg $0xFFFFFFFF  }
0xb3: {  	[dreg:$0x0] =	wrdreg $0x60  }
0xb4: {  	[dreg:$0x2] =	wrdreg s24  }
0xb5: {  	[dreg:$0x3] =	wrdreg s16  }
0xb6: {  	[dreg:$0x4] =	wrdreg $0x0  }
0xb7: {  	[dreg:$0x5] =	wrdreg $0x4800  }
0xb8: {  	[dreg:$0x6] =	wrdreg $0x9  }
0xb9: {  	_ =	task.clear_ibuf [dreg:s7], $0x7FFFF;
	_ =	strace $0x90000046  }
0xba: {  	s29 =	simm.s32 $0x9;
	_ =	strace $0x80000048  }
0xbb: {  	_ =	swait.ge [sflag:s29], $0x1  }
0xbc: {  	[sflag:s29] =	ssyncadd.s32 $0xFFFFFFFF  }
0xbd: {  	_ =	strace $0x90000048  }
0xbe: {  	_ =	sfence  }
0xbf: {  	s30 =	sld [smem:$0x0];
	_ =	sdelay $0x2  }
0xc0: {  	s31 =	sshll.u32 s1, $0xD;
	s1 =	sshrl.u32 s1, $0x2  }
0xc1: {  	s3 =	sand.u32 $0x4000, s31;
	s1 =	sadd.s32 s1, s30  }
0xc2: {  	s0 =	sor.u32 s3, s0;
	s1 =	sshll.u32 s1, $0x11  }
0xc3: {  	s0 =	sor.u32 s1, s0  }
0xc4: {  	s0 =	sadd.s32 $0x8F2B, s0  }
0xc5: {  	[sflag:s0] =	ssyncadd.remote.s32 $0x1  }
0xc6: {  	_ =	sfence.sel $0xFFFF  }
0xc7: {  	[dreg:$0x0] =	wrdreg $0xFFFFFFFF;
	(pc) =	sbr.abs _section_cstart, $3  }
0xc8: {  	[dreg:$0x1] =	wrdreg $0xFFFFFFFF  }
0xc9: {  	_ =	task.clear_ibuf [dreg:s7], $0x2FFFF;
	_ =	strace $0x9FFFFFFF  }
0xca: {  	(tm) =	ssettm $0x7FFFFFFF  }
0xcb: {  	_ =	shalt  }
tec
execute0_lowered:
.L_overlay_start_1:
0x0: {  	(tag) =	ssettag $0x1  }
0x1: {  	s7 =	stileid.u32  }
0x2: {  	s0 =	smul.u32 $0x480, s7  }
0x3: {  	v15 =	vlaneseq.u32  }
0x4: {  	v1 =	vor.u32 s0, v15  }
0x5: {  	v0 =	vand.u32 $0x1F8F, v1  }
0x6: {  	v1 =	vor.u32 $0x20, v15;
	[tilespmem:$0x1F800] =	vst v0;
	v0 =	vor.u32 $0x10, v15  }
0x7: {  	[tilespmem:$0x1FCA0] =	vst v1;
	v4 =	vor.u32 s0, v0  }
0x8: {  	v5 =	vor.u32 s0, v1;
	v1 =	vor.u32 $0x30, v15;
	[tilespmem:$0x1FC90] =	vst v0;
	v0 =	vand.u32 $0x1F9F, v4  }
0x9: {  	v4 =	vor.u32 s0, v1;
	[tilespmem:$0x1F810] =	vst v0;
	v0 =	vand.u32 $0x1FAF, v5  }
0xa: {  	[tilespmem:$0x1F820] =	vst v0;
	v0 =	vand.u32 $0x1FBF, v4;
	v4 =	vor.u32 $0x40, v15  }
0xb: {  	v5 =	vor.u32 $0x50, v15;
	v7 =	vor.u32 s0, v4  }
0xc: {  	v6 =	vor.u32 $0x60, v15;
	v8 =	vor.u32 s0, v5;
	[tilespmem:$0x1F830] =	vst v0;
	v0 =	vand.u32 $0x1FCF, v7  }
0xd: {  	v7 =	vor.u32 s0, v6;
	[tilespmem:$0x1F840] =	vst v0;
	v0 =	vand.u32 $0x1FDF, v8  }
0xe: {  	[tilespmem:$0x1F850] =	vst v0;
	v0 =	vand.u32 $0x1FEF, v7;
	v7 =	vor.u32 $0x70, v15  }
0xf: {  	v8 =	vor.u32 $0x80, v15;
	v10 =	vor.u32 s0, v7  }
0x10: {  	v9 =	vor.u32 $0x90, v15;
	v11 =	vadd.s32 s0, v8;
	[tilespmem:$0x1F860] =	vst v0;
	v0 =	vand.u32 $0x1FFF, v10  }
0x11: {  	v10 =	vadd.s32 s0, v9;
	[tilespmem:$0x1F870] =	vst v0;
	v0 =	vand.u32 $0x1F8F, v11  }
0x12: {  	[tilespmem:$0x1F880] =	vst v0;
	v0 =	vand.u32 $0x1F9F, v10;
	v10 =	vor.u32 $0xA0, v15  }
0x13: {  	v11 =	vor.u32 $0xB0, v15;
	v13 =	vadd.s32 s0, v10  }
0x14: {  	v12 =	vor.u32 $0xC0, v15;
	v14 =	vadd.s32 s0, v11;
	[tilespmem:$0x1F890] =	vst v0;
	v0 =	vand.u32 $0x1FAF, v13  }
0x15: {  	v13 =	vadd.s32 s0, v12;
	[tilespmem:$0x1F8A0] =	vst v0;
	v0 =	vand.u32 $0x1FBF, v14  }
0x16: {  	[tilespmem:$0x1F8B0] =	vst v0;
	v0 =	vand.u32 $0x1FCF, v13;
	v13 =	vor.u32 $0xD0, v15  }
0x17: {  	v3 =	vor.u32 $0xE0, v15;
	[tilespmem:$0x1FCB0] =	vst v1;
	v16 =	vadd.s32 s0, v13  }
0x18: {  	v17 =	vadd.s32 s0, v3;
	v1 =	vor.u32 $0xF0, v15;
	[tilespmem:$0x1F8C0] =	vst v0;
	v0 =	vand.u32 $0x1FDF, v16  }
0x19: {  	v16 =	vadd.s32 s0, v1;
	[tilespmem:$0x1F8D0] =	vst v0;
	v0 =	vand.u32 $0x1FEF, v17  }
0x1a: {  	[tilespmem:$0x1F8E0] =	vst v0;
	v0 =	vand.u32 $0x1FFF, v16  }
0x1b: {  	[tilespmem:$0x1F8F0] =	vst v0;
	v0 =	vor.u32 $0x100, v15  }
0x1c: {  	v27 =	vor.u32 $0x110, v15;
	[tilespmem:$0x1FCC0] =	vst v1;
	v19 =	vadd.s32 s0, v0  }
0x1d: {  	v20 =	vadd.s32 s0, v27;
	v1 =	vor.u32 $0x120, v15;
	[tilespmem:$0x1FCD0] =	vst v0;
	v0 =	vand.u32 $0x1F8F, v19  }
0x1e: {  	v54 =	vadd.s32 s0, v1;
	v19 =	vor.u32 $0x130, v15;
	[tilespmem:$0x1F900] =	vst v0;
	v0 =	vand.u32 $0x1F9F, v20  }
0x1f: {  	v20 =	vor.u32 $0x140, v15;
	v22 =	vadd.s32 s0, v19;
	[tilespmem:$0x1F910] =	vst v0;
	v0 =	vand.u32 $0x1FAF, v54  }
0x20: {  	v21 =	vor.u32 $0x150, v15;
	v23 =	vadd.s32 s0, v20;
	[tilespmem:$0x1F920] =	vst v0;
	v0 =	vand.u32 $0x1FBF, v22  }
0x21: {  	v22 =	vadd.s32 s0, v21;
	[tilespmem:$0x1F930] =	vst v0;
	v0 =	vand.u32 $0x1FCF, v23  }
0x22: {  	[tilespmem:$0x1F940] =	vst v0;
	v0 =	vand.u32 $0x1FDF, v22;
	v22 =	vor.u32 $0x160, v15  }
0x23: {  	v23 =	vor.u32 $0x170, v15;
	v25 =	vadd.s32 s0, v22  }
0x24: {  	v24 =	vor.u32 $0x180, v15;
	v26 =	vadd.s32 s0, v23;
	[tilespmem:$0x1F950] =	vst v0;
	v0 =	vand.u32 $0x1FEF, v25  }
0x25: {  	v18 =	vor.u32 $0x190, v15;
	v25 =	vadd.s32 s0, v24;
	[tilespmem:$0x1F960] =	vst v0;
	v0 =	vand.u32 $0x1FFF, v26  }
0x26: {  	v28 =	vadd.s32 s0, v18;
	v16 =	vor.u32 $0x1A0, v15;
	[tilespmem:$0x1F970] =	vst v0;
	v0 =	vand.u32 $0x1F8F, v25  }
0x27: {  	v17 =	vor.u32 $0x1B0, v15;
	v29 =	vadd.s32 s0, v16;
	[tilespmem:$0x1F980] =	vst v0;
	v0 =	vand.u32 $0x1F9F, v28  }
0x28: {  	v14 =	vor.u32 $0x1C0, v15;
	v28 =	vadd.s32 s0, v17;
	[tilespmem:$0x1F990] =	vst v0;
	v0 =	vand.u32 $0x1FAF, v29  }
0x29: {  	v31 =	vadd.s32 s0, v14;
	v29 =	vor.u32 $0x1D0, v15;
	[tilespmem:$0x1F9A0] =	vst v0;
	v0 =	vand.u32 $0x1FBF, v28  }
0x2a: {  	v30 =	vor.u32 $0x1E0, v15;
	v32 =	vadd.s32 s0, v29;
	[tilespmem:$0x1F9B0] =	vst v0;
	v0 =	vand.u32 $0x1FCF, v31  }
0x2b: {  	v31 =	vadd.s32 s0, v30;
	[tilespmem:$0x1F9C0] =	vst v0;
	v0 =	vand.u32 $0x1FDF, v32  }
0x2c: {  	[tilespmem:$0x1F9D0] =	vst v0;
	v0 =	vand.u32 $0x1FEF, v31;
	v31 =	vor.u32 $0x1F0, v15  }
0x2d: {  	v32 =	vor.u32 $0x200, v15;
	v34 =	vadd.s32 s0, v31  }
0x2e: {  	v33 =	vor.u32 $0x210, v15;
	v35 =	vadd.s32 s0, v32;
	[tilespmem:$0x1F9E0] =	vst v0;
	v0 =	vand.u32 $0x1FFF, v34  }
0x2f: {  	v55 =	vadd.s32 s0, v33;
	v34 =	vor.u32 $0x220, v15;
	[tilespmem:$0x1F9F0] =	vst v0;
	v0 =	vand.u32 $0x1F8F, v35  }
0x30: {  	v35 =	vor.u32 $0x230, v15;
	v37 =	vadd.s32 s0, v34;
	[tilespmem:$0x1FA00] =	vst v0;
	v0 =	vand.u32 $0x1F9F, v55  }
0x31: {  	v36 =	vor.u32 $0x240, v15;
	v38 =	vadd.s32 s0, v35;
	[tilespmem:$0x1FA10] =	vst v0;
	v0 =	vand.u32 $0x1FAF, v37  }
0x32: {  	v56 =	vadd.s32 s0, v36;
	v37 =	vor.u32 $0x250, v15;
	[tilespmem:$0x1FA20] =	vst v0;
	v0 =	vand.u32 $0x1FBF, v38  }
0x33: {  	v38 =	vor.u32 $0x260, v15;
	v40 =	vadd.s32 s0, v37;
	[tilespmem:$0x1FA30] =	vst v0;
	v0 =	vand.u32 $0x1FCF, v56  }
0x34: {  	v39 =	vor.u32 $0x270, v15;
	v41 =	vadd.s32 s0, v38;
	[tilespmem:$0x1FA40] =	vst v0;
	v0 =	vand.u32 $0x1FDF, v40  }
0x35: {  	v57 =	vadd.s32 s0, v39;
	v40 =	vor.u32 $0x280, v15;
	[tilespmem:$0x1FA50] =	vst v0;
	v0 =	vand.u32 $0x1FEF, v41  }
0x36: {  	v41 =	vor.u32 $0x290, v15;
	v43 =	vadd.s32 s0, v40;
	[tilespmem:$0x1FA60] =	vst v0;
	v0 =	vand.u32 $0x1FFF, v57  }
0x37: {  	v42 =	vor.u32 $0x2A0, v15;
	v44 =	vadd.s32 s0, v41;
	[tilespmem:$0x1FA70] =	vst v0;
	v0 =	vand.u32 $0x1F8F, v43  }
0x38: {  	v58 =	vadd.s32 s0, v42;
	v43 =	vor.u32 $0x2B0, v15;
	[tilespmem:$0x1FA80] =	vst v0;
	v0 =	vand.u32 $0x1F9F, v44  }
0x39: {  	v44 =	vor.u32 $0x2C0, v15;
	v46 =	vadd.s32 s0, v43;
	[tilespmem:$0x1FA90] =	vst v0;
	v0 =	vand.u32 $0x1FAF, v58  }
0x3a: {  	v45 =	vor.u32 $0x2D0, v15;
	v47 =	vadd.s32 s0, v44;
	[tilespmem:$0x1FAA0] =	vst v0;
	v0 =	vand.u32 $0x1FBF, v46  }
0x3b: {  	v59 =	vadd.s32 s0, v45;
	v46 =	vor.u32 $0x2E0, v15;
	[tilespmem:$0x1FAB0] =	vst v0;
	v0 =	vand.u32 $0x1FCF, v47  }
0x3c: {  	v47 =	vor.u32 $0x2F0, v15;
	v49 =	vadd.s32 s0, v46;
	[tilespmem:$0x1FAC0] =	vst v0;
	v0 =	vand.u32 $0x1FDF, v59  }
0x3d: {  	v48 =	vor.u32 $0x300, v15;
	v50 =	vadd.s32 s0, v47;
	[tilespmem:$0x1FAD0] =	vst v0;
	v0 =	vand.u32 $0x1FEF, v49  }
0x3e: {  	v60 =	vadd.s32 s0, v48;
	v49 =	vor.u32 $0x310, v15;
	[tilespmem:$0x1FAE0] =	vst v0;
	v0 =	vand.u32 $0x1FFF, v50  }
0x3f: {  	v50 =	vor.u32 $0x320, v15;
	v52 =	vadd.s32 s0, v49;
	[tilespmem:$0x1FAF0] =	vst v0;
	v0 =	vand.u32 $0x1F8F, v60  }
0x40: {  	v51 =	vor.u32 $0x330, v15;
	v53 =	vadd.s32 s0, v50;
	[tilespmem:$0x1FB00] =	vst v0;
	v0 =	vand.u32 $0x1F9F, v52  }
0x41: {  	v61 =	vadd.s32 s0, v51;
	v52 =	vor.u32 $0x340, v15;
	[tilespmem:$0x1FB10] =	vst v0;
	v0 =	vand.u32 $0x1FAF, v53  }
0x42: {  	v53 =	vor.u32 $0x350, v15;
	v55 =	vadd.s32 s0, v52;
	[tilespmem:$0x1FB20] =	vst v0;
	v0 =	vand.u32 $0x1FBF, v61  }
0x43: {  	v54 =	vor.u32 $0x360, v15;
	v56 =	vadd.s32 s0, v53;
	[tilespmem:$0x1FB30] =	vst v0;
	v0 =	vand.u32 $0x1FCF, v55  }
0x44: {  	v62 =	vadd.s32 s0, v54;
	v55 =	vor.u32 $0x370, v15;
	[tilespmem:$0x1FB40] =	vst v0;
	v0 =	vand.u32 $0x1FDF, v56  }
0x45: {  	v56 =	vor.u32 $0x380, v15;
	v58 =	vadd.s32 s0, v55;
	[tilespmem:$0x1FB50] =	vst v0;
	v0 =	vand.u32 $0x1FEF, v62  }
0x46: {  	v57 =	vor.u32 $0x390, v15;
	v59 =	vadd.s32 s0, v56;
	[tilespmem:$0x1FB60] =	vst v0;
	v0 =	vand.u32 $0x1FFF, v58  }
0x47: {  	v63 =	vadd.s32 s0, v57;
	v58 =	vor.u32 $0x3A0, v15;
	[tilespmem:$0x1FB70] =	vst v0;
	v0 =	vand.u32 $0x1F8F, v59  }
0x48: {  	v59 =	vor.u32 $0x3B0, v15;
	v61 =	vadd.s32 s0, v58;
	[tilespmem:$0x1FB80] =	vst v0;
	v0 =	vand.u32 $0x1F9F, v63  }
0x49: {  	v60 =	vor.u32 $0x3C0, v15;
	v62 =	vadd.s32 s0, v59;
	[tilespmem:$0x1FB90] =	vst v0;
	v0 =	vand.u32 $0x1FAF, v61  }
0x4a: {  	v61 =	vadd.s32 s0, v60;
	[tilespmem:$0x1FBA0] =	vst v0;
	v0 =	vand.u32 $0x1FBF, v62  }
0x4b: {  	[tilespmem:$0x1FBB0] =	vst v0;
	v0 =	vand.u32 $0x1FCF, v61;
	v61 =	vor.u32 $0x3D0, v15  }
0x4c: {  	v62 =	vor.u32 $0x3E0, v15;
	[tilespmem:$0x1FBC0] =	vst v0;
	v0 =	vadd.s32 s0, v61  }
0x4d: {  	[tilespmem:$0x1FCE0] =	vst v1;
	v1 =	vadd.s32 s0, v62;
	v0 =	vand.u32 $0x1FDF, v0  }
0x4e: {  	v63 =	vor.u32 $0x3F0, v15;
	[tilespmem:$0x1FBD0] =	vst v0;
	v0 =	vand.u32 $0x1FEF, v1  }
0x4f: {  	[tilespmem:$0x1FBE0] =	vst v0;
	v0 =	vadd.s32 s0, v63  }
0x50: {  	v0 =	vand.u32 $0x1FFF, v0  }
0x51: {  	[tilespmem:$0x1FBF0] =	vst v0;
	v0 =	vor.u32 $0x400, v15  }
0x52: {  	v1 =	vor.u32 $0x410, v15;
	v0 =	vadd.s32 s0, v0  }
0x53: {  	v1 =	vadd.s32 s0, v1;
	v0 =	vand.u32 $0x1F8F, v0  }
0x54: {  	v2 =	vor.u32 $0x420, v15;
	[tilespmem:$0x1FC00] =	vst v0;
	v0 =	vand.u32 $0x1F9F, v1  }
0x55: {  	[tilespmem:$0x1FC10] =	vst v0;
	v0 =	vadd.s32 s0, v2  }
0x56: {  	v0 =	vand.u32 $0x1FAF, v0  }
0x57: {  	[tilespmem:$0x1FC20] =	vst v0;
	v0 =	vor.u32 $0x430, v15  }
0x58: {  	v1 =	vor.u32 $0x440, v15;
	v0 =	vadd.s32 s0, v0  }
0x59: {  	v1 =	vadd.s32 s0, v1;
	v0 =	vand.u32 $0x1FBF, v0  }
0x5a: {  	v2 =	vor.u32 $0x450, v15;
	[tilespmem:$0x1FC30] =	vst v0;
	v0 =	vand.u32 $0x1FCF, v1  }
0x5b: {  	[tilespmem:$0x1FC40] =	vst v0;
	v0 =	vadd.s32 s0, v2  }
0x5c: {  	v0 =	vand.u32 $0x1FDF, v0  }
0x5d: {  	[tilespmem:$0x1FC50] =	vst v0;
	v0 =	vor.u32 $0x460, v15  }
0x5e: {  	v1 =	vor.u32 $0x470, v15;
	v0 =	vadd.s32 s0, v0  }
0x5f: {  	s2 =	sshll.u32 s7, $0xA;
	v1 =	vadd.s32 s0, v1;
	v0 =	vand.u32 $0x1FEF, v0  }
0x60: {  	v2 =	vor.u32 s2, v15;
	[tilespmem:$0x1FC60] =	vst v0;
	v0 =	vand.u32 $0x1FFF, v1  }
0x61: {  	[tilespmem:$0x1FC70] =	vst v0;
	v0 =	vand.u32 $0x1C0F, v2  }
0x62: {  	[tilespmem:$0x1FC80] =	vst v0;
	v0 =	vld [tilespmem:$0x1FC90]  }
0x63: {  	v1 =	vld [tilespmem:$0x1FCA0]  }
0x64: {  	v2 =	vld [tilespmem:$0x1FCB0]  }
0x65: {  	s6 =	rddreg [dreg:$0x0]  }
0x66: {  	s1 =	rddreg [dreg:$0x1];
	s5 =	simm.s32 $0x0  }
0x67: {  	[smem:$0x7FF] =	sst s5;
	v19 =	vor.u32 s2, v19;
	v0 =	vor.u32 s2, v0  }
0x68: {  	s11 =	rddreg [dreg:$0x2];
	_ =	strace $0x80000047;
	[tilespmem:$0x1FD90] =	vst v19;
	v1 =	vor.u32 s2, v1;
	v0 =	vand.u32 $0x1C1F, v0  }
0x69: {  	v2 =	vor.u32 s2, v2;
	[tilespmem:$0x1FCF0] =	vst v0;
	v0 =	vand.u32 $0x1C2F, v1  }
0x6a: {  	v4 =	vor.u32 s2, v4;
	[tilespmem:$0x1FD00] =	vst v0;
	v0 =	vand.u32 $0x1C3F, v2  }
0x6b: {  	v5 =	vor.u32 s2, v5;
	[tilespmem:$0x1FD10] =	vst v0;
	v0 =	vand.u32 $0x1C4F, v4  }
0x6c: {  	v6 =	vor.u32 s2, v6;
	[tilespmem:$0x1FD20] =	vst v0;
	v0 =	vand.u32 $0x1C5F, v5  }
0x6d: {  	v7 =	vor.u32 s2, v7;
	[tilespmem:$0x1FD30] =	vst v0;
	v0 =	vand.u32 $0x1C6F, v6  }
0x6e: {  	v8 =	vor.u32 s2, v8;
	[tilespmem:$0x1FD40] =	vst v0;
	v0 =	vand.u32 $0x1C7F, v7  }
0x6f: {  	v9 =	vor.u32 s2, v9;
	[tilespmem:$0x1FD50] =	vst v0;
	v0 =	vand.u32 $0x1C8F, v8  }
0x70: {  	v10 =	vor.u32 s2, v10;
	[tilespmem:$0x1FD60] =	vst v0;
	v0 =	vand.u32 $0x1C9F, v9  }
0x71: {  	[tilespmem:$0x1FD70] =	vst v0;
	v0 =	vand.u32 $0x1CAF, v10  }
0x72: {  	[tilespmem:$0x1FD80] =	vst v0;
	v0 =	vld [tilespmem:$0x1FD90];
	_ =	sdelay $0x2  }
0x73: {  	v19 =	vor.u32 s2, v20  }
0x74: {  	v14 =	vor.u32 s2, v14;
	[tilespmem:$0x1FDA0] =	vst v19  }
0x75: {  	[tilespmem:$0x1FE20] =	vst v14;
	v14 =	vor.u32 s2, v29;
	v29 =	vand.u32 $0x1D3F, v0;
	v0 =	vld [tilespmem:$0x1FDA0];
	_ =	sdelay $0x2  }
0x76: {  	v19 =	vor.u32 s2, v21  }
0x77: {  	[tilespmem:$0x1FDB0] =	vst v19  }
0x78: {  	[tilespmem:$0x1FE30] =	vst v14;
	v14 =	vor.u32 s2, v30;
	v30 =	vand.u32 $0x1D4F, v0;
	v0 =	vld [tilespmem:$0x1FDB0];
	_ =	sdelay $0x2  }
0x79: {  	v19 =	vor.u32 s2, v22  }
0x7a: {  	[tilespmem:$0x1FDC0] =	vst v19  }
0x7b: {  	[tilespmem:$0x1FE40] =	vst v14;
	v14 =	vor.u32 s2, v31;
	v31 =	vand.u32 $0x1D5F, v0;
	v0 =	vld [tilespmem:$0x1FDC0];
	_ =	sdelay $0x2  }
0x7c: {  	v19 =	vor.u32 s2, v23  }
0x7d: {  	[tilespmem:$0x1FDD0] =	vst v19  }
0x7e: {  	[tilespmem:$0x1FE50] =	vst v14;
	v14 =	vor.u32 s2, v32;
	v32 =	vand.u32 $0x1D6F, v0;
	v0 =	vld [tilespmem:$0x1FDD0];
	_ =	sdelay $0x2  }
0x7f: {  	v19 =	vor.u32 s2, v24  }
0x80: {  	[tilespmem:$0x1FDE0] =	vst v19  }
0x81: {  	[tilespmem:$0x1FE60] =	vst v14;
	v14 =	vor.u32 s2, v33;
	v33 =	vand.u32 $0x1D7F, v0;
	v0 =	vld [tilespmem:$0x1FDE0];
	_ =	sdelay $0x2  }
0x82: {  	v18 =	vor.u32 s2, v18  }
0x83: {  	[tilespmem:$0x1FDF0] =	vst v18  }
0x84: {  	[tilespmem:$0x1FE70] =	vst v14;
	v14 =	vor.u32 s2, v34;
	v34 =	vand.u32 $0x1D8F, v0;
	v0 =	vld [tilespmem:$0x1FDF0];
	_ =	sdelay $0x2  }
0x85: {  	v16 =	vor.u32 s2, v16  }
0x86: {  	[tilespmem:$0x1FE00] =	vst v16  }
0x87: {  	[tilespmem:$0x1FE80] =	vst v14;
	v14 =	vor.u32 s2, v35;
	v35 =	vand.u32 $0x1D9F, v0;
	v0 =	vld [tilespmem:$0x1FE00];
	_ =	sdelay $0x2  }
0x88: {  	v16 =	vor.u32 s2, v17  }
0x89: {  	[tilespmem:$0x1FE10] =	vst v16  }
0x8a: {  	[tilespmem:$0x1FE90] =	vst v14;
	v14 =	vor.u32 s2, v36;
	v36 =	vand.u32 $0x1DAF, v0;
	v0 =	vld [tilespmem:$0x1FE10];
	_ =	sdelay $0x4  }
0x8b: {  	[tilespmem:$0x1FEA0] =	vst v14;
	v14 =	vor.u32 s2, v37;
	v37 =	vand.u32 $0x1DBF, v0;
	v0 =	vld [tilespmem:$0x1FE20];
	_ =	sdelay $0x4  }
0x8c: {  	[tilespmem:$0x1FEB0] =	vst v14;
	v14 =	vor.u32 s2, v38;
	v38 =	vand.u32 $0x1DCF, v0;
	v0 =	vld [tilespmem:$0x1FE30];
	_ =	sdelay $0x4  }
0x8d: {  	[tilespmem:$0x1FEC0] =	vst v14;
	v14 =	vor.u32 s2, v39;
	v39 =	vand.u32 $0x1DDF, v0;
	v0 =	vld [tilespmem:$0x1FE40];
	_ =	sdelay $0x4  }
0x8e: {  	[tilespmem:$0x1FED0] =	vst v14;
	v14 =	vor.u32 s2, v40;
	v40 =	vand.u32 $0x1DEF, v0;
	v0 =	vld [tilespmem:$0x1FE50];
	_ =	sdelay $0x4  }
0x8f: {  	v16 =	vor.u32 s2, v41;
	v41 =	vand.u32 $0x1DFF, v0;
	v0 =	vld [tilespmem:$0x1FE60];
	_ =	sdelay $0x4  }
0x90: {  	v17 =	vor.u32 s2, v42;
	v42 =	vand.u32 $0x1E0F, v0;
	v0 =	vld [tilespmem:$0x1FE70];
	_ =	sdelay $0x4  }
0x91: {  	v18 =	vor.u32 s2, v43;
	v43 =	vand.u32 $0x1E1F, v0;
	v0 =	vld [tilespmem:$0x1FE80];
	_ =	sdelay $0x4  }
0x92: {  	v19 =	vor.u32 s2, v44;
	v44 =	vand.u32 $0x1E2F, v0;
	v0 =	vld [tilespmem:$0x1FE90];
	_ =	sdelay $0x4  }
0x93: {  	v20 =	vor.u32 s2, v45;
	v45 =	vand.u32 $0x1E3F, v0;
	v0 =	vld [tilespmem:$0x1FEA0];
	_ =	sdelay $0x4  }
0x94: {  	v21 =	vor.u32 s2, v46;
	v46 =	vand.u32 $0x1E4F, v0;
	v0 =	vld [tilespmem:$0x1FEB0];
	_ =	sdelay $0x4  }
0x95: {  	[tilespmem:$0x1FEE0] =	vst v21;
	v21 =	vor.u32 s2, v47;
	v47 =	vand.u32 $0x1E5F, v0;
	v0 =	vld [tilespmem:$0x1FEC0];
	_ =	sdelay $0x4  }
0x96: {  	[tilespmem:$0x1FEF0] =	vst v21;
	v21 =	vor.u32 s2, v48;
	v48 =	vand.u32 $0x1E6F, v0;
	v0 =	vld [tilespmem:$0x1FED0];
	_ =	sdelay $0x2  }
0x97: {  	[tilespmem:$0x1FF00] =	vst v21;
	v21 =	vor.u32 s2, v49  }
0x98: {  	[tilespmem:$0x1FF10] =	vst v21;
	v21 =	vor.u32 s2, v50  }
0x99: {  	[tilespmem:$0x1FF20] =	vst v21;
	v21 =	vor.u32 s2, v51;
	v49 =	vand.u32 $0x1E7F, v0;
	v0 =	vld [tilespmem:$0x1FEE0]  }
0x9a: {  	[tilespmem:$0x1FF30] =	vst v21;
	v21 =	vor.u32 s2, v52  }
0x9b: {  	[tilespmem:$0x1FF40] =	vst v21;
	v21 =	vor.u32 s2, v53  }
0x9c: {  	[tilespmem:$0x1FF50] =	vst v21;
	v21 =	vor.u32 s2, v54  }
0x9d: {  	[tilespmem:$0x1FF60] =	vst v21;
	v21 =	vor.u32 s2, v55  }
0x9e: {  	[tilespmem:$0x1FF70] =	vst v21;
	v21 =	vor.u32 s2, v56;
	v56 =	vand.u32 $0x1EEF, v0;
	v0 =	vld [tilespmem:$0x1FEF0];
	_ =	sdelay $0x4  }
0x9f: {  	[tilespmem:$0x1FF80] =	vst v21;
	v21 =	vor.u32 s2, v57;
	v57 =	vand.u32 $0x1EFF, v0;
	v0 =	vld [tilespmem:$0x1FF00];
	_ =	sdelay $0x4  }
0xa0: {  	[tilespmem:$0x1FF90] =	vst v21;
	v21 =	vor.u32 s2, v58;
	v58 =	vand.u32 $0x1F0F, v0;
	v0 =	vld [tilespmem:$0x1FF10];
	_ =	sdelay $0x4  }
0xa1: {  	[tilespmem:$0x1FFA0] =	vst v21;
	v21 =	vor.u32 s2, v59;
	v59 =	vand.u32 $0x1F1F, v0;
	v0 =	vld [tilespmem:$0x1FF20];
	_ =	sdelay $0x4  }
0xa2: {  	[tilespmem:$0x1FFB0] =	vst v21;
	v21 =	vor.u32 s2, v60;
	v60 =	vand.u32 $0x1F2F, v0;
	v0 =	vld [tilespmem:$0x1FF30];
	_ =	sdelay $0x4  }
0xa3: {  	[tilespmem:$0x1FFC0] =	vst v21;
	v21 =	vor.u32 s2, v61;
	v61 =	vand.u32 $0x1F3F, v0;
	v0 =	vld [tilespmem:$0x1FF40];
	_ =	sdelay $0x4  }
0xa4: {  	[tilespmem:$0x1FFD0] =	vst v21;
	v21 =	vor.u32 s2, v62;
	v62 =	vand.u32 $0x1F4F, v0;
	v0 =	vld [tilespmem:$0x1FF50];
	_ =	sdelay $0x4  }
0xa5: {  	[tilespmem:$0x1FFE0] =	vst v21;
	v21 =	vor.u32 s2, v63;
	v63 =	vand.u32 $0x1F5F, v0;
	v0 =	vld [tilespmem:$0x1FF60];
	_ =	sdelay $0x4  }
0xa6: {  	v1 =	vand.u32 $0x1F6F, v0;
	v0 =	vld [tilespmem:$0x1FF70];
	_ =	sdelay $0x4  }
0xa7: {  	v2 =	vand.u32 $0x1F7F, v0;
	v0 =	vld [tilespmem:$0x1FF80];
	_ =	sdelay $0x3  }
0xa8: {  	v3 =	vor.u32 s2, v3  }
0xa9: {  	v24 =	vand.u32 $0x1CEF, v3;
	v3 =	vand.u32 $0x1F8F, v0;
	v0 =	vld [tilespmem:$0x1FF90];
	_ =	sdelay $0x4  }
0xaa: {  	v4 =	vand.u32 $0x1F9F, v0;
	v0 =	vld [tilespmem:$0x1FFA0];
	_ =	sdelay $0x4  }
0xab: {  	v5 =	vand.u32 $0x1FAF, v0;
	v0 =	vld [tilespmem:$0x1FFB0];
	_ =	sdelay $0x4  }
0xac: {  	v6 =	vand.u32 $0x1FBF, v0;
	v0 =	vld [tilespmem:$0x1FFC0]  }
0xad: {  	s3 =	srdreg.scid  }
0xae: {  	s26 =	simm.s32 $0x1580;
	s12 =	simm.s32 $0x1980;
	s28 =	simm.s32 $0x3180  }
0xaf: {  	s29 =	simm.s32 $0x3980;
	s4 =	sand.u32 $0x1, s3;
	s16 =	sshll.u32 s7, $0x1  }
0xb0: {  	s30 =	simm.s32 $0x3D80;
	s31 =	simm.s32 $0x4580;
	s3 =	sor.u32 s4, s16  }
0xb1: {  	s13 =	simm.s32 $0x8180;
	s7 =	sshll.u32 s7, $0x7;
	s8 =	smul.u32 $0x240, s3;
	v7 =	vand.u32 $0x1FCF, v0;
	v0 =	vld [tilespmem:$0x1FFD0]  }
0xb2: {  	s15 =	simm.s32 $0x8580;
	s9 =	sadd.s32 $0x1A00, s6;
	s7 =	sadd.s32 s7, s6  }
0xb3: {  	s17 =	sadd.s32 $0x1200, s7;
	s10 =	sshrl.u32 s8, $0x3;
	[dreg:$0x5] =	wrdreg s9  }
0xb4: {  	s7 =	sadd.s32 $0xA00, s7;
	s10 =	smul.u32 $0x180, s10;
	[dreg:$0x6] =	wrdreg s17  }
0xb5: {  	s14 =	simm.s32 $0x8D80;
	s0 =	sadd.s32 s0, s11;
	[dreg:$0x7] =	wrdreg s7;
	v25 =	vld [tilespmem:$0x1FCC0]  }
0xb6: {  	s18 =	sadd.s32 s8, s11;
	s6 =	sadd.s32 s10, s6;
	[dreg:$0x8] =	wrdreg s0;
	v8 =	vand.u32 $0x1FDF, v0;
	v0 =	vld [tilespmem:$0x1FFE0]  }
0xb7: {  	s4 =	ssub.s32 $0x2, s4;
	s19 =	sadd.s32 $0x2400, s6;
	[dreg:$0x9] =	wrdreg s18;
	v26 =	vld [tilespmem:$0x1FCD0]  }
0xb8: {  	s16 =	simm.s32 $0x6D80;
	s20 =	sadd.s32 $0x3600, s6;
	[dreg:$0xa] =	wrdreg s19;
	v28 =	vld [tilespmem:$0x1FCE0]  }
0xb9: {  	vm0 =	vmmov $0xffff;
	vm1 =	vmmov $0xff;
	v27 =	vor.u32 s2, v27;
	s24 =	sshrl.u32 s4, $0x1;
	s21 =	sadd.s32 $0x4800, s6;
	[dreg:$0xb] =	wrdreg s20  }
0xba: {  	p0 =	sne.s32 s3, $0x0;
	v27 =	vand.u32 $0x1D1F, v27;
	s22 =	sadd.s32 $0x5A00, s6;
	v11 =	vor.u32 s2, v11;
	v12 =	vor.u32 s2, v12;
	[dreg:$0xc] =	wrdreg s21;
	[tilespmem:$0x1FFF0] =	vst v21  }
0xbb: {  	s3 =	simm.s32 $0x4;
	s23 =	sadd.s32 $0x6C00, s6;
	v13 =	vor.u32 s2, v13;
	[dreg:$0xd] =	wrdreg s22;
	v22 =	vand.u32 $0x1CCF, v12;
	v9 =	vand.u32 $0x1FEF, v0;
	v0 =	vld [tilespmem:$0x1FFF0]  }
0xbc: {  	s4 =	ssub.s32 s4, s24;
	s25 =	sadd.s32 $0x7E00, s6;
	[dreg:$0xe] =	wrdreg s23;
	v23 =	vand.u32 $0x1CDF, v13;
	v25 =	vor.u32 s2, v25;
	v26 =	vor.u32 s2, v26  }
0xbd: {  	s6 =	sadd.s32 $0x100, s1;
	[dreg:$0xf] =	wrdreg s25;
	s7 =	smax.u32 s4, $0x1;
	v28 =	vor.u32 s2, v28;
	v51 =	vand.u32 $0x1E9F, v16;
	v25 =	vand.u32 $0x1CFF, v25  }
0xbe: {  	s9 =	simm.s32 $0x7;
	[dreg:$0x10] =	wrdreg s26;
	s17 =	simm.s32 $0x7580;
	v26 =	vand.u32 $0x1D0F, v26;
	v28 =	vand.u32 $0x1D2F, v28;
	v52 =	vand.u32 $0x1EAF, v17  }
0xbf: {  	s18 =	simm.s32 $0x9180;
	s19 =	simm.s32 $0x9980;
	s20 =	simm.s32 $0x9D80;
	v53 =	vand.u32 $0x1EBF, v18;
	v54 =	vand.u32 $0x1ECF, v19;
	v55 =	vand.u32 $0x1EDF, v20  }
0xc0: {  	s21 =	simm.s32 $0xA580;
	s22 =	simm.s32 $0xA980;
	s4 =	simm.s32 $0x13980;
	v50 =	vand.u32 $0x1E8F, v14;
	v21 =	vand.u32 $0x1CBF, v11;
	v10 =	vand.u32 $0x1FFF, v0  }
.LBB2_1:
0xc1: {  	s23 =	rddreg [dreg:$0x6];
	s0 =	simm.s32 $0xD80  }
0xc2: {  	[tilespmem:s0], [sflag:$0x7] =	stream.linear.gather [hbm4b:s23+s5], $0x400, $0x38;
	[tilespmem:$0x1C980] =	vst v63  }
0xc3: {  	_ =	swait.ge [sflag:s9], $0x400  }
0xc4: {  	[sflag:s9] =	ssyncset.done $0x0  }
0xc5: {  	s24 =	simm.s32 $0x1180;
	s8 =	rddreg [dreg:$0x7];
	[sflag:s9] =	ssyncadd.s32 $0xFFFFFC00  }
0xc6: {  	[tilespmem:s24], [sflag:$0x7] =	stream.linear.gather [hbm4b:s8+s5], $0x400, $0x38;
	[tilespmem:$0x1C980] =	vst v63  }
0xc7: {  	_ =	swait.ge [sflag:s9], $0x400  }
0xc8: {  	v0 =	vld [tilespmem:$0x1F800];
	_ =	sdelay $0x2  }
0xc9: {  	[sflag:s9] =	ssyncset.done $0x0  }
0xca: {  	[sflag:s9] =	ssyncadd.s32 $0xFFFFFC00  }
0xcb: {  	[tilespmem:$0x900] =	vst v0;
	v0 =	vld [tilespmem:$0x1F810];
	_ =	sdelay $0x4  }
0xcc: {  	[tilespmem:$0x910] =	vst v0;
	v0 =	vld [tilespmem:$0x1F820];
	_ =	sdelay $0x4  }
0xcd: {  	[tilespmem:$0x920] =	vst v0;
	v0 =	vld [tilespmem:$0x1F830];
	_ =	sdelay $0x4  }
0xce: {  	[tilespmem:$0x930] =	vst v0;
	v0 =	vld [tilespmem:$0x1F840];
	_ =	sdelay $0x4  }
0xcf: {  	[tilespmem:$0x940] =	vst v0;
	v0 =	vld [tilespmem:$0x1F850];
	_ =	sdelay $0x4  }
0xd0: {  	[tilespmem:$0x950] =	vst v0;
	v0 =	vld [tilespmem:$0x1F860];
	_ =	sdelay $0x4  }
0xd1: {  	[tilespmem:$0x960] =	vst v0;
	v0 =	vld [tilespmem:$0x1F870];
	_ =	sdelay $0x4  }
0xd2: {  	[tilespmem:$0x970] =	vst v0;
	v0 =	vld [tilespmem:$0x1F880];
	_ =	sdelay $0x4  }
0xd3: {  	[tilespmem:$0x980] =	vst v0;
	v0 =	vld [tilespmem:$0x1F890];
	_ =	sdelay $0x4  }
0xd4: {  	[tilespmem:$0x990] =	vst v0;
	v0 =	vld [tilespmem:$0x1F8A0];
	_ =	sdelay $0x4  }
0xd5: {  	[tilespmem:$0x9A0] =	vst v0  }
0xd6: {  	v0 =	vld [tilespmem:$0x1F8B0];
	_ =	sdelay $0x4  }
0xd7: {  	[tilespmem:$0x9B0] =	vst v0;
	v0 =	vld [tilespmem:$0x1F8C0];
	_ =	sdelay $0x4  }
0xd8: {  	[tilespmem:$0x9C0] =	vst v0;
	v0 =	vld [tilespmem:$0x1F8D0];
	_ =	sdelay $0x4  }
0xd9: {  	[tilespmem:$0x9D0] =	vst v0;
	v0 =	vld [tilespmem:$0x1F8E0];
	_ =	sdelay $0x4  }
0xda: {  	[tilespmem:$0x9E0] =	vst v0;
	v0 =	vld [tilespmem:$0x1F8F0];
	_ =	sdelay $0x4  }
0xdb: {  	[tilespmem:$0x9F0] =	vst v0;
	v0 =	vld [tilespmem:$0x1F900];
	_ =	sdelay $0x4  }
0xdc: {  	[tilespmem:$0xA00] =	vst v0;
	v0 =	vld [tilespmem:$0x1F910];
	_ =	sdelay $0x4  }
0xdd: {  	[tilespmem:$0xA10] =	vst v0;
	v0 =	vld [tilespmem:$0x1F920];
	_ =	sdelay $0x4  }
0xde: {  	[tilespmem:$0xA20] =	vst v0;
	v0 =	vld [tilespmem:$0x1F930];
	_ =	sdelay $0x4  }
0xdf: {  	[tilespmem:$0xA30] =	vst v0;
	v0 =	vld [tilespmem:$0x1F940];
	_ =	sdelay $0x4  }
0xe0: {  	[tilespmem:$0xA40] =	vst v0;
	v0 =	vld [tilespmem:$0x1F950];
	_ =	sdelay $0x4  }
0xe1: {  	[tilespmem:$0xA50] =	vst v0;
	v0 =	vld [tilespmem:$0x1F960];
	_ =	sdelay $0x4  }
0xe2: {  	[tilespmem:$0xA60] =	vst v0;
	v0 =	vld [tilespmem:$0x1F970];
	_ =	sdelay $0x4  }
0xe3: {  	[tilespmem:$0xA70] =	vst v0;
	v0 =	vld [tilespmem:$0x1F980];
	_ =	sdelay $0x4  }
0xe4: {  	[tilespmem:$0xA80] =	vst v0;
	v0 =	vld [tilespmem:$0x1F990];
	_ =	sdelay $0x4  }
0xe5: {  	[tilespmem:$0xA90] =	vst v0;
	v0 =	vld [tilespmem:$0x1F9A0];
	_ =	sdelay $0x4  }
0xe6: {  	[tilespmem:$0xAA0] =	vst v0;
	v0 =	vld [tilespmem:$0x1F9B0];
	_ =	sdelay $0x4  }
0xe7: {  	[tilespmem:$0xAB0] =	vst v0;
	v0 =	vld [tilespmem:$0x1F9C0];
	_ =	sdelay $0x4  }
0xe8: {  	[tilespmem:$0xAC0] =	vst v0;
	v0 =	vld [tilespmem:$0x1F9D0];
	_ =	sdelay $0x4  }
0xe9: {  	[tilespmem:$0xAD0] =	vst v0;
	v0 =	vld [tilespmem:$0x1F9E0];
	_ =	sdelay $0x4  }
0xea: {  	[tilespmem:$0xAE0] =	vst v0;
	v0 =	vld [tilespmem:$0x1F9F0];
	_ =	sdelay $0x4  }
0xeb: {  	[tilespmem:$0xAF0] =	vst v0;
	v0 =	vld [tilespmem:$0x1FA00];
	_ =	sdelay $0x4  }
0xec: {  	[tilespmem:$0xB00] =	vst v0;
	v0 =	vld [tilespmem:$0x1FA10];
	_ =	sdelay $0x4  }
0xed: {  	[tilespmem:$0xB10] =	vst v0;
	v0 =	vld [tilespmem:$0x1FA20];
	_ =	sdelay $0x4  }
0xee: {  	[tilespmem:$0xB20] =	vst v0;
	v0 =	vld [tilespmem:$0x1FA30];
	_ =	sdelay $0x4  }
0xef: {  	[tilespmem:$0xB30] =	vst v0;
	v0 =	vld [tilespmem:$0x1FA40];
	_ =	sdelay $0x4  }
0xf0: {  	[tilespmem:$0xB40] =	vst v0;
	v0 =	vld [tilespmem:$0x1FA50];
	_ =	sdelay $0x4  }
0xf1: {  	[tilespmem:$0xB50] =	vst v0;
	v0 =	vld [tilespmem:$0x1FA60];
	_ =	sdelay $0x4  }
0xf2: {  	[tilespmem:$0xB60] =	vst v0;
	v0 =	vld [tilespmem:$0x1FA70];
	_ =	sdelay $0x4  }
0xf3: {  	[tilespmem:$0xB70] =	vst v0;
	v0 =	vld [tilespmem:$0x1FA80];
	_ =	sdelay $0x4  }
0xf4: {  	[tilespmem:$0xB80] =	vst v0;
	v0 =	vld [tilespmem:$0x1FA90];
	_ =	sdelay $0x4  }
0xf5: {  	[tilespmem:$0xB90] =	vst v0;
	v0 =	vld [tilespmem:$0x1FAA0];
	_ =	sdelay $0x4  }
0xf6: {  	[tilespmem:$0xBA0] =	vst v0;
	v0 =	vld [tilespmem:$0x1FAB0];
	_ =	sdelay $0x4  }
0xf7: {  	[tilespmem:$0xBB0] =	vst v0;
	v0 =	vld [tilespmem:$0x1FAC0];
	_ =	sdelay $0x4  }
0xf8: {  	[tilespmem:$0xBC0] =	vst v0;
	v0 =	vld [tilespmem:$0x1FAD0];
	_ =	sdelay $0x4  }
0xf9: {  	[tilespmem:$0xBD0] =	vst v0;
	v0 =	vld [tilespmem:$0x1FAE0];
	_ =	sdelay $0x4  }
0xfa: {  	[tilespmem:$0xBE0] =	vst v0;
	v0 =	vld [tilespmem:$0x1FAF0];
	_ =	sdelay $0x4  }
0xfb: {  	[tilespmem:$0xBF0] =	vst v0;
	v0 =	vld [tilespmem:$0x1FB00];
	_ =	sdelay $0x4  }
0xfc: {  	[tilespmem:$0xC00] =	vst v0;
	v0 =	vld [tilespmem:$0x1FB10];
	_ =	sdelay $0x4  }
0xfd: {  	[tilespmem:$0xC10] =	vst v0;
	v0 =	vld [tilespmem:$0x1FB20];
	_ =	sdelay $0x4  }
0xfe: {  	[tilespmem:$0xC20] =	vst v0;
	v0 =	vld [tilespmem:$0x1FB30];
	_ =	sdelay $0x4  }
0xff: {  	[tilespmem:$0xC30] =	vst v0;
	v0 =	vld [tilespmem:$0x1FB40];
	_ =	sdelay $0x4  }
0x100: {  	[tilespmem:$0xC40] =	vst v0;
	v0 =	vld [tilespmem:$0x1FB50];
	_ =	sdelay $0x4  }
0x101: {  	[tilespmem:$0xC50] =	vst v0;
	v0 =	vld [tilespmem:$0x1FB60];
	_ =	sdelay $0x4  }
0x102: {  	[tilespmem:$0xC60] =	vst v0;
	v0 =	vld [tilespmem:$0x1FB70];
	_ =	sdelay $0x4  }
0x103: {  	[tilespmem:$0xC70] =	vst v0;
	v0 =	vld [tilespmem:$0x1FB80];
	_ =	sdelay $0x4  }
0x104: {  	[tilespmem:$0xC80] =	vst v0;
	v0 =	vld [tilespmem:$0x1FB90];
	_ =	sdelay $0x4  }
0x105: {  	[tilespmem:$0xC90] =	vst v0;
	v0 =	vld [tilespmem:$0x1FBA0];
	_ =	sdelay $0x4  }
0x106: {  	[tilespmem:$0xCA0] =	vst v0;
	v0 =	vld [tilespmem:$0x1FBB0];
	_ =	sdelay $0x4  }
0x107: {  	[tilespmem:$0xCB0] =	vst v0;
	v0 =	vld [tilespmem:$0x1FBC0];
	_ =	sdelay $0x4  }
0x108: {  	[tilespmem:$0xCC0] =	vst v0;
	v0 =	vld [tilespmem:$0x1FBD0];
	_ =	sdelay $0x4  }
0x109: {  	[tilespmem:$0xCD0] =	vst v0;
	v0 =	vld [tilespmem:$0x1FBE0];
	_ =	sdelay $0x4  }
0x10a: {  	[tilespmem:$0xCE0] =	vst v0;
	v0 =	vld [tilespmem:$0x1FBF0];
	_ =	sdelay $0x4  }
0x10b: {  	[tilespmem:$0xCF0] =	vst v0;
	v0 =	vld [tilespmem:$0x1FC00];
	_ =	sdelay $0x4  }
0x10c: {  	[tilespmem:$0xD00] =	vst v0;
	v0 =	vld [tilespmem:$0x1FC10];
	_ =	sdelay $0x4  }
0x10d: {  	[tilespmem:$0xD10] =	vst v0;
	v0 =	vld [tilespmem:$0x1FC20];
	_ =	sdelay $0x4  }
0x10e: {  	[tilespmem:$0xD20] =	vst v0;
	v0 =	vld [tilespmem:$0x1FC30];
	_ =	sdelay $0x4  }
0x10f: {  	[tilespmem:$0xD30] =	vst v0;
	v0 =	vld [tilespmem:$0x1FC40];
	_ =	sdelay $0x4  }
0x110: {  	[tilespmem:$0xD40] =	vst v0;
	v0 =	vld [tilespmem:$0x1FC50];
	_ =	sdelay $0x4  }
0x111: {  	[tilespmem:$0xD50] =	vst v0;
	v0 =	vld [tilespmem:$0x1FC60];
	_ =	sdelay $0x4  }
0x112: {  	[tilespmem:$0xD60] =	vst v0;
	v0 =	vld [tilespmem:$0x1FC70];
	_ =	sdelay $0x4  }
0x113: {  	s25 =	simm.s32 $0x900;
	s10 =	rddreg [dreg:$0x8];
	[tilespmem:$0xD70] =	vst v0  }
0x114: {  	[spmem:s10] =	stream.linear.scatter [tilespmem:s25], [sflag:$0x7], $0x480, $0x38;
	[tilespmem:$0x1C980] =	vst v63  }
0x115: {  	_ =	swait.ge [sflag:s9], $0x480  }
0x116: {  	[sflag:s9] =	ssyncset.done $0x0  }
0x117: {  	[sflag:s9] =	ssyncadd.s32 $0xFFFFFB80  }
0x118: {  	[bflag:$0x0] =	sbarrier.arrive $0xFFFF  }
0x119: {  	[tilespmem:$0x9B0] =	vst v21  }
0x11a: {  	[tilespmem:$0x9C0] =	vst v22  }
0x11b: {  	[tilespmem:$0x9D0] =	vst v23  }
0x11c: {  	[tilespmem:$0x9E0] =	vst v24  }
0x11d: {  	[tilespmem:$0x9F0] =	vst v25  }
0x11e: {  	[tilespmem:$0xA00] =	vst v26  }
0x11f: {  	[tilespmem:$0xA10] =	vst v27  }
0x120: {  	[tilespmem:$0xA20] =	vst v28  }
0x121: {  	v0 =	vld [tilespmem:$0x1FC80];
	[tilespmem:$0xA30] =	vst v29  }
0x122: {  	[tilespmem:$0xA40] =	vst v30  }
0x123: {  	[tilespmem:$0xA50] =	vst v31  }
0x124: {  	[tilespmem:$0xA60] =	vst v32  }
0x125: {  	[tilespmem:$0xA70] =	vst v33  }
0x126: {  	[tilespmem:$0x900] =	vst v0;
	v0 =	vld [tilespmem:$0x1FCF0]  }
0x127: {  	[tilespmem:$0xA80] =	vst v34  }
0x128: {  	[tilespmem:$0xA90] =	vst v35  }
0x129: {  	[tilespmem:$0xAA0] =	vst v36  }
0x12a: {  	[tilespmem:$0xAB0] =	vst v37  }
0x12b: {  	[tilespmem:$0x910] =	vst v0;
	v0 =	vld [tilespmem:$0x1FD00]  }
0x12c: {  	[tilespmem:$0xAC0] =	vst v38  }
0x12d: {  	[tilespmem:$0xAD0] =	vst v39  }
0x12e: {  	[tilespmem:$0xAE0] =	vst v40  }
0x12f: {  	[tilespmem:$0xAF0] =	vst v41  }
0x130: {  	[tilespmem:$0x920] =	vst v0;
	v0 =	vld [tilespmem:$0x1FD10]  }
0x131: {  	[tilespmem:$0xB00] =	vst v42  }
0x132: {  	[tilespmem:$0xB10] =	vst v43  }
0x133: {  	[tilespmem:$0xB20] =	vst v44  }
0x134: {  	[tilespmem:$0xB30] =	vst v45  }
0x135: {  	[tilespmem:$0x930] =	vst v0;
	v0 =	vld [tilespmem:$0x1FD20]  }
0x136: {  	[tilespmem:$0xB40] =	vst v46  }
0x137: {  	[tilespmem:$0xB50] =	vst v47  }
0x138: {  	[tilespmem:$0xB60] =	vst v48  }
0x139: {  	[tilespmem:$0xB70] =	vst v49  }
0x13a: {  	[tilespmem:$0x940] =	vst v0;
	v0 =	vld [tilespmem:$0x1FD30]  }
0x13b: {  	[tilespmem:$0xB80] =	vst v50  }
0x13c: {  	[tilespmem:$0xB90] =	vst v51  }
0x13d: {  	[tilespmem:$0xBA0] =	vst v52  }
0x13e: {  	[tilespmem:$0xBB0] =	vst v53  }
0x13f: {  	[tilespmem:$0x950] =	vst v0;
	v0 =	vld [tilespmem:$0x1FD40]  }
0x140: {  	[tilespmem:$0xBC0] =	vst v54  }
0x141: {  	[tilespmem:$0xBD0] =	vst v55  }
0x142: {  	[tilespmem:$0xBE0] =	vst v56  }
0x143: {  	[tilespmem:$0xBF0] =	vst v57  }
0x144: {  	[tilespmem:$0x960] =	vst v0;
	v0 =	vld [tilespmem:$0x1FD50]  }
0x145: {  	[tilespmem:$0xC00] =	vst v58  }
0x146: {  	[tilespmem:$0xC10] =	vst v59  }
0x147: {  	[tilespmem:$0xC20] =	vst v60  }
0x148: {  	[tilespmem:$0xC30] =	vst v61  }
0x149: {  	[tilespmem:$0x970] =	vst v0;
	v0 =	vld [tilespmem:$0x1FD60]  }
0x14a: {  	[tilespmem:$0xC40] =	vst v62  }
0x14b: {  	[tilespmem:$0xC50] =	vst v63  }
0x14c: {  	[tilespmem:$0xC60] =	vst v1  }
0x14d: {  	[tilespmem:$0xC70] =	vst v2  }
0x14e: {  	[tilespmem:$0x980] =	vst v0;
	v0 =	vld [tilespmem:$0x1FD70]  }
0x14f: {  	[tilespmem:$0xC80] =	vst v3  }
0x150: {  	[tilespmem:$0xC90] =	vst v4  }
0x151: {  	[tilespmem:$0xCA0] =	vst v5  }
0x152: {  	[tilespmem:$0xCB0] =	vst v6  }
0x153: {  	[tilespmem:$0x990] =	vst v0;
	v0 =	vld [tilespmem:$0x1FD80]  }
0x154: {  	[tilespmem:$0xCC0] =	vst v7  }
0x155: {  	[tilespmem:$0xCD0] =	vst v8  }
0x156: {  	[tilespmem:$0xCE0] =	vst v9  }
0x157: {  	[tilespmem:$0xCF0] =	vst v10  }
0x158: {  	s26 =	simm.s32 $0x400;
	s11 =	rddreg [dreg:$0x2];
	[tilespmem:$0x9A0] =	vst v0  }
0x159: {  	[spmem:s11] =	stream.indirect.scatter [tilespmem:s25], [sflag:$0x7], $0x1, s0, s26, $0xb8;
	[tilespmem:$0x1C980] =	vst v63  }
0x15a: {  	_ =	swait.ge [sflag:s9], $0x400  }
0x15b: {  	[sflag:s9] =	ssyncset.done $0x0  }
0x15c: {  	[sflag:s9] =	ssyncadd.s32 $0xFFFFFC00  }
0x15d: {  	s25 =	rddreg [dreg:$0x3]  }
0x15e: {  	[spmem:s25] =	stream.indirect.scatter [tilespmem:s24], [sflag:$0x7], $0x1, s0, s26, $0xb8;
	[tilespmem:$0x1C980] =	vst v63  }
0x15f: {  	_ =	swait.ge [sflag:s9], $0x400  }
0x160: {  	[sflag:s9] =	ssyncset.done $0x0  }
0x161: {  	s24 =	stileid.u32;
	[sflag:s9] =	ssyncadd.s32 $0xFFFFFC00  }
0x162: {  	s24 =	sshll.u32 @!p0 s24, $0x6;
	[bflag:$0x0] =	sbarrier.arrive $0xFFFF  }
0x163: {  	s25 =	sshrl.u32 @!p0 s25, $0x3;
	s24 =	sor.u32 @!p0 $0x1C07, s24;
	s23 =	rddreg [dreg:$0x5]  }
0x164: {  	[hbm:s23], [sflag:s24] =	dma.local @!p0 [spmem:s25], $0x900  }
0x165: {  	s23 =	simm.s32 @!p0 $0x7  }
0x166: {  	_ =	swait.ge @!p0 [sflag:s23], $0x900  }
0x167: {  	s26 =	rddreg [dreg:$0x9];
	[sflag:s23] =	ssyncset.done @!p0 $0x0  }
0x168: {  	s0 =	rddreg [dreg:$0x10];
	[sflag:s23] =	ssyncadd.s32 @!p0 $0xFFFFF700  }
0x169: {  	[tilespmem:s0], [sflag:$0x7] =	stream.linear.gather [spmem:s26], $0x240, $0x38;
	[tilespmem:$0x1C980] =	vst v63  }
0x16a: {  	_ =	swait.ge [sflag:s9], $0x240  }
0x16b: {  	[sflag:s9] =	ssyncset.done $0x0  }
0x16c: {  	[sflag:s9] =	ssyncadd.s32 $0xFFFFFDC0  }
0x16d: {  	v13 =	vld [tilespmem:$0x1580];
	_ =	sdelay $0x4  }
0x16e: {  	v11 =	vshrl.u32 v13, $0x3  }
0x16f: {  	v14 =	vld [tilespmem:$0x1590];
	v11 =	vmul.u32 $0x18, v11  }
0x170: {  	v0 =	vld [tilespmem:$0x15A0];
	v12 =	vand.u32 $0x7, v13  }
0x171: {  	v16 =	vld [tilespmem:$0x15B0];
	v17 =	vor.u32 v12, v11;
	v11 =	vand.u32 $0x7, v15;
	v12 =	vshrl.u32 v15, $0x3  }
0x172: {  	v18 =	vld [tilespmem:$0x15C0];
	v19 =	vperm.xlane v17, v11;
	v12 =	vmul.u32 $0x8, v12  }
0x173: {  	v20 =	vld [tilespmem:$0x15D0];
	[tilespmem:$0x1800] =	vst v13  }
0x174: {  	[tilespmem:$0x1810] =	vst v14;
	v14 =	vadd.s32 v12, v19  }
0x175: {  	[tilespmem:$0x1820] =	vst v0;
	v13 =	vor.u32 $0x8, v15  }
0x176: {  	[tilespmem:$0x1830] =	vst v16;
	v0 =	vperm.xlane v17, v13  }
0x177: {  	[tilespmem:$0x1840] =	vst v18  }
0x178: {  	[tilespmem:$0x1850] =	vst v20;
	v0 =	vadd.s32 v12, v0  }
0x179: {  	[tilespmem:s12], [sflag:$0x1] =	stream.indirect_vreg.gather [hbm4b:s1+s5], $0x80, v14, vm0, $0xb8;
	[tilespmem:$0x1C980] =	vst v63  }
0x17a: {  	s24 =	simm.s32 $0x2180  }
0x17b: {  	[tilespmem:s24], [sflag:$0x1] =	stream.indirect_vreg.gather [hbm4b:s6+s5], $0x80, v14, vm1, $0xb8;
	[tilespmem:$0x1C980] =	vst v63  }
0x17c: {  	s25 =	simm.s32 $0x2580  }
0x17d: {  	[tilespmem:s25], [sflag:$0x1] =	stream.indirect_vreg.gather [hbm4b:s1+s5], $0x80, v0, vm0, $0xb8;
	[tilespmem:$0x1C980] =	vst v63  }
0x17e: {  	s26 =	simm.s32 $0x2D80  }
0x17f: {  	[tilespmem:s26], [sflag:$0x1] =	stream.indirect_vreg.gather [hbm4b:s6+s5], $0x80, v0, vm1, $0xb8;
	[tilespmem:$0x1C980] =	vst v63  }
0x180: {  	v0 =	vld [tilespmem:$0x1810];
	_ =	sdelay $0x4  }
0x181: {  	v14 =	vshrl.u32 v0, $0x3  }
0x182: {  	v14 =	vmul.u32 $0x18, v14  }
0x183: {  	v0 =	vand.u32 $0x7, v0  }
0x184: {  	v0 =	vor.u32 v0, v14  }
0x185: {  	v14 =	vperm.xlane v0, v11;
	_ =	sdelay $0x1  }
0x186: {  	v14 =	vadd.s32 v12, v14;
	_ =	sdelay $0x1  }
0x187: {  	v0 =	vperm.xlane v0, v13;
	_ =	sdelay $0x1  }
0x188: {  	v0 =	vadd.s32 v12, v0  }
0x189: {  	[tilespmem:s28], [sflag:$0x1] =	stream.indirect_vreg.gather [hbm4b:s1+s5], $0x80, v14, vm0, $0xb8;
	[tilespmem:$0x1C980] =	vst v63  }
0x18a: {  	_ = 	snop  }
0x18b: {  	[tilespmem:s29], [sflag:$0x1] =	stream.indirect_vreg.gather [hbm4b:s6+s5], $0x80, v14, vm1, $0xb8;
	[tilespmem:$0x1C980] =	vst v63  }
0x18c: {  	_ = 	snop  }
0x18d: {  	[tilespmem:s30], [sflag:$0x1] =	stream.indirect_vreg.gather [hbm4b:s1+s5], $0x80, v0, vm0, $0xb8;
	[tilespmem:$0x1C980] =	vst v63  }
0x18e: {  	_ = 	snop  }
0x18f: {  	[tilespmem:s31], [sflag:$0x1] =	stream.indirect_vreg.gather [hbm4b:s6+s5], $0x80, v0, vm1, $0xb8;
	[tilespmem:$0x1C980] =	vst v63  }
0x190: {  	v0 =	vld [tilespmem:$0x1820];
	_ =	sdelay $0x4  }
0x191: {  	v14 =	vshrl.u32 v0, $0x3  }
0x192: {  	v14 =	vmul.u32 $0x18, v14  }
0x193: {  	v0 =	vand.u32 $0x7, v0  }
0x194: {  	v0 =	vor.u32 v0, v14  }
0x195: {  	v14 =	vperm.xlane v0, v11;
	_ =	sdelay $0x1  }
0x196: {  	v14 =	vadd.s32 v12, v14;
	_ =	sdelay $0x1  }
0x197: {  	v0 =	vperm.xlane v0, v13;
	_ =	sdelay $0x1  }
0x198: {  	s2 =	simm.s32 $0x4980;
	v0 =	vadd.s32 v12, v0  }
0x199: {  	[tilespmem:s2], [sflag:$0x1] =	stream.indirect_vreg.gather [hbm4b:s1+s5], $0x80, v14, vm0, $0xb8;
	[tilespmem:$0x1C980] =	vst v63  }
0x19a: {  	s8 =	simm.s32 $0x5180  }
0x19b: {  	[tilespmem:s8], [sflag:$0x1] =	stream.indirect_vreg.gather [hbm4b:s6+s5], $0x80, v14, vm1, $0xb8;
	[tilespmem:$0x1C980] =	vst v63  }
0x19c: {  	s10 =	simm.s32 $0x5580  }
0x19d: {  	[tilespmem:s10], [sflag:$0x1] =	stream.indirect_vreg.gather [hbm4b:s1+s5], $0x80, v0, vm0, $0xb8;
	[tilespmem:$0x1C980] =	vst v63  }
0x19e: {  	s11 =	simm.s32 $0x5D80  }
0x19f: {  	[tilespmem:s11], [sflag:$0x1] =	stream.indirect_vreg.gather [hbm4b:s6+s5], $0x80, v0, vm1, $0xb8;
	[tilespmem:$0x1C980] =	vst v63  }
0x1a0: {  	v0 =	vld [tilespmem:$0x1830];
	_ =	sdelay $0x4  }
0x1a1: {  	v14 =	vshrl.u32 v0, $0x3  }
0x1a2: {  	v14 =	vmul.u32 $0x18, v14  }
0x1a3: {  	v0 =	vand.u32 $0x7, v0  }
0x1a4: {  	v0 =	vor.u32 v0, v14  }
0x1a5: {  	v14 =	vperm.xlane v0, v11;
	_ =	sdelay $0x1  }
0x1a6: {  	v14 =	vadd.s32 v12, v14;
	_ =	sdelay $0x1  }
0x1a7: {  	v0 =	vperm.xlane v0, v13;
	_ =	sdelay $0x1  }
0x1a8: {  	s10 =	simm.s32 $0x6180;
	v0 =	vadd.s32 v12, v0  }
0x1a9: {  	[tilespmem:s10], [sflag:$0x1] =	stream.indirect_vreg.gather [hbm4b:s1+s5], $0x80, v14, vm0, $0xb8;
	[tilespmem:$0x1C980] =	vst v63  }
0x1aa: {  	s11 =	simm.s32 $0x6980  }
0x1ab: {  	[tilespmem:s11], [sflag:$0x1] =	stream.indirect_vreg.gather [hbm4b:s6+s5], $0x80, v14, vm1, $0xb8;
	[tilespmem:$0x1C980] =	vst v63  }
0x1ac: {  	_ = 	snop  }
0x1ad: {  	[tilespmem:s16], [sflag:$0x1] =	stream.indirect_vreg.gather [hbm4b:s1+s5], $0x80, v0, vm0, $0xb8;
	[tilespmem:$0x1C980] =	vst v63  }
0x1ae: {  	_ = 	snop  }
0x1af: {  	[tilespmem:s17], [sflag:$0x1] =	stream.indirect_vreg.gather [hbm4b:s6+s5], $0x80, v0, vm1, $0xb8;
	[tilespmem:$0x1C980] =	vst v63  }
0x1b0: {  	v0 =	vld [tilespmem:$0x1840];
	_ =	sdelay $0x4  }
0x1b1: {  	v14 =	vshrl.u32 v0, $0x3  }
0x1b2: {  	v14 =	vmul.u32 $0x18, v14  }
0x1b3: {  	v0 =	vand.u32 $0x7, v0  }
0x1b4: {  	v0 =	vor.u32 v0, v14  }
0x1b5: {  	v14 =	vperm.xlane v0, v11;
	_ =	sdelay $0x1  }
0x1b6: {  	v14 =	vadd.s32 v12, v14;
	_ =	sdelay $0x1  }
0x1b7: {  	v0 =	vperm.xlane v0, v13;
	_ =	sdelay $0x1  }
0x1b8: {  	s8 =	simm.s32 $0x7980;
	v0 =	vadd.s32 v12, v0  }
0x1b9: {  	[tilespmem:s8], [sflag:$0x1] =	stream.indirect_vreg.gather [hbm4b:s1+s5], $0x80, v14, vm0, $0xb8;
	[tilespmem:$0x1C980] =	vst v63  }
0x1ba: {  	_ = 	snop  }
0x1bb: {  	[tilespmem:s13], [sflag:$0x1] =	stream.indirect_vreg.gather [hbm4b:s6+s5], $0x80, v14, vm1, $0xb8;
	[tilespmem:$0x1C980] =	vst v63  }
0x1bc: {  	_ = 	snop  }
0x1bd: {  	[tilespmem:s15], [sflag:$0x1] =	stream.indirect_vreg.gather [hbm4b:s1+s5], $0x80, v0, vm0, $0xb8;
	[tilespmem:$0x1C980] =	vst v63  }
0x1be: {  	_ = 	snop  }
0x1bf: {  	[tilespmem:s14], [sflag:$0x1] =	stream.indirect_vreg.gather [hbm4b:s6+s5], $0x80, v0, vm1, $0xb8;
	[tilespmem:$0x1C980] =	vst v63  }
0x1c0: {  	v0 =	vld [tilespmem:$0x1850];
	_ =	sdelay $0x4  }
0x1c1: {  	v14 =	vshrl.u32 v0, $0x3  }
0x1c2: {  	v14 =	vmul.u32 $0x18, v14  }
0x1c3: {  	v0 =	vand.u32 $0x7, v0  }
0x1c4: {  	v0 =	vor.u32 v0, v14  }
0x1c5: {  	v14 =	vperm.xlane v0, v11;
	_ =	sdelay $0x1  }
0x1c6: {  	v14 =	vadd.s32 v12, v14;
	_ =	sdelay $0x1  }
0x1c7: {  	v0 =	vperm.xlane v0, v13;
	_ =	sdelay $0x1  }
0x1c8: {  	v0 =	vadd.s32 v12, v0  }
0x1c9: {  	[tilespmem:s18], [sflag:$0x1] =	stream.indirect_vreg.gather [hbm4b:s1+s5], $0x80, v14, vm0, $0xb8;
	[tilespmem:$0x1C980] =	vst v63  }
0x1ca: {  	_ = 	snop  }
0x1cb: {  	[tilespmem:s19], [sflag:$0x1] =	stream.indirect_vreg.gather [hbm4b:s6+s5], $0x80, v14, vm1, $0xb8;
	[tilespmem:$0x1C980] =	vst v63  }
0x1cc: {  	_ = 	snop  }
0x1cd: {  	[tilespmem:s20], [sflag:$0x1] =	stream.indirect_vreg.gather [hbm4b:s1+s5], $0x80, v0, vm0, $0xb8;
	[tilespmem:$0x1C980] =	vst v63  }
0x1ce: {  	_ = 	snop  }
0x1cf: {  	[tilespmem:s21], [sflag:$0x1] =	stream.indirect_vreg.gather [hbm4b:s6+s5], $0x80, v0, vm1, $0xb8;
	[tilespmem:$0x1C980] =	vst v63  }
0x1d0: {  	v0 =	vld [tilespmem:$0x15E0];
	_ =	sdelay $0x4  }
0x1d1: {  	v14 =	vshrl.u32 v0, $0x3  }
0x1d2: {  	v16 =	vld [tilespmem:$0x15F0];
	v14 =	vmul.u32 $0x18, v14  }
0x1d3: {  	v17 =	vld [tilespmem:$0x1600];
	v18 =	vand.u32 $0x7, v0  }
0x1d4: {  	v19 =	vld [tilespmem:$0x1610];
	v14 =	vor.u32 v18, v14  }
0x1d5: {  	[tilespmem:$0x1880] =	vst v0;
	v0 =	vld [tilespmem:$0x1630];
	v20 =	vperm.xlane v14, v11  }
0x1d6: {  	v18 =	vld [tilespmem:$0x1620]  }
0x1d7: {  	[tilespmem:$0x1890] =	vst v16;
	v16 =	vadd.s32 v12, v20  }
0x1d8: {  	[tilespmem:$0x18A0] =	vst v17  }
0x1d9: {  	[tilespmem:$0x18B0] =	vst v19;
	v14 =	vperm.xlane v14, v13  }
0x1da: {  	[tilespmem:$0x18D0] =	vst v0  }
0x1db: {  	v0 =	vadd.s32 v12, v14;
	[tilespmem:$0x18C0] =	vst v18  }
0x1dc: {  	[tilespmem:s22], [sflag:$0x2] =	stream.indirect_vreg.gather [hbm4b:s1+s5], $0x80, v16, vm0, $0xb8;
	[tilespmem:$0x1C980] =	vst v63  }
0x1dd: {  	s23 =	simm.s32 $0xB180  }
0x1de: {  	[tilespmem:s23], [sflag:$0x2] =	stream.indirect_vreg.gather [hbm4b:s6+s5], $0x80, v16, vm1, $0xb8;
	[tilespmem:$0x1C980] =	vst v63  }
0x1df: {  	s2 =	simm.s32 $0xB580  }
0x1e0: {  	[tilespmem:s2], [sflag:$0x2] =	stream.indirect_vreg.gather [hbm4b:s1+s5], $0x80, v0, vm0, $0xb8;
	[tilespmem:$0x1C980] =	vst v63  }
0x1e1: {  	s23 =	simm.s32 $0xBD80  }
0x1e2: {  	[tilespmem:s23], [sflag:$0x2] =	stream.indirect_vreg.gather [hbm4b:s6+s5], $0x80, v0, vm1, $0xb8;
	[tilespmem:$0x1C980] =	vst v63  }
0x1e3: {  	v0 =	vld [tilespmem:$0x1890];
	_ =	sdelay $0x4  }
0x1e4: {  	v14 =	vshrl.u32 v0, $0x3  }
0x1e5: {  	v14 =	vmul.u32 $0x18, v14  }
0x1e6: {  	v0 =	vand.u32 $0x7, v0  }
0x1e7: {  	v0 =	vor.u32 v0, v14  }
0x1e8: {  	v14 =	vperm.xlane v0, v11;
	_ =	sdelay $0x1  }
0x1e9: {  	v14 =	vadd.s32 v12, v14;
	_ =	sdelay $0x1  }
0x1ea: {  	v0 =	vperm.xlane v0, v13;
	_ =	sdelay $0x1  }
0x1eb: {  	s2 =	simm.s32 $0xC180;
	v0 =	vadd.s32 v12, v0  }
0x1ec: {  	[tilespmem:s2], [sflag:$0x2] =	stream.indirect_vreg.gather [hbm4b:s1+s5], $0x80, v14, vm0, $0xb8;
	[tilespmem:$0x1C980] =	vst v63  }
0x1ed: {  	s23 =	simm.s32 $0xC980  }
0x1ee: {  	[tilespmem:s23], [sflag:$0x2] =	stream.indirect_vreg.gather [hbm4b:s6+s5], $0x80, v14, vm1, $0xb8;
	[tilespmem:$0x1C980] =	vst v63  }
0x1ef: {  	s2 =	simm.s32 $0xCD80  }
0x1f0: {  	[tilespmem:s2], [sflag:$0x2] =	stream.indirect_vreg.gather [hbm4b:s1+s5], $0x80, v0, vm0, $0xb8;
	[tilespmem:$0x1C980] =	vst v63  }
0x1f1: {  	s23 =	simm.s32 $0xD580  }
0x1f2: {  	[tilespmem:s23], [sflag:$0x2] =	stream.indirect_vreg.gather [hbm4b:s6+s5], $0x80, v0, vm1, $0xb8;
	[tilespmem:$0x1C980] =	vst v63  }
0x1f3: {  	v0 =	vld [tilespmem:$0x18A0];
	_ =	sdelay $0x4  }
0x1f4: {  	v14 =	vshrl.u32 v0, $0x3  }
0x1f5: {  	v14 =	vmul.u32 $0x18, v14  }
0x1f6: {  	v0 =	vand.u32 $0x7, v0  }
0x1f7: {  	v0 =	vor.u32 v0, v14  }
0x1f8: {  	v14 =	vperm.xlane v0, v11;
	_ =	sdelay $0x1  }
0x1f9: {  	v14 =	vadd.s32 v12, v14;
	_ =	sdelay $0x1  }
0x1fa: {  	v0 =	vperm.xlane v0, v13;
	_ =	sdelay $0x1  }
0x1fb: {  	s2 =	simm.s32 $0xD980;
	v0 =	vadd.s32 v12, v0  }
0x1fc: {  	[tilespmem:s2], [sflag:$0x2] =	stream.indirect_vreg.gather [hbm4b:s1+s5], $0x80, v14, vm0, $0xb8;
	[tilespmem:$0x1C980] =	vst v63  }
0x1fd: {  	s23 =	simm.s32 $0xE180  }
0x1fe: {  	[tilespmem:s23], [sflag:$0x2] =	stream.indirect_vreg.gather [hbm4b:s6+s5], $0x80, v14, vm1, $0xb8;
	[tilespmem:$0x1C980] =	vst v63  }
0x1ff: {  	s2 =	simm.s32 $0xE580  }
0x200: {  	[tilespmem:s2], [sflag:$0x2] =	stream.indirect_vreg.gather [hbm4b:s1+s5], $0x80, v0, vm0, $0xb8;
	[tilespmem:$0x1C980] =	vst v63  }
0x201: {  	s23 =	simm.s32 $0xED80  }
0x202: {  	[tilespmem:s23], [sflag:$0x2] =	stream.indirect_vreg.gather [hbm4b:s6+s5], $0x80, v0, vm1, $0xb8;
	[tilespmem:$0x1C980] =	vst v63  }
0x203: {  	v0 =	vld [tilespmem:$0x18B0];
	_ =	sdelay $0x4  }
0x204: {  	v14 =	vshrl.u32 v0, $0x3  }
0x205: {  	v14 =	vmul.u32 $0x18, v14  }
0x206: {  	v0 =	vand.u32 $0x7, v0  }
0x207: {  	v0 =	vor.u32 v0, v14  }
0x208: {  	v14 =	vperm.xlane v0, v11;
	_ =	sdelay $0x1  }
0x209: {  	v14 =	vadd.s32 v12, v14;
	_ =	sdelay $0x1  }
0x20a: {  	v0 =	vperm.xlane v0, v13;
	_ =	sdelay $0x1  }
0x20b: {  	s2 =	simm.s32 $0xF180;
	v0 =	vadd.s32 v12, v0  }
0x20c: {  	[tilespmem:s2], [sflag:$0x2] =	stream.indirect_vreg.gather [hbm4b:s1+s5], $0x80, v14, vm0, $0xb8;
	[tilespmem:$0x1C980] =	vst v63  }
0x20d: {  	s23 =	simm.s32 $0xF980  }
0x20e: {  	[tilespmem:s23], [sflag:$0x2] =	stream.indirect_vreg.gather [hbm4b:s6+s5], $0x80, v14, vm1, $0xb8;
	[tilespmem:$0x1C980] =	vst v63  }
0x20f: {  	s2 =	simm.s32 $0xFD80  }
0x210: {  	[tilespmem:s2], [sflag:$0x2] =	stream.indirect_vreg.gather [hbm4b:s1+s5], $0x80, v0, vm0, $0xb8;
	[tilespmem:$0x1C980] =	vst v63  }
0x211: {  	s23 =	simm.s32 $0x10580  }
0x212: {  	[tilespmem:s23], [sflag:$0x2] =	stream.indirect_vreg.gather [hbm4b:s6+s5], $0x80, v0, vm1, $0xb8;
	[tilespmem:$0x1C980] =	vst v63  }
0x213: {  	v0 =	vld [tilespmem:$0x18C0];
	_ =	sdelay $0x4  }
0x214: {  	v14 =	vshrl.u32 v0, $0x3  }
0x215: {  	v14 =	vmul.u32 $0x18, v14  }
0x216: {  	v0 =	vand.u32 $0x7, v0  }
0x217: {  	v0 =	vor.u32 v0, v14  }
0x218: {  	v14 =	vperm.xlane v0, v11;
	_ =	sdelay $0x1  }
0x219: {  	v14 =	vadd.s32 v12, v14;
	_ =	sdelay $0x1  }
0x21a: {  	v0 =	vperm.xlane v0, v13;
	_ =	sdelay $0x1  }
0x21b: {  	s2 =	simm.s32 $0x10980;
	v0 =	vadd.s32 v12, v0  }
0x21c: {  	[tilespmem:s2], [sflag:$0x2] =	stream.indirect_vreg.gather [hbm4b:s1+s5], $0x80, v14, vm0, $0xb8;
	[tilespmem:$0x1C980] =	vst v63  }
0x21d: {  	s23 =	simm.s32 $0x11180  }
0x21e: {  	[tilespmem:s23], [sflag:$0x2] =	stream.indirect_vreg.gather [hbm4b:s6+s5], $0x80, v14, vm1, $0xb8;
	[tilespmem:$0x1C980] =	vst v63  }
0x21f: {  	s2 =	simm.s32 $0x11580  }
0x220: {  	[tilespmem:s2], [sflag:$0x2] =	stream.indirect_vreg.gather [hbm4b:s1+s5], $0x80, v0, vm0, $0xb8;
	[tilespmem:$0x1C980] =	vst v63  }
0x221: {  	s23 =	simm.s32 $0x11D80  }
0x222: {  	[tilespmem:s23], [sflag:$0x2] =	stream.indirect_vreg.gather [hbm4b:s6+s5], $0x80, v0, vm1, $0xb8;
	[tilespmem:$0x1C980] =	vst v63  }
0x223: {  	v0 =	vld [tilespmem:$0x18D0];
	_ =	sdelay $0x4  }
0x224: {  	v14 =	vshrl.u32 v0, $0x3  }
0x225: {  	v14 =	vmul.u32 $0x18, v14  }
0x226: {  	v0 =	vand.u32 $0x7, v0  }
0x227: {  	v0 =	vor.u32 v0, v14  }
0x228: {  	v14 =	vperm.xlane v0, v11;
	_ =	sdelay $0x1  }
0x229: {  	v14 =	vadd.s32 v12, v14;
	_ =	sdelay $0x1  }
0x22a: {  	v0 =	vperm.xlane v0, v13;
	_ =	sdelay $0x1  }
0x22b: {  	s2 =	simm.s32 $0x12180;
	v0 =	vadd.s32 v12, v0  }
0x22c: {  	[tilespmem:s2], [sflag:$0x2] =	stream.indirect_vreg.gather [hbm4b:s1+s5], $0x80, v14, vm0, $0xb8;
	[tilespmem:$0x1C980] =	vst v63  }
0x22d: {  	s23 =	simm.s32 $0x12980  }
0x22e: {  	[tilespmem:s23], [sflag:$0x2] =	stream.indirect_vreg.gather [hbm4b:s6+s5], $0x80, v14, vm1, $0xb8;
	[tilespmem:$0x1C980] =	vst v63  }
0x22f: {  	s2 =	simm.s32 $0x12D80  }
0x230: {  	[tilespmem:s2], [sflag:$0x2] =	stream.indirect_vreg.gather [hbm4b:s1+s5], $0x80, v0, vm0, $0xb8;
	[tilespmem:$0x1C980] =	vst v63  }
0x231: {  	s0 =	simm.s32 $0x1;
	s23 =	simm.s32 $0x13580  }
0x232: {  	[tilespmem:s23], [sflag:$0x2] =	stream.indirect_vreg.gather [hbm4b:s6+s5], $0x80, v0, vm1, $0xb8;
	[tilespmem:$0x1C980] =	vst v63  }
0x233: {  	_ =	swait.ge [sflag:s0], $0x9000  }
0x234: {  	[sflag:s0] =	ssyncset.done $0x0  }
0x235: {  	s2 =	rddreg [dreg:$0xa];
	[sflag:s0] =	ssyncadd.s32 $0xFFFF7000  }
0x236: {  	[hbm4b:s2+s5] =	stream.linear.scatter [tilespmem:s12], [sflag:$0x4], $0x9000, $0x38;
	[tilespmem:$0x1C980] =	vst v63  }
0x237: {  	v0 =	vld [tilespmem:$0x1640];
	_ =	sdelay $0x4  }
0x238: {  	v14 =	vshrl.u32 v0, $0x3  }
0x239: {  	v16 =	vld [tilespmem:$0x1650];
	v14 =	vmul.u32 $0x18, v14  }
0x23a: {  	v17 =	vld [tilespmem:$0x1660];
	v18 =	vand.u32 $0x7, v0  }
0x23b: {  	v19 =	vld [tilespmem:$0x1670];
	v14 =	vor.u32 v18, v14  }
0x23c: {  	[tilespmem:$0x1900] =	vst v0;
	v0 =	vld [tilespmem:$0x1690];
	v20 =	vperm.xlane v14, v11  }
0x23d: {  	v18 =	vld [tilespmem:$0x1680]  }
0x23e: {  	[tilespmem:$0x1910] =	vst v16;
	v16 =	vadd.s32 v12, v20  }
0x23f: {  	[tilespmem:$0x1920] =	vst v17  }
0x240: {  	[tilespmem:$0x1930] =	vst v19;
	v14 =	vperm.xlane v14, v13  }
0x241: {  	[tilespmem:$0x1950] =	vst v0  }
0x242: {  	v0 =	vadd.s32 v12, v14;
	[tilespmem:$0x1940] =	vst v18  }
0x243: {  	[tilespmem:s4], [sflag:$0x3] =	stream.indirect_vreg.gather [hbm4b:s1+s5], $0x80, v16, vm0, $0xb8;
	[tilespmem:$0x1C980] =	vst v63  }
0x244: {  	s2 =	simm.s32 $0x14180  }
0x245: {  	[tilespmem:s2], [sflag:$0x3] =	stream.indirect_vreg.gather [hbm4b:s6+s5], $0x80, v16, vm1, $0xb8;
	[tilespmem:$0x1C980] =	vst v63  }
0x246: {  	s23 =	simm.s32 $0x14580  }
0x247: {  	[tilespmem:s23], [sflag:$0x3] =	stream.indirect_vreg.gather [hbm4b:s1+s5], $0x80, v0, vm0, $0xb8;
	[tilespmem:$0x1C980] =	vst v63  }
0x248: {  	s23 =	simm.s32 $0x14D80  }
0x249: {  	[tilespmem:s23], [sflag:$0x3] =	stream.indirect_vreg.gather [hbm4b:s6+s5], $0x80, v0, vm1, $0xb8;
	[tilespmem:$0x1C980] =	vst v63  }
0x24a: {  	v0 =	vld [tilespmem:$0x1910];
	_ =	sdelay $0x4  }
0x24b: {  	v14 =	vshrl.u32 v0, $0x3  }
0x24c: {  	v14 =	vmul.u32 $0x18, v14  }
0x24d: {  	v0 =	vand.u32 $0x7, v0  }
0x24e: {  	v0 =	vor.u32 v0, v14  }
0x24f: {  	v14 =	vperm.xlane v0, v11;
	_ =	sdelay $0x1  }
0x250: {  	v14 =	vadd.s32 v12, v14;
	_ =	sdelay $0x1  }
0x251: {  	v0 =	vperm.xlane v0, v13;
	_ =	sdelay $0x1  }
0x252: {  	s23 =	simm.s32 $0x15180;
	v0 =	vadd.s32 v12, v0  }
0x253: {  	[tilespmem:s23], [sflag:$0x3] =	stream.indirect_vreg.gather [hbm4b:s1+s5], $0x80, v14, vm0, $0xb8;
	[tilespmem:$0x1C980] =	vst v63  }
0x254: {  	s23 =	simm.s32 $0x15980  }
0x255: {  	[tilespmem:s23], [sflag:$0x3] =	stream.indirect_vreg.gather [hbm4b:s6+s5], $0x80, v14, vm1, $0xb8;
	[tilespmem:$0x1C980] =	vst v63  }
0x256: {  	s23 =	simm.s32 $0x15D80  }
0x257: {  	[tilespmem:s23], [sflag:$0x3] =	stream.indirect_vreg.gather [hbm4b:s1+s5], $0x80, v0, vm0, $0xb8;
	[tilespmem:$0x1C980] =	vst v63  }
0x258: {  	s23 =	simm.s32 $0x16580  }
0x259: {  	[tilespmem:s23], [sflag:$0x3] =	stream.indirect_vreg.gather [hbm4b:s6+s5], $0x80, v0, vm1, $0xb8;
	[tilespmem:$0x1C980] =	vst v63  }
0x25a: {  	v0 =	vld [tilespmem:$0x1920];
	_ =	sdelay $0x4  }
0x25b: {  	v14 =	vshrl.u32 v0, $0x3  }
0x25c: {  	v14 =	vmul.u32 $0x18, v14  }
0x25d: {  	v0 =	vand.u32 $0x7, v0  }
0x25e: {  	v0 =	vor.u32 v0, v14  }
0x25f: {  	v14 =	vperm.xlane v0, v11;
	_ =	sdelay $0x1  }
0x260: {  	v14 =	vadd.s32 v12, v14;
	_ =	sdelay $0x1  }
0x261: {  	v0 =	vperm.xlane v0, v13;
	_ =	sdelay $0x1  }
0x262: {  	s23 =	simm.s32 $0x16980;
	v0 =	vadd.s32 v12, v0  }
0x263: {  	[tilespmem:s23], [sflag:$0x3] =	stream.indirect_vreg.gather [hbm4b:s1+s5], $0x80, v14, vm0, $0xb8;
	[tilespmem:$0x1C980] =	vst v63  }
0x264: {  	s23 =	simm.s32 $0x17180  }
0x265: {  	[tilespmem:s23], [sflag:$0x3] =	stream.indirect_vreg.gather [hbm4b:s6+s5], $0x80, v14, vm1, $0xb8;
	[tilespmem:$0x1C980] =	vst v63  }
0x266: {  	s23 =	simm.s32 $0x17580  }
0x267: {  	[tilespmem:s23], [sflag:$0x3] =	stream.indirect_vreg.gather [hbm4b:s1+s5], $0x80, v0, vm0, $0xb8;
	[tilespmem:$0x1C980] =	vst v63  }
0x268: {  	s23 =	simm.s32 $0x17D80  }
0x269: {  	[tilespmem:s23], [sflag:$0x3] =	stream.indirect_vreg.gather [hbm4b:s6+s5], $0x80, v0, vm1, $0xb8;
	[tilespmem:$0x1C980] =	vst v63  }
0x26a: {  	v0 =	vld [tilespmem:$0x1930];
	_ =	sdelay $0x4  }
0x26b: {  	v14 =	vshrl.u32 v0, $0x3  }
0x26c: {  	v14 =	vmul.u32 $0x18, v14  }
0x26d: {  	v0 =	vand.u32 $0x7, v0  }
0x26e: {  	v0 =	vor.u32 v0, v14  }
0x26f: {  	v14 =	vperm.xlane v0, v11;
	_ =	sdelay $0x1  }
0x270: {  	v14 =	vadd.s32 v12, v14;
	_ =	sdelay $0x1  }
0x271: {  	v0 =	vperm.xlane v0, v13;
	_ =	sdelay $0x1  }
0x272: {  	s23 =	simm.s32 $0x18180;
	v0 =	vadd.s32 v12, v0  }
0x273: {  	[tilespmem:s23], [sflag:$0x3] =	stream.indirect_vreg.gather [hbm4b:s1+s5], $0x80, v14, vm0, $0xb8;
	[tilespmem:$0x1C980] =	vst v63  }
0x274: {  	s23 =	simm.s32 $0x18980  }
0x275: {  	[tilespmem:s23], [sflag:$0x3] =	stream.indirect_vreg.gather [hbm4b:s6+s5], $0x80, v14, vm1, $0xb8;
	[tilespmem:$0x1C980] =	vst v63  }
0x276: {  	s23 =	simm.s32 $0x18D80  }
0x277: {  	[tilespmem:s23], [sflag:$0x3] =	stream.indirect_vreg.gather [hbm4b:s1+s5], $0x80, v0, vm0, $0xb8;
	[tilespmem:$0x1C980] =	vst v63  }
0x278: {  	s23 =	simm.s32 $0x19580  }
0x279: {  	[tilespmem:s23], [sflag:$0x3] =	stream.indirect_vreg.gather [hbm4b:s6+s5], $0x80, v0, vm1, $0xb8;
	[tilespmem:$0x1C980] =	vst v63  }
0x27a: {  	v0 =	vld [tilespmem:$0x1940];
	_ =	sdelay $0x4  }
0x27b: {  	v14 =	vshrl.u32 v0, $0x3  }
0x27c: {  	v14 =	vmul.u32 $0x18, v14  }
0x27d: {  	v0 =	vand.u32 $0x7, v0  }
0x27e: {  	v0 =	vor.u32 v0, v14  }
0x27f: {  	v14 =	vperm.xlane v0, v11;
	_ =	sdelay $0x1  }
0x280: {  	v14 =	vadd.s32 v12, v14;
	_ =	sdelay $0x1  }
0x281: {  	v0 =	vperm.xlane v0, v13;
	_ =	sdelay $0x1  }
0x282: {  	s23 =	simm.s32 $0x19980;
	v0 =	vadd.s32 v12, v0  }
0x283: {  	[tilespmem:s23], [sflag:$0x3] =	stream.indirect_vreg.gather [hbm4b:s1+s5], $0x80, v14, vm0, $0xb8;
	[tilespmem:$0x1C980] =	vst v63  }
0x284: {  	s23 =	simm.s32 $0x1A180  }
0x285: {  	[tilespmem:s23], [sflag:$0x3] =	stream.indirect_vreg.gather [hbm4b:s6+s5], $0x80, v14, vm1, $0xb8;
	[tilespmem:$0x1C980] =	vst v63  }
0x286: {  	s23 =	simm.s32 $0x1A580  }
0x287: {  	[tilespmem:s23], [sflag:$0x3] =	stream.indirect_vreg.gather [hbm4b:s1+s5], $0x80, v0, vm0, $0xb8;
	[tilespmem:$0x1C980] =	vst v63  }
0x288: {  	s23 =	simm.s32 $0x1AD80  }
0x289: {  	[tilespmem:s23], [sflag:$0x3] =	stream.indirect_vreg.gather [hbm4b:s6+s5], $0x80, v0, vm1, $0xb8;
	[tilespmem:$0x1C980] =	vst v63  }
0x28a: {  	v0 =	vld [tilespmem:$0x1950];
	_ =	sdelay $0x4  }
0x28b: {  	v14 =	vshrl.u32 v0, $0x3  }
0x28c: {  	v14 =	vmul.u32 $0x18, v14  }
0x28d: {  	v0 =	vand.u32 $0x7, v0  }
0x28e: {  	v0 =	vor.u32 v0, v14  }
0x28f: {  	v14 =	vperm.xlane v0, v11;
	_ =	sdelay $0x1  }
0x290: {  	v14 =	vadd.s32 v12, v14;
	_ =	sdelay $0x1  }
0x291: {  	v0 =	vperm.xlane v0, v13;
	_ =	sdelay $0x1  }
0x292: {  	s23 =	simm.s32 $0x1B180;
	v0 =	vadd.s32 v12, v0  }
0x293: {  	[tilespmem:s23], [sflag:$0x3] =	stream.indirect_vreg.gather [hbm4b:s1+s5], $0x80, v14, vm0, $0xb8;
	[tilespmem:$0x1C980] =	vst v63  }
0x294: {  	s23 =	simm.s32 $0x1B980  }
0x295: {  	[tilespmem:s23], [sflag:$0x3] =	stream.indirect_vreg.gather [hbm4b:s6+s5], $0x80, v14, vm1, $0xb8;
	[tilespmem:$0x1C980] =	vst v63  }
0x296: {  	s23 =	simm.s32 $0x1BD80  }
0x297: {  	[tilespmem:s23], [sflag:$0x3] =	stream.indirect_vreg.gather [hbm4b:s1+s5], $0x80, v0, vm0, $0xb8;
	[tilespmem:$0x1C980] =	vst v63  }
0x298: {  	s2 =	simm.s32 $0x2;
	s23 =	simm.s32 $0x1C580  }
0x299: {  	[tilespmem:s23], [sflag:$0x3] =	stream.indirect_vreg.gather [hbm4b:s6+s5], $0x80, v0, vm1, $0xb8;
	[tilespmem:$0x1C980] =	vst v63  }
0x29a: {  	_ =	swait.ge [sflag:s2], $0x9000  }
0x29b: {  	[sflag:s2] =	ssyncset.done $0x0  }
0x29c: {  	s23 =	rddreg [dreg:$0xb];
	[sflag:s2] =	ssyncadd.s32 $0xFFFF7000  }
0x29d: {  	[hbm4b:s23+s5] =	stream.linear.scatter [tilespmem:s22], [sflag:$0x5], $0x9000, $0x38;
	[tilespmem:$0x1C980] =	vst v63  }
0x29e: {  	_ =	swait.ge [sflag:s3], $0x9000  }
0x29f: {  	[sflag:s3] =	ssyncset.done $0x0  }
0x2a0: {  	[sflag:s3] =	ssyncadd.s32 $0xFFFF7000  }
0x2a1: {  	v0 =	vld [tilespmem:$0x16A0];
	_ =	sdelay $0x4  }
0x2a2: {  	v14 =	vshrl.u32 v0, $0x3  }
0x2a3: {  	v16 =	vld [tilespmem:$0x16B0];
	v14 =	vmul.u32 $0x18, v14  }
0x2a4: {  	v17 =	vld [tilespmem:$0x16C0];
	v18 =	vand.u32 $0x7, v0  }
0x2a5: {  	v19 =	vld [tilespmem:$0x16D0];
	v14 =	vor.u32 v18, v14  }
0x2a6: {  	[tilespmem:$0x1800] =	vst v0;
	v0 =	vld [tilespmem:$0x16F0];
	v20 =	vperm.xlane v14, v11  }
0x2a7: {  	v18 =	vld [tilespmem:$0x16E0]  }
0x2a8: {  	[tilespmem:$0x1810] =	vst v16;
	v16 =	vadd.s32 v12, v20  }
0x2a9: {  	[tilespmem:$0x1820] =	vst v17  }
0x2aa: {  	[tilespmem:$0x1830] =	vst v19;
	v14 =	vperm.xlane v14, v13  }
0x2ab: {  	[tilespmem:$0x1850] =	vst v0  }
0x2ac: {  	v0 =	vadd.s32 v12, v14;
	[tilespmem:$0x1840] =	vst v18  }
0x2ad: {  	[tilespmem:s12], [sflag:$0x1] =	stream.indirect_vreg.gather [hbm4b:s1+s5], $0x80, v16, vm0, $0xb8;
	[tilespmem:$0x1C980] =	vst v63  }
0x2ae: {  	_ = 	snop  }
0x2af: {  	[tilespmem:s24], [sflag:$0x1] =	stream.indirect_vreg.gather [hbm4b:s6+s5], $0x80, v16, vm1, $0xb8;
	[tilespmem:$0x1C980] =	vst v63  }
0x2b0: {  	_ = 	snop  }
0x2b1: {  	[tilespmem:s25], [sflag:$0x1] =	stream.indirect_vreg.gather [hbm4b:s1+s5], $0x80, v0, vm0, $0xb8;
	[tilespmem:$0x1C980] =	vst v63  }
0x2b2: {  	_ = 	snop  }
0x2b3: {  	[tilespmem:s26], [sflag:$0x1] =	stream.indirect_vreg.gather [hbm4b:s6+s5], $0x80, v0, vm1, $0xb8;
	[tilespmem:$0x1C980] =	vst v63  }
0x2b4: {  	v0 =	vld [tilespmem:$0x1810];
	_ =	sdelay $0x4  }
0x2b5: {  	v14 =	vshrl.u32 v0, $0x3  }
0x2b6: {  	v14 =	vmul.u32 $0x18, v14  }
0x2b7: {  	v0 =	vand.u32 $0x7, v0  }
0x2b8: {  	v0 =	vor.u32 v0, v14  }
0x2b9: {  	v14 =	vperm.xlane v0, v11;
	_ =	sdelay $0x1  }
0x2ba: {  	v14 =	vadd.s32 v12, v14;
	_ =	sdelay $0x1  }
0x2bb: {  	v0 =	vperm.xlane v0, v13;
	_ =	sdelay $0x1  }
0x2bc: {  	v0 =	vadd.s32 v12, v0  }
0x2bd: {  	[tilespmem:s28], [sflag:$0x1] =	stream.indirect_vreg.gather [hbm4b:s1+s5], $0x80, v14, vm0, $0xb8;
	[tilespmem:$0x1C980] =	vst v63  }
0x2be: {  	_ = 	snop  }
0x2bf: {  	[tilespmem:s29], [sflag:$0x1] =	stream.indirect_vreg.gather [hbm4b:s6+s5], $0x80, v14, vm1, $0xb8;
	[tilespmem:$0x1C980] =	vst v63  }
0x2c0: {  	_ = 	snop  }
0x2c1: {  	[tilespmem:s30], [sflag:$0x1] =	stream.indirect_vreg.gather [hbm4b:s1+s5], $0x80, v0, vm0, $0xb8;
	[tilespmem:$0x1C980] =	vst v63  }
0x2c2: {  	_ = 	snop  }
0x2c3: {  	[tilespmem:s31], [sflag:$0x1] =	stream.indirect_vreg.gather [hbm4b:s6+s5], $0x80, v0, vm1, $0xb8;
	[tilespmem:$0x1C980] =	vst v63  }
0x2c4: {  	v0 =	vld [tilespmem:$0x1820];
	_ =	sdelay $0x4  }
0x2c5: {  	v14 =	vshrl.u32 v0, $0x3  }
0x2c6: {  	v14 =	vmul.u32 $0x18, v14  }
0x2c7: {  	v0 =	vand.u32 $0x7, v0  }
0x2c8: {  	v0 =	vor.u32 v0, v14  }
0x2c9: {  	v14 =	vperm.xlane v0, v11;
	_ =	sdelay $0x1  }
0x2ca: {  	v14 =	vadd.s32 v12, v14;
	_ =	sdelay $0x1  }
0x2cb: {  	v0 =	vperm.xlane v0, v13;
	_ =	sdelay $0x1  }
0x2cc: {  	s24 =	simm.s32 $0x4980;
	v0 =	vadd.s32 v12, v0  }
0x2cd: {  	[tilespmem:s24], [sflag:$0x1] =	stream.indirect_vreg.gather [hbm4b:s1+s5], $0x80, v14, vm0, $0xb8;
	[tilespmem:$0x1C980] =	vst v63  }
0x2ce: {  	s25 =	simm.s32 $0x5180  }
0x2cf: {  	[tilespmem:s25], [sflag:$0x1] =	stream.indirect_vreg.gather [hbm4b:s6+s5], $0x80, v14, vm1, $0xb8;
	[tilespmem:$0x1C980] =	vst v63  }
0x2d0: {  	s26 =	simm.s32 $0x5580  }
0x2d1: {  	[tilespmem:s26], [sflag:$0x1] =	stream.indirect_vreg.gather [hbm4b:s1+s5], $0x80, v0, vm0, $0xb8;
	[tilespmem:$0x1C980] =	vst v63  }
0x2d2: {  	s24 =	simm.s32 $0x5D80  }
0x2d3: {  	[tilespmem:s24], [sflag:$0x1] =	stream.indirect_vreg.gather [hbm4b:s6+s5], $0x80, v0, vm1, $0xb8;
	[tilespmem:$0x1C980] =	vst v63  }
0x2d4: {  	v0 =	vld [tilespmem:$0x1830];
	_ =	sdelay $0x4  }
0x2d5: {  	v14 =	vshrl.u32 v0, $0x3  }
0x2d6: {  	v14 =	vmul.u32 $0x18, v14  }
0x2d7: {  	v0 =	vand.u32 $0x7, v0  }
0x2d8: {  	v0 =	vor.u32 v0, v14  }
0x2d9: {  	v14 =	vperm.xlane v0, v11;
	_ =	sdelay $0x1  }
0x2da: {  	v14 =	vadd.s32 v12, v14;
	_ =	sdelay $0x1  }
0x2db: {  	v0 =	vperm.xlane v0, v13;
	_ =	sdelay $0x1  }
0x2dc: {  	v0 =	vadd.s32 v12, v0  }
0x2dd: {  	[tilespmem:s10], [sflag:$0x1] =	stream.indirect_vreg.gather [hbm4b:s1+s5], $0x80, v14, vm0, $0xb8;
	[tilespmem:$0x1C980] =	vst v63  }
0x2de: {  	_ = 	snop  }
0x2df: {  	[tilespmem:s11], [sflag:$0x1] =	stream.indirect_vreg.gather [hbm4b:s6+s5], $0x80, v14, vm1, $0xb8;
	[tilespmem:$0x1C980] =	vst v63  }
0x2e0: {  	_ = 	snop  }
0x2e1: {  	[tilespmem:s16], [sflag:$0x1] =	stream.indirect_vreg.gather [hbm4b:s1+s5], $0x80, v0, vm0, $0xb8;
	[tilespmem:$0x1C980] =	vst v63  }
0x2e2: {  	_ = 	snop  }
0x2e3: {  	[tilespmem:s17], [sflag:$0x1] =	stream.indirect_vreg.gather [hbm4b:s6+s5], $0x80, v0, vm1, $0xb8;
	[tilespmem:$0x1C980] =	vst v63  }
0x2e4: {  	v0 =	vld [tilespmem:$0x1840];
	_ =	sdelay $0x4  }
0x2e5: {  	v14 =	vshrl.u32 v0, $0x3  }
0x2e6: {  	v14 =	vmul.u32 $0x18, v14  }
0x2e7: {  	v0 =	vand.u32 $0x7, v0  }
0x2e8: {  	v0 =	vor.u32 v0, v14  }
0x2e9: {  	v14 =	vperm.xlane v0, v11;
	_ =	sdelay $0x1  }
0x2ea: {  	v14 =	vadd.s32 v12, v14;
	_ =	sdelay $0x1  }
0x2eb: {  	v0 =	vperm.xlane v0, v13;
	_ =	sdelay $0x1  }
0x2ec: {  	v0 =	vadd.s32 v12, v0  }
0x2ed: {  	[tilespmem:s8], [sflag:$0x1] =	stream.indirect_vreg.gather [hbm4b:s1+s5], $0x80, v14, vm0, $0xb8;
	[tilespmem:$0x1C980] =	vst v63  }
0x2ee: {  	_ = 	snop  }
0x2ef: {  	[tilespmem:s13], [sflag:$0x1] =	stream.indirect_vreg.gather [hbm4b:s6+s5], $0x80, v14, vm1, $0xb8;
	[tilespmem:$0x1C980] =	vst v63  }
0x2f0: {  	_ = 	snop  }
0x2f1: {  	[tilespmem:s15], [sflag:$0x1] =	stream.indirect_vreg.gather [hbm4b:s1+s5], $0x80, v0, vm0, $0xb8;
	[tilespmem:$0x1C980] =	vst v63  }
0x2f2: {  	_ = 	snop  }
0x2f3: {  	[tilespmem:s14], [sflag:$0x1] =	stream.indirect_vreg.gather [hbm4b:s6+s5], $0x80, v0, vm1, $0xb8;
	[tilespmem:$0x1C980] =	vst v63  }
0x2f4: {  	v0 =	vld [tilespmem:$0x1850];
	_ =	sdelay $0x4  }
0x2f5: {  	v14 =	vshrl.u32 v0, $0x3  }
0x2f6: {  	v14 =	vmul.u32 $0x18, v14  }
0x2f7: {  	v0 =	vand.u32 $0x7, v0  }
0x2f8: {  	v0 =	vor.u32 v0, v14  }
0x2f9: {  	v14 =	vperm.xlane v0, v11;
	_ =	sdelay $0x1  }
0x2fa: {  	v14 =	vadd.s32 v12, v14;
	_ =	sdelay $0x1  }
0x2fb: {  	v0 =	vperm.xlane v0, v13;
	_ =	sdelay $0x1  }
0x2fc: {  	v0 =	vadd.s32 v12, v0  }
0x2fd: {  	[tilespmem:s18], [sflag:$0x1] =	stream.indirect_vreg.gather [hbm4b:s1+s5], $0x80, v14, vm0, $0xb8;
	[tilespmem:$0x1C980] =	vst v63  }
0x2fe: {  	_ = 	snop  }
0x2ff: {  	[tilespmem:s19], [sflag:$0x1] =	stream.indirect_vreg.gather [hbm4b:s6+s5], $0x80, v14, vm1, $0xb8;
	[tilespmem:$0x1C980] =	vst v63  }
0x300: {  	_ = 	snop  }
0x301: {  	[tilespmem:s20], [sflag:$0x1] =	stream.indirect_vreg.gather [hbm4b:s1+s5], $0x80, v0, vm0, $0xb8;
	[tilespmem:$0x1C980] =	vst v63  }
0x302: {  	s8 =	simm.s32 $0x3  }
0x303: {  	[tilespmem:s21], [sflag:$0x1] =	stream.indirect_vreg.gather [hbm4b:s6+s5], $0x80, v0, vm1, $0xb8;
	[tilespmem:$0x1C980] =	vst v63  }
0x304: {  	_ =	swait.ge [sflag:s8], $0x9000  }
0x305: {  	[sflag:s8] =	ssyncset.done $0x0  }
0x306: {  	s10 =	simm.s32 $0x5;
	s25 =	rddreg [dreg:$0xc];
	[sflag:s8] =	ssyncadd.s32 $0xFFFF7000  }
0x307: {  	[hbm4b:s25+s5] =	stream.linear.scatter [tilespmem:s4], [sflag:$0x6], $0x9000, $0x38;
	[tilespmem:$0x1C980] =	vst v63  }
0x308: {  	_ =	swait.ge [sflag:s10], $0x9000  }
0x309: {  	[sflag:s10] =	ssyncset.done $0x0  }
0x30a: {  	[sflag:s10] =	ssyncadd.s32 $0xFFFF7000  }
0x30b: {  	v0 =	vld [tilespmem:$0x1700];
	_ =	sdelay $0x4  }
0x30c: {  	v14 =	vshrl.u32 v0, $0x3  }
0x30d: {  	v16 =	vld [tilespmem:$0x1710];
	v14 =	vmul.u32 $0x18, v14  }
0x30e: {  	v17 =	vld [tilespmem:$0x1720];
	v18 =	vand.u32 $0x7, v0  }
0x30f: {  	v19 =	vld [tilespmem:$0x1730];
	v14 =	vor.u32 v18, v14  }
0x310: {  	[tilespmem:$0x1880] =	vst v0;
	v0 =	vld [tilespmem:$0x1750];
	v20 =	vperm.xlane v14, v11  }
0x311: {  	v18 =	vld [tilespmem:$0x1740]  }
0x312: {  	[tilespmem:$0x1890] =	vst v16;
	v16 =	vadd.s32 v12, v20  }
0x313: {  	[tilespmem:$0x18A0] =	vst v17  }
0x314: {  	[tilespmem:$0x18B0] =	vst v19;
	v14 =	vperm.xlane v14, v13  }
0x315: {  	[tilespmem:$0x18D0] =	vst v0  }
0x316: {  	v0 =	vadd.s32 v12, v14;
	[tilespmem:$0x18C0] =	vst v18  }
0x317: {  	[tilespmem:s22], [sflag:$0x2] =	stream.indirect_vreg.gather [hbm4b:s1+s5], $0x80, v16, vm0, $0xb8;
	[tilespmem:$0x1C980] =	vst v63  }
0x318: {  	s26 =	simm.s32 $0xB180  }
0x319: {  	[tilespmem:s26], [sflag:$0x2] =	stream.indirect_vreg.gather [hbm4b:s6+s5], $0x80, v16, vm1, $0xb8;
	[tilespmem:$0x1C980] =	vst v63  }
0x31a: {  	s23 =	simm.s32 $0xB580  }
0x31b: {  	[tilespmem:s23], [sflag:$0x2] =	stream.indirect_vreg.gather [hbm4b:s1+s5], $0x80, v0, vm0, $0xb8;
	[tilespmem:$0x1C980] =	vst v63  }
0x31c: {  	s24 =	simm.s32 $0xBD80  }
0x31d: {  	[tilespmem:s24], [sflag:$0x2] =	stream.indirect_vreg.gather [hbm4b:s6+s5], $0x80, v0, vm1, $0xb8;
	[tilespmem:$0x1C980] =	vst v63  }
0x31e: {  	v0 =	vld [tilespmem:$0x1890];
	_ =	sdelay $0x4  }
0x31f: {  	v14 =	vshrl.u32 v0, $0x3  }
0x320: {  	v14 =	vmul.u32 $0x18, v14  }
0x321: {  	v0 =	vand.u32 $0x7, v0  }
0x322: {  	v0 =	vor.u32 v0, v14  }
0x323: {  	v14 =	vperm.xlane v0, v11;
	_ =	sdelay $0x1  }
0x324: {  	v14 =	vadd.s32 v12, v14;
	_ =	sdelay $0x1  }
0x325: {  	v0 =	vperm.xlane v0, v13;
	_ =	sdelay $0x1  }
0x326: {  	s25 =	simm.s32 $0xC180;
	v0 =	vadd.s32 v12, v0  }
0x327: {  	[tilespmem:s25], [sflag:$0x2] =	stream.indirect_vreg.gather [hbm4b:s1+s5], $0x80, v14, vm0, $0xb8;
	[tilespmem:$0x1C980] =	vst v63  }
0x328: {  	s26 =	simm.s32 $0xC980  }
0x329: {  	[tilespmem:s26], [sflag:$0x2] =	stream.indirect_vreg.gather [hbm4b:s6+s5], $0x80, v14, vm1, $0xb8;
	[tilespmem:$0x1C980] =	vst v63  }
0x32a: {  	s23 =	simm.s32 $0xCD80  }
0x32b: {  	[tilespmem:s23], [sflag:$0x2] =	stream.indirect_vreg.gather [hbm4b:s1+s5], $0x80, v0, vm0, $0xb8;
	[tilespmem:$0x1C980] =	vst v63  }
0x32c: {  	s24 =	simm.s32 $0xD580  }
0x32d: {  	[tilespmem:s24], [sflag:$0x2] =	stream.indirect_vreg.gather [hbm4b:s6+s5], $0x80, v0, vm1, $0xb8;
	[tilespmem:$0x1C980] =	vst v63  }
0x32e: {  	v0 =	vld [tilespmem:$0x18A0];
	_ =	sdelay $0x4  }
0x32f: {  	v14 =	vshrl.u32 v0, $0x3  }
0x330: {  	v14 =	vmul.u32 $0x18, v14  }
0x331: {  	v0 =	vand.u32 $0x7, v0  }
0x332: {  	v0 =	vor.u32 v0, v14  }
0x333: {  	v14 =	vperm.xlane v0, v11;
	_ =	sdelay $0x1  }
0x334: {  	v14 =	vadd.s32 v12, v14;
	_ =	sdelay $0x1  }
0x335: {  	v0 =	vperm.xlane v0, v13;
	_ =	sdelay $0x1  }
0x336: {  	s25 =	simm.s32 $0xD980;
	v0 =	vadd.s32 v12, v0  }
0x337: {  	[tilespmem:s25], [sflag:$0x2] =	stream.indirect_vreg.gather [hbm4b:s1+s5], $0x80, v14, vm0, $0xb8;
	[tilespmem:$0x1C980] =	vst v63  }
0x338: {  	s26 =	simm.s32 $0xE180  }
0x339: {  	[tilespmem:s26], [sflag:$0x2] =	stream.indirect_vreg.gather [hbm4b:s6+s5], $0x80, v14, vm1, $0xb8;
	[tilespmem:$0x1C980] =	vst v63  }
0x33a: {  	s23 =	simm.s32 $0xE580  }
0x33b: {  	[tilespmem:s23], [sflag:$0x2] =	stream.indirect_vreg.gather [hbm4b:s1+s5], $0x80, v0, vm0, $0xb8;
	[tilespmem:$0x1C980] =	vst v63  }
0x33c: {  	s24 =	simm.s32 $0xED80  }
0x33d: {  	[tilespmem:s24], [sflag:$0x2] =	stream.indirect_vreg.gather [hbm4b:s6+s5], $0x80, v0, vm1, $0xb8;
	[tilespmem:$0x1C980] =	vst v63  }
0x33e: {  	v0 =	vld [tilespmem:$0x18B0];
	_ =	sdelay $0x4  }
0x33f: {  	v14 =	vshrl.u32 v0, $0x3  }
0x340: {  	v14 =	vmul.u32 $0x18, v14  }
0x341: {  	v0 =	vand.u32 $0x7, v0  }
0x342: {  	v0 =	vor.u32 v0, v14  }
0x343: {  	v14 =	vperm.xlane v0, v11;
	_ =	sdelay $0x1  }
0x344: {  	v14 =	vadd.s32 v12, v14;
	_ =	sdelay $0x1  }
0x345: {  	v0 =	vperm.xlane v0, v13;
	_ =	sdelay $0x1  }
0x346: {  	s25 =	simm.s32 $0xF180;
	v0 =	vadd.s32 v12, v0  }
0x347: {  	[tilespmem:s25], [sflag:$0x2] =	stream.indirect_vreg.gather [hbm4b:s1+s5], $0x80, v14, vm0, $0xb8;
	[tilespmem:$0x1C980] =	vst v63  }
0x348: {  	s26 =	simm.s32 $0xF980  }
0x349: {  	[tilespmem:s26], [sflag:$0x2] =	stream.indirect_vreg.gather [hbm4b:s6+s5], $0x80, v14, vm1, $0xb8;
	[tilespmem:$0x1C980] =	vst v63  }
0x34a: {  	s23 =	simm.s32 $0xFD80  }
0x34b: {  	[tilespmem:s23], [sflag:$0x2] =	stream.indirect_vreg.gather [hbm4b:s1+s5], $0x80, v0, vm0, $0xb8;
	[tilespmem:$0x1C980] =	vst v63  }
0x34c: {  	s24 =	simm.s32 $0x10580  }
0x34d: {  	[tilespmem:s24], [sflag:$0x2] =	stream.indirect_vreg.gather [hbm4b:s6+s5], $0x80, v0, vm1, $0xb8;
	[tilespmem:$0x1C980] =	vst v63  }
0x34e: {  	v0 =	vld [tilespmem:$0x18C0];
	_ =	sdelay $0x4  }
0x34f: {  	v14 =	vshrl.u32 v0, $0x3  }
0x350: {  	v14 =	vmul.u32 $0x18, v14  }
0x351: {  	v0 =	vand.u32 $0x7, v0  }
0x352: {  	v0 =	vor.u32 v0, v14  }
0x353: {  	v14 =	vperm.xlane v0, v11;
	_ =	sdelay $0x1  }
0x354: {  	v14 =	vadd.s32 v12, v14;
	_ =	sdelay $0x1  }
0x355: {  	v0 =	vperm.xlane v0, v13;
	_ =	sdelay $0x1  }
0x356: {  	s25 =	simm.s32 $0x10980;
	v0 =	vadd.s32 v12, v0  }
0x357: {  	[tilespmem:s25], [sflag:$0x2] =	stream.indirect_vreg.gather [hbm4b:s1+s5], $0x80, v14, vm0, $0xb8;
	[tilespmem:$0x1C980] =	vst v63  }
0x358: {  	s26 =	simm.s32 $0x11180  }
0x359: {  	[tilespmem:s26], [sflag:$0x2] =	stream.indirect_vreg.gather [hbm4b:s6+s5], $0x80, v14, vm1, $0xb8;
	[tilespmem:$0x1C980] =	vst v63  }
0x35a: {  	s23 =	simm.s32 $0x11580  }
0x35b: {  	[tilespmem:s23], [sflag:$0x2] =	stream.indirect_vreg.gather [hbm4b:s1+s5], $0x80, v0, vm0, $0xb8;
	[tilespmem:$0x1C980] =	vst v63  }
0x35c: {  	s24 =	simm.s32 $0x11D80  }
0x35d: {  	[tilespmem:s24], [sflag:$0x2] =	stream.indirect_vreg.gather [hbm4b:s6+s5], $0x80, v0, vm1, $0xb8;
	[tilespmem:$0x1C980] =	vst v63  }
0x35e: {  	v0 =	vld [tilespmem:$0x18D0];
	_ =	sdelay $0x4  }
0x35f: {  	v14 =	vshrl.u32 v0, $0x3  }
0x360: {  	v14 =	vmul.u32 $0x18, v14  }
0x361: {  	v0 =	vand.u32 $0x7, v0  }
0x362: {  	v0 =	vor.u32 v0, v14  }
0x363: {  	v14 =	vperm.xlane v0, v11;
	_ =	sdelay $0x1  }
0x364: {  	v14 =	vadd.s32 v12, v14;
	_ =	sdelay $0x1  }
0x365: {  	v0 =	vperm.xlane v0, v13;
	_ =	sdelay $0x1  }
0x366: {  	s25 =	simm.s32 $0x12180;
	v0 =	vadd.s32 v12, v0  }
0x367: {  	[tilespmem:s25], [sflag:$0x2] =	stream.indirect_vreg.gather [hbm4b:s1+s5], $0x80, v14, vm0, $0xb8;
	[tilespmem:$0x1C980] =	vst v63  }
0x368: {  	s26 =	simm.s32 $0x12980  }
0x369: {  	[tilespmem:s26], [sflag:$0x2] =	stream.indirect_vreg.gather [hbm4b:s6+s5], $0x80, v14, vm1, $0xb8;
	[tilespmem:$0x1C980] =	vst v63  }
0x36a: {  	s23 =	simm.s32 $0x12D80  }
0x36b: {  	[tilespmem:s23], [sflag:$0x2] =	stream.indirect_vreg.gather [hbm4b:s1+s5], $0x80, v0, vm0, $0xb8;
	[tilespmem:$0x1C980] =	vst v63  }
0x36c: {  	s24 =	simm.s32 $0x13580  }
0x36d: {  	[tilespmem:s24], [sflag:$0x2] =	stream.indirect_vreg.gather [hbm4b:s6+s5], $0x80, v0, vm1, $0xb8;
	[tilespmem:$0x1C980] =	vst v63  }
0x36e: {  	_ =	swait.ge [sflag:s0], $0x9000  }
0x36f: {  	[sflag:s0] =	ssyncset.done $0x0  }
0x370: {  	s25 =	rddreg [dreg:$0xd];
	[sflag:s0] =	ssyncadd.s32 $0xFFFF7000;
	s0 =	simm.s32 $0x6  }
0x371: {  	[hbm4b:s25+s5] =	stream.linear.scatter [tilespmem:s12], [sflag:$0x4], $0x9000, $0x38;
	[tilespmem:$0x1C980] =	vst v63  }
0x372: {  	_ =	swait.ge [sflag:s0], $0x9000  }
0x373: {  	[sflag:s0] =	ssyncset.done $0x0  }
0x374: {  	[sflag:s0] =	ssyncadd.s32 $0xFFFF7000  }
0x375: {  	v0 =	vld [tilespmem:$0x1760];
	_ =	sdelay $0x4  }
0x376: {  	v14 =	vshrl.u32 v0, $0x3  }
0x377: {  	v16 =	vld [tilespmem:$0x1770];
	v14 =	vmul.u32 $0x18, v14  }
0x378: {  	v17 =	vld [tilespmem:$0x1780];
	v18 =	vand.u32 $0x7, v0  }
0x379: {  	v19 =	vld [tilespmem:$0x1790];
	v14 =	vor.u32 v18, v14  }
0x37a: {  	[tilespmem:$0x1900] =	vst v0;
	v0 =	vld [tilespmem:$0x17B0];
	v20 =	vperm.xlane v14, v11  }
0x37b: {  	v18 =	vld [tilespmem:$0x17A0]  }
0x37c: {  	[tilespmem:$0x1910] =	vst v16;
	v16 =	vadd.s32 v12, v20  }
0x37d: {  	[tilespmem:$0x1920] =	vst v17  }
0x37e: {  	[tilespmem:$0x1930] =	vst v19;
	v14 =	vperm.xlane v14, v13  }
0x37f: {  	[tilespmem:$0x1950] =	vst v0  }
0x380: {  	v0 =	vadd.s32 v12, v14;
	[tilespmem:$0x1940] =	vst v18  }
0x381: {  	[tilespmem:s4], [sflag:$0x3] =	stream.indirect_vreg.gather [hbm4b:s1+s5], $0x80, v16, vm0, $0xb8;
	[tilespmem:$0x1C980] =	vst v63  }
0x382: {  	s26 =	simm.s32 $0x14180  }
0x383: {  	[tilespmem:s26], [sflag:$0x3] =	stream.indirect_vreg.gather [hbm4b:s6+s5], $0x80, v16, vm1, $0xb8;
	[tilespmem:$0x1C980] =	vst v63  }
0x384: {  	s23 =	simm.s32 $0x14580  }
0x385: {  	[tilespmem:s23], [sflag:$0x3] =	stream.indirect_vreg.gather [hbm4b:s1+s5], $0x80, v0, vm0, $0xb8;
	[tilespmem:$0x1C980] =	vst v63  }
0x386: {  	s24 =	simm.s32 $0x14D80  }
0x387: {  	[tilespmem:s24], [sflag:$0x3] =	stream.indirect_vreg.gather [hbm4b:s6+s5], $0x80, v0, vm1, $0xb8;
	[tilespmem:$0x1C980] =	vst v63  }
0x388: {  	v0 =	vld [tilespmem:$0x1910];
	_ =	sdelay $0x4  }
0x389: {  	v14 =	vshrl.u32 v0, $0x3  }
0x38a: {  	v14 =	vmul.u32 $0x18, v14  }
0x38b: {  	v0 =	vand.u32 $0x7, v0  }
0x38c: {  	v0 =	vor.u32 v0, v14  }
0x38d: {  	v14 =	vperm.xlane v0, v11;
	_ =	sdelay $0x1  }
0x38e: {  	v14 =	vadd.s32 v12, v14;
	_ =	sdelay $0x1  }
0x38f: {  	v0 =	vperm.xlane v0, v13;
	_ =	sdelay $0x1  }
0x390: {  	s25 =	simm.s32 $0x15180;
	v0 =	vadd.s32 v12, v0  }
0x391: {  	[tilespmem:s25], [sflag:$0x3] =	stream.indirect_vreg.gather [hbm4b:s1+s5], $0x80, v14, vm0, $0xb8;
	[tilespmem:$0x1C980] =	vst v63  }
0x392: {  	s26 =	simm.s32 $0x15980  }
0x393: {  	[tilespmem:s26], [sflag:$0x3] =	stream.indirect_vreg.gather [hbm4b:s6+s5], $0x80, v14, vm1, $0xb8;
	[tilespmem:$0x1C980] =	vst v63  }
0x394: {  	s23 =	simm.s32 $0x15D80  }
0x395: {  	[tilespmem:s23], [sflag:$0x3] =	stream.indirect_vreg.gather [hbm4b:s1+s5], $0x80, v0, vm0, $0xb8;
	[tilespmem:$0x1C980] =	vst v63  }
0x396: {  	s24 =	simm.s32 $0x16580  }
0x397: {  	[tilespmem:s24], [sflag:$0x3] =	stream.indirect_vreg.gather [hbm4b:s6+s5], $0x80, v0, vm1, $0xb8;
	[tilespmem:$0x1C980] =	vst v63  }
0x398: {  	v0 =	vld [tilespmem:$0x1920];
	_ =	sdelay $0x4  }
0x399: {  	v14 =	vshrl.u32 v0, $0x3  }
0x39a: {  	v14 =	vmul.u32 $0x18, v14  }
0x39b: {  	v0 =	vand.u32 $0x7, v0  }
0x39c: {  	v0 =	vor.u32 v0, v14  }
0x39d: {  	v14 =	vperm.xlane v0, v11;
	_ =	sdelay $0x1  }
0x39e: {  	v14 =	vadd.s32 v12, v14;
	_ =	sdelay $0x1  }
0x39f: {  	v0 =	vperm.xlane v0, v13;
	_ =	sdelay $0x1  }
0x3a0: {  	s25 =	simm.s32 $0x16980;
	v0 =	vadd.s32 v12, v0  }
0x3a1: {  	[tilespmem:s25], [sflag:$0x3] =	stream.indirect_vreg.gather [hbm4b:s1+s5], $0x80, v14, vm0, $0xb8;
	[tilespmem:$0x1C980] =	vst v63  }
0x3a2: {  	s26 =	simm.s32 $0x17180  }
0x3a3: {  	[tilespmem:s26], [sflag:$0x3] =	stream.indirect_vreg.gather [hbm4b:s6+s5], $0x80, v14, vm1, $0xb8;
	[tilespmem:$0x1C980] =	vst v63  }
0x3a4: {  	s23 =	simm.s32 $0x17580  }
0x3a5: {  	[tilespmem:s23], [sflag:$0x3] =	stream.indirect_vreg.gather [hbm4b:s1+s5], $0x80, v0, vm0, $0xb8;
	[tilespmem:$0x1C980] =	vst v63  }
0x3a6: {  	s24 =	simm.s32 $0x17D80  }
0x3a7: {  	[tilespmem:s24], [sflag:$0x3] =	stream.indirect_vreg.gather [hbm4b:s6+s5], $0x80, v0, vm1, $0xb8;
	[tilespmem:$0x1C980] =	vst v63  }
0x3a8: {  	v0 =	vld [tilespmem:$0x1930];
	_ =	sdelay $0x4  }
0x3a9: {  	v14 =	vshrl.u32 v0, $0x3  }
0x3aa: {  	v14 =	vmul.u32 $0x18, v14  }
0x3ab: {  	v0 =	vand.u32 $0x7, v0  }
0x3ac: {  	v0 =	vor.u32 v0, v14  }
0x3ad: {  	v14 =	vperm.xlane v0, v11;
	_ =	sdelay $0x1  }
0x3ae: {  	v14 =	vadd.s32 v12, v14;
	_ =	sdelay $0x1  }
0x3af: {  	v0 =	vperm.xlane v0, v13;
	_ =	sdelay $0x1  }
0x3b0: {  	s25 =	simm.s32 $0x18180;
	v0 =	vadd.s32 v12, v0  }
0x3b1: {  	[tilespmem:s25], [sflag:$0x3] =	stream.indirect_vreg.gather [hbm4b:s1+s5], $0x80, v14, vm0, $0xb8;
	[tilespmem:$0x1C980] =	vst v63  }
0x3b2: {  	s26 =	simm.s32 $0x18980  }
0x3b3: {  	[tilespmem:s26], [sflag:$0x3] =	stream.indirect_vreg.gather [hbm4b:s6+s5], $0x80, v14, vm1, $0xb8;
	[tilespmem:$0x1C980] =	vst v63  }
0x3b4: {  	s23 =	simm.s32 $0x18D80  }
0x3b5: {  	[tilespmem:s23], [sflag:$0x3] =	stream.indirect_vreg.gather [hbm4b:s1+s5], $0x80, v0, vm0, $0xb8;
	[tilespmem:$0x1C980] =	vst v63  }
0x3b6: {  	s24 =	simm.s32 $0x19580  }
0x3b7: {  	[tilespmem:s24], [sflag:$0x3] =	stream.indirect_vreg.gather [hbm4b:s6+s5], $0x80, v0, vm1, $0xb8;
	[tilespmem:$0x1C980] =	vst v63  }
0x3b8: {  	v0 =	vld [tilespmem:$0x1940];
	_ =	sdelay $0x4  }
0x3b9: {  	v14 =	vshrl.u32 v0, $0x3  }
0x3ba: {  	v14 =	vmul.u32 $0x18, v14  }
0x3bb: {  	v0 =	vand.u32 $0x7, v0  }
0x3bc: {  	v0 =	vor.u32 v0, v14  }
0x3bd: {  	v14 =	vperm.xlane v0, v11;
	_ =	sdelay $0x1  }
0x3be: {  	v14 =	vadd.s32 v12, v14;
	_ =	sdelay $0x1  }
0x3bf: {  	v0 =	vperm.xlane v0, v13;
	_ =	sdelay $0x1  }
0x3c0: {  	s25 =	simm.s32 $0x19980;
	v0 =	vadd.s32 v12, v0  }
0x3c1: {  	[tilespmem:s25], [sflag:$0x3] =	stream.indirect_vreg.gather [hbm4b:s1+s5], $0x80, v14, vm0, $0xb8;
	[tilespmem:$0x1C980] =	vst v63  }
0x3c2: {  	s26 =	simm.s32 $0x1A180  }
0x3c3: {  	[tilespmem:s26], [sflag:$0x3] =	stream.indirect_vreg.gather [hbm4b:s6+s5], $0x80, v14, vm1, $0xb8;
	[tilespmem:$0x1C980] =	vst v63  }
0x3c4: {  	s23 =	simm.s32 $0x1A580  }
0x3c5: {  	[tilespmem:s23], [sflag:$0x3] =	stream.indirect_vreg.gather [hbm4b:s1+s5], $0x80, v0, vm0, $0xb8;
	[tilespmem:$0x1C980] =	vst v63  }
0x3c6: {  	s24 =	simm.s32 $0x1AD80  }
0x3c7: {  	[tilespmem:s24], [sflag:$0x3] =	stream.indirect_vreg.gather [hbm4b:s6+s5], $0x80, v0, vm1, $0xb8;
	[tilespmem:$0x1C980] =	vst v63  }
0x3c8: {  	v0 =	vld [tilespmem:$0x1950];
	_ =	sdelay $0x4  }
0x3c9: {  	v14 =	vshrl.u32 v0, $0x3  }
0x3ca: {  	v14 =	vmul.u32 $0x18, v14  }
0x3cb: {  	v0 =	vand.u32 $0x7, v0  }
0x3cc: {  	v0 =	vor.u32 v0, v14  }
0x3cd: {  	v11 =	vperm.xlane v0, v11;
	_ =	sdelay $0x1  }
0x3ce: {  	v11 =	vadd.s32 v12, v11;
	_ =	sdelay $0x1  }
0x3cf: {  	v0 =	vperm.xlane v0, v13;
	_ =	sdelay $0x1  }
0x3d0: {  	s25 =	simm.s32 $0x1B180;
	v0 =	vadd.s32 v12, v0  }
0x3d1: {  	[tilespmem:s25], [sflag:$0x3] =	stream.indirect_vreg.gather [hbm4b:s1+s5], $0x80, v11, vm0, $0xb8;
	[tilespmem:$0x1C980] =	vst v63  }
0x3d2: {  	s26 =	simm.s32 $0x1B980  }
0x3d3: {  	[tilespmem:s26], [sflag:$0x3] =	stream.indirect_vreg.gather [hbm4b:s6+s5], $0x80, v11, vm1, $0xb8;
	[tilespmem:$0x1C980] =	vst v63  }
0x3d4: {  	s23 =	simm.s32 $0x1BD80  }
0x3d5: {  	[tilespmem:s23], [sflag:$0x3] =	stream.indirect_vreg.gather [hbm4b:s1+s5], $0x80, v0, vm0, $0xb8;
	[tilespmem:$0x1C980] =	vst v63  }
0x3d6: {  	s24 =	simm.s32 $0x1C580  }
0x3d7: {  	[tilespmem:s24], [sflag:$0x3] =	stream.indirect_vreg.gather [hbm4b:s6+s5], $0x80, v0, vm1, $0xb8;
	[tilespmem:$0x1C980] =	vst v63  }
0x3d8: {  	_ =	swait.ge [sflag:s2], $0x9000  }
0x3d9: {  	[sflag:s2] =	ssyncset.done $0x0  }
0x3da: {  	s25 =	rddreg [dreg:$0xe];
	[sflag:s2] =	ssyncadd.s32 $0xFFFF7000  }
0x3db: {  	[hbm4b:s25+s5] =	stream.linear.scatter [tilespmem:s22], [sflag:$0x5], $0x9000, $0x38;
	[tilespmem:$0x1C980] =	vst v63  }
0x3dc: {  	_ =	swait.ge [sflag:s8], $0x9000  }
0x3dd: {  	[sflag:s8] =	ssyncset.done $0x0  }
0x3de: {  	s26 =	rddreg [dreg:$0xf];
	[sflag:s8] =	ssyncadd.s32 $0xFFFF7000  }
0x3df: {  	[hbm4b:s26+s5] =	stream.linear.scatter [tilespmem:s4], [sflag:$0x6], $0x9000, $0x38;
	[tilespmem:$0x1C980] =	vst v63  }
0x3e0: {  	_ =	swait.ge [sflag:s3], $0x9000  }
0x3e1: {  	[sflag:s3] =	ssyncset.done $0x0  }
0x3e2: {  	s7 =	sadd.s32 $0xFFFFFFFF, s7;
	[sflag:s3] =	ssyncadd.s32 $0xFFFF7000  }
0x3e3: {  	p1 =	sne.s32 s7, $0x0;
	_ =	swait.ge [sflag:s10], $0x9000  }
.Ltmp0:
0x3e4: {  	[sflag:s10] =	ssyncset.done $0x0;
	(pc) =	sbr.rel @p1 .LBB2_1-.Ltmp0, $4  }
0x3e5: {  	[sflag:s10] =	ssyncadd.s32 $0xFFFF7000  }
0x3e6: {  	_ =	swait.ge [sflag:s0], $0x9000  }
0x3e7: {  	[sflag:s0] =	ssyncset.done $0x0  }
0x3e8: {  	[sflag:s0] =	ssyncadd.s32 $0xFFFF7000  }
0x3e9: {  	_ =	sfence.sel $0x180000  }
0x3ea: {  	[bflag:$0x0] =	sbarrier.arrive $0xFFFF  }
0x3eb: {  	_ =	strace $0x90000047  }
0x3ec: {  	s0 =	stileid.u32;
	[bflag:$0x2] =	sbarrier.arrive $0xFFFF  }
0x3ed: {  	p0 =	sne.s32 s0, $0x0;
	s0 =	rddreg [dreg:$0x4]  }
0x3ee: {  	s0 =	sadd.s32 @!p0 $0x100000, s0  }
0x3ef: {  	[sflag:s0] =	ssyncadd.tile.s32 @!p0 $0x1;
	_ =	shalt  }
.Lfunc_end2:
_tile_overlayer_lowered:
.L_overlay_start_2:
0x3f0: {  	(tag) =	ssettag $0x2  }
0x3f1: {  	s0 =	rddreg [dreg:$0x0];
	s2 =	stileid.u32  }
0x3f2: {  	s1 =	rddreg [dreg:$0x1];
	p0 =	sne.s32 s2, $0x0  }
0x3f3: {  	s3 =	rddreg [dreg:$0x2];
	[bflag:$0x3] =	sbarrier.arrive $0xFFFF;
	s2 =	simm.s32 @!p0 $0x1C07  }
0x3f4: {  	[timem:s3], [sflag:s2] =	dma.local @!p0 [hbm:s0], s1  }
0x3f5: {  	s0 =	simm.s32 @!p0 $0x7  }
0x3f6: {  	_ =	swait.ge @!p0 [sflag:s0], s1  }
0x3f7: {  	s1 =	ssub.s32 @!p0 $0x0, s1;
	[sflag:s0] =	ssyncset.done @!p0 $0x0  }
0x3f8: {  	[sflag:s0] =	ssyncadd.s32 @!p0 s1  }
0x3f9: {  	[bflag:$0x3] =	sbarrier.arrive $0xFFFF  }
0x3fa: {  	_ =	shalt  }

</sc_bundles>
